<compile_context>
chip_gen: v7x
topology: tpu7x:2x2x1
jax: 0.10.2.dev20260603
libtpu: 0.0.44.dev20260713+nightly
codegen_flags: <defaults>
</compile_context>

<pallas_src>
import functools

import jax
import jax.numpy as jnp
from jax import lax
from jax.experimental import pallas as pl
from jax.experimental.pallas import tpu as pltpu
from jax.experimental.pallas import tpu_sc as plsc

_BATCH = 16384
_EMBED = 64
_NW = 32
_BPW = _BATCH // _NW
_CHUNK = 32
_NCHUNK = _BPW // _CHUNK


def _make_gather():
    mesh = plsc.VectorSubcoreMesh(core_axis_name="c", subcore_axis_name="s")

    @functools.partial(
        pl.kernel,
        mesh=mesh,
        out_type=jax.ShapeDtypeStruct((_BATCH, _EMBED), jnp.float32),
        scratch_types=[
            pltpu.VMEM((4, 128), jnp.int32),
            pltpu.VMEM((2 * _CHUNK, 8, _EMBED), jnp.float32),
            pltpu.VMEM((2 * _CHUNK, _EMBED), jnp.float32),
            pltpu.SemaphoreType.DMA,
            pltpu.SemaphoreType.DMA,
        ],
        compiler_params=pltpu.CompilerParams(
            use_tc_tiling_on_sc=True, needs_layout_passes=False
        ),
    )
    def gather_kernel(idx_hbm, table_hbm, out_hbm, xv, bands2, stage, sem, osem):
        
        wid = lax.axis_index("s") * 2 + lax.axis_index("c")
        base = wid * _BPW
        for j in range(4):
            pltpu.sync_copy(idx_hbm.at[pl.ds(base + j * 128, 128)], xv.at[j])

        def enqueue(c, buf):
            blks = [
                xv[c >> 2, pl.ds((c & 3) * _CHUNK + t * 16, 16)]
                for t in range(_CHUNK // 16)
            ]
            for k in range(_CHUNK):
                v = blks[k // 16][k % 16]
                pltpu.async_copy(
                    table_hbm.at[pl.ds(v >> 3, 1)],
                    bands2.at[pl.ds(buf * _CHUNK + k, 1)],
                    sem,
                )

        enqueue(0, 0)

        def chunk_body(g, _):
            nxt = g + 1

            @pl.when(nxt < _NCHUNK)
            def _():
                enqueue(nxt, nxt & 1)

            pltpu.make_async_copy(
                table_hbm.at[pl.ds(0, _CHUNK)],
                bands2.at[pl.ds((g & 1) * _CHUNK, _CHUNK)],
                sem,
            ).wait()

            @pl.when(g >= 2)
            def _():
                pltpu.make_async_copy(
                    stage.at[pl.ds((g & 1) * _CHUNK, _CHUNK)],
                    out_hbm.at[pl.ds(base, _CHUNK)],
                    osem,
                ).wait()

            blks = [
                xv[g >> 2, pl.ds((g & 3) * _CHUNK + t * 16, 16)]
                for t in range(_CHUNK // 16)
            ]
            for k in range(_CHUNK):
                v = blks[k // 16][k % 16]
                b = (g & 1) * _CHUNK + k
                for eb in range(_EMBED // 16):
                    stage[(g & 1) * _CHUNK + k, pl.ds(eb * 16, 16)] = bands2[b, v & 7, pl.ds(eb * 16, 16)]
            pltpu.async_copy(
                stage.at[pl.ds((g & 1) * _CHUNK, _CHUNK)],
                out_hbm.at[pl.ds(base + g * _CHUNK, _CHUNK)],
                osem,
            )
            return ()

        lax.fori_loop(0, _NCHUNK, chunk_body, ())
        for _t in range(2):
            pltpu.make_async_copy(
                stage.at[pl.ds(_t * _CHUNK, _CHUNK)],
                out_hbm.at[pl.ds(base, _CHUNK)],
                osem,
            ).wait()

    return gather_kernel

_gather = _make_gather()


@jax.jit
def kernel(X, embedding):
    t3 = jnp.reshape(embedding, (125000, 8, _EMBED))
    return _gather(X.astype(jnp.int32), t3)

# --- scband reference (transcript-rebuilt; emitter-appended) ---
"""Pipeline reference for scband-embeddings-train-model-48644799594687 (READ-ONLY COPY).

The authoritative reference and input builder live on the scoring server;
editing this copy changes nothing except your own understanding.
"""

import jax, jax.numpy as jnp
import numpy as np

VOCAB = 1000000
EMBED = 64
BATCH = 16384

def setup_inputs(seed: int = 0) -> dict:
    key = jax.random.key(seed)
    k1, k2 = jax.random.split(key)
    X = jax.random.randint(k1, (BATCH,), 0, VOCAB, dtype=jnp.int64 if jax.config.jax_enable_x64 else jnp.int32)
    embedding = jax.random.uniform(k2, (VOCAB, EMBED), minval=-1.0, maxval=1.0, dtype=jnp.float32)
    return {"X": X, "embedding": embedding}

def reference(X, embedding):
    # tf.nn.embedding_lookup(self.embedding, X)
    return jnp.take(embedding, X, axis=0)

if __name__ == "__main__":
    import jax
    _d = setup_inputs()
    print(jax.jit(kernel)(*tuple(_d.values())))

</pallas_src>

<mosaic_0001>
#map = affine_map<(d0, d1) -> (0)>
#map1 = affine_map<(d0, d1) -> (0, 0, 0)>
#map2 = affine_map<(d0, d1) -> (0, 0)>
module attributes {stable_mosaic.version = 14 : i64} {
  func.func @gather_kernel(%arg0: i32, %arg1: i32, %arg2: memref<16384xi32, #tpu.memory_space<hbm>>, %arg3: memref<125000x8x64xf32, #tpu.memory_space<hbm>>, %arg4: memref<16384x64xf32, #tpu.memory_space<hbm>>, %arg5: memref<4x128xi32, #tpu.memory_space<vmem>>, %arg6: memref<64x8x64xf32, #tpu.memory_space<vmem>>, %arg7: memref<64x64xf32, #tpu.memory_space<vmem>>, %arg8: memref<!tpu.dma_semaphore, #tpu.memory_space<semaphore_mem>>, %arg9: memref<!tpu.dma_semaphore, #tpu.memory_space<semaphore_mem>>) attributes {dimension_semantics = [#tpu.dimension_semantics<core_parallel>, #tpu.dimension_semantics<subcore_parallel>], iteration_bounds = array<i64: 2, 16>, scalar_prefetch = 0 : i64, scratch_operands = 5 : i64, tpu.core_type = #tpu.core_type<sc_vector_subcore>, window_params = [{transform_indices = #map}, {transform_indices = #map1}, {transform_indices = #map2}]} {
    %mul3A = arith.constant 2 : i32
    %mul3A_0 = arith.muli %arg1, %mul3A : i32
    %add3A = arith.addi %mul3A_0, %arg0 : i32
    %mul3A_1 = arith.constant 512 : i32
    %mul3A_2 = arith.muli %add3A, %mul3A_1 : i32
    %add3A_3 = arith.constant 0 : i32
    %add3A_4 = arith.addi %mul3A_2, %add3A_3 : i32
    %run_scoped3A = arith.constant 0 : i32
    "tpu.region"() ({
      %run_scoped3A_616 = tpu.sem_alloc : memref<!tpu.dma_semaphore, #tpu.memory_space<semaphore_mem>>
      %dma_start3A_617 = arith.constant 0 : i32
      %dma_start3A_618 = tpu.memref_slice %arg5[%run_scoped3A, %dma_start3A_617] : memref<4x128xi32, #tpu.memory_space<vmem>> -> memref<1x128xi32, #tpu.memory_space<vmem>>
      %dma_start3A_619 = tpu.memref_squeeze %dma_start3A_618 : memref<1x128xi32, #tpu.memory_space<vmem>> -> memref<128xi32, #tpu.memory_space<vmem>>
      %dma_start3A_620 = tpu.memref_slice %arg2[%add3A_4] : memref<16384xi32, #tpu.memory_space<hbm>> -> memref<128xi32, #tpu.memory_space<hbm>>
      %dma_start3A_621 = arith.constant 0 : i32
      %dma_start3A_622 = tpu.memref_slice %arg5[%run_scoped3A, %dma_start3A_621] : memref<4x128xi32, #tpu.memory_space<vmem>> -> memref<1x128xi32, #tpu.memory_space<vmem>>
      %dma_start3A_623 = tpu.memref_squeeze %dma_start3A_622 : memref<1x128xi32, #tpu.memory_space<vmem>> -> memref<128xi32, #tpu.memory_space<vmem>>
      %dma_start3A_624 = tpu.memref_slice %arg2[%add3A_4] : memref<16384xi32, #tpu.memory_space<hbm>> -> memref<128xi32, #tpu.memory_space<hbm>>
      tpu.enqueue_dma source(%dma_start3A_624 : memref<128xi32, #tpu.memory_space<hbm>>) target(%dma_start3A_623 : memref<128xi32, #tpu.memory_space<vmem>>) target_semaphore(%run_scoped3A_616 : memref<!tpu.dma_semaphore, #tpu.memory_space<semaphore_mem>>)
      %dma_wait3A_625 = arith.constant 0 : i32
      %dma_wait3A_626 = tpu.memref_slice %arg5[%run_scoped3A, %dma_wait3A_625] : memref<4x128xi32, #tpu.memory_space<vmem>> -> memref<1x128xi32, #tpu.memory_space<vmem>>
      %dma_wait3A_627 = tpu.memref_squeeze %dma_wait3A_626 : memref<1x128xi32, #tpu.memory_space<vmem>> -> memref<128xi32, #tpu.memory_space<vmem>>
      %dma_wait3A_628 = tpu.memref_slice %arg2[%add3A_4] : memref<16384xi32, #tpu.memory_space<hbm>> -> memref<128xi32, #tpu.memory_space<hbm>>
      %dma_wait3A_629 = arith.constant 0 : i32
      %dma_wait3A_630 = tpu.memref_slice %arg5[%run_scoped3A, %dma_wait3A_629] : memref<4x128xi32, #tpu.memory_space<vmem>> -> memref<1x128xi32, #tpu.memory_space<vmem>>
      %dma_wait3A_631 = tpu.memref_squeeze %dma_wait3A_630 : memref<1x128xi32, #tpu.memory_space<vmem>> -> memref<128xi32, #tpu.memory_space<vmem>>
      %dma_wait3A_632 = tpu.memref_slice %arg2[%add3A_4] : memref<16384xi32, #tpu.memory_space<hbm>> -> memref<128xi32, #tpu.memory_space<hbm>>
      tpu.wait_dma2 semaphore(%run_scoped3A_616 : memref<!tpu.dma_semaphore, #tpu.memory_space<semaphore_mem>>) src(%dma_wait3A_632 : memref<128xi32, #tpu.memory_space<hbm>>) dst(%dma_wait3A_631 : memref<128xi32, #tpu.memory_space<vmem>>)
      tpu.yield
    }) : () -> ()
    %add3A_5 = arith.constant 128 : i32
    %add3A_6 = arith.addi %mul3A_2, %add3A_5 : i32
    %run_scoped3A_7 = arith.constant 1 : i32
    "tpu.region"() ({
      %run_scoped3A_616 = tpu.sem_alloc : memref<!tpu.dma_semaphore, #tpu.memory_space<semaphore_mem>>
      %dma_start3A_617 = arith.constant 0 : i32
      %dma_start3A_618 = tpu.memref_slice %arg5[%run_scoped3A_7, %dma_start3A_617] : memref<4x128xi32, #tpu.memory_space<vmem>> -> memref<1x128xi32, #tpu.memory_space<vmem>>
      %dma_start3A_619 = tpu.memref_squeeze %dma_start3A_618 : memref<1x128xi32, #tpu.memory_space<vmem>> -> memref<128xi32, #tpu.memory_space<vmem>>
      %dma_start3A_620 = tpu.memref_slice %arg2[%add3A_6] : memref<16384xi32, #tpu.memory_space<hbm>> -> memref<128xi32, #tpu.memory_space<hbm>>
      %dma_start3A_621 = arith.constant 0 : i32
      %dma_start3A_622 = tpu.memref_slice %arg5[%run_scoped3A_7, %dma_start3A_621] : memref<4x128xi32, #tpu.memory_space<vmem>> -> memref<1x128xi32, #tpu.memory_space<vmem>>
      %dma_start3A_623 = tpu.memref_squeeze %dma_start3A_622 : memref<1x128xi32, #tpu.memory_space<vmem>> -> memref<128xi32, #tpu.memory_space<vmem>>
      %dma_start3A_624 = tpu.memref_slice %arg2[%add3A_6] : memref<16384xi32, #tpu.memory_space<hbm>> -> memref<128xi32, #tpu.memory_space<hbm>>
      tpu.enqueue_dma source(%dma_start3A_624 : memref<128xi32, #tpu.memory_space<hbm>>) target(%dma_start3A_623 : memref<128xi32, #tpu.memory_space<vmem>>) target_semaphore(%run_scoped3A_616 : memref<!tpu.dma_semaphore, #tpu.memory_space<semaphore_mem>>)
      %dma_wait3A_625 = arith.constant 0 : i32
      %dma_wait3A_626 = tpu.memref_slice %arg5[%run_scoped3A_7, %dma_wait3A_625] : memref<4x128xi32, #tpu.memory_space<vmem>> -> memref<1x128xi32, #tpu.memory_space<vmem>>
      %dma_wait3A_627 = tpu.memref_squeeze %dma_wait3A_626 : memref<1x128xi32, #tpu.memory_space<vmem>> -> memref<128xi32, #tpu.memory_space<vmem>>
      %dma_wait3A_628 = tpu.memref_slice %arg2[%add3A_6] : memref<16384xi32, #tpu.memory_space<hbm>> -> memref<128xi32, #tpu.memory_space<hbm>>
      %dma_wait3A_629 = arith.constant 0 : i32
      %dma_wait3A_630 = tpu.memref_slice %arg5[%run_scoped3A_7, %dma_wait3A_629] : memref<4x128xi32, #tpu.memory_space<vmem>> -> memref<1x128xi32, #tpu.memory_space<vmem>>
      %dma_wait3A_631 = tpu.memref_squeeze %dma_wait3A_630 : memref<1x128xi32, #tpu.memory_space<vmem>> -> memref<128xi32, #tpu.memory_space<vmem>>
      %dma_wait3A_632 = tpu.memref_slice %arg2[%add3A_6] : memref<16384xi32, #tpu.memory_space<hbm>> -> memref<128xi32, #tpu.memory_space<hbm>>
      tpu.wait_dma2 semaphore(%run_scoped3A_616 : memref<!tpu.dma_semaphore, #tpu.memory_space<semaphore_mem>>) src(%dma_wait3A_632 : memref<128xi32, #tpu.memory_space<hbm>>) dst(%dma_wait3A_631 : memref<128xi32, #tpu.memory_space<vmem>>)
      tpu.yield
    }) : () -> ()
    %add3A_8 = arith.constant 256 : i32
    %add3A_9 = arith.addi %mul3A_2, %add3A_8 : i32
    %run_scoped3A_10 = arith.constant 2 : i32
    "tpu.region"() ({
      %run_scoped3A_616 = tpu.sem_alloc : memref<!tpu.dma_semaphore, #tpu.memory_space<semaphore_mem>>
      %dma_start3A_617 = arith.constant 0 : i32
      %dma_start3A_618 = tpu.memref_slice %arg5[%run_scoped3A_10, %dma_start3A_617] : memref<4x128xi32, #tpu.memory_space<vmem>> -> memref<1x128xi32, #tpu.memory_space<vmem>>
      %dma_start3A_619 = tpu.memref_squeeze %dma_start3A_618 : memref<1x128xi32, #tpu.memory_space<vmem>> -> memref<128xi32, #tpu.memory_space<vmem>>
      %dma_start3A_620 = tpu.memref_slice %arg2[%add3A_9] : memref<16384xi32, #tpu.memory_space<hbm>> -> memref<128xi32, #tpu.memory_space<hbm>>
      %dma_start3A_621 = arith.constant 0 : i32
      %dma_start3A_622 = tpu.memref_slice %arg5[%run_scoped3A_10, %dma_start3A_621] : memref<4x128xi32, #tpu.memory_space<vmem>> -> memref<1x128xi32, #tpu.memory_space<vmem>>
      %dma_start3A_623 = tpu.memref_squeeze %dma_start3A_622 : memref<1x128xi32, #tpu.memory_space<vmem>> -> memref<128xi32, #tpu.memory_space<vmem>>
      %dma_start3A_624 = tpu.memref_slice %arg2[%add3A_9] : memref<16384xi32, #tpu.memory_space<hbm>> -> memref<128xi32, #tpu.memory_space<hbm>>
      tpu.enqueue_dma source(%dma_start3A_624 : memref<128xi32, #tpu.memory_space<hbm>>) target(%dma_start3A_623 : memref<128xi32, #tpu.memory_space<vmem>>) target_semaphore(%run_scoped3A_616 : memref<!tpu.dma_semaphore, #tpu.memory_space<semaphore_mem>>)
      %dma_wait3A_625 = arith.constant 0 : i32
      %dma_wait3A_626 = tpu.memref_slice %arg5[%run_scoped3A_10, %dma_wait3A_625] : memref<4x128xi32, #tpu.memory_space<vmem>> -> memref<1x128xi32, #tpu.memory_space<vmem>>
      %dma_wait3A_627 = tpu.memref_squeeze %dma_wait3A_626 : memref<1x128xi32, #tpu.memory_space<vmem>> -> memref<128xi32, #tpu.memory_space<vmem>>
      %dma_wait3A_628 = tpu.memref_slice %arg2[%add3A_9] : memref<16384xi32, #tpu.memory_space<hbm>> -> memref<128xi32, #tpu.memory_space<hbm>>
      %dma_wait3A_629 = arith.constant 0 : i32
      %dma_wait3A_630 = tpu.memref_slice %arg5[%run_scoped3A_10, %dma_wait3A_629] : memref<4x128xi32, #tpu.memory_space<vmem>> -> memref<1x128xi32, #tpu.memory_space<vmem>>
      %dma_wait3A_631 = tpu.memref_squeeze %dma_wait3A_630 : memref<1x128xi32, #tpu.memory_space<vmem>> -> memref<128xi32, #tpu.memory_space<vmem>>
      %dma_wait3A_632 = tpu.memref_slice %arg2[%add3A_9] : memref<16384xi32, #tpu.memory_space<hbm>> -> memref<128xi32, #tpu.memory_space<hbm>>
      tpu.wait_dma2 semaphore(%run_scoped3A_616 : memref<!tpu.dma_semaphore, #tpu.memory_space<semaphore_mem>>) src(%dma_wait3A_632 : memref<128xi32, #tpu.memory_space<hbm>>) dst(%dma_wait3A_631 : memref<128xi32, #tpu.memory_space<vmem>>)
      tpu.yield
    }) : () -> ()
    %add3A_11 = arith.constant 384 : i32
    %add3A_12 = arith.addi %mul3A_2, %add3A_11 : i32
    %run_scoped3A_13 = arith.constant 3 : i32
    "tpu.region"() ({
      %run_scoped3A_616 = tpu.sem_alloc : memref<!tpu.dma_semaphore, #tpu.memory_space<semaphore_mem>>
      %dma_start3A_617 = arith.constant 0 : i32
      %dma_start3A_618 = tpu.memref_slice %arg5[%run_scoped3A_13, %dma_start3A_617] : memref<4x128xi32, #tpu.memory_space<vmem>> -> memref<1x128xi32, #tpu.memory_space<vmem>>
      %dma_start3A_619 = tpu.memref_squeeze %dma_start3A_618 : memref<1x128xi32, #tpu.memory_space<vmem>> -> memref<128xi32, #tpu.memory_space<vmem>>
      %dma_start3A_620 = tpu.memref_slice %arg2[%add3A_12] : memref<16384xi32, #tpu.memory_space<hbm>> -> memref<128xi32, #tpu.memory_space<hbm>>
      %dma_start3A_621 = arith.constant 0 : i32
      %dma_start3A_622 = tpu.memref_slice %arg5[%run_scoped3A_13, %dma_start3A_621] : memref<4x128xi32, #tpu.memory_space<vmem>> -> memref<1x128xi32, #tpu.memory_space<vmem>>
      %dma_start3A_623 = tpu.memref_squeeze %dma_start3A_622 : memref<1x128xi32, #tpu.memory_space<vmem>> -> memref<128xi32, #tpu.memory_space<vmem>>
      %dma_start3A_624 = tpu.memref_slice %arg2[%add3A_12] : memref<16384xi32, #tpu.memory_space<hbm>> -> memref<128xi32, #tpu.memory_space<hbm>>
      tpu.enqueue_dma source(%dma_start3A_624 : memref<128xi32, #tpu.memory_space<hbm>>) target(%dma_start3A_623 : memref<128xi32, #tpu.memory_space<vmem>>) target_semaphore(%run_scoped3A_616 : memref<!tpu.dma_semaphore, #tpu.memory_space<semaphore_mem>>)
      %dma_wait3A_625 = arith.constant 0 : i32
      %dma_wait3A_626 = tpu.memref_slice %arg5[%run_scoped3A_13, %dma_wait3A_625] : memref<4x128xi32, #tpu.memory_space<vmem>> -> memref<1x128xi32, #tpu.memory_space<vmem>>
      %dma_wait3A_627 = tpu.memref_squeeze %dma_wait3A_626 : memref<1x128xi32, #tpu.memory_space<vmem>> -> memref<128xi32, #tpu.memory_space<vmem>>
      %dma_wait3A_628 = tpu.memref_slice %arg2[%add3A_12] : memref<16384xi32, #tpu.memory_space<hbm>> -> memref<128xi32, #tpu.memory_space<hbm>>
      %dma_wait3A_629 = arith.constant 0 : i32
      %dma_wait3A_630 = tpu.memref_slice %arg5[%run_scoped3A_13, %dma_wait3A_629] : memref<4x128xi32, #tpu.memory_space<vmem>> -> memref<1x128xi32, #tpu.memory_space<vmem>>
      %dma_wait3A_631 = tpu.memref_squeeze %dma_wait3A_630 : memref<1x128xi32, #tpu.memory_space<vmem>> -> memref<128xi32, #tpu.memory_space<vmem>>
      %dma_wait3A_632 = tpu.memref_slice %arg2[%add3A_12] : memref<16384xi32, #tpu.memory_space<hbm>> -> memref<128xi32, #tpu.memory_space<hbm>>
      tpu.wait_dma2 semaphore(%run_scoped3A_616 : memref<!tpu.dma_semaphore, #tpu.memory_space<semaphore_mem>>) src(%dma_wait3A_632 : memref<128xi32, #tpu.memory_space<hbm>>) dst(%dma_wait3A_631 : memref<128xi32, #tpu.memory_space<vmem>>)
      tpu.yield
    }) : () -> ()
    %get3A = arith.constant 0 : i32
    %get3A_14 = arith.index_cast %get3A : i32 to index
    %get3A_15 = arith.constant 0 : index
    %get3A_16 = tpu.vector_load %arg5[%get3A_14, %get3A_15] {strides = array<i32>} : memref<4x128xi32, #tpu.memory_space<vmem>>, vector<16xi32>,
    %get3A_17 = arith.constant 0 : i32
    %get3A_18 = arith.index_cast %get3A_17 : i32 to index
    %get3A_19 = arith.constant 16 : index
    %get3A_20 = tpu.vector_load %arg5[%get3A_18, %get3A_19] {strides = array<i32>} : memref<4x128xi32, #tpu.memory_space<vmem>>, vector<16xi32>,
    %slice3A = vector.extract_strided_slice %get3A_16 {offsets = [0], sizes = [1], strides = [1]} : vector<16xi32> to vector<1xi32>
    %squeeze3A = vector.extract %slice3A[0] : i32 from vector<1xi32>
    %shift_right_arithmetic3A = arith.constant 3 : i32
    %shift_right_arithmetic3A_21 = arith.shrsi %squeeze3A, %shift_right_arithmetic3A : i32
    %dma_start3A = arith.constant 0 : i32
    %dma_start3A_22 = arith.constant 0 : i32
    %dma_start3A_23 = arith.constant 0 : i32
    %dma_start3A_24 = tpu.memref_slice %arg6[%dma_start3A, %dma_start3A_22, %dma_start3A_23] : memref<64x8x64xf32, #tpu.memory_space<vmem>> -> memref<1x8x64xf32, #tpu.memory_space<vmem>>
    %dma_start3A_25 = arith.constant 0 : i32
    %dma_start3A_26 = arith.constant 0 : i32
    %dma_start3A_27 = tpu.memref_slice %arg3[%shift_right_arithmetic3A_21, %dma_start3A_25, %dma_start3A_26] : memref<125000x8x64xf32, #tpu.memory_space<hbm>> -> memref<1x8x64xf32, #tpu.memory_space<hbm>>
    %dma_start3A_28 = arith.constant 0 : i32
    %dma_start3A_29 = arith.constant 0 : i32
    %dma_start3A_30 = arith.constant 0 : i32
    %dma_start3A_31 = tpu.memref_slice %arg6[%dma_start3A_28, %dma_start3A_29, %dma_start3A_30] : memref<64x8x64xf32, #tpu.memory_space<vmem>> -> memref<1x8x64xf32, #tpu.memory_space<vmem>>
    %dma_start3A_32 = arith.constant 0 : i32
    %dma_start3A_33 = arith.constant 0 : i32
    %dma_start3A_34 = tpu.memref_slice %arg3[%shift_right_arithmetic3A_21, %dma_start3A_32, %dma_start3A_33] : memref<125000x8x64xf32, #tpu.memory_space<hbm>> -> memref<1x8x64xf32, #tpu.memory_space<hbm>>
    tpu.enqueue_dma source(%dma_start3A_34 : memref<1x8x64xf32, #tpu.memory_space<hbm>>) target(%dma_start3A_31 : memref<1x8x64xf32, #tpu.memory_space<vmem>>) target_semaphore(%arg8 : memref<!tpu.dma_semaphore, #tpu.memory_space<semaphore_mem>>)
    %slice3A_35 = vector.extract_strided_slice %get3A_16 {offsets = [1], sizes = [1], strides = [1]} : vector<16xi32> to vector<1xi32>
    %squeeze3A_36 = vector.extract %slice3A_35[0] : i32 from vector<1xi32>
    %shift_right_arithmetic3A_37 = arith.constant 3 : i32
    %shift_right_arithmetic3A_38 = arith.shrsi %squeeze3A_36, %shift_right_arithmetic3A_37 : i32
    %dma_start3A_39 = arith.constant 1 : i32
    %dma_start3A_40 = arith.constant 0 : i32
    %dma_start3A_41 = arith.constant 0 : i32
    %dma_start3A_42 = tpu.memref_slice %arg6[%dma_start3A_39, %dma_start3A_40, %dma_start3A_41] : memref<64x8x64xf32, #tpu.memory_space<vmem>> -> memref<1x8x64xf32, #tpu.memory_space<vmem>>
    %dma_start3A_43 = arith.constant 0 : i32
    %dma_start3A_44 = arith.constant 0 : i32
    %dma_start3A_45 = tpu.memref_slice %arg3[%shift_right_arithmetic3A_38, %dma_start3A_43, %dma_start3A_44] : memref<125000x8x64xf32, #tpu.memory_space<hbm>> -> memref<1x8x64xf32, #tpu.memory_space<hbm>>
    %dma_start3A_46 = arith.constant 1 : i32
    %dma_start3A_47 = arith.constant 0 : i32
    %dma_start3A_48 = arith.constant 0 : i32
    %dma_start3A_49 = tpu.memref_slice %arg6[%dma_start3A_46, %dma_start3A_47, %dma_start3A_48] : memref<64x8x64xf32, #tpu.memory_space<vmem>> -> memref<1x8x64xf32, #tpu.memory_space<vmem>>
    %dma_start3A_50 = arith.constant 0 : i32
    %dma_start3A_51 = arith.constant 0 : i32
    %dma_start3A_52 = tpu.memref_slice %arg3[%shift_right_arithmetic3A_38, %dma_start3A_50, %dma_start3A_51] : memref<125000x8x64xf32, #tpu.memory_space<hbm>> -> memref<1x8x64xf32, #tpu.memory_space<hbm>>
    tpu.enqueue_dma source(%dma_start3A_52 : memref<1x8x64xf32, #tpu.memory_space<hbm>>) target(%dma_start3A_49 : memref<1x8x64xf32, #tpu.memory_space<vmem>>) target_semaphore(%arg8 : memref<!tpu.dma_semaphore, #tpu.memory_space<semaphore_mem>>)
    %slice3A_53 = vector.extract_strided_slice %get3A_16 {offsets = [2], sizes = [1], strides = [1]} : vector<16xi32> to vector<1xi32>
    %squeeze3A_54 = vector.extract %slice3A_53[0] : i32 from vector<1xi32>
    %shift_right_arithmetic3A_55 = arith.constant 3 : i32
    %shift_right_arithmetic3A_56 = arith.shrsi %squeeze3A_54, %shift_right_arithmetic3A_55 : i32
    %dma_start3A_57 = arith.constant 2 : i32
    %dma_start3A_58 = arith.constant 0 : i32
    %dma_start3A_59 = arith.constant 0 : i32
    %dma_start3A_60 = tpu.memref_slice %arg6[%dma_start3A_57, %dma_start3A_58, %dma_start3A_59] : memref<64x8x64xf32, #tpu.memory_space<vmem>> -> memref<1x8x64xf32, #tpu.memory_space<vmem>>
    %dma_start3A_61 = arith.constant 0 : i32
    %dma_start3A_62 = arith.constant 0 : i32
    %dma_start3A_63 = tpu.memref_slice %arg3[%shift_right_arithmetic3A_56, %dma_start3A_61, %dma_start3A_62] : memref<125000x8x64xf32, #tpu.memory_space<hbm>> -> memref<1x8x64xf32, #tpu.memory_space<hbm>>
    %dma_start3A_64 = arith.constant 2 : i32
    %dma_start3A_65 = arith.constant 0 : i32
    %dma_start3A_66 = arith.constant 0 : i32
    %dma_start3A_67 = tpu.memref_slice %arg6[%dma_start3A_64, %dma_start3A_65, %dma_start3A_66] : memref<64x8x64xf32, #tpu.memory_space<vmem>> -> memref<1x8x64xf32, #tpu.memory_space<vmem>>
    %dma_start3A_68 = arith.constant 0 : i32
    %dma_start3A_69 = arith.constant 0 : i32
    %dma_start3A_70 = tpu.memref_slice %arg3[%shift_right_arithmetic3A_56, %dma_start3A_68, %dma_start3A_69] : memref<125000x8x64xf32, #tpu.memory_space<hbm>> -> memref<1x8x64xf32, #tpu.memory_space<hbm>>
    tpu.enqueue_dma source(%dma_start3A_70 : memref<1x8x64xf32, #tpu.memory_space<hbm>>) target(%dma_start3A_67 : memref<1x8x64xf32, #tpu.memory_space<vmem>>) target_semaphore(%arg8 : memref<!tpu.dma_semaphore, #tpu.memory_space<semaphore_mem>>)
    %slice3A_71 = vector.extract_strided_slice %get3A_16 {offsets = [3], sizes = [1], strides = [1]} : vector<16xi32> to vector<1xi32>
    %squeeze3A_72 = vector.extract %slice3A_71[0] : i32 from vector<1xi32>
    %shift_right_arithmetic3A_73 = arith.constant 3 : i32
    %shift_right_arithmetic3A_74 = arith.shrsi %squeeze3A_72, %shift_right_arithmetic3A_73 : i32
    %dma_start3A_75 = arith.constant 3 : i32
    %dma_start3A_76 = arith.constant 0 : i32
    %dma_start3A_77 = arith.constant 0 : i32
    %dma_start3A_78 = tpu.memref_slice %arg6[%dma_start3A_75, %dma_start3A_76, %dma_start3A_77] : memref<64x8x64xf32, #tpu.memory_space<vmem>> -> memref<1x8x64xf32, #tpu.memory_space<vmem>>
    %dma_start3A_79 = arith.constant 0 : i32
    %dma_start3A_80 = arith.constant 0 : i32
    %dma_start3A_81 = tpu.memref_slice %arg3[%shift_right_arithmetic3A_74, %dma_start3A_79, %dma_start3A_80] : memref<125000x8x64xf32, #tpu.memory_space<hbm>> -> memref<1x8x64xf32, #tpu.memory_space<hbm>>
    %dma_start3A_82 = arith.constant 3 : i32
    %dma_start3A_83 = arith.constant 0 : i32
    %dma_start3A_84 = arith.constant 0 : i32
    %dma_start3A_85 = tpu.memref_slice %arg6[%dma_start3A_82, %dma_start3A_83, %dma_start3A_84] : memref<64x8x64xf32, #tpu.memory_space<vmem>> -> memref<1x8x64xf32, #tpu.memory_space<vmem>>
    %dma_start3A_86 = arith.constant 0 : i32
    %dma_start3A_87 = arith.constant 0 : i32
    %dma_start3A_88 = tpu.memref_slice %arg3[%shift_right_arithmetic3A_74, %dma_start3A_86, %dma_start3A_87] : memref<125000x8x64xf32, #tpu.memory_space<hbm>> -> memref<1x8x64xf32, #tpu.memory_space<hbm>>
    tpu.enqueue_dma source(%dma_start3A_88 : memref<1x8x64xf32, #tpu.memory_space<hbm>>) target(%dma_start3A_85 : memref<1x8x64xf32, #tpu.memory_space<vmem>>) target_semaphore(%arg8 : memref<!tpu.dma_semaphore, #tpu.memory_space<semaphore_mem>>)
    %slice3A_89 = vector.extract_strided_slice %get3A_16 {offsets = [4], sizes = [1], strides = [1]} : vector<16xi32> to vector<1xi32>
    %squeeze3A_90 = vector.extract %slice3A_89[0] : i32 from vector<1xi32>
    %shift_right_arithmetic3A_91 = arith.constant 3 : i32
    %shift_right_arithmetic3A_92 = arith.shrsi %squeeze3A_90, %shift_right_arithmetic3A_91 : i32
    %dma_start3A_93 = arith.constant 4 : i32
    %dma_start3A_94 = arith.constant 0 : i32
    %dma_start3A_95 = arith.constant 0 : i32
    %dma_start3A_96 = tpu.memref_slice %arg6[%dma_start3A_93, %dma_start3A_94, %dma_start3A_95] : memref<64x8x64xf32, #tpu.memory_space<vmem>> -> memref<1x8x64xf32, #tpu.memory_space<vmem>>
    %dma_start3A_97 = arith.constant 0 : i32
    %dma_start3A_98 = arith.constant 0 : i32
    %dma_start3A_99 = tpu.memref_slice %arg3[%shift_right_arithmetic3A_92, %dma_start3A_97, %dma_start3A_98] : memref<125000x8x64xf32, #tpu.memory_space<hbm>> -> memref<1x8x64xf32, #tpu.memory_space<hbm>>
    %dma_start3A_100 = arith.constant 4 : i32
    %dma_start3A_101 = arith.constant 0 : i32
    %dma_start3A_102 = arith.constant 0 : i32
    %dma_start3A_103 = tpu.memref_slice %arg6[%dma_start3A_100, %dma_start3A_101, %dma_start3A_102] : memref<64x8x64xf32, #tpu.memory_space<vmem>> -> memref<1x8x64xf32, #tpu.memory_space<vmem>>
    %dma_start3A_104 = arith.constant 0 : i32
    %dma_start3A_105 = arith.constant 0 : i32
    %dma_start3A_106 = tpu.memref_slice %arg3[%shift_right_arithmetic3A_92, %dma_start3A_104, %dma_start3A_105] : memref<125000x8x64xf32, #tpu.memory_space<hbm>> -> memref<1x8x64xf32, #tpu.memory_space<hbm>>
    tpu.enqueue_dma source(%dma_start3A_106 : memref<1x8x64xf32, #tpu.memory_space<hbm>>) target(%dma_start3A_103 : memref<1x8x64xf32, #tpu.memory_space<vmem>>) target_semaphore(%arg8 : memref<!tpu.dma_semaphore, #tpu.memory_space<semaphore_mem>>)
    %slice3A_107 = vector.extract_strided_slice %get3A_16 {offsets = [5], sizes = [1], strides = [1]} : vector<16xi32> to vector<1xi32>
    %squeeze3A_108 = vector.extract %slice3A_107[0] : i32 from vector<1xi32>
    %shift_right_arithmetic3A_109 = arith.constant 3 : i32
    %shift_right_arithmetic3A_110 = arith.shrsi %squeeze3A_108, %shift_right_arithmetic3A_109 : i32
    %dma_start3A_111 = arith.constant 5 : i32
    %dma_start3A_112 = arith.constant 0 : i32
    %dma_start3A_113 = arith.constant 0 : i32
    %dma_start3A_114 = tpu.memref_slice %arg6[%dma_start3A_111, %dma_start3A_112, %dma_start3A_113] : memref<64x8x64xf32, #tpu.memory_space<vmem>> -> memref<1x8x64xf32, #tpu.memory_space<vmem>>
    %dma_start3A_115 = arith.constant 0 : i32
    %dma_start3A_116 = arith.constant 0 : i32
    %dma_start3A_117 = tpu.memref_slice %arg3[%shift_right_arithmetic3A_110, %dma_start3A_115, %dma_start3A_116] : memref<125000x8x64xf32, #tpu.memory_space<hbm>> -> memref<1x8x64xf32, #tpu.memory_space<hbm>>
    %dma_start3A_118 = arith.constant 5 : i32
    %dma_start3A_119 = arith.constant 0 : i32
    %dma_start3A_120 = arith.constant 0 : i32
    %dma_start3A_121 = tpu.memref_slice %arg6[%dma_start3A_118, %dma_start3A_119, %dma_start3A_120] : memref<64x8x64xf32, #tpu.memory_space<vmem>> -> memref<1x8x64xf32, #tpu.memory_space<vmem>>
    %dma_start3A_122 = arith.constant 0 : i32
    %dma_start3A_123 = arith.constant 0 : i32
    %dma_start3A_124 = tpu.memref_slice %arg3[%shift_right_arithmetic3A_110, %dma_start3A_122, %dma_start3A_123] : memref<125000x8x64xf32, #tpu.memory_space<hbm>> -> memref<1x8x64xf32, #tpu.memory_space<hbm>>
    tpu.enqueue_dma source(%dma_start3A_124 : memref<1x8x64xf32, #tpu.memory_space<hbm>>) target(%dma_start3A_121 : memref<1x8x64xf32, #tpu.memory_space<vmem>>) target_semaphore(%arg8 : memref<!tpu.dma_semaphore, #tpu.memory_space<semaphore_mem>>)
    %slice3A_125 = vector.extract_strided_slice %get3A_16 {offsets = [6], sizes = [1], strides = [1]} : vector<16xi32> to vector<1xi32>
    %squeeze3A_126 = vector.extract %slice3A_125[0] : i32 from vector<1xi32>
    %shift_right_arithmetic3A_127 = arith.constant 3 : i32
    %shift_right_arithmetic3A_128 = arith.shrsi %squeeze3A_126, %shift_right_arithmetic3A_127 : i32
    %dma_start3A_129 = arith.constant 6 : i32
    %dma_start3A_130 = arith.constant 0 : i32
    %dma_start3A_131 = arith.constant 0 : i32
    %dma_start3A_132 = tpu.memref_slice %arg6[%dma_start3A_129, %dma_start3A_130, %dma_start3A_131] : memref<64x8x64xf32, #tpu.memory_space<vmem>> -> memref<1x8x64xf32, #tpu.memory_space<vmem>>
    %dma_start3A_133 = arith.constant 0 : i32
    %dma_start3A_134 = arith.constant 0 : i32
    %dma_start3A_135 = tpu.memref_slice %arg3[%shift_right_arithmetic3A_128, %dma_start3A_133, %dma_start3A_134] : memref<125000x8x64xf32, #tpu.memory_space<hbm>> -> memref<1x8x64xf32, #tpu.memory_space<hbm>>
    %dma_start3A_136 = arith.constant 6 : i32
    %dma_start3A_137 = arith.constant 0 : i32
    %dma_start3A_138 = arith.constant 0 : i32
    %dma_start3A_139 = tpu.memref_slice %arg6[%dma_start3A_136, %dma_start3A_137, %dma_start3A_138] : memref<64x8x64xf32, #tpu.memory_space<vmem>> -> memref<1x8x64xf32, #tpu.memory_space<vmem>>
    %dma_start3A_140 = arith.constant 0 : i32
    %dma_start3A_141 = arith.constant 0 : i32
    %dma_start3A_142 = tpu.memref_slice %arg3[%shift_right_arithmetic3A_128, %dma_start3A_140, %dma_start3A_141] : memref<125000x8x64xf32, #tpu.memory_space<hbm>> -> memref<1x8x64xf32, #tpu.memory_space<hbm>>
    tpu.enqueue_dma source(%dma_start3A_142 : memref<1x8x64xf32, #tpu.memory_space<hbm>>) target(%dma_start3A_139 : memref<1x8x64xf32, #tpu.memory_space<vmem>>) target_semaphore(%arg8 : memref<!tpu.dma_semaphore, #tpu.memory_space<semaphore_mem>>)
    %slice3A_143 = vector.extract_strided_slice %get3A_16 {offsets = [7], sizes = [1], strides = [1]} : vector<16xi32> to vector<1xi32>
    %squeeze3A_144 = vector.extract %slice3A_143[0] : i32 from vector<1xi32>
    %shift_right_arithmetic3A_145 = arith.constant 3 : i32
    %shift_right_arithmetic3A_146 = arith.shrsi %squeeze3A_144, %shift_right_arithmetic3A_145 : i32
    %dma_start3A_147 = arith.constant 7 : i32
    %dma_start3A_148 = arith.constant 0 : i32
    %dma_start3A_149 = arith.constant 0 : i32
    %dma_start3A_150 = tpu.memref_slice %arg6[%dma_start3A_147, %dma_start3A_148, %dma_start3A_149] : memref<64x8x64xf32, #tpu.memory_space<vmem>> -> memref<1x8x64xf32, #tpu.memory_space<vmem>>
    %dma_start3A_151 = arith.constant 0 : i32
    %dma_start3A_152 = arith.constant 0 : i32
    %dma_start3A_153 = tpu.memref_slice %arg3[%shift_right_arithmetic3A_146, %dma_start3A_151, %dma_start3A_152] : memref<125000x8x64xf32, #tpu.memory_space<hbm>> -> memref<1x8x64xf32, #tpu.memory_space<hbm>>
    %dma_start3A_154 = arith.constant 7 : i32
    %dma_start3A_155 = arith.constant 0 : i32
    %dma_start3A_156 = arith.constant 0 : i32
    %dma_start3A_157 = tpu.memref_slice %arg6[%dma_start3A_154, %dma_start3A_155, %dma_start3A_156] : memref<64x8x64xf32, #tpu.memory_space<vmem>> -> memref<1x8x64xf32, #tpu.memory_space<vmem>>
    %dma_start3A_158 = arith.constant 0 : i32
    %dma_start3A_159 = arith.constant 0 : i32
    %dma_start3A_160 = tpu.memref_slice %arg3[%shift_right_arithmetic3A_146, %dma_start3A_158, %dma_start3A_159] : memref<125000x8x64xf32, #tpu.memory_space<hbm>> -> memref<1x8x64xf32, #tpu.memory_space<hbm>>
    tpu.enqueue_dma source(%dma_start3A_160 : memref<1x8x64xf32, #tpu.memory_space<hbm>>) target(%dma_start3A_157 : memref<1x8x64xf32, #tpu.memory_space<vmem>>) target_semaphore(%arg8 : memref<!tpu.dma_semaphore, #tpu.memory_space<semaphore_mem>>)
    %slice3A_161 = vector.extract_strided_slice %get3A_16 {offsets = [8], sizes = [1], strides = [1]} : vector<16xi32> to vector<1xi32>
    %squeeze3A_162 = vector.extract %slice3A_161[0] : i32 from vector<1xi32>
    %shift_right_arithmetic3A_163 = arith.constant 3 : i32
    %shift_right_arithmetic3A_164 = arith.shrsi %squeeze3A_162, %shift_right_arithmetic3A_163 : i32
    %dma_start3A_165 = arith.constant 8 : i32
    %dma_start3A_166 = arith.constant 0 : i32
    %dma_start3A_167 = arith.constant 0 : i32
    %dma_start3A_168 = tpu.memref_slice %arg6[%dma_start3A_165, %dma_start3A_166, %dma_start3A_167] : memref<64x8x64xf32, #tpu.memory_space<vmem>> -> memref<1x8x64xf32, #tpu.memory_space<vmem>>
    %dma_start3A_169 = arith.constant 0 : i32
    %dma_start3A_170 = arith.constant 0 : i32
    %dma_start3A_171 = tpu.memref_slice %arg3[%shift_right_arithmetic3A_164, %dma_start3A_169, %dma_start3A_170] : memref<125000x8x64xf32, #tpu.memory_space<hbm>> -> memref<1x8x64xf32, #tpu.memory_space<hbm>>
    %dma_start3A_172 = arith.constant 8 : i32
    %dma_start3A_173 = arith.constant 0 : i32
    %dma_start3A_174 = arith.constant 0 : i32
    %dma_start3A_175 = tpu.memref_slice %arg6[%dma_start3A_172, %dma_start3A_173, %dma_start3A_174] : memref<64x8x64xf32, #tpu.memory_space<vmem>> -> memref<1x8x64xf32, #tpu.memory_space<vmem>>
    %dma_start3A_176 = arith.constant 0 : i32
    %dma_start3A_177 = arith.constant 0 : i32
    %dma_start3A_178 = tpu.memref_slice %arg3[%shift_right_arithmetic3A_164, %dma_start3A_176, %dma_start3A_177] : memref<125000x8x64xf32, #tpu.memory_space<hbm>> -> memref<1x8x64xf32, #tpu.memory_space<hbm>>
    tpu.enqueue_dma source(%dma_start3A_178 : memref<1x8x64xf32, #tpu.memory_space<hbm>>) target(%dma_start3A_175 : memref<1x8x64xf32, #tpu.memory_space<vmem>>) target_semaphore(%arg8 : memref<!tpu.dma_semaphore, #tpu.memory_space<semaphore_mem>>)
    %slice3A_179 = vector.extract_strided_slice %get3A_16 {offsets = [9], sizes = [1], strides = [1]} : vector<16xi32> to vector<1xi32>
    %squeeze3A_180 = vector.extract %slice3A_179[0] : i32 from vector<1xi32>
    %shift_right_arithmetic3A_181 = arith.constant 3 : i32
    %shift_right_arithmetic3A_182 = arith.shrsi %squeeze3A_180, %shift_right_arithmetic3A_181 : i32
    %dma_start3A_183 = arith.constant 9 : i32
    %dma_start3A_184 = arith.constant 0 : i32
    %dma_start3A_185 = arith.constant 0 : i32
    %dma_start3A_186 = tpu.memref_slice %arg6[%dma_start3A_183, %dma_start3A_184, %dma_start3A_185] : memref<64x8x64xf32, #tpu.memory_space<vmem>> -> memref<1x8x64xf32, #tpu.memory_space<vmem>>
    %dma_start3A_187 = arith.constant 0 : i32
    %dma_start3A_188 = arith.constant 0 : i32
    %dma_start3A_189 = tpu.memref_slice %arg3[%shift_right_arithmetic3A_182, %dma_start3A_187, %dma_start3A_188] : memref<125000x8x64xf32, #tpu.memory_space<hbm>> -> memref<1x8x64xf32, #tpu.memory_space<hbm>>
    %dma_start3A_190 = arith.constant 9 : i32
    %dma_start3A_191 = arith.constant 0 : i32
    %dma_start3A_192 = arith.constant 0 : i32
    %dma_start3A_193 = tpu.memref_slice %arg6[%dma_start3A_190, %dma_start3A_191, %dma_start3A_192] : memref<64x8x64xf32, #tpu.memory_space<vmem>> -> memref<1x8x64xf32, #tpu.memory_space<vmem>>
    %dma_start3A_194 = arith.constant 0 : i32
    %dma_start3A_195 = arith.constant 0 : i32
    %dma_start3A_196 = tpu.memref_slice %arg3[%shift_right_arithmetic3A_182, %dma_start3A_194, %dma_start3A_195] : memref<125000x8x64xf32, #tpu.memory_space<hbm>> -> memref<1x8x64xf32, #tpu.memory_space<hbm>>
    tpu.enqueue_dma source(%dma_start3A_196 : memref<1x8x64xf32, #tpu.memory_space<hbm>>) target(%dma_start3A_193 : memref<1x8x64xf32, #tpu.memory_space<vmem>>) target_semaphore(%arg8 : memref<!tpu.dma_semaphore, #tpu.memory_space<semaphore_mem>>)
    %slice3A_197 = vector.extract_strided_slice %get3A_16 {offsets = [10], sizes = [1], strides = [1]} : vector<16xi32> to vector<1xi32>
    %squeeze3A_198 = vector.extract %slice3A_197[0] : i32 from vector<1xi32>
    %shift_right_arithmetic3A_199 = arith.constant 3 : i32
    %shift_right_arithmetic3A_200 = arith.shrsi %squeeze3A_198, %shift_right_arithmetic3A_199 : i32
    %dma_start3A_201 = arith.constant 10 : i32
    %dma_start3A_202 = arith.constant 0 : i32
    %dma_start3A_203 = arith.constant 0 : i32
    %dma_start3A_204 = tpu.memref_slice %arg6[%dma_start3A_201, %dma_start3A_202, %dma_start3A_203] : memref<64x8x64xf32, #tpu.memory_space<vmem>> -> memref<1x8x64xf32, #tpu.memory_space<vmem>>
    %dma_start3A_205 = arith.constant 0 : i32
    %dma_start3A_206 = arith.constant 0 : i32
    %dma_start3A_207 = tpu.memref_slice %arg3[%shift_right_arithmetic3A_200, %dma_start3A_205, %dma_start3A_206] : memref<125000x8x64xf32, #tpu.memory_space<hbm>> -> memref<1x8x64xf32, #tpu.memory_space<hbm>>
    %dma_start3A_208 = arith.constant 10 : i32
    %dma_start3A_209 = arith.constant 0 : i32
    %dma_start3A_210 = arith.constant 0 : i32
    %dma_start3A_211 = tpu.memref_slice %arg6[%dma_start3A_208, %dma_start3A_209, %dma_start3A_210] : memref<64x8x64xf32, #tpu.memory_space<vmem>> -> memref<1x8x64xf32, #tpu.memory_space<vmem>>
    %dma_start3A_212 = arith.constant 0 : i32
    %dma_start3A_213 = arith.constant 0 : i32
    %dma_start3A_214 = tpu.memref_slice %arg3[%shift_right_arithmetic3A_200, %dma_start3A_212, %dma_start3A_213] : memref<125000x8x64xf32, #tpu.memory_space<hbm>> -> memref<1x8x64xf32, #tpu.memory_space<hbm>>
    tpu.enqueue_dma source(%dma_start3A_214 : memref<1x8x64xf32, #tpu.memory_space<hbm>>) target(%dma_start3A_211 : memref<1x8x64xf32, #tpu.memory_space<vmem>>) target_semaphore(%arg8 : memref<!tpu.dma_semaphore, #tpu.memory_space<semaphore_mem>>)
    %slice3A_215 = vector.extract_strided_slice %get3A_16 {offsets = [11], sizes = [1], strides = [1]} : vector<16xi32> to vector<1xi32>
    %squeeze3A_216 = vector.extract %slice3A_215[0] : i32 from vector<1xi32>
    %shift_right_arithmetic3A_217 = arith.constant 3 : i32
    %shift_right_arithmetic3A_218 = arith.shrsi %squeeze3A_216, %shift_right_arithmetic3A_217 : i32
    %dma_start3A_219 = arith.constant 11 : i32
    %dma_start3A_220 = arith.constant 0 : i32
    %dma_start3A_221 = arith.constant 0 : i32
    %dma_start3A_222 = tpu.memref_slice %arg6[%dma_start3A_219, %dma_start3A_220, %dma_start3A_221] : memref<64x8x64xf32, #tpu.memory_space<vmem>> -> memref<1x8x64xf32, #tpu.memory_space<vmem>>
    %dma_start3A_223 = arith.constant 0 : i32
    %dma_start3A_224 = arith.constant 0 : i32
    %dma_start3A_225 = tpu.memref_slice %arg3[%shift_right_arithmetic3A_218, %dma_start3A_223, %dma_start3A_224] : memref<125000x8x64xf32, #tpu.memory_space<hbm>> -> memref<1x8x64xf32, #tpu.memory_space<hbm>>
    %dma_start3A_226 = arith.constant 11 : i32
    %dma_start3A_227 = arith.constant 0 : i32
    %dma_start3A_228 = arith.constant 0 : i32
    %dma_start3A_229 = tpu.memref_slice %arg6[%dma_start3A_226, %dma_start3A_227, %dma_start3A_228] : memref<64x8x64xf32, #tpu.memory_space<vmem>> -> memref<1x8x64xf32, #tpu.memory_space<vmem>>
    %dma_start3A_230 = arith.constant 0 : i32
    %dma_start3A_231 = arith.constant 0 : i32
    %dma_start3A_232 = tpu.memref_slice %arg3[%shift_right_arithmetic3A_218, %dma_start3A_230, %dma_start3A_231] : memref<125000x8x64xf32, #tpu.memory_space<hbm>> -> memref<1x8x64xf32, #tpu.memory_space<hbm>>
    tpu.enqueue_dma source(%dma_start3A_232 : memref<1x8x64xf32, #tpu.memory_space<hbm>>) target(%dma_start3A_229 : memref<1x8x64xf32, #tpu.memory_space<vmem>>) target_semaphore(%arg8 : memref<!tpu.dma_semaphore, #tpu.memory_space<semaphore_mem>>)
    %slice3A_233 = vector.extract_strided_slice %get3A_16 {offsets = [12], sizes = [1], strides = [1]} : vector<16xi32> to vector<1xi32>
    %squeeze3A_234 = vector.extract %slice3A_233[0] : i32 from vector<1xi32>
    %shift_right_arithmetic3A_235 = arith.constant 3 : i32
    %shift_right_arithmetic3A_236 = arith.shrsi %squeeze3A_234, %shift_right_arithmetic3A_235 : i32
    %dma_start3A_237 = arith.constant 12 : i32
    %dma_start3A_238 = arith.constant 0 : i32
    %dma_start3A_239 = arith.constant 0 : i32
    %dma_start3A_240 = tpu.memref_slice %arg6[%dma_start3A_237, %dma_start3A_238, %dma_start3A_239] : memref<64x8x64xf32, #tpu.memory_space<vmem>> -> memref<1x8x64xf32, #tpu.memory_space<vmem>>
    %dma_start3A_241 = arith.constant 0 : i32
    %dma_start3A_242 = arith.constant 0 : i32
    %dma_start3A_243 = tpu.memref_slice %arg3[%shift_right_arithmetic3A_236, %dma_start3A_241, %dma_start3A_242] : memref<125000x8x64xf32, #tpu.memory_space<hbm>> -> memref<1x8x64xf32, #tpu.memory_space<hbm>>
    %dma_start3A_244 = arith.constant 12 : i32
    %dma_start3A_245 = arith.constant 0 : i32
    %dma_start3A_246 = arith.constant 0 : i32
    %dma_start3A_247 = tpu.memref_slice %arg6[%dma_start3A_244, %dma_start3A_245, %dma_start3A_246] : memref<64x8x64xf32, #tpu.memory_space<vmem>> -> memref<1x8x64xf32, #tpu.memory_space<vmem>>
    %dma_start3A_248 = arith.constant 0 : i32
    %dma_start3A_249 = arith.constant 0 : i32
    %dma_start3A_250 = tpu.memref_slice %arg3[%shift_right_arithmetic3A_236, %dma_start3A_248, %dma_start3A_249] : memref<125000x8x64xf32, #tpu.memory_space<hbm>> -> memref<1x8x64xf32, #tpu.memory_space<hbm>>
    tpu.enqueue_dma source(%dma_start3A_250 : memref<1x8x64xf32, #tpu.memory_space<hbm>>) target(%dma_start3A_247 : memref<1x8x64xf32, #tpu.memory_space<vmem>>) target_semaphore(%arg8 : memref<!tpu.dma_semaphore, #tpu.memory_space<semaphore_mem>>)
    %slice3A_251 = vector.extract_strided_slice %get3A_16 {offsets = [13], sizes = [1], strides = [1]} : vector<16xi32> to vector<1xi32>
    %squeeze3A_252 = vector.extract %slice3A_251[0] : i32 from vector<1xi32>
    %shift_right_arithmetic3A_253 = arith.constant 3 : i32
    %shift_right_arithmetic3A_254 = arith.shrsi %squeeze3A_252, %shift_right_arithmetic3A_253 : i32
    %dma_start3A_255 = arith.constant 13 : i32
    %dma_start3A_256 = arith.constant 0 : i32
    %dma_start3A_257 = arith.constant 0 : i32
    %dma_start3A_258 = tpu.memref_slice %arg6[%dma_start3A_255, %dma_start3A_256, %dma_start3A_257] : memref<64x8x64xf32, #tpu.memory_space<vmem>> -> memref<1x8x64xf32, #tpu.memory_space<vmem>>
    %dma_start3A_259 = arith.constant 0 : i32
    %dma_start3A_260 = arith.constant 0 : i32
    %dma_start3A_261 = tpu.memref_slice %arg3[%shift_right_arithmetic3A_254, %dma_start3A_259, %dma_start3A_260] : memref<125000x8x64xf32, #tpu.memory_space<hbm>> -> memref<1x8x64xf32, #tpu.memory_space<hbm>>
    %dma_start3A_262 = arith.constant 13 : i32
    %dma_start3A_263 = arith.constant 0 : i32
    %dma_start3A_264 = arith.constant 0 : i32
    %dma_start3A_265 = tpu.memref_slice %arg6[%dma_start3A_262, %dma_start3A_263, %dma_start3A_264] : memref<64x8x64xf32, #tpu.memory_space<vmem>> -> memref<1x8x64xf32, #tpu.memory_space<vmem>>
    %dma_start3A_266 = arith.constant 0 : i32
    %dma_start3A_267 = arith.constant 0 : i32
    %dma_start3A_268 = tpu.memref_slice %arg3[%shift_right_arithmetic3A_254, %dma_start3A_266, %dma_start3A_267] : memref<125000x8x64xf32, #tpu.memory_space<hbm>> -> memref<1x8x64xf32, #tpu.memory_space<hbm>>
    tpu.enqueue_dma source(%dma_start3A_268 : memref<1x8x64xf32, #tpu.memory_space<hbm>>) target(%dma_start3A_265 : memref<1x8x64xf32, #tpu.memory_space<vmem>>) target_semaphore(%arg8 : memref<!tpu.dma_semaphore, #tpu.memory_space<semaphore_mem>>)
    %slice3A_269 = vector.extract_strided_slice %get3A_16 {offsets = [14], sizes = [1], strides = [1]} : vector<16xi32> to vector<1xi32>
    %squeeze3A_270 = vector.extract %slice3A_269[0] : i32 from vector<1xi32>
    %shift_right_arithmetic3A_271 = arith.constant 3 : i32
    %shift_right_arithmetic3A_272 = arith.shrsi %squeeze3A_270, %shift_right_arithmetic3A_271 : i32
    %dma_start3A_273 = arith.constant 14 : i32
    %dma_start3A_274 = arith.constant 0 : i32
    %dma_start3A_275 = arith.constant 0 : i32
    %dma_start3A_276 = tpu.memref_slice %arg6[%dma_start3A_273, %dma_start3A_274, %dma_start3A_275] : memref<64x8x64xf32, #tpu.memory_space<vmem>> -> memref<1x8x64xf32, #tpu.memory_space<vmem>>
    %dma_start3A_277 = arith.constant 0 : i32
    %dma_start3A_278 = arith.constant 0 : i32
    %dma_start3A_279 = tpu.memref_slice %arg3[%shift_right_arithmetic3A_272, %dma_start3A_277, %dma_start3A_278] : memref<125000x8x64xf32, #tpu.memory_space<hbm>> -> memref<1x8x64xf32, #tpu.memory_space<hbm>>
    %dma_start3A_280 = arith.constant 14 : i32
    %dma_start3A_281 = arith.constant 0 : i32
    %dma_start3A_282 = arith.constant 0 : i32
    %dma_start3A_283 = tpu.memref_slice %arg6[%dma_start3A_280, %dma_start3A_281, %dma_start3A_282] : memref<64x8x64xf32, #tpu.memory_space<vmem>> -> memref<1x8x64xf32, #tpu.memory_space<vmem>>
    %dma_start3A_284 = arith.constant 0 : i32
    %dma_start3A_285 = arith.constant 0 : i32
    %dma_start3A_286 = tpu.memref_slice %arg3[%shift_right_arithmetic3A_272, %dma_start3A_284, %dma_start3A_285] : memref<125000x8x64xf32, #tpu.memory_space<hbm>> -> memref<1x8x64xf32, #tpu.memory_space<hbm>>
    tpu.enqueue_dma source(%dma_start3A_286 : memref<1x8x64xf32, #tpu.memory_space<hbm>>) target(%dma_start3A_283 : memref<1x8x64xf32, #tpu.memory_space<vmem>>) target_semaphore(%arg8 : memref<!tpu.dma_semaphore, #tpu.memory_space<semaphore_mem>>)
    %slice3A_287 = vector.extract_strided_slice %get3A_16 {offsets = [15], sizes = [1], strides = [1]} : vector<16xi32> to vector<1xi32>
    %squeeze3A_288 = vector.extract %slice3A_287[0] : i32 from vector<1xi32>
    %shift_right_arithmetic3A_289 = arith.constant 3 : i32
    %shift_right_arithmetic3A_290 = arith.shrsi %squeeze3A_288, %shift_right_arithmetic3A_289 : i32
    %dma_start3A_291 = arith.constant 15 : i32
    %dma_start3A_292 = arith.constant 0 : i32
    %dma_start3A_293 = arith.constant 0 : i32
    %dma_start3A_294 = tpu.memref_slice %arg6[%dma_start3A_291, %dma_start3A_292, %dma_start3A_293] : memref<64x8x64xf32, #tpu.memory_space<vmem>> -> memref<1x8x64xf32, #tpu.memory_space<vmem>>
    %dma_start3A_295 = arith.constant 0 : i32
    %dma_start3A_296 = arith.constant 0 : i32
    %dma_start3A_297 = tpu.memref_slice %arg3[%shift_right_arithmetic3A_290, %dma_start3A_295, %dma_start3A_296] : memref<125000x8x64xf32, #tpu.memory_space<hbm>> -> memref<1x8x64xf32, #tpu.memory_space<hbm>>
    %dma_start3A_298 = arith.constant 15 : i32
    %dma_start3A_299 = arith.constant 0 : i32
    %dma_start3A_300 = arith.constant 0 : i32
    %dma_start3A_301 = tpu.memref_slice %arg6[%dma_start3A_298, %dma_start3A_299, %dma_start3A_300] : memref<64x8x64xf32, #tpu.memory_space<vmem>> -> memref<1x8x64xf32, #tpu.memory_space<vmem>>
    %dma_start3A_302 = arith.constant 0 : i32
    %dma_start3A_303 = arith.constant 0 : i32
    %dma_start3A_304 = tpu.memref_slice %arg3[%shift_right_arithmetic3A_290, %dma_start3A_302, %dma_start3A_303] : memref<125000x8x64xf32, #tpu.memory_space<hbm>> -> memref<1x8x64xf32, #tpu.memory_space<hbm>>
    tpu.enqueue_dma source(%dma_start3A_304 : memref<1x8x64xf32, #tpu.memory_space<hbm>>) target(%dma_start3A_301 : memref<1x8x64xf32, #tpu.memory_space<vmem>>) target_semaphore(%arg8 : memref<!tpu.dma_semaphore, #tpu.memory_space<semaphore_mem>>)
    %slice3A_305 = vector.extract_strided_slice %get3A_20 {offsets = [0], sizes = [1], strides = [1]} : vector<16xi32> to vector<1xi32>
    %squeeze3A_306 = vector.extract %slice3A_305[0] : i32 from vector<1xi32>
    %shift_right_arithmetic3A_307 = arith.constant 3 : i32
    %shift_right_arithmetic3A_308 = arith.shrsi %squeeze3A_306, %shift_right_arithmetic3A_307 : i32
    %dma_start3A_309 = arith.constant 16 : i32
    %dma_start3A_310 = arith.constant 0 : i32
    %dma_start3A_311 = arith.constant 0 : i32
    %dma_start3A_312 = tpu.memref_slice %arg6[%dma_start3A_309, %dma_start3A_310, %dma_start3A_311] : memref<64x8x64xf32, #tpu.memory_space<vmem>> -> memref<1x8x64xf32, #tpu.memory_space<vmem>>
    %dma_start3A_313 = arith.constant 0 : i32
    %dma_start3A_314 = arith.constant 0 : i32
    %dma_start3A_315 = tpu.memref_slice %arg3[%shift_right_arithmetic3A_308, %dma_start3A_313, %dma_start3A_314] : memref<125000x8x64xf32, #tpu.memory_space<hbm>> -> memref<1x8x64xf32, #tpu.memory_space<hbm>>
    %dma_start3A_316 = arith.constant 16 : i32
    %dma_start3A_317 = arith.constant 0 : i32
    %dma_start3A_318 = arith.constant 0 : i32
    %dma_start3A_319 = tpu.memref_slice %arg6[%dma_start3A_316, %dma_start3A_317, %dma_start3A_318] : memref<64x8x64xf32, #tpu.memory_space<vmem>> -> memref<1x8x64xf32, #tpu.memory_space<vmem>>
    %dma_start3A_320 = arith.constant 0 : i32
    %dma_start3A_321 = arith.constant 0 : i32
    %dma_start3A_322 = tpu.memref_slice %arg3[%shift_right_arithmetic3A_308, %dma_start3A_320, %dma_start3A_321] : memref<125000x8x64xf32, #tpu.memory_space<hbm>> -> memref<1x8x64xf32, #tpu.memory_space<hbm>>
    tpu.enqueue_dma source(%dma_start3A_322 : memref<1x8x64xf32, #tpu.memory_space<hbm>>) target(%dma_start3A_319 : memref<1x8x64xf32, #tpu.memory_space<vmem>>) target_semaphore(%arg8 : memref<!tpu.dma_semaphore, #tpu.memory_space<semaphore_mem>>)
    %slice3A_323 = vector.extract_strided_slice %get3A_20 {offsets = [1], sizes = [1], strides = [1]} : vector<16xi32> to vector<1xi32>
    %squeeze3A_324 = vector.extract %slice3A_323[0] : i32 from vector<1xi32>
    %shift_right_arithmetic3A_325 = arith.constant 3 : i32
    %shift_right_arithmetic3A_326 = arith.shrsi %squeeze3A_324, %shift_right_arithmetic3A_325 : i32
    %dma_start3A_327 = arith.constant 17 : i32
    %dma_start3A_328 = arith.constant 0 : i32
    %dma_start3A_329 = arith.constant 0 : i32
    %dma_start3A_330 = tpu.memref_slice %arg6[%dma_start3A_327, %dma_start3A_328, %dma_start3A_329] : memref<64x8x64xf32, #tpu.memory_space<vmem>> -> memref<1x8x64xf32, #tpu.memory_space<vmem>>
    %dma_start3A_331 = arith.constant 0 : i32
    %dma_start3A_332 = arith.constant 0 : i32
    %dma_start3A_333 = tpu.memref_slice %arg3[%shift_right_arithmetic3A_326, %dma_start3A_331, %dma_start3A_332] : memref<125000x8x64xf32, #tpu.memory_space<hbm>> -> memref<1x8x64xf32, #tpu.memory_space<hbm>>
    %dma_start3A_334 = arith.constant 17 : i32
    %dma_start3A_335 = arith.constant 0 : i32
    %dma_start3A_336 = arith.constant 0 : i32
    %dma_start3A_337 = tpu.memref_slice %arg6[%dma_start3A_334, %dma_start3A_335, %dma_start3A_336] : memref<64x8x64xf32, #tpu.memory_space<vmem>> -> memref<1x8x64xf32, #tpu.memory_space<vmem>>
    %dma_start3A_338 = arith.constant 0 : i32
    %dma_start3A_339 = arith.constant 0 : i32
    %dma_start3A_340 = tpu.memref_slice %arg3[%shift_right_arithmetic3A_326, %dma_start3A_338, %dma_start3A_339] : memref<125000x8x64xf32, #tpu.memory_space<hbm>> -> memref<1x8x64xf32, #tpu.memory_space<hbm>>
    tpu.enqueue_dma source(%dma_start3A_340 : memref<1x8x64xf32, #tpu.memory_space<hbm>>) target(%dma_start3A_337 : memref<1x8x64xf32, #tpu.memory_space<vmem>>) target_semaphore(%arg8 : memref<!tpu.dma_semaphore, #tpu.memory_space<semaphore_mem>>)
    %slice3A_341 = vector.extract_strided_slice %get3A_20 {offsets = [2], sizes = [1], strides = [1]} : vector<16xi32> to vector<1xi32>
    %squeeze3A_342 = vector.extract %slice3A_341[0] : i32 from vector<1xi32>
    %shift_right_arithmetic3A_343 = arith.constant 3 : i32
    %shift_right_arithmetic3A_344 = arith.shrsi %squeeze3A_342, %shift_right_arithmetic3A_343 : i32
    %dma_start3A_345 = arith.constant 18 : i32
    %dma_start3A_346 = arith.constant 0 : i32
    %dma_start3A_347 = arith.constant 0 : i32
    %dma_start3A_348 = tpu.memref_slice %arg6[%dma_start3A_345, %dma_start3A_346, %dma_start3A_347] : memref<64x8x64xf32, #tpu.memory_space<vmem>> -> memref<1x8x64xf32, #tpu.memory_space<vmem>>
    %dma_start3A_349 = arith.constant 0 : i32
    %dma_start3A_350 = arith.constant 0 : i32
    %dma_start3A_351 = tpu.memref_slice %arg3[%shift_right_arithmetic3A_344, %dma_start3A_349, %dma_start3A_350] : memref<125000x8x64xf32, #tpu.memory_space<hbm>> -> memref<1x8x64xf32, #tpu.memory_space<hbm>>
    %dma_start3A_352 = arith.constant 18 : i32
    %dma_start3A_353 = arith.constant 0 : i32
    %dma_start3A_354 = arith.constant 0 : i32
    %dma_start3A_355 = tpu.memref_slice %arg6[%dma_start3A_352, %dma_start3A_353, %dma_start3A_354] : memref<64x8x64xf32, #tpu.memory_space<vmem>> -> memref<1x8x64xf32, #tpu.memory_space<vmem>>
    %dma_start3A_356 = arith.constant 0 : i32
    %dma_start3A_357 = arith.constant 0 : i32
    %dma_start3A_358 = tpu.memref_slice %arg3[%shift_right_arithmetic3A_344, %dma_start3A_356, %dma_start3A_357] : memref<125000x8x64xf32, #tpu.memory_space<hbm>> -> memref<1x8x64xf32, #tpu.memory_space<hbm>>
    tpu.enqueue_dma source(%dma_start3A_358 : memref<1x8x64xf32, #tpu.memory_space<hbm>>) target(%dma_start3A_355 : memref<1x8x64xf32, #tpu.memory_space<vmem>>) target_semaphore(%arg8 : memref<!tpu.dma_semaphore, #tpu.memory_space<semaphore_mem>>)
    %slice3A_359 = vector.extract_strided_slice %get3A_20 {offsets = [3], sizes = [1], strides = [1]} : vector<16xi32> to vector<1xi32>
    %squeeze3A_360 = vector.extract %slice3A_359[0] : i32 from vector<1xi32>
    %shift_right_arithmetic3A_361 = arith.constant 3 : i32
    %shift_right_arithmetic3A_362 = arith.shrsi %squeeze3A_360, %shift_right_arithmetic3A_361 : i32
    %dma_start3A_363 = arith.constant 19 : i32
    %dma_start3A_364 = arith.constant 0 : i32
    %dma_start3A_365 = arith.constant 0 : i32
    %dma_start3A_366 = tpu.memref_slice %arg6[%dma_start3A_363, %dma_start3A_364, %dma_start3A_365] : memref<64x8x64xf32, #tpu.memory_space<vmem>> -> memref<1x8x64xf32, #tpu.memory_space<vmem>>
    %dma_start3A_367 = arith.constant 0 : i32
    %dma_start3A_368 = arith.constant 0 : i32
    %dma_start3A_369 = tpu.memref_slice %arg3[%shift_right_arithmetic3A_362, %dma_start3A_367, %dma_start3A_368] : memref<125000x8x64xf32, #tpu.memory_space<hbm>> -> memref<1x8x64xf32, #tpu.memory_space<hbm>>
    %dma_start3A_370 = arith.constant 19 : i32
    %dma_start3A_371 = arith.constant 0 : i32
    %dma_start3A_372 = arith.constant 0 : i32
    %dma_start3A_373 = tpu.memref_slice %arg6[%dma_start3A_370, %dma_start3A_371, %dma_start3A_372] : memref<64x8x64xf32, #tpu.memory_space<vmem>> -> memref<1x8x64xf32, #tpu.memory_space<vmem>>
    %dma_start3A_374 = arith.constant 0 : i32
    %dma_start3A_375 = arith.constant 0 : i32
    %dma_start3A_376 = tpu.memref_slice %arg3[%shift_right_arithmetic3A_362, %dma_start3A_374, %dma_start3A_375] : memref<125000x8x64xf32, #tpu.memory_space<hbm>> -> memref<1x8x64xf32, #tpu.memory_space<hbm>>
    tpu.enqueue_dma source(%dma_start3A_376 : memref<1x8x64xf32, #tpu.memory_space<hbm>>) target(%dma_start3A_373 : memref<1x8x64xf32, #tpu.memory_space<vmem>>) target_semaphore(%arg8 : memref<!tpu.dma_semaphore, #tpu.memory_space<semaphore_mem>>)
    %slice3A_377 = vector.extract_strided_slice %get3A_20 {offsets = [4], sizes = [1], strides = [1]} : vector<16xi32> to vector<1xi32>
    %squeeze3A_378 = vector.extract %slice3A_377[0] : i32 from vector<1xi32>
    %shift_right_arithmetic3A_379 = arith.constant 3 : i32
    %shift_right_arithmetic3A_380 = arith.shrsi %squeeze3A_378, %shift_right_arithmetic3A_379 : i32
    %dma_start3A_381 = arith.constant 20 : i32
    %dma_start3A_382 = arith.constant 0 : i32
    %dma_start3A_383 = arith.constant 0 : i32
    %dma_start3A_384 = tpu.memref_slice %arg6[%dma_start3A_381, %dma_start3A_382, %dma_start3A_383] : memref<64x8x64xf32, #tpu.memory_space<vmem>> -> memref<1x8x64xf32, #tpu.memory_space<vmem>>
    %dma_start3A_385 = arith.constant 0 : i32
    %dma_start3A_386 = arith.constant 0 : i32
    %dma_start3A_387 = tpu.memref_slice %arg3[%shift_right_arithmetic3A_380, %dma_start3A_385, %dma_start3A_386] : memref<125000x8x64xf32, #tpu.memory_space<hbm>> -> memref<1x8x64xf32, #tpu.memory_space<hbm>>
    %dma_start3A_388 = arith.constant 20 : i32
    %dma_start3A_389 = arith.constant 0 : i32
    %dma_start3A_390 = arith.constant 0 : i32
    %dma_start3A_391 = tpu.memref_slice %arg6[%dma_start3A_388, %dma_start3A_389, %dma_start3A_390] : memref<64x8x64xf32, #tpu.memory_space<vmem>> -> memref<1x8x64xf32, #tpu.memory_space<vmem>>
    %dma_start3A_392 = arith.constant 0 : i32
    %dma_start3A_393 = arith.constant 0 : i32
    %dma_start3A_394 = tpu.memref_slice %arg3[%shift_right_arithmetic3A_380, %dma_start3A_392, %dma_start3A_393] : memref<125000x8x64xf32, #tpu.memory_space<hbm>> -> memref<1x8x64xf32, #tpu.memory_space<hbm>>
    tpu.enqueue_dma source(%dma_start3A_394 : memref<1x8x64xf32, #tpu.memory_space<hbm>>) target(%dma_start3A_391 : memref<1x8x64xf32, #tpu.memory_space<vmem>>) target_semaphore(%arg8 : memref<!tpu.dma_semaphore, #tpu.memory_space<semaphore_mem>>)
    %slice3A_395 = vector.extract_strided_slice %get3A_20 {offsets = [5], sizes = [1], strides = [1]} : vector<16xi32> to vector<1xi32>
    %squeeze3A_396 = vector.extract %slice3A_395[0] : i32 from vector<1xi32>
    %shift_right_arithmetic3A_397 = arith.constant 3 : i32
    %shift_right_arithmetic3A_398 = arith.shrsi %squeeze3A_396, %shift_right_arithmetic3A_397 : i32
    %dma_start3A_399 = arith.constant 21 : i32
    %dma_start3A_400 = arith.constant 0 : i32
    %dma_start3A_401 = arith.constant 0 : i32
    %dma_start3A_402 = tpu.memref_slice %arg6[%dma_start3A_399, %dma_start3A_400, %dma_start3A_401] : memref<64x8x64xf32, #tpu.memory_space<vmem>> -> memref<1x8x64xf32, #tpu.memory_space<vmem>>
    %dma_start3A_403 = arith.constant 0 : i32
    %dma_start3A_404 = arith.constant 0 : i32
    %dma_start3A_405 = tpu.memref_slice %arg3[%shift_right_arithmetic3A_398, %dma_start3A_403, %dma_start3A_404] : memref<125000x8x64xf32, #tpu.memory_space<hbm>> -> memref<1x8x64xf32, #tpu.memory_space<hbm>>
    %dma_start3A_406 = arith.constant 21 : i32
    %dma_start3A_407 = arith.constant 0 : i32
    %dma_start3A_408 = arith.constant 0 : i32
    %dma_start3A_409 = tpu.memref_slice %arg6[%dma_start3A_406, %dma_start3A_407, %dma_start3A_408] : memref<64x8x64xf32, #tpu.memory_space<vmem>> -> memref<1x8x64xf32, #tpu.memory_space<vmem>>
    %dma_start3A_410 = arith.constant 0 : i32
    %dma_start3A_411 = arith.constant 0 : i32
    %dma_start3A_412 = tpu.memref_slice %arg3[%shift_right_arithmetic3A_398, %dma_start3A_410, %dma_start3A_411] : memref<125000x8x64xf32, #tpu.memory_space<hbm>> -> memref<1x8x64xf32, #tpu.memory_space<hbm>>
    tpu.enqueue_dma source(%dma_start3A_412 : memref<1x8x64xf32, #tpu.memory_space<hbm>>) target(%dma_start3A_409 : memref<1x8x64xf32, #tpu.memory_space<vmem>>) target_semaphore(%arg8 : memref<!tpu.dma_semaphore, #tpu.memory_space<semaphore_mem>>)
    %slice3A_413 = vector.extract_strided_slice %get3A_20 {offsets = [6], sizes = [1], strides = [1]} : vector<16xi32> to vector<1xi32>
    %squeeze3A_414 = vector.extract %slice3A_413[0] : i32 from vector<1xi32>
    %shift_right_arithmetic3A_415 = arith.constant 3 : i32
    %shift_right_arithmetic3A_416 = arith.shrsi %squeeze3A_414, %shift_right_arithmetic3A_415 : i32
    %dma_start3A_417 = arith.constant 22 : i32
    %dma_start3A_418 = arith.constant 0 : i32
    %dma_start3A_419 = arith.constant 0 : i32
    %dma_start3A_420 = tpu.memref_slice %arg6[%dma_start3A_417, %dma_start3A_418, %dma_start3A_419] : memref<64x8x64xf32, #tpu.memory_space<vmem>> -> memref<1x8x64xf32, #tpu.memory_space<vmem>>
    %dma_start3A_421 = arith.constant 0 : i32
    %dma_start3A_422 = arith.constant 0 : i32
    %dma_start3A_423 = tpu.memref_slice %arg3[%shift_right_arithmetic3A_416, %dma_start3A_421, %dma_start3A_422] : memref<125000x8x64xf32, #tpu.memory_space<hbm>> -> memref<1x8x64xf32, #tpu.memory_space<hbm>>
    %dma_start3A_424 = arith.constant 22 : i32
    %dma_start3A_425 = arith.constant 0 : i32
    %dma_start3A_426 = arith.constant 0 : i32
    %dma_start3A_427 = tpu.memref_slice %arg6[%dma_start3A_424, %dma_start3A_425, %dma_start3A_426] : memref<64x8x64xf32, #tpu.memory_space<vmem>> -> memref<1x8x64xf32, #tpu.memory_space<vmem>>
    %dma_start3A_428 = arith.constant 0 : i32
    %dma_start3A_429 = arith.constant 0 : i32
    %dma_start3A_430 = tpu.memref_slice %arg3[%shift_right_arithmetic3A_416, %dma_start3A_428, %dma_start3A_429] : memref<125000x8x64xf32, #tpu.memory_space<hbm>> -> memref<1x8x64xf32, #tpu.memory_space<hbm>>
    tpu.enqueue_dma source(%dma_start3A_430 : memref<1x8x64xf32, #tpu.memory_space<hbm>>) target(%dma_start3A_427 : memref<1x8x64xf32, #tpu.memory_space<vmem>>) target_semaphore(%arg8 : memref<!tpu.dma_semaphore, #tpu.memory_space<semaphore_mem>>)
    %slice3A_431 = vector.extract_strided_slice %get3A_20 {offsets = [7], sizes = [1], strides = [1]} : vector<16xi32> to vector<1xi32>
    %squeeze3A_432 = vector.extract %slice3A_431[0] : i32 from vector<1xi32>
    %shift_right_arithmetic3A_433 = arith.constant 3 : i32
    %shift_right_arithmetic3A_434 = arith.shrsi %squeeze3A_432, %shift_right_arithmetic3A_433 : i32
    %dma_start3A_435 = arith.constant 23 : i32
    %dma_start3A_436 = arith.constant 0 : i32
    %dma_start3A_437 = arith.constant 0 : i32
    %dma_start3A_438 = tpu.memref_slice %arg6[%dma_start3A_435, %dma_start3A_436, %dma_start3A_437] : memref<64x8x64xf32, #tpu.memory_space<vmem>> -> memref<1x8x64xf32, #tpu.memory_space<vmem>>
    %dma_start3A_439 = arith.constant 0 : i32
    %dma_start3A_440 = arith.constant 0 : i32
    %dma_start3A_441 = tpu.memref_slice %arg3[%shift_right_arithmetic3A_434, %dma_start3A_439, %dma_start3A_440] : memref<125000x8x64xf32, #tpu.memory_space<hbm>> -> memref<1x8x64xf32, #tpu.memory_space<hbm>>
    %dma_start3A_442 = arith.constant 23 : i32
    %dma_start3A_443 = arith.constant 0 : i32
    %dma_start3A_444 = arith.constant 0 : i32
    %dma_start3A_445 = tpu.memref_slice %arg6[%dma_start3A_442, %dma_start3A_443, %dma_start3A_444] : memref<64x8x64xf32, #tpu.memory_space<vmem>> -> memref<1x8x64xf32, #tpu.memory_space<vmem>>
    %dma_start3A_446 = arith.constant 0 : i32
    %dma_start3A_447 = arith.constant 0 : i32
    %dma_start3A_448 = tpu.memref_slice %arg3[%shift_right_arithmetic3A_434, %dma_start3A_446, %dma_start3A_447] : memref<125000x8x64xf32, #tpu.memory_space<hbm>> -> memref<1x8x64xf32, #tpu.memory_space<hbm>>
    tpu.enqueue_dma source(%dma_start3A_448 : memref<1x8x64xf32, #tpu.memory_space<hbm>>) target(%dma_start3A_445 : memref<1x8x64xf32, #tpu.memory_space<vmem>>) target_semaphore(%arg8 : memref<!tpu.dma_semaphore, #tpu.memory_space<semaphore_mem>>)
    %slice3A_449 = vector.extract_strided_slice %get3A_20 {offsets = [8], sizes = [1], strides = [1]} : vector<16xi32> to vector<1xi32>
    %squeeze3A_450 = vector.extract %slice3A_449[0] : i32 from vector<1xi32>
    %shift_right_arithmetic3A_451 = arith.constant 3 : i32
    %shift_right_arithmetic3A_452 = arith.shrsi %squeeze3A_450, %shift_right_arithmetic3A_451 : i32
    %dma_start3A_453 = arith.constant 24 : i32
    %dma_start3A_454 = arith.constant 0 : i32
    %dma_start3A_455 = arith.constant 0 : i32
    %dma_start3A_456 = tpu.memref_slice %arg6[%dma_start3A_453, %dma_start3A_454, %dma_start3A_455] : memref<64x8x64xf32, #tpu.memory_space<vmem>> -> memref<1x8x64xf32, #tpu.memory_space<vmem>>
    %dma_start3A_457 = arith.constant 0 : i32
    %dma_start3A_458 = arith.constant 0 : i32
    %dma_start3A_459 = tpu.memref_slice %arg3[%shift_right_arithmetic3A_452, %dma_start3A_457, %dma_start3A_458] : memref<125000x8x64xf32, #tpu.memory_space<hbm>> -> memref<1x8x64xf32, #tpu.memory_space<hbm>>
    %dma_start3A_460 = arith.constant 24 : i32
    %dma_start3A_461 = arith.constant 0 : i32
    %dma_start3A_462 = arith.constant 0 : i32
    %dma_start3A_463 = tpu.memref_slice %arg6[%dma_start3A_460, %dma_start3A_461, %dma_start3A_462] : memref<64x8x64xf32, #tpu.memory_space<vmem>> -> memref<1x8x64xf32, #tpu.memory_space<vmem>>
    %dma_start3A_464 = arith.constant 0 : i32
    %dma_start3A_465 = arith.constant 0 : i32
    %dma_start3A_466 = tpu.memref_slice %arg3[%shift_right_arithmetic3A_452, %dma_start3A_464, %dma_start3A_465] : memref<125000x8x64xf32, #tpu.memory_space<hbm>> -> memref<1x8x64xf32, #tpu.memory_space<hbm>>
    tpu.enqueue_dma source(%dma_start3A_466 : memref<1x8x64xf32, #tpu.memory_space<hbm>>) target(%dma_start3A_463 : memref<1x8x64xf32, #tpu.memory_space<vmem>>) target_semaphore(%arg8 : memref<!tpu.dma_semaphore, #tpu.memory_space<semaphore_mem>>)
    %slice3A_467 = vector.extract_strided_slice %get3A_20 {offsets = [9], sizes = [1], strides = [1]} : vector<16xi32> to vector<1xi32>
    %squeeze3A_468 = vector.extract %slice3A_467[0] : i32 from vector<1xi32>
    %shift_right_arithmetic3A_469 = arith.constant 3 : i32
    %shift_right_arithmetic3A_470 = arith.shrsi %squeeze3A_468, %shift_right_arithmetic3A_469 : i32
    %dma_start3A_471 = arith.constant 25 : i32
    %dma_start3A_472 = arith.constant 0 : i32
    %dma_start3A_473 = arith.constant 0 : i32
    %dma_start3A_474 = tpu.memref_slice %arg6[%dma_start3A_471, %dma_start3A_472, %dma_start3A_473] : memref<64x8x64xf32, #tpu.memory_space<vmem>> -> memref<1x8x64xf32, #tpu.memory_space<vmem>>
    %dma_start3A_475 = arith.constant 0 : i32
    %dma_start3A_476 = arith.constant 0 : i32
    %dma_start3A_477 = tpu.memref_slice %arg3[%shift_right_arithmetic3A_470, %dma_start3A_475, %dma_start3A_476] : memref<125000x8x64xf32, #tpu.memory_space<hbm>> -> memref<1x8x64xf32, #tpu.memory_space<hbm>>
    %dma_start3A_478 = arith.constant 25 : i32
    %dma_start3A_479 = arith.constant 0 : i32
    %dma_start3A_480 = arith.constant 0 : i32
    %dma_start3A_481 = tpu.memref_slice %arg6[%dma_start3A_478, %dma_start3A_479, %dma_start3A_480] : memref<64x8x64xf32, #tpu.memory_space<vmem>> -> memref<1x8x64xf32, #tpu.memory_space<vmem>>
    %dma_start3A_482 = arith.constant 0 : i32
    %dma_start3A_483 = arith.constant 0 : i32
    %dma_start3A_484 = tpu.memref_slice %arg3[%shift_right_arithmetic3A_470, %dma_start3A_482, %dma_start3A_483] : memref<125000x8x64xf32, #tpu.memory_space<hbm>> -> memref<1x8x64xf32, #tpu.memory_space<hbm>>
    tpu.enqueue_dma source(%dma_start3A_484 : memref<1x8x64xf32, #tpu.memory_space<hbm>>) target(%dma_start3A_481 : memref<1x8x64xf32, #tpu.memory_space<vmem>>) target_semaphore(%arg8 : memref<!tpu.dma_semaphore, #tpu.memory_space<semaphore_mem>>)
    %slice3A_485 = vector.extract_strided_slice %get3A_20 {offsets = [10], sizes = [1], strides = [1]} : vector<16xi32> to vector<1xi32>
    %squeeze3A_486 = vector.extract %slice3A_485[0] : i32 from vector<1xi32>
    %shift_right_arithmetic3A_487 = arith.constant 3 : i32
    %shift_right_arithmetic3A_488 = arith.shrsi %squeeze3A_486, %shift_right_arithmetic3A_487 : i32
    %dma_start3A_489 = arith.constant 26 : i32
    %dma_start3A_490 = arith.constant 0 : i32
    %dma_start3A_491 = arith.constant 0 : i32
    %dma_start3A_492 = tpu.memref_slice %arg6[%dma_start3A_489, %dma_start3A_490, %dma_start3A_491] : memref<64x8x64xf32, #tpu.memory_space<vmem>> -> memref<1x8x64xf32, #tpu.memory_space<vmem>>
    %dma_start3A_493 = arith.constant 0 : i32
    %dma_start3A_494 = arith.constant 0 : i32
    %dma_start3A_495 = tpu.memref_slice %arg3[%shift_right_arithmetic3A_488, %dma_start3A_493, %dma_start3A_494] : memref<125000x8x64xf32, #tpu.memory_space<hbm>> -> memref<1x8x64xf32, #tpu.memory_space<hbm>>
    %dma_start3A_496 = arith.constant 26 : i32
    %dma_start3A_497 = arith.constant 0 : i32
    %dma_start3A_498 = arith.constant 0 : i32
    %dma_start3A_499 = tpu.memref_slice %arg6[%dma_start3A_496, %dma_start3A_497, %dma_start3A_498] : memref<64x8x64xf32, #tpu.memory_space<vmem>> -> memref<1x8x64xf32, #tpu.memory_space<vmem>>
    %dma_start3A_500 = arith.constant 0 : i32
    %dma_start3A_501 = arith.constant 0 : i32
    %dma_start3A_502 = tpu.memref_slice %arg3[%shift_right_arithmetic3A_488, %dma_start3A_500, %dma_start3A_501] : memref<125000x8x64xf32, #tpu.memory_space<hbm>> -> memref<1x8x64xf32, #tpu.memory_space<hbm>>
    tpu.enqueue_dma source(%dma_start3A_502 : memref<1x8x64xf32, #tpu.memory_space<hbm>>) target(%dma_start3A_499 : memref<1x8x64xf32, #tpu.memory_space<vmem>>) target_semaphore(%arg8 : memref<!tpu.dma_semaphore, #tpu.memory_space<semaphore_mem>>)
    %slice3A_503 = vector.extract_strided_slice %get3A_20 {offsets = [11], sizes = [1], strides = [1]} : vector<16xi32> to vector<1xi32>
    %squeeze3A_504 = vector.extract %slice3A_503[0] : i32 from vector<1xi32>
    %shift_right_arithmetic3A_505 = arith.constant 3 : i32
    %shift_right_arithmetic3A_506 = arith.shrsi %squeeze3A_504, %shift_right_arithmetic3A_505 : i32
    %dma_start3A_507 = arith.constant 27 : i32
    %dma_start3A_508 = arith.constant 0 : i32
    %dma_start3A_509 = arith.constant 0 : i32
    %dma_start3A_510 = tpu.memref_slice %arg6[%dma_start3A_507, %dma_start3A_508, %dma_start3A_509] : memref<64x8x64xf32, #tpu.memory_space<vmem>> -> memref<1x8x64xf32, #tpu.memory_space<vmem>>
    %dma_start3A_511 = arith.constant 0 : i32
    %dma_start3A_512 = arith.constant 0 : i32
    %dma_start3A_513 = tpu.memref_slice %arg3[%shift_right_arithmetic3A_506, %dma_start3A_511, %dma_start3A_512] : memref<125000x8x64xf32, #tpu.memory_space<hbm>> -> memref<1x8x64xf32, #tpu.memory_space<hbm>>
    %dma_start3A_514 = arith.constant 27 : i32
    %dma_start3A_515 = arith.constant 0 : i32
    %dma_start3A_516 = arith.constant 0 : i32
    %dma_start3A_517 = tpu.memref_slice %arg6[%dma_start3A_514, %dma_start3A_515, %dma_start3A_516] : memref<64x8x64xf32, #tpu.memory_space<vmem>> -> memref<1x8x64xf32, #tpu.memory_space<vmem>>
    %dma_start3A_518 = arith.constant 0 : i32
    %dma_start3A_519 = arith.constant 0 : i32
    %dma_start3A_520 = tpu.memref_slice %arg3[%shift_right_arithmetic3A_506, %dma_start3A_518, %dma_start3A_519] : memref<125000x8x64xf32, #tpu.memory_space<hbm>> -> memref<1x8x64xf32, #tpu.memory_space<hbm>>
    tpu.enqueue_dma source(%dma_start3A_520 : memref<1x8x64xf32, #tpu.memory_space<hbm>>) target(%dma_start3A_517 : memref<1x8x64xf32, #tpu.memory_space<vmem>>) target_semaphore(%arg8 : memref<!tpu.dma_semaphore, #tpu.memory_space<semaphore_mem>>)
    %slice3A_521 = vector.extract_strided_slice %get3A_20 {offsets = [12], sizes = [1], strides = [1]} : vector<16xi32> to vector<1xi32>
    %squeeze3A_522 = vector.extract %slice3A_521[0] : i32 from vector<1xi32>
    %shift_right_arithmetic3A_523 = arith.constant 3 : i32
    %shift_right_arithmetic3A_524 = arith.shrsi %squeeze3A_522, %shift_right_arithmetic3A_523 : i32
    %dma_start3A_525 = arith.constant 28 : i32
    %dma_start3A_526 = arith.constant 0 : i32
    %dma_start3A_527 = arith.constant 0 : i32
    %dma_start3A_528 = tpu.memref_slice %arg6[%dma_start3A_525, %dma_start3A_526, %dma_start3A_527] : memref<64x8x64xf32, #tpu.memory_space<vmem>> -> memref<1x8x64xf32, #tpu.memory_space<vmem>>
    %dma_start3A_529 = arith.constant 0 : i32
    %dma_start3A_530 = arith.constant 0 : i32
    %dma_start3A_531 = tpu.memref_slice %arg3[%shift_right_arithmetic3A_524, %dma_start3A_529, %dma_start3A_530] : memref<125000x8x64xf32, #tpu.memory_space<hbm>> -> memref<1x8x64xf32, #tpu.memory_space<hbm>>
    %dma_start3A_532 = arith.constant 28 : i32
    %dma_start3A_533 = arith.constant 0 : i32
    %dma_start3A_534 = arith.constant 0 : i32
    %dma_start3A_535 = tpu.memref_slice %arg6[%dma_start3A_532, %dma_start3A_533, %dma_start3A_534] : memref<64x8x64xf32, #tpu.memory_space<vmem>> -> memref<1x8x64xf32, #tpu.memory_space<vmem>>
    %dma_start3A_536 = arith.constant 0 : i32
    %dma_start3A_537 = arith.constant 0 : i32
    %dma_start3A_538 = tpu.memref_slice %arg3[%shift_right_arithmetic3A_524, %dma_start3A_536, %dma_start3A_537] : memref<125000x8x64xf32, #tpu.memory_space<hbm>> -> memref<1x8x64xf32, #tpu.memory_space<hbm>>
    tpu.enqueue_dma source(%dma_start3A_538 : memref<1x8x64xf32, #tpu.memory_space<hbm>>) target(%dma_start3A_535 : memref<1x8x64xf32, #tpu.memory_space<vmem>>) target_semaphore(%arg8 : memref<!tpu.dma_semaphore, #tpu.memory_space<semaphore_mem>>)
    %slice3A_539 = vector.extract_strided_slice %get3A_20 {offsets = [13], sizes = [1], strides = [1]} : vector<16xi32> to vector<1xi32>
    %squeeze3A_540 = vector.extract %slice3A_539[0] : i32 from vector<1xi32>
    %shift_right_arithmetic3A_541 = arith.constant 3 : i32
    %shift_right_arithmetic3A_542 = arith.shrsi %squeeze3A_540, %shift_right_arithmetic3A_541 : i32
    %dma_start3A_543 = arith.constant 29 : i32
    %dma_start3A_544 = arith.constant 0 : i32
    %dma_start3A_545 = arith.constant 0 : i32
    %dma_start3A_546 = tpu.memref_slice %arg6[%dma_start3A_543, %dma_start3A_544, %dma_start3A_545] : memref<64x8x64xf32, #tpu.memory_space<vmem>> -> memref<1x8x64xf32, #tpu.memory_space<vmem>>
    %dma_start3A_547 = arith.constant 0 : i32
    %dma_start3A_548 = arith.constant 0 : i32
    %dma_start3A_549 = tpu.memref_slice %arg3[%shift_right_arithmetic3A_542, %dma_start3A_547, %dma_start3A_548] : memref<125000x8x64xf32, #tpu.memory_space<hbm>> -> memref<1x8x64xf32, #tpu.memory_space<hbm>>
    %dma_start3A_550 = arith.constant 29 : i32
    %dma_start3A_551 = arith.constant 0 : i32
    %dma_start3A_552 = arith.constant 0 : i32
    %dma_start3A_553 = tpu.memref_slice %arg6[%dma_start3A_550, %dma_start3A_551, %dma_start3A_552] : memref<64x8x64xf32, #tpu.memory_space<vmem>> -> memref<1x8x64xf32, #tpu.memory_space<vmem>>
    %dma_start3A_554 = arith.constant 0 : i32
    %dma_start3A_555 = arith.constant 0 : i32
    %dma_start3A_556 = tpu.memref_slice %arg3[%shift_right_arithmetic3A_542, %dma_start3A_554, %dma_start3A_555] : memref<125000x8x64xf32, #tpu.memory_space<hbm>> -> memref<1x8x64xf32, #tpu.memory_space<hbm>>
    tpu.enqueue_dma source(%dma_start3A_556 : memref<1x8x64xf32, #tpu.memory_space<hbm>>) target(%dma_start3A_553 : memref<1x8x64xf32, #tpu.memory_space<vmem>>) target_semaphore(%arg8 : memref<!tpu.dma_semaphore, #tpu.memory_space<semaphore_mem>>)
    %slice3A_557 = vector.extract_strided_slice %get3A_20 {offsets = [14], sizes = [1], strides = [1]} : vector<16xi32> to vector<1xi32>
    %squeeze3A_558 = vector.extract %slice3A_557[0] : i32 from vector<1xi32>
    %shift_right_arithmetic3A_559 = arith.constant 3 : i32
    %shift_right_arithmetic3A_560 = arith.shrsi %squeeze3A_558, %shift_right_arithmetic3A_559 : i32
    %dma_start3A_561 = arith.constant 30 : i32
    %dma_start3A_562 = arith.constant 0 : i32
    %dma_start3A_563 = arith.constant 0 : i32
    %dma_start3A_564 = tpu.memref_slice %arg6[%dma_start3A_561, %dma_start3A_562, %dma_start3A_563] : memref<64x8x64xf32, #tpu.memory_space<vmem>> -> memref<1x8x64xf32, #tpu.memory_space<vmem>>
    %dma_start3A_565 = arith.constant 0 : i32
    %dma_start3A_566 = arith.constant 0 : i32
    %dma_start3A_567 = tpu.memref_slice %arg3[%shift_right_arithmetic3A_560, %dma_start3A_565, %dma_start3A_566] : memref<125000x8x64xf32, #tpu.memory_space<hbm>> -> memref<1x8x64xf32, #tpu.memory_space<hbm>>
    %dma_start3A_568 = arith.constant 30 : i32
    %dma_start3A_569 = arith.constant 0 : i32
    %dma_start3A_570 = arith.constant 0 : i32
    %dma_start3A_571 = tpu.memref_slice %arg6[%dma_start3A_568, %dma_start3A_569, %dma_start3A_570] : memref<64x8x64xf32, #tpu.memory_space<vmem>> -> memref<1x8x64xf32, #tpu.memory_space<vmem>>
    %dma_start3A_572 = arith.constant 0 : i32
    %dma_start3A_573 = arith.constant 0 : i32
    %dma_start3A_574 = tpu.memref_slice %arg3[%shift_right_arithmetic3A_560, %dma_start3A_572, %dma_start3A_573] : memref<125000x8x64xf32, #tpu.memory_space<hbm>> -> memref<1x8x64xf32, #tpu.memory_space<hbm>>
    tpu.enqueue_dma source(%dma_start3A_574 : memref<1x8x64xf32, #tpu.memory_space<hbm>>) target(%dma_start3A_571 : memref<1x8x64xf32, #tpu.memory_space<vmem>>) target_semaphore(%arg8 : memref<!tpu.dma_semaphore, #tpu.memory_space<semaphore_mem>>)
    %slice3A_575 = vector.extract_strided_slice %get3A_20 {offsets = [15], sizes = [1], strides = [1]} : vector<16xi32> to vector<1xi32>
    %squeeze3A_576 = vector.extract %slice3A_575[0] : i32 from vector<1xi32>
    %shift_right_arithmetic3A_577 = arith.constant 3 : i32
    %shift_right_arithmetic3A_578 = arith.shrsi %squeeze3A_576, %shift_right_arithmetic3A_577 : i32
    %dma_start3A_579 = arith.constant 31 : i32
    %dma_start3A_580 = arith.constant 0 : i32
    %dma_start3A_581 = arith.constant 0 : i32
    %dma_start3A_582 = tpu.memref_slice %arg6[%dma_start3A_579, %dma_start3A_580, %dma_start3A_581] : memref<64x8x64xf32, #tpu.memory_space<vmem>> -> memref<1x8x64xf32, #tpu.memory_space<vmem>>
    %dma_start3A_583 = arith.constant 0 : i32
    %dma_start3A_584 = arith.constant 0 : i32
    %dma_start3A_585 = tpu.memref_slice %arg3[%shift_right_arithmetic3A_578, %dma_start3A_583, %dma_start3A_584] : memref<125000x8x64xf32, #tpu.memory_space<hbm>> -> memref<1x8x64xf32, #tpu.memory_space<hbm>>
    %dma_start3A_586 = arith.constant 31 : i32
    %dma_start3A_587 = arith.constant 0 : i32
    %dma_start3A_588 = arith.constant 0 : i32
    %dma_start3A_589 = tpu.memref_slice %arg6[%dma_start3A_586, %dma_start3A_587, %dma_start3A_588] : memref<64x8x64xf32, #tpu.memory_space<vmem>> -> memref<1x8x64xf32, #tpu.memory_space<vmem>>
    %dma_start3A_590 = arith.constant 0 : i32
    %dma_start3A_591 = arith.constant 0 : i32
    %dma_start3A_592 = tpu.memref_slice %arg3[%shift_right_arithmetic3A_578, %dma_start3A_590, %dma_start3A_591] : memref<125000x8x64xf32, #tpu.memory_space<hbm>> -> memref<1x8x64xf32, #tpu.memory_space<hbm>>
    tpu.enqueue_dma source(%dma_start3A_592 : memref<1x8x64xf32, #tpu.memory_space<hbm>>) target(%dma_start3A_589 : memref<1x8x64xf32, #tpu.memory_space<vmem>>) target_semaphore(%arg8 : memref<!tpu.dma_semaphore, #tpu.memory_space<semaphore_mem>>)
    %scan3A = arith.constant 0 : i32
    %scan3A_593 = arith.constant 16 : i32
    %scan3A_594 = arith.addi %scan3A, %scan3A_593 : i32
    %scan3A_595 = arith.constant 1 : i32
    scf.for %scan3A_616 = %scan3A to %scan3A_594 step %scan3A_595  : i32 {
      %add3A_617 = arith.constant 1 : i32
      %add3A_618 = arith.addi %scan3A_616, %add3A_617 : i32
      %lt3A = arith.constant 16 : i32
      %lt3A_619 = arith.cmpi slt, %add3A_618, %lt3A : i32
      %convert_element_type3A = arith.extui %lt3A_619 : i1 to i32
      %cond3A = arith.constant 0 : i32
      %cond3A_620 = arith.cmpi ne, %convert_element_type3A, %cond3A : i32
      scf.if %cond3A_620 {
        %and3A_2854 = arith.constant 1 : i32
        %and3A_2855 = arith.andi %add3A_618, %and3A_2854 : i32
        %shift_right_arithmetic3A_2856 = arith.constant 2 : i32
        %shift_right_arithmetic3A_2857 = arith.shrsi %add3A_618, %shift_right_arithmetic3A_2856 : i32
        %and3A_2858 = arith.constant 3 : i32
        %and3A_2859 = arith.andi %add3A_618, %and3A_2858 : i32
        %mul3A_2860 = arith.constant 32 : i32
        %mul3A_2861 = arith.muli %and3A_2859, %mul3A_2860 : i32
        %add3A_2862 = arith.constant 0 : i32
        %add3A_2863 = arith.addi %mul3A_2861, %add3A_2862 : i32
        %get3A_2864 = arith.index_cast %shift_right_arithmetic3A_2857 : i32 to index
        %get3A_2865 = arith.index_cast %add3A_2863 : i32 to index
        %get3A_2866 = tpu.vector_load %arg5[%get3A_2864, %get3A_2865] {strides = array<i32>} : memref<4x128xi32, #tpu.memory_space<vmem>>, vector<16xi32>,
        %shift_right_arithmetic3A_2867 = arith.constant 2 : i32
        %shift_right_arithmetic3A_2868 = arith.shrsi %add3A_618, %shift_right_arithmetic3A_2867 : i32
        %and3A_2869 = arith.constant 3 : i32
        %and3A_2870 = arith.andi %add3A_618, %and3A_2869 : i32
        %mul3A_2871 = arith.constant 32 : i32
        %mul3A_2872 = arith.muli %and3A_2870, %mul3A_2871 : i32
        %add3A_2873 = arith.constant 16 : i32
        %add3A_2874 = arith.addi %mul3A_2872, %add3A_2873 : i32
        %get3A_2875 = arith.index_cast %shift_right_arithmetic3A_2868 : i32 to index
        %get3A_2876 = arith.index_cast %add3A_2874 : i32 to index
        %get3A_2877 = tpu.vector_load %arg5[%get3A_2875, %get3A_2876] {strides = array<i32>} : memref<4x128xi32, #tpu.memory_space<vmem>>, vector<16xi32>,
        %slice3A_2878 = vector.extract_strided_slice %get3A_2866 {offsets = [0], sizes = [1], strides = [1]} : vector<16xi32> to vector<1xi32>
        %squeeze3A_2879 = vector.extract %slice3A_2878[0] : i32 from vector<1xi32>
        %shift_right_arithmetic3A_2880 = arith.constant 3 : i32
        %shift_right_arithmetic3A_2881 = arith.shrsi %squeeze3A_2879, %shift_right_arithmetic3A_2880 : i32
        %mul3A_2882 = arith.constant 32 : i32
        %mul3A_2883 = arith.muli %and3A_2855, %mul3A_2882 : i32
        %add3A_2884 = arith.constant 0 : i32
        %add3A_2885 = arith.addi %mul3A_2883, %add3A_2884 : i32
        %dma_start3A_2886 = arith.constant 0 : i32
        %dma_start3A_2887 = arith.constant 0 : i32
        %dma_start3A_2888 = tpu.memref_slice %arg6[%add3A_2885, %dma_start3A_2886, %dma_start3A_2887] : memref<64x8x64xf32, #tpu.memory_space<vmem>> -> memref<1x8x64xf32, #tpu.memory_space<vmem>>
        %dma_start3A_2889 = arith.constant 0 : i32
        %dma_start3A_2890 = arith.constant 0 : i32
        %dma_start3A_2891 = tpu.memref_slice %arg3[%shift_right_arithmetic3A_2881, %dma_start3A_2889, %dma_start3A_2890] : memref<125000x8x64xf32, #tpu.memory_space<hbm>> -> memref<1x8x64xf32, #tpu.memory_space<hbm>>
        %dma_start3A_2892 = arith.constant 0 : i32
        %dma_start3A_2893 = arith.constant 0 : i32
        %dma_start3A_2894 = tpu.memref_slice %arg6[%add3A_2885, %dma_start3A_2892, %dma_start3A_2893] : memref<64x8x64xf32, #tpu.memory_space<vmem>> -> memref<1x8x64xf32, #tpu.memory_space<vmem>>
        %dma_start3A_2895 = arith.constant 0 : i32
        %dma_start3A_2896 = arith.constant 0 : i32
        %dma_start3A_2897 = tpu.memref_slice %arg3[%shift_right_arithmetic3A_2881, %dma_start3A_2895, %dma_start3A_2896] : memref<125000x8x64xf32, #tpu.memory_space<hbm>> -> memref<1x8x64xf32, #tpu.memory_space<hbm>>
        tpu.enqueue_dma source(%dma_start3A_2897 : memref<1x8x64xf32, #tpu.memory_space<hbm>>) target(%dma_start3A_2894 : memref<1x8x64xf32, #tpu.memory_space<vmem>>) target_semaphore(%arg8 : memref<!tpu.dma_semaphore, #tpu.memory_space<semaphore_mem>>)
        %slice3A_2898 = vector.extract_strided_slice %get3A_2866 {offsets = [1], sizes = [1], strides = [1]} : vector<16xi32> to vector<1xi32>
        %squeeze3A_2899 = vector.extract %slice3A_2898[0] : i32 from vector<1xi32>
        %shift_right_arithmetic3A_2900 = arith.constant 3 : i32
        %shift_right_arithmetic3A_2901 = arith.shrsi %squeeze3A_2899, %shift_right_arithmetic3A_2900 : i32
        %mul3A_2902 = arith.constant 32 : i32
        %mul3A_2903 = arith.muli %and3A_2855, %mul3A_2902 : i32
        %add3A_2904 = arith.constant 1 : i32
        %add3A_2905 = arith.addi %mul3A_2903, %add3A_2904 : i32
        %dma_start3A_2906 = arith.constant 0 : i32
        %dma_start3A_2907 = arith.constant 0 : i32
        %dma_start3A_2908 = tpu.memref_slice %arg6[%add3A_2905, %dma_start3A_2906, %dma_start3A_2907] : memref<64x8x64xf32, #tpu.memory_space<vmem>> -> memref<1x8x64xf32, #tpu.memory_space<vmem>>
        %dma_start3A_2909 = arith.constant 0 : i32
        %dma_start3A_2910 = arith.constant 0 : i32
        %dma_start3A_2911 = tpu.memref_slice %arg3[%shift_right_arithmetic3A_2901, %dma_start3A_2909, %dma_start3A_2910] : memref<125000x8x64xf32, #tpu.memory_space<hbm>> -> memref<1x8x64xf32, #tpu.memory_space<hbm>>
        %dma_start3A_2912 = arith.constant 0 : i32
        %dma_start3A_2913 = arith.constant 0 : i32
        %dma_start3A_2914 = tpu.memref_slice %arg6[%add3A_2905, %dma_start3A_2912, %dma_start3A_2913] : memref<64x8x64xf32, #tpu.memory_space<vmem>> -> memref<1x8x64xf32, #tpu.memory_space<vmem>>
        %dma_start3A_2915 = arith.constant 0 : i32
        %dma_start3A_2916 = arith.constant 0 : i32
        %dma_start3A_2917 = tpu.memref_slice %arg3[%shift_right_arithmetic3A_2901, %dma_start3A_2915, %dma_start3A_2916] : memref<125000x8x64xf32, #tpu.memory_space<hbm>> -> memref<1x8x64xf32, #tpu.memory_space<hbm>>
        tpu.enqueue_dma source(%dma_start3A_2917 : memref<1x8x64xf32, #tpu.memory_space<hbm>>) target(%dma_start3A_2914 : memref<1x8x64xf32, #tpu.memory_space<vmem>>) target_semaphore(%arg8 : memref<!tpu.dma_semaphore, #tpu.memory_space<semaphore_mem>>)
        %slice3A_2918 = vector.extract_strided_slice %get3A_2866 {offsets = [2], sizes = [1], strides = [1]} : vector<16xi32> to vector<1xi32>
        %squeeze3A_2919 = vector.extract %slice3A_2918[0] : i32 from vector<1xi32>
        %shift_right_arithmetic3A_2920 = arith.constant 3 : i32
        %shift_right_arithmetic3A_2921 = arith.shrsi %squeeze3A_2919, %shift_right_arithmetic3A_2920 : i32
        %mul3A_2922 = arith.constant 32 : i32
        %mul3A_2923 = arith.muli %and3A_2855, %mul3A_2922 : i32
        %add3A_2924 = arith.constant 2 : i32
        %add3A_2925 = arith.addi %mul3A_2923, %add3A_2924 : i32
        %dma_start3A_2926 = arith.constant 0 : i32
        %dma_start3A_2927 = arith.constant 0 : i32
        %dma_start3A_2928 = tpu.memref_slice %arg6[%add3A_2925, %dma_start3A_2926, %dma_start3A_2927] : memref<64x8x64xf32, #tpu.memory_space<vmem>> -> memref<1x8x64xf32, #tpu.memory_space<vmem>>
        %dma_start3A_2929 = arith.constant 0 : i32
        %dma_start3A_2930 = arith.constant 0 : i32
        %dma_start3A_2931 = tpu.memref_slice %arg3[%shift_right_arithmetic3A_2921, %dma_start3A_2929, %dma_start3A_2930] : memref<125000x8x64xf32, #tpu.memory_space<hbm>> -> memref<1x8x64xf32, #tpu.memory_space<hbm>>
        %dma_start3A_2932 = arith.constant 0 : i32
        %dma_start3A_2933 = arith.constant 0 : i32
        %dma_start3A_2934 = tpu.memref_slice %arg6[%add3A_2925, %dma_start3A_2932, %dma_start3A_2933] : memref<64x8x64xf32, #tpu.memory_space<vmem>> -> memref<1x8x64xf32, #tpu.memory_space<vmem>>
        %dma_start3A_2935 = arith.constant 0 : i32
        %dma_start3A_2936 = arith.constant 0 : i32
        %dma_start3A_2937 = tpu.memref_slice %arg3[%shift_right_arithmetic3A_2921, %dma_start3A_2935, %dma_start3A_2936] : memref<125000x8x64xf32, #tpu.memory_space<hbm>> -> memref<1x8x64xf32, #tpu.memory_space<hbm>>
        tpu.enqueue_dma source(%dma_start3A_2937 : memref<1x8x64xf32, #tpu.memory_space<hbm>>) target(%dma_start3A_2934 : memref<1x8x64xf32, #tpu.memory_space<vmem>>) target_semaphore(%arg8 : memref<!tpu.dma_semaphore, #tpu.memory_space<semaphore_mem>>)
        %slice3A_2938 = vector.extract_strided_slice %get3A_2866 {offsets = [3], sizes = [1], strides = [1]} : vector<16xi32> to vector<1xi32>
        %squeeze3A_2939 = vector.extract %slice3A_2938[0] : i32 from vector<1xi32>
        %shift_right_arithmetic3A_2940 = arith.constant 3 : i32
        %shift_right_arithmetic3A_2941 = arith.shrsi %squeeze3A_2939, %shift_right_arithmetic3A_2940 : i32
        %mul3A_2942 = arith.constant 32 : i32
        %mul3A_2943 = arith.muli %and3A_2855, %mul3A_2942 : i32
        %add3A_2944 = arith.constant 3 : i32
        %add3A_2945 = arith.addi %mul3A_2943, %add3A_2944 : i32
        %dma_start3A_2946 = arith.constant 0 : i32
        %dma_start3A_2947 = arith.constant 0 : i32
        %dma_start3A_2948 = tpu.memref_slice %arg6[%add3A_2945, %dma_start3A_2946, %dma_start3A_2947] : memref<64x8x64xf32, #tpu.memory_space<vmem>> -> memref<1x8x64xf32, #tpu.memory_space<vmem>>
        %dma_start3A_2949 = arith.constant 0 : i32
        %dma_start3A_2950 = arith.constant 0 : i32
        %dma_start3A_2951 = tpu.memref_slice %arg3[%shift_right_arithmetic3A_2941, %dma_start3A_2949, %dma_start3A_2950] : memref<125000x8x64xf32, #tpu.memory_space<hbm>> -> memref<1x8x64xf32, #tpu.memory_space<hbm>>
        %dma_start3A_2952 = arith.constant 0 : i32
        %dma_start3A_2953 = arith.constant 0 : i32
        %dma_start3A_2954 = tpu.memref_slice %arg6[%add3A_2945, %dma_start3A_2952, %dma_start3A_2953] : memref<64x8x64xf32, #tpu.memory_space<vmem>> -> memref<1x8x64xf32, #tpu.memory_space<vmem>>
        %dma_start3A_2955 = arith.constant 0 : i32
        %dma_start3A_2956 = arith.constant 0 : i32
        %dma_start3A_2957 = tpu.memref_slice %arg3[%shift_right_arithmetic3A_2941, %dma_start3A_2955, %dma_start3A_2956] : memref<125000x8x64xf32, #tpu.memory_space<hbm>> -> memref<1x8x64xf32, #tpu.memory_space<hbm>>
        tpu.enqueue_dma source(%dma_start3A_2957 : memref<1x8x64xf32, #tpu.memory_space<hbm>>) target(%dma_start3A_2954 : memref<1x8x64xf32, #tpu.memory_space<vmem>>) target_semaphore(%arg8 : memref<!tpu.dma_semaphore, #tpu.memory_space<semaphore_mem>>)
        %slice3A_2958 = vector.extract_strided_slice %get3A_2866 {offsets = [4], sizes = [1], strides = [1]} : vector<16xi32> to vector<1xi32>
        %squeeze3A_2959 = vector.extract %slice3A_2958[0] : i32 from vector<1xi32>
        %shift_right_arithmetic3A_2960 = arith.constant 3 : i32
        %shift_right_arithmetic3A_2961 = arith.shrsi %squeeze3A_2959, %shift_right_arithmetic3A_2960 : i32
        %mul3A_2962 = arith.constant 32 : i32
        %mul3A_2963 = arith.muli %and3A_2855, %mul3A_2962 : i32
        %add3A_2964 = arith.constant 4 : i32
        %add3A_2965 = arith.addi %mul3A_2963, %add3A_2964 : i32
        %dma_start3A_2966 = arith.constant 0 : i32
        %dma_start3A_2967 = arith.constant 0 : i32
        %dma_start3A_2968 = tpu.memref_slice %arg6[%add3A_2965, %dma_start3A_2966, %dma_start3A_2967] : memref<64x8x64xf32, #tpu.memory_space<vmem>> -> memref<1x8x64xf32, #tpu.memory_space<vmem>>
        %dma_start3A_2969 = arith.constant 0 : i32
        %dma_start3A_2970 = arith.constant 0 : i32
        %dma_start3A_2971 = tpu.memref_slice %arg3[%shift_right_arithmetic3A_2961, %dma_start3A_2969, %dma_start3A_2970] : memref<125000x8x64xf32, #tpu.memory_space<hbm>> -> memref<1x8x64xf32, #tpu.memory_space<hbm>>
        %dma_start3A_2972 = arith.constant 0 : i32
        %dma_start3A_2973 = arith.constant 0 : i32
        %dma_start3A_2974 = tpu.memref_slice %arg6[%add3A_2965, %dma_start3A_2972, %dma_start3A_2973] : memref<64x8x64xf32, #tpu.memory_space<vmem>> -> memref<1x8x64xf32, #tpu.memory_space<vmem>>
        %dma_start3A_2975 = arith.constant 0 : i32
        %dma_start3A_2976 = arith.constant 0 : i32
        %dma_start3A_2977 = tpu.memref_slice %arg3[%shift_right_arithmetic3A_2961, %dma_start3A_2975, %dma_start3A_2976] : memref<125000x8x64xf32, #tpu.memory_space<hbm>> -> memref<1x8x64xf32, #tpu.memory_space<hbm>>
        tpu.enqueue_dma source(%dma_start3A_2977 : memref<1x8x64xf32, #tpu.memory_space<hbm>>) target(%dma_start3A_2974 : memref<1x8x64xf32, #tpu.memory_space<vmem>>) target_semaphore(%arg8 : memref<!tpu.dma_semaphore, #tpu.memory_space<semaphore_mem>>)
        %slice3A_2978 = vector.extract_strided_slice %get3A_2866 {offsets = [5], sizes = [1], strides = [1]} : vector<16xi32> to vector<1xi32>
        %squeeze3A_2979 = vector.extract %slice3A_2978[0] : i32 from vector<1xi32>
        %shift_right_arithmetic3A_2980 = arith.constant 3 : i32
        %shift_right_arithmetic3A_2981 = arith.shrsi %squeeze3A_2979, %shift_right_arithmetic3A_2980 : i32
        %mul3A_2982 = arith.constant 32 : i32
        %mul3A_2983 = arith.muli %and3A_2855, %mul3A_2982 : i32
        %add3A_2984 = arith.constant 5 : i32
        %add3A_2985 = arith.addi %mul3A_2983, %add3A_2984 : i32
        %dma_start3A_2986 = arith.constant 0 : i32
        %dma_start3A_2987 = arith.constant 0 : i32
        %dma_start3A_2988 = tpu.memref_slice %arg6[%add3A_2985, %dma_start3A_2986, %dma_start3A_2987] : memref<64x8x64xf32, #tpu.memory_space<vmem>> -> memref<1x8x64xf32, #tpu.memory_space<vmem>>
        %dma_start3A_2989 = arith.constant 0 : i32
        %dma_start3A_2990 = arith.constant 0 : i32
        %dma_start3A_2991 = tpu.memref_slice %arg3[%shift_right_arithmetic3A_2981, %dma_start3A_2989, %dma_start3A_2990] : memref<125000x8x64xf32, #tpu.memory_space<hbm>> -> memref<1x8x64xf32, #tpu.memory_space<hbm>>
        %dma_start3A_2992 = arith.constant 0 : i32
        %dma_start3A_2993 = arith.constant 0 : i32
        %dma_start3A_2994 = tpu.memref_slice %arg6[%add3A_2985, %dma_start3A_2992, %dma_start3A_2993] : memref<64x8x64xf32, #tpu.memory_space<vmem>> -> memref<1x8x64xf32, #tpu.memory_space<vmem>>
        %dma_start3A_2995 = arith.constant 0 : i32
        %dma_start3A_2996 = arith.constant 0 : i32
        %dma_start3A_2997 = tpu.memref_slice %arg3[%shift_right_arithmetic3A_2981, %dma_start3A_2995, %dma_start3A_2996] : memref<125000x8x64xf32, #tpu.memory_space<hbm>> -> memref<1x8x64xf32, #tpu.memory_space<hbm>>
        tpu.enqueue_dma source(%dma_start3A_2997 : memref<1x8x64xf32, #tpu.memory_space<hbm>>) target(%dma_start3A_2994 : memref<1x8x64xf32, #tpu.memory_space<vmem>>) target_semaphore(%arg8 : memref<!tpu.dma_semaphore, #tpu.memory_space<semaphore_mem>>)
        %slice3A_2998 = vector.extract_strided_slice %get3A_2866 {offsets = [6], sizes = [1], strides = [1]} : vector<16xi32> to vector<1xi32>
        %squeeze3A_2999 = vector.extract %slice3A_2998[0] : i32 from vector<1xi32>
        %shift_right_arithmetic3A_3000 = arith.constant 3 : i32
        %shift_right_arithmetic3A_3001 = arith.shrsi %squeeze3A_2999, %shift_right_arithmetic3A_3000 : i32
        %mul3A_3002 = arith.constant 32 : i32
        %mul3A_3003 = arith.muli %and3A_2855, %mul3A_3002 : i32
        %add3A_3004 = arith.constant 6 : i32
        %add3A_3005 = arith.addi %mul3A_3003, %add3A_3004 : i32
        %dma_start3A_3006 = arith.constant 0 : i32
        %dma_start3A_3007 = arith.constant 0 : i32
        %dma_start3A_3008 = tpu.memref_slice %arg6[%add3A_3005, %dma_start3A_3006, %dma_start3A_3007] : memref<64x8x64xf32, #tpu.memory_space<vmem>> -> memref<1x8x64xf32, #tpu.memory_space<vmem>>
        %dma_start3A_3009 = arith.constant 0 : i32
        %dma_start3A_3010 = arith.constant 0 : i32
        %dma_start3A_3011 = tpu.memref_slice %arg3[%shift_right_arithmetic3A_3001, %dma_start3A_3009, %dma_start3A_3010] : memref<125000x8x64xf32, #tpu.memory_space<hbm>> -> memref<1x8x64xf32, #tpu.memory_space<hbm>>
        %dma_start3A_3012 = arith.constant 0 : i32
        %dma_start3A_3013 = arith.constant 0 : i32
        %dma_start3A_3014 = tpu.memref_slice %arg6[%add3A_3005, %dma_start3A_3012, %dma_start3A_3013] : memref<64x8x64xf32, #tpu.memory_space<vmem>> -> memref<1x8x64xf32, #tpu.memory_space<vmem>>
        %dma_start3A_3015 = arith.constant 0 : i32
        %dma_start3A_3016 = arith.constant 0 : i32
        %dma_start3A_3017 = tpu.memref_slice %arg3[%shift_right_arithmetic3A_3001, %dma_start3A_3015, %dma_start3A_3016] : memref<125000x8x64xf32, #tpu.memory_space<hbm>> -> memref<1x8x64xf32, #tpu.memory_space<hbm>>
        tpu.enqueue_dma source(%dma_start3A_3017 : memref<1x8x64xf32, #tpu.memory_space<hbm>>) target(%dma_start3A_3014 : memref<1x8x64xf32, #tpu.memory_space<vmem>>) target_semaphore(%arg8 : memref<!tpu.dma_semaphore, #tpu.memory_space<semaphore_mem>>)
        %slice3A_3018 = vector.extract_strided_slice %get3A_2866 {offsets = [7], sizes = [1], strides = [1]} : vector<16xi32> to vector<1xi32>
        %squeeze3A_3019 = vector.extract %slice3A_3018[0] : i32 from vector<1xi32>
        %shift_right_arithmetic3A_3020 = arith.constant 3 : i32
        %shift_right_arithmetic3A_3021 = arith.shrsi %squeeze3A_3019, %shift_right_arithmetic3A_3020 : i32
        %mul3A_3022 = arith.constant 32 : i32
        %mul3A_3023 = arith.muli %and3A_2855, %mul3A_3022 : i32
        %add3A_3024 = arith.constant 7 : i32
        %add3A_3025 = arith.addi %mul3A_3023, %add3A_3024 : i32
        %dma_start3A_3026 = arith.constant 0 : i32
        %dma_start3A_3027 = arith.constant 0 : i32
        %dma_start3A_3028 = tpu.memref_slice %arg6[%add3A_3025, %dma_start3A_3026, %dma_start3A_3027] : memref<64x8x64xf32, #tpu.memory_space<vmem>> -> memref<1x8x64xf32, #tpu.memory_space<vmem>>
        %dma_start3A_3029 = arith.constant 0 : i32
        %dma_start3A_3030 = arith.constant 0 : i32
        %dma_start3A_3031 = tpu.memref_slice %arg3[%shift_right_arithmetic3A_3021, %dma_start3A_3029, %dma_start3A_3030] : memref<125000x8x64xf32, #tpu.memory_space<hbm>> -> memref<1x8x64xf32, #tpu.memory_space<hbm>>
        %dma_start3A_3032 = arith.constant 0 : i32
        %dma_start3A_3033 = arith.constant 0 : i32
        %dma_start3A_3034 = tpu.memref_slice %arg6[%add3A_3025, %dma_start3A_3032, %dma_start3A_3033] : memref<64x8x64xf32, #tpu.memory_space<vmem>> -> memref<1x8x64xf32, #tpu.memory_space<vmem>>
        %dma_start3A_3035 = arith.constant 0 : i32
        %dma_start3A_3036 = arith.constant 0 : i32
        %dma_start3A_3037 = tpu.memref_slice %arg3[%shift_right_arithmetic3A_3021, %dma_start3A_3035, %dma_start3A_3036] : memref<125000x8x64xf32, #tpu.memory_space<hbm>> -> memref<1x8x64xf32, #tpu.memory_space<hbm>>
        tpu.enqueue_dma source(%dma_start3A_3037 : memref<1x8x64xf32, #tpu.memory_space<hbm>>) target(%dma_start3A_3034 : memref<1x8x64xf32, #tpu.memory_space<vmem>>) target_semaphore(%arg8 : memref<!tpu.dma_semaphore, #tpu.memory_space<semaphore_mem>>)
        %slice3A_3038 = vector.extract_strided_slice %get3A_2866 {offsets = [8], sizes = [1], strides = [1]} : vector<16xi32> to vector<1xi32>
        %squeeze3A_3039 = vector.extract %slice3A_3038[0] : i32 from vector<1xi32>
        %shift_right_arithmetic3A_3040 = arith.constant 3 : i32
        %shift_right_arithmetic3A_3041 = arith.shrsi %squeeze3A_3039, %shift_right_arithmetic3A_3040 : i32
        %mul3A_3042 = arith.constant 32 : i32
        %mul3A_3043 = arith.muli %and3A_2855, %mul3A_3042 : i32
        %add3A_3044 = arith.constant 8 : i32
        %add3A_3045 = arith.addi %mul3A_3043, %add3A_3044 : i32
        %dma_start3A_3046 = arith.constant 0 : i32
        %dma_start3A_3047 = arith.constant 0 : i32
        %dma_start3A_3048 = tpu.memref_slice %arg6[%add3A_3045, %dma_start3A_3046, %dma_start3A_3047] : memref<64x8x64xf32, #tpu.memory_space<vmem>> -> memref<1x8x64xf32, #tpu.memory_space<vmem>>
        %dma_start3A_3049 = arith.constant 0 : i32
        %dma_start3A_3050 = arith.constant 0 : i32
        %dma_start3A_3051 = tpu.memref_slice %arg3[%shift_right_arithmetic3A_3041, %dma_start3A_3049, %dma_start3A_3050] : memref<125000x8x64xf32, #tpu.memory_space<hbm>> -> memref<1x8x64xf32, #tpu.memory_space<hbm>>
        %dma_start3A_3052 = arith.constant 0 : i32
        %dma_start3A_3053 = arith.constant 0 : i32
        %dma_start3A_3054 = tpu.memref_slice %arg6[%add3A_3045, %dma_start3A_3052, %dma_start3A_3053] : memref<64x8x64xf32, #tpu.memory_space<vmem>> -> memref<1x8x64xf32, #tpu.memory_space<vmem>>
        %dma_start3A_3055 = arith.constant 0 : i32
        %dma_start3A_3056 = arith.constant 0 : i32
        %dma_start3A_3057 = tpu.memref_slice %arg3[%shift_right_arithmetic3A_3041, %dma_start3A_3055, %dma_start3A_3056] : memref<125000x8x64xf32, #tpu.memory_space<hbm>> -> memref<1x8x64xf32, #tpu.memory_space<hbm>>
        tpu.enqueue_dma source(%dma_start3A_3057 : memref<1x8x64xf32, #tpu.memory_space<hbm>>) target(%dma_start3A_3054 : memref<1x8x64xf32, #tpu.memory_space<vmem>>) target_semaphore(%arg8 : memref<!tpu.dma_semaphore, #tpu.memory_space<semaphore_mem>>)
        %slice3A_3058 = vector.extract_strided_slice %get3A_2866 {offsets = [9], sizes = [1], strides = [1]} : vector<16xi32> to vector<1xi32>
        %squeeze3A_3059 = vector.extract %slice3A_3058[0] : i32 from vector<1xi32>
        %shift_right_arithmetic3A_3060 = arith.constant 3 : i32
        %shift_right_arithmetic3A_3061 = arith.shrsi %squeeze3A_3059, %shift_right_arithmetic3A_3060 : i32
        %mul3A_3062 = arith.constant 32 : i32
        %mul3A_3063 = arith.muli %and3A_2855, %mul3A_3062 : i32
        %add3A_3064 = arith.constant 9 : i32
        %add3A_3065 = arith.addi %mul3A_3063, %add3A_3064 : i32
        %dma_start3A_3066 = arith.constant 0 : i32
        %dma_start3A_3067 = arith.constant 0 : i32
        %dma_start3A_3068 = tpu.memref_slice %arg6[%add3A_3065, %dma_start3A_3066, %dma_start3A_3067] : memref<64x8x64xf32, #tpu.memory_space<vmem>> -> memref<1x8x64xf32, #tpu.memory_space<vmem>>
        %dma_start3A_3069 = arith.constant 0 : i32
        %dma_start3A_3070 = arith.constant 0 : i32
        %dma_start3A_3071 = tpu.memref_slice %arg3[%shift_right_arithmetic3A_3061, %dma_start3A_3069, %dma_start3A_3070] : memref<125000x8x64xf32, #tpu.memory_space<hbm>> -> memref<1x8x64xf32, #tpu.memory_space<hbm>>
        %dma_start3A_3072 = arith.constant 0 : i32
        %dma_start3A_3073 = arith.constant 0 : i32
        %dma_start3A_3074 = tpu.memref_slice %arg6[%add3A_3065, %dma_start3A_3072, %dma_start3A_3073] : memref<64x8x64xf32, #tpu.memory_space<vmem>> -> memref<1x8x64xf32, #tpu.memory_space<vmem>>
        %dma_start3A_3075 = arith.constant 0 : i32
        %dma_start3A_3076 = arith.constant 0 : i32
        %dma_start3A_3077 = tpu.memref_slice %arg3[%shift_right_arithmetic3A_3061, %dma_start3A_3075, %dma_start3A_3076] : memref<125000x8x64xf32, #tpu.memory_space<hbm>> -> memref<1x8x64xf32, #tpu.memory_space<hbm>>
        tpu.enqueue_dma source(%dma_start3A_3077 : memref<1x8x64xf32, #tpu.memory_space<hbm>>) target(%dma_start3A_3074 : memref<1x8x64xf32, #tpu.memory_space<vmem>>) target_semaphore(%arg8 : memref<!tpu.dma_semaphore, #tpu.memory_space<semaphore_mem>>)
        %slice3A_3078 = vector.extract_strided_slice %get3A_2866 {offsets = [10], sizes = [1], strides = [1]} : vector<16xi32> to vector<1xi32>
        %squeeze3A_3079 = vector.extract %slice3A_3078[0] : i32 from vector<1xi32>
        %shift_right_arithmetic3A_3080 = arith.constant 3 : i32
        %shift_right_arithmetic3A_3081 = arith.shrsi %squeeze3A_3079, %shift_right_arithmetic3A_3080 : i32
        %mul3A_3082 = arith.constant 32 : i32
        %mul3A_3083 = arith.muli %and3A_2855, %mul3A_3082 : i32
        %add3A_3084 = arith.constant 10 : i32
        %add3A_3085 = arith.addi %mul3A_3083, %add3A_3084 : i32
        %dma_start3A_3086 = arith.constant 0 : i32
        %dma_start3A_3087 = arith.constant 0 : i32
        %dma_start3A_3088 = tpu.memref_slice %arg6[%add3A_3085, %dma_start3A_3086, %dma_start3A_3087] : memref<64x8x64xf32, #tpu.memory_space<vmem>> -> memref<1x8x64xf32, #tpu.memory_space<vmem>>
        %dma_start3A_3089 = arith.constant 0 : i32
        %dma_start3A_3090 = arith.constant 0 : i32
        %dma_start3A_3091 = tpu.memref_slice %arg3[%shift_right_arithmetic3A_3081, %dma_start3A_3089, %dma_start3A_3090] : memref<125000x8x64xf32, #tpu.memory_space<hbm>> -> memref<1x8x64xf32, #tpu.memory_space<hbm>>
        %dma_start3A_3092 = arith.constant 0 : i32
        %dma_start3A_3093 = arith.constant 0 : i32
        %dma_start3A_3094 = tpu.memref_slice %arg6[%add3A_3085, %dma_start3A_3092, %dma_start3A_3093] : memref<64x8x64xf32, #tpu.memory_space<vmem>> -> memref<1x8x64xf32, #tpu.memory_space<vmem>>
        %dma_start3A_3095 = arith.constant 0 : i32
        %dma_start3A_3096 = arith.constant 0 : i32
        %dma_start3A_3097 = tpu.memref_slice %arg3[%shift_right_arithmetic3A_3081, %dma_start3A_3095, %dma_start3A_3096] : memref<125000x8x64xf32, #tpu.memory_space<hbm>> -> memref<1x8x64xf32, #tpu.memory_space<hbm>>
        tpu.enqueue_dma source(%dma_start3A_3097 : memref<1x8x64xf32, #tpu.memory_space<hbm>>) target(%dma_start3A_3094 : memref<1x8x64xf32, #tpu.memory_space<vmem>>) target_semaphore(%arg8 : memref<!tpu.dma_semaphore, #tpu.memory_space<semaphore_mem>>)
        %slice3A_3098 = vector.extract_strided_slice %get3A_2866 {offsets = [11], sizes = [1], strides = [1]} : vector<16xi32> to vector<1xi32>
        %squeeze3A_3099 = vector.extract %slice3A_3098[0] : i32 from vector<1xi32>
        %shift_right_arithmetic3A_3100 = arith.constant 3 : i32
        %shift_right_arithmetic3A_3101 = arith.shrsi %squeeze3A_3099, %shift_right_arithmetic3A_3100 : i32
        %mul3A_3102 = arith.constant 32 : i32
        %mul3A_3103 = arith.muli %and3A_2855, %mul3A_3102 : i32
        %add3A_3104 = arith.constant 11 : i32
        %add3A_3105 = arith.addi %mul3A_3103, %add3A_3104 : i32
        %dma_start3A_3106 = arith.constant 0 : i32
        %dma_start3A_3107 = arith.constant 0 : i32
        %dma_start3A_3108 = tpu.memref_slice %arg6[%add3A_3105, %dma_start3A_3106, %dma_start3A_3107] : memref<64x8x64xf32, #tpu.memory_space<vmem>> -> memref<1x8x64xf32, #tpu.memory_space<vmem>>
        %dma_start3A_3109 = arith.constant 0 : i32
        %dma_start3A_3110 = arith.constant 0 : i32
        %dma_start3A_3111 = tpu.memref_slice %arg3[%shift_right_arithmetic3A_3101, %dma_start3A_3109, %dma_start3A_3110] : memref<125000x8x64xf32, #tpu.memory_space<hbm>> -> memref<1x8x64xf32, #tpu.memory_space<hbm>>
        %dma_start3A_3112 = arith.constant 0 : i32
        %dma_start3A_3113 = arith.constant 0 : i32
        %dma_start3A_3114 = tpu.memref_slice %arg6[%add3A_3105, %dma_start3A_3112, %dma_start3A_3113] : memref<64x8x64xf32, #tpu.memory_space<vmem>> -> memref<1x8x64xf32, #tpu.memory_space<vmem>>
        %dma_start3A_3115 = arith.constant 0 : i32
        %dma_start3A_3116 = arith.constant 0 : i32
        %dma_start3A_3117 = tpu.memref_slice %arg3[%shift_right_arithmetic3A_3101, %dma_start3A_3115, %dma_start3A_3116] : memref<125000x8x64xf32, #tpu.memory_space<hbm>> -> memref<1x8x64xf32, #tpu.memory_space<hbm>>
        tpu.enqueue_dma source(%dma_start3A_3117 : memref<1x8x64xf32, #tpu.memory_space<hbm>>) target(%dma_start3A_3114 : memref<1x8x64xf32, #tpu.memory_space<vmem>>) target_semaphore(%arg8 : memref<!tpu.dma_semaphore, #tpu.memory_space<semaphore_mem>>)
        %slice3A_3118 = vector.extract_strided_slice %get3A_2866 {offsets = [12], sizes = [1], strides = [1]} : vector<16xi32> to vector<1xi32>
        %squeeze3A_3119 = vector.extract %slice3A_3118[0] : i32 from vector<1xi32>
        %shift_right_arithmetic3A_3120 = arith.constant 3 : i32
        %shift_right_arithmetic3A_3121 = arith.shrsi %squeeze3A_3119, %shift_right_arithmetic3A_3120 : i32
        %mul3A_3122 = arith.constant 32 : i32
        %mul3A_3123 = arith.muli %and3A_2855, %mul3A_3122 : i32
        %add3A_3124 = arith.constant 12 : i32
        %add3A_3125 = arith.addi %mul3A_3123, %add3A_3124 : i32
        %dma_start3A_3126 = arith.constant 0 : i32
        %dma_start3A_3127 = arith.constant 0 : i32
        %dma_start3A_3128 = tpu.memref_slice %arg6[%add3A_3125, %dma_start3A_3126, %dma_start3A_3127] : memref<64x8x64xf32, #tpu.memory_space<vmem>> -> memref<1x8x64xf32, #tpu.memory_space<vmem>>
        %dma_start3A_3129 = arith.constant 0 : i32
        %dma_start3A_3130 = arith.constant 0 : i32
        %dma_start3A_3131 = tpu.memref_slice %arg3[%shift_right_arithmetic3A_3121, %dma_start3A_3129, %dma_start3A_3130] : memref<125000x8x64xf32, #tpu.memory_space<hbm>> -> memref<1x8x64xf32, #tpu.memory_space<hbm>>
        %dma_start3A_3132 = arith.constant 0 : i32
        %dma_start3A_3133 = arith.constant 0 : i32
        %dma_start3A_3134 = tpu.memref_slice %arg6[%add3A_3125, %dma_start3A_3132, %dma_start3A_3133] : memref<64x8x64xf32, #tpu.memory_space<vmem>> -> memref<1x8x64xf32, #tpu.memory_space<vmem>>
        %dma_start3A_3135 = arith.constant 0 : i32
        %dma_start3A_3136 = arith.constant 0 : i32
        %dma_start3A_3137 = tpu.memref_slice %arg3[%shift_right_arithmetic3A_3121, %dma_start3A_3135, %dma_start3A_3136] : memref<125000x8x64xf32, #tpu.memory_space<hbm>> -> memref<1x8x64xf32, #tpu.memory_space<hbm>>
        tpu.enqueue_dma source(%dma_start3A_3137 : memref<1x8x64xf32, #tpu.memory_space<hbm>>) target(%dma_start3A_3134 : memref<1x8x64xf32, #tpu.memory_space<vmem>>) target_semaphore(%arg8 : memref<!tpu.dma_semaphore, #tpu.memory_space<semaphore_mem>>)
        %slice3A_3138 = vector.extract_strided_slice %get3A_2866 {offsets = [13], sizes = [1], strides = [1]} : vector<16xi32> to vector<1xi32>
        %squeeze3A_3139 = vector.extract %slice3A_3138[0] : i32 from vector<1xi32>
        %shift_right_arithmetic3A_3140 = arith.constant 3 : i32
        %shift_right_arithmetic3A_3141 = arith.shrsi %squeeze3A_3139, %shift_right_arithmetic3A_3140 : i32
        %mul3A_3142 = arith.constant 32 : i32
        %mul3A_3143 = arith.muli %and3A_2855, %mul3A_3142 : i32
        %add3A_3144 = arith.constant 13 : i32
        %add3A_3145 = arith.addi %mul3A_3143, %add3A_3144 : i32
        %dma_start3A_3146 = arith.constant 0 : i32
        %dma_start3A_3147 = arith.constant 0 : i32
        %dma_start3A_3148 = tpu.memref_slice %arg6[%add3A_3145, %dma_start3A_3146, %dma_start3A_3147] : memref<64x8x64xf32, #tpu.memory_space<vmem>> -> memref<1x8x64xf32, #tpu.memory_space<vmem>>
        %dma_start3A_3149 = arith.constant 0 : i32
        %dma_start3A_3150 = arith.constant 0 : i32
        %dma_start3A_3151 = tpu.memref_slice %arg3[%shift_right_arithmetic3A_3141, %dma_start3A_3149, %dma_start3A_3150] : memref<125000x8x64xf32, #tpu.memory_space<hbm>> -> memref<1x8x64xf32, #tpu.memory_space<hbm>>
        %dma_start3A_3152 = arith.constant 0 : i32
        %dma_start3A_3153 = arith.constant 0 : i32
        %dma_start3A_3154 = tpu.memref_slice %arg6[%add3A_3145, %dma_start3A_3152, %dma_start3A_3153] : memref<64x8x64xf32, #tpu.memory_space<vmem>> -> memref<1x8x64xf32, #tpu.memory_space<vmem>>
        %dma_start3A_3155 = arith.constant 0 : i32
        %dma_start3A_3156 = arith.constant 0 : i32
        %dma_start3A_3157 = tpu.memref_slice %arg3[%shift_right_arithmetic3A_3141, %dma_start3A_3155, %dma_start3A_3156] : memref<125000x8x64xf32, #tpu.memory_space<hbm>> -> memref<1x8x64xf32, #tpu.memory_space<hbm>>
        tpu.enqueue_dma source(%dma_start3A_3157 : memref<1x8x64xf32, #tpu.memory_space<hbm>>) target(%dma_start3A_3154 : memref<1x8x64xf32, #tpu.memory_space<vmem>>) target_semaphore(%arg8 : memref<!tpu.dma_semaphore, #tpu.memory_space<semaphore_mem>>)
        %slice3A_3158 = vector.extract_strided_slice %get3A_2866 {offsets = [14], sizes = [1], strides = [1]} : vector<16xi32> to vector<1xi32>
        %squeeze3A_3159 = vector.extract %slice3A_3158[0] : i32 from vector<1xi32>
        %shift_right_arithmetic3A_3160 = arith.constant 3 : i32
        %shift_right_arithmetic3A_3161 = arith.shrsi %squeeze3A_3159, %shift_right_arithmetic3A_3160 : i32
        %mul3A_3162 = arith.constant 32 : i32
        %mul3A_3163 = arith.muli %and3A_2855, %mul3A_3162 : i32
        %add3A_3164 = arith.constant 14 : i32
        %add3A_3165 = arith.addi %mul3A_3163, %add3A_3164 : i32
        %dma_start3A_3166 = arith.constant 0 : i32
        %dma_start3A_3167 = arith.constant 0 : i32
        %dma_start3A_3168 = tpu.memref_slice %arg6[%add3A_3165, %dma_start3A_3166, %dma_start3A_3167] : memref<64x8x64xf32, #tpu.memory_space<vmem>> -> memref<1x8x64xf32, #tpu.memory_space<vmem>>
        %dma_start3A_3169 = arith.constant 0 : i32
        %dma_start3A_3170 = arith.constant 0 : i32
        %dma_start3A_3171 = tpu.memref_slice %arg3[%shift_right_arithmetic3A_3161, %dma_start3A_3169, %dma_start3A_3170] : memref<125000x8x64xf32, #tpu.memory_space<hbm>> -> memref<1x8x64xf32, #tpu.memory_space<hbm>>
        %dma_start3A_3172 = arith.constant 0 : i32
        %dma_start3A_3173 = arith.constant 0 : i32
        %dma_start3A_3174 = tpu.memref_slice %arg6[%add3A_3165, %dma_start3A_3172, %dma_start3A_3173] : memref<64x8x64xf32, #tpu.memory_space<vmem>> -> memref<1x8x64xf32, #tpu.memory_space<vmem>>
        %dma_start3A_3175 = arith.constant 0 : i32
        %dma_start3A_3176 = arith.constant 0 : i32
        %dma_start3A_3177 = tpu.memref_slice %arg3[%shift_right_arithmetic3A_3161, %dma_start3A_3175, %dma_start3A_3176] : memref<125000x8x64xf32, #tpu.memory_space<hbm>> -> memref<1x8x64xf32, #tpu.memory_space<hbm>>
        tpu.enqueue_dma source(%dma_start3A_3177 : memref<1x8x64xf32, #tpu.memory_space<hbm>>) target(%dma_start3A_3174 : memref<1x8x64xf32, #tpu.memory_space<vmem>>) target_semaphore(%arg8 : memref<!tpu.dma_semaphore, #tpu.memory_space<semaphore_mem>>)
        %slice3A_3178 = vector.extract_strided_slice %get3A_2866 {offsets = [15], sizes = [1], strides = [1]} : vector<16xi32> to vector<1xi32>
        %squeeze3A_3179 = vector.extract %slice3A_3178[0] : i32 from vector<1xi32>
        %shift_right_arithmetic3A_3180 = arith.constant 3 : i32
        %shift_right_arithmetic3A_3181 = arith.shrsi %squeeze3A_3179, %shift_right_arithmetic3A_3180 : i32
        %mul3A_3182 = arith.constant 32 : i32
        %mul3A_3183 = arith.muli %and3A_2855, %mul3A_3182 : i32
        %add3A_3184 = arith.constant 15 : i32
        %add3A_3185 = arith.addi %mul3A_3183, %add3A_3184 : i32
        %dma_start3A_3186 = arith.constant 0 : i32
        %dma_start3A_3187 = arith.constant 0 : i32
        %dma_start3A_3188 = tpu.memref_slice %arg6[%add3A_3185, %dma_start3A_3186, %dma_start3A_3187] : memref<64x8x64xf32, #tpu.memory_space<vmem>> -> memref<1x8x64xf32, #tpu.memory_space<vmem>>
        %dma_start3A_3189 = arith.constant 0 : i32
        %dma_start3A_3190 = arith.constant 0 : i32
        %dma_start3A_3191 = tpu.memref_slice %arg3[%shift_right_arithmetic3A_3181, %dma_start3A_3189, %dma_start3A_3190] : memref<125000x8x64xf32, #tpu.memory_space<hbm>> -> memref<1x8x64xf32, #tpu.memory_space<hbm>>
        %dma_start3A_3192 = arith.constant 0 : i32
        %dma_start3A_3193 = arith.constant 0 : i32
        %dma_start3A_3194 = tpu.memref_slice %arg6[%add3A_3185, %dma_start3A_3192, %dma_start3A_3193] : memref<64x8x64xf32, #tpu.memory_space<vmem>> -> memref<1x8x64xf32, #tpu.memory_space<vmem>>
        %dma_start3A_3195 = arith.constant 0 : i32
        %dma_start3A_3196 = arith.constant 0 : i32
        %dma_start3A_3197 = tpu.memref_slice %arg3[%shift_right_arithmetic3A_3181, %dma_start3A_3195, %dma_start3A_3196] : memref<125000x8x64xf32, #tpu.memory_space<hbm>> -> memref<1x8x64xf32, #tpu.memory_space<hbm>>
        tpu.enqueue_dma source(%dma_start3A_3197 : memref<1x8x64xf32, #tpu.memory_space<hbm>>) target(%dma_start3A_3194 : memref<1x8x64xf32, #tpu.memory_space<vmem>>) target_semaphore(%arg8 : memref<!tpu.dma_semaphore, #tpu.memory_space<semaphore_mem>>)
        %slice3A_3198 = vector.extract_strided_slice %get3A_2877 {offsets = [0], sizes = [1], strides = [1]} : vector<16xi32> to vector<1xi32>
        %squeeze3A_3199 = vector.extract %slice3A_3198[0] : i32 from vector<1xi32>
        %shift_right_arithmetic3A_3200 = arith.constant 3 : i32
        %shift_right_arithmetic3A_3201 = arith.shrsi %squeeze3A_3199, %shift_right_arithmetic3A_3200 : i32
        %mul3A_3202 = arith.constant 32 : i32
        %mul3A_3203 = arith.muli %and3A_2855, %mul3A_3202 : i32
        %add3A_3204 = arith.constant 16 : i32
        %add3A_3205 = arith.addi %mul3A_3203, %add3A_3204 : i32
        %dma_start3A_3206 = arith.constant 0 : i32
        %dma_start3A_3207 = arith.constant 0 : i32
        %dma_start3A_3208 = tpu.memref_slice %arg6[%add3A_3205, %dma_start3A_3206, %dma_start3A_3207] : memref<64x8x64xf32, #tpu.memory_space<vmem>> -> memref<1x8x64xf32, #tpu.memory_space<vmem>>
        %dma_start3A_3209 = arith.constant 0 : i32
        %dma_start3A_3210 = arith.constant 0 : i32
        %dma_start3A_3211 = tpu.memref_slice %arg3[%shift_right_arithmetic3A_3201, %dma_start3A_3209, %dma_start3A_3210] : memref<125000x8x64xf32, #tpu.memory_space<hbm>> -> memref<1x8x64xf32, #tpu.memory_space<hbm>>
        %dma_start3A_3212 = arith.constant 0 : i32
        %dma_start3A_3213 = arith.constant 0 : i32
        %dma_start3A_3214 = tpu.memref_slice %arg6[%add3A_3205, %dma_start3A_3212, %dma_start3A_3213] : memref<64x8x64xf32, #tpu.memory_space<vmem>> -> memref<1x8x64xf32, #tpu.memory_space<vmem>>
        %dma_start3A_3215 = arith.constant 0 : i32
        %dma_start3A_3216 = arith.constant 0 : i32
        %dma_start3A_3217 = tpu.memref_slice %arg3[%shift_right_arithmetic3A_3201, %dma_start3A_3215, %dma_start3A_3216] : memref<125000x8x64xf32, #tpu.memory_space<hbm>> -> memref<1x8x64xf32, #tpu.memory_space<hbm>>
        tpu.enqueue_dma source(%dma_start3A_3217 : memref<1x8x64xf32, #tpu.memory_space<hbm>>) target(%dma_start3A_3214 : memref<1x8x64xf32, #tpu.memory_space<vmem>>) target_semaphore(%arg8 : memref<!tpu.dma_semaphore, #tpu.memory_space<semaphore_mem>>)
        %slice3A_3218 = vector.extract_strided_slice %get3A_2877 {offsets = [1], sizes = [1], strides = [1]} : vector<16xi32> to vector<1xi32>
        %squeeze3A_3219 = vector.extract %slice3A_3218[0] : i32 from vector<1xi32>
        %shift_right_arithmetic3A_3220 = arith.constant 3 : i32
        %shift_right_arithmetic3A_3221 = arith.shrsi %squeeze3A_3219, %shift_right_arithmetic3A_3220 : i32
        %mul3A_3222 = arith.constant 32 : i32
        %mul3A_3223 = arith.muli %and3A_2855, %mul3A_3222 : i32
        %add3A_3224 = arith.constant 17 : i32
        %add3A_3225 = arith.addi %mul3A_3223, %add3A_3224 : i32
        %dma_start3A_3226 = arith.constant 0 : i32
        %dma_start3A_3227 = arith.constant 0 : i32
        %dma_start3A_3228 = tpu.memref_slice %arg6[%add3A_3225, %dma_start3A_3226, %dma_start3A_3227] : memref<64x8x64xf32, #tpu.memory_space<vmem>> -> memref<1x8x64xf32, #tpu.memory_space<vmem>>
        %dma_start3A_3229 = arith.constant 0 : i32
        %dma_start3A_3230 = arith.constant 0 : i32
        %dma_start3A_3231 = tpu.memref_slice %arg3[%shift_right_arithmetic3A_3221, %dma_start3A_3229, %dma_start3A_3230] : memref<125000x8x64xf32, #tpu.memory_space<hbm>> -> memref<1x8x64xf32, #tpu.memory_space<hbm>>
        %dma_start3A_3232 = arith.constant 0 : i32
        %dma_start3A_3233 = arith.constant 0 : i32
        %dma_start3A_3234 = tpu.memref_slice %arg6[%add3A_3225, %dma_start3A_3232, %dma_start3A_3233] : memref<64x8x64xf32, #tpu.memory_space<vmem>> -> memref<1x8x64xf32, #tpu.memory_space<vmem>>
        %dma_start3A_3235 = arith.constant 0 : i32
        %dma_start3A_3236 = arith.constant 0 : i32
        %dma_start3A_3237 = tpu.memref_slice %arg3[%shift_right_arithmetic3A_3221, %dma_start3A_3235, %dma_start3A_3236] : memref<125000x8x64xf32, #tpu.memory_space<hbm>> -> memref<1x8x64xf32, #tpu.memory_space<hbm>>
        tpu.enqueue_dma source(%dma_start3A_3237 : memref<1x8x64xf32, #tpu.memory_space<hbm>>) target(%dma_start3A_3234 : memref<1x8x64xf32, #tpu.memory_space<vmem>>) target_semaphore(%arg8 : memref<!tpu.dma_semaphore, #tpu.memory_space<semaphore_mem>>)
        %slice3A_3238 = vector.extract_strided_slice %get3A_2877 {offsets = [2], sizes = [1], strides = [1]} : vector<16xi32> to vector<1xi32>
        %squeeze3A_3239 = vector.extract %slice3A_3238[0] : i32 from vector<1xi32>
        %shift_right_arithmetic3A_3240 = arith.constant 3 : i32
        %shift_right_arithmetic3A_3241 = arith.shrsi %squeeze3A_3239, %shift_right_arithmetic3A_3240 : i32
        %mul3A_3242 = arith.constant 32 : i32
        %mul3A_3243 = arith.muli %and3A_2855, %mul3A_3242 : i32
        %add3A_3244 = arith.constant 18 : i32
        %add3A_3245 = arith.addi %mul3A_3243, %add3A_3244 : i32
        %dma_start3A_3246 = arith.constant 0 : i32
        %dma_start3A_3247 = arith.constant 0 : i32
        %dma_start3A_3248 = tpu.memref_slice %arg6[%add3A_3245, %dma_start3A_3246, %dma_start3A_3247] : memref<64x8x64xf32, #tpu.memory_space<vmem>> -> memref<1x8x64xf32, #tpu.memory_space<vmem>>
        %dma_start3A_3249 = arith.constant 0 : i32
        %dma_start3A_3250 = arith.constant 0 : i32
        %dma_start3A_3251 = tpu.memref_slice %arg3[%shift_right_arithmetic3A_3241, %dma_start3A_3249, %dma_start3A_3250] : memref<125000x8x64xf32, #tpu.memory_space<hbm>> -> memref<1x8x64xf32, #tpu.memory_space<hbm>>
        %dma_start3A_3252 = arith.constant 0 : i32
        %dma_start3A_3253 = arith.constant 0 : i32
        %dma_start3A_3254 = tpu.memref_slice %arg6[%add3A_3245, %dma_start3A_3252, %dma_start3A_3253] : memref<64x8x64xf32, #tpu.memory_space<vmem>> -> memref<1x8x64xf32, #tpu.memory_space<vmem>>
        %dma_start3A_3255 = arith.constant 0 : i32
        %dma_start3A_3256 = arith.constant 0 : i32
        %dma_start3A_3257 = tpu.memref_slice %arg3[%shift_right_arithmetic3A_3241, %dma_start3A_3255, %dma_start3A_3256] : memref<125000x8x64xf32, #tpu.memory_space<hbm>> -> memref<1x8x64xf32, #tpu.memory_space<hbm>>
        tpu.enqueue_dma source(%dma_start3A_3257 : memref<1x8x64xf32, #tpu.memory_space<hbm>>) target(%dma_start3A_3254 : memref<1x8x64xf32, #tpu.memory_space<vmem>>) target_semaphore(%arg8 : memref<!tpu.dma_semaphore, #tpu.memory_space<semaphore_mem>>)
        %slice3A_3258 = vector.extract_strided_slice %get3A_2877 {offsets = [3], sizes = [1], strides = [1]} : vector<16xi32> to vector<1xi32>
        %squeeze3A_3259 = vector.extract %slice3A_3258[0] : i32 from vector<1xi32>
        %shift_right_arithmetic3A_3260 = arith.constant 3 : i32
        %shift_right_arithmetic3A_3261 = arith.shrsi %squeeze3A_3259, %shift_right_arithmetic3A_3260 : i32
        %mul3A_3262 = arith.constant 32 : i32
        %mul3A_3263 = arith.muli %and3A_2855, %mul3A_3262 : i32
        %add3A_3264 = arith.constant 19 : i32
        %add3A_3265 = arith.addi %mul3A_3263, %add3A_3264 : i32
        %dma_start3A_3266 = arith.constant 0 : i32
        %dma_start3A_3267 = arith.constant 0 : i32
        %dma_start3A_3268 = tpu.memref_slice %arg6[%add3A_3265, %dma_start3A_3266, %dma_start3A_3267] : memref<64x8x64xf32, #tpu.memory_space<vmem>> -> memref<1x8x64xf32, #tpu.memory_space<vmem>>
        %dma_start3A_3269 = arith.constant 0 : i32
        %dma_start3A_3270 = arith.constant 0 : i32
        %dma_start3A_3271 = tpu.memref_slice %arg3[%shift_right_arithmetic3A_3261, %dma_start3A_3269, %dma_start3A_3270] : memref<125000x8x64xf32, #tpu.memory_space<hbm>> -> memref<1x8x64xf32, #tpu.memory_space<hbm>>
        %dma_start3A_3272 = arith.constant 0 : i32
        %dma_start3A_3273 = arith.constant 0 : i32
        %dma_start3A_3274 = tpu.memref_slice %arg6[%add3A_3265, %dma_start3A_3272, %dma_start3A_3273] : memref<64x8x64xf32, #tpu.memory_space<vmem>> -> memref<1x8x64xf32, #tpu.memory_space<vmem>>
        %dma_start3A_3275 = arith.constant 0 : i32
        %dma_start3A_3276 = arith.constant 0 : i32
        %dma_start3A_3277 = tpu.memref_slice %arg3[%shift_right_arithmetic3A_3261, %dma_start3A_3275, %dma_start3A_3276] : memref<125000x8x64xf32, #tpu.memory_space<hbm>> -> memref<1x8x64xf32, #tpu.memory_space<hbm>>
        tpu.enqueue_dma source(%dma_start3A_3277 : memref<1x8x64xf32, #tpu.memory_space<hbm>>) target(%dma_start3A_3274 : memref<1x8x64xf32, #tpu.memory_space<vmem>>) target_semaphore(%arg8 : memref<!tpu.dma_semaphore, #tpu.memory_space<semaphore_mem>>)
        %slice3A_3278 = vector.extract_strided_slice %get3A_2877 {offsets = [4], sizes = [1], strides = [1]} : vector<16xi32> to vector<1xi32>
        %squeeze3A_3279 = vector.extract %slice3A_3278[0] : i32 from vector<1xi32>
        %shift_right_arithmetic3A_3280 = arith.constant 3 : i32
        %shift_right_arithmetic3A_3281 = arith.shrsi %squeeze3A_3279, %shift_right_arithmetic3A_3280 : i32
        %mul3A_3282 = arith.constant 32 : i32
        %mul3A_3283 = arith.muli %and3A_2855, %mul3A_3282 : i32
        %add3A_3284 = arith.constant 20 : i32
        %add3A_3285 = arith.addi %mul3A_3283, %add3A_3284 : i32
        %dma_start3A_3286 = arith.constant 0 : i32
        %dma_start3A_3287 = arith.constant 0 : i32
        %dma_start3A_3288 = tpu.memref_slice %arg6[%add3A_3285, %dma_start3A_3286, %dma_start3A_3287] : memref<64x8x64xf32, #tpu.memory_space<vmem>> -> memref<1x8x64xf32, #tpu.memory_space<vmem>>
        %dma_start3A_3289 = arith.constant 0 : i32
        %dma_start3A_3290 = arith.constant 0 : i32
        %dma_start3A_3291 = tpu.memref_slice %arg3[%shift_right_arithmetic3A_3281, %dma_start3A_3289, %dma_start3A_3290] : memref<125000x8x64xf32, #tpu.memory_space<hbm>> -> memref<1x8x64xf32, #tpu.memory_space<hbm>>
        %dma_start3A_3292 = arith.constant 0 : i32
        %dma_start3A_3293 = arith.constant 0 : i32
        %dma_start3A_3294 = tpu.memref_slice %arg6[%add3A_3285, %dma_start3A_3292, %dma_start3A_3293] : memref<64x8x64xf32, #tpu.memory_space<vmem>> -> memref<1x8x64xf32, #tpu.memory_space<vmem>>
        %dma_start3A_3295 = arith.constant 0 : i32
        %dma_start3A_3296 = arith.constant 0 : i32
        %dma_start3A_3297 = tpu.memref_slice %arg3[%shift_right_arithmetic3A_3281, %dma_start3A_3295, %dma_start3A_3296] : memref<125000x8x64xf32, #tpu.memory_space<hbm>> -> memref<1x8x64xf32, #tpu.memory_space<hbm>>
        tpu.enqueue_dma source(%dma_start3A_3297 : memref<1x8x64xf32, #tpu.memory_space<hbm>>) target(%dma_start3A_3294 : memref<1x8x64xf32, #tpu.memory_space<vmem>>) target_semaphore(%arg8 : memref<!tpu.dma_semaphore, #tpu.memory_space<semaphore_mem>>)
        %slice3A_3298 = vector.extract_strided_slice %get3A_2877 {offsets = [5], sizes = [1], strides = [1]} : vector<16xi32> to vector<1xi32>
        %squeeze3A_3299 = vector.extract %slice3A_3298[0] : i32 from vector<1xi32>
        %shift_right_arithmetic3A_3300 = arith.constant 3 : i32
        %shift_right_arithmetic3A_3301 = arith.shrsi %squeeze3A_3299, %shift_right_arithmetic3A_3300 : i32
        %mul3A_3302 = arith.constant 32 : i32
        %mul3A_3303 = arith.muli %and3A_2855, %mul3A_3302 : i32
        %add3A_3304 = arith.constant 21 : i32
        %add3A_3305 = arith.addi %mul3A_3303, %add3A_3304 : i32
        %dma_start3A_3306 = arith.constant 0 : i32
        %dma_start3A_3307 = arith.constant 0 : i32
        %dma_start3A_3308 = tpu.memref_slice %arg6[%add3A_3305, %dma_start3A_3306, %dma_start3A_3307] : memref<64x8x64xf32, #tpu.memory_space<vmem>> -> memref<1x8x64xf32, #tpu.memory_space<vmem>>
        %dma_start3A_3309 = arith.constant 0 : i32
        %dma_start3A_3310 = arith.constant 0 : i32
        %dma_start3A_3311 = tpu.memref_slice %arg3[%shift_right_arithmetic3A_3301, %dma_start3A_3309, %dma_start3A_3310] : memref<125000x8x64xf32, #tpu.memory_space<hbm>> -> memref<1x8x64xf32, #tpu.memory_space<hbm>>
        %dma_start3A_3312 = arith.constant 0 : i32
        %dma_start3A_3313 = arith.constant 0 : i32
        %dma_start3A_3314 = tpu.memref_slice %arg6[%add3A_3305, %dma_start3A_3312, %dma_start3A_3313] : memref<64x8x64xf32, #tpu.memory_space<vmem>> -> memref<1x8x64xf32, #tpu.memory_space<vmem>>
        %dma_start3A_3315 = arith.constant 0 : i32
        %dma_start3A_3316 = arith.constant 0 : i32
        %dma_start3A_3317 = tpu.memref_slice %arg3[%shift_right_arithmetic3A_3301, %dma_start3A_3315, %dma_start3A_3316] : memref<125000x8x64xf32, #tpu.memory_space<hbm>> -> memref<1x8x64xf32, #tpu.memory_space<hbm>>
        tpu.enqueue_dma source(%dma_start3A_3317 : memref<1x8x64xf32, #tpu.memory_space<hbm>>) target(%dma_start3A_3314 : memref<1x8x64xf32, #tpu.memory_space<vmem>>) target_semaphore(%arg8 : memref<!tpu.dma_semaphore, #tpu.memory_space<semaphore_mem>>)
        %slice3A_3318 = vector.extract_strided_slice %get3A_2877 {offsets = [6], sizes = [1], strides = [1]} : vector<16xi32> to vector<1xi32>
        %squeeze3A_3319 = vector.extract %slice3A_3318[0] : i32 from vector<1xi32>
        %shift_right_arithmetic3A_3320 = arith.constant 3 : i32
        %shift_right_arithmetic3A_3321 = arith.shrsi %squeeze3A_3319, %shift_right_arithmetic3A_3320 : i32
        %mul3A_3322 = arith.constant 32 : i32
        %mul3A_3323 = arith.muli %and3A_2855, %mul3A_3322 : i32
        %add3A_3324 = arith.constant 22 : i32
        %add3A_3325 = arith.addi %mul3A_3323, %add3A_3324 : i32
        %dma_start3A_3326 = arith.constant 0 : i32
        %dma_start3A_3327 = arith.constant 0 : i32
        %dma_start3A_3328 = tpu.memref_slice %arg6[%add3A_3325, %dma_start3A_3326, %dma_start3A_3327] : memref<64x8x64xf32, #tpu.memory_space<vmem>> -> memref<1x8x64xf32, #tpu.memory_space<vmem>>
        %dma_start3A_3329 = arith.constant 0 : i32
        %dma_start3A_3330 = arith.constant 0 : i32
        %dma_start3A_3331 = tpu.memref_slice %arg3[%shift_right_arithmetic3A_3321, %dma_start3A_3329, %dma_start3A_3330] : memref<125000x8x64xf32, #tpu.memory_space<hbm>> -> memref<1x8x64xf32, #tpu.memory_space<hbm>>
        %dma_start3A_3332 = arith.constant 0 : i32
        %dma_start3A_3333 = arith.constant 0 : i32
        %dma_start3A_3334 = tpu.memref_slice %arg6[%add3A_3325, %dma_start3A_3332, %dma_start3A_3333] : memref<64x8x64xf32, #tpu.memory_space<vmem>> -> memref<1x8x64xf32, #tpu.memory_space<vmem>>
        %dma_start3A_3335 = arith.constant 0 : i32
        %dma_start3A_3336 = arith.constant 0 : i32
        %dma_start3A_3337 = tpu.memref_slice %arg3[%shift_right_arithmetic3A_3321, %dma_start3A_3335, %dma_start3A_3336] : memref<125000x8x64xf32, #tpu.memory_space<hbm>> -> memref<1x8x64xf32, #tpu.memory_space<hbm>>
        tpu.enqueue_dma source(%dma_start3A_3337 : memref<1x8x64xf32, #tpu.memory_space<hbm>>) target(%dma_start3A_3334 : memref<1x8x64xf32, #tpu.memory_space<vmem>>) target_semaphore(%arg8 : memref<!tpu.dma_semaphore, #tpu.memory_space<semaphore_mem>>)
        %slice3A_3338 = vector.extract_strided_slice %get3A_2877 {offsets = [7], sizes = [1], strides = [1]} : vector<16xi32> to vector<1xi32>
        %squeeze3A_3339 = vector.extract %slice3A_3338[0] : i32 from vector<1xi32>
        %shift_right_arithmetic3A_3340 = arith.constant 3 : i32
        %shift_right_arithmetic3A_3341 = arith.shrsi %squeeze3A_3339, %shift_right_arithmetic3A_3340 : i32
        %mul3A_3342 = arith.constant 32 : i32
        %mul3A_3343 = arith.muli %and3A_2855, %mul3A_3342 : i32
        %add3A_3344 = arith.constant 23 : i32
        %add3A_3345 = arith.addi %mul3A_3343, %add3A_3344 : i32
        %dma_start3A_3346 = arith.constant 0 : i32
        %dma_start3A_3347 = arith.constant 0 : i32
        %dma_start3A_3348 = tpu.memref_slice %arg6[%add3A_3345, %dma_start3A_3346, %dma_start3A_3347] : memref<64x8x64xf32, #tpu.memory_space<vmem>> -> memref<1x8x64xf32, #tpu.memory_space<vmem>>
        %dma_start3A_3349 = arith.constant 0 : i32
        %dma_start3A_3350 = arith.constant 0 : i32
        %dma_start3A_3351 = tpu.memref_slice %arg3[%shift_right_arithmetic3A_3341, %dma_start3A_3349, %dma_start3A_3350] : memref<125000x8x64xf32, #tpu.memory_space<hbm>> -> memref<1x8x64xf32, #tpu.memory_space<hbm>>
        %dma_start3A_3352 = arith.constant 0 : i32
        %dma_start3A_3353 = arith.constant 0 : i32
        %dma_start3A_3354 = tpu.memref_slice %arg6[%add3A_3345, %dma_start3A_3352, %dma_start3A_3353] : memref<64x8x64xf32, #tpu.memory_space<vmem>> -> memref<1x8x64xf32, #tpu.memory_space<vmem>>
        %dma_start3A_3355 = arith.constant 0 : i32
        %dma_start3A_3356 = arith.constant 0 : i32
        %dma_start3A_3357 = tpu.memref_slice %arg3[%shift_right_arithmetic3A_3341, %dma_start3A_3355, %dma_start3A_3356] : memref<125000x8x64xf32, #tpu.memory_space<hbm>> -> memref<1x8x64xf32, #tpu.memory_space<hbm>>
        tpu.enqueue_dma source(%dma_start3A_3357 : memref<1x8x64xf32, #tpu.memory_space<hbm>>) target(%dma_start3A_3354 : memref<1x8x64xf32, #tpu.memory_space<vmem>>) target_semaphore(%arg8 : memref<!tpu.dma_semaphore, #tpu.memory_space<semaphore_mem>>)
        %slice3A_3358 = vector.extract_strided_slice %get3A_2877 {offsets = [8], sizes = [1], strides = [1]} : vector<16xi32> to vector<1xi32>
        %squeeze3A_3359 = vector.extract %slice3A_3358[0] : i32 from vector<1xi32>
        %shift_right_arithmetic3A_3360 = arith.constant 3 : i32
        %shift_right_arithmetic3A_3361 = arith.shrsi %squeeze3A_3359, %shift_right_arithmetic3A_3360 : i32
        %mul3A_3362 = arith.constant 32 : i32
        %mul3A_3363 = arith.muli %and3A_2855, %mul3A_3362 : i32
        %add3A_3364 = arith.constant 24 : i32
        %add3A_3365 = arith.addi %mul3A_3363, %add3A_3364 : i32
        %dma_start3A_3366 = arith.constant 0 : i32
        %dma_start3A_3367 = arith.constant 0 : i32
        %dma_start3A_3368 = tpu.memref_slice %arg6[%add3A_3365, %dma_start3A_3366, %dma_start3A_3367] : memref<64x8x64xf32, #tpu.memory_space<vmem>> -> memref<1x8x64xf32, #tpu.memory_space<vmem>>
        %dma_start3A_3369 = arith.constant 0 : i32
        %dma_start3A_3370 = arith.constant 0 : i32
        %dma_start3A_3371 = tpu.memref_slice %arg3[%shift_right_arithmetic3A_3361, %dma_start3A_3369, %dma_start3A_3370] : memref<125000x8x64xf32, #tpu.memory_space<hbm>> -> memref<1x8x64xf32, #tpu.memory_space<hbm>>
        %dma_start3A_3372 = arith.constant 0 : i32
        %dma_start3A_3373 = arith.constant 0 : i32
        %dma_start3A_3374 = tpu.memref_slice %arg6[%add3A_3365, %dma_start3A_3372, %dma_start3A_3373] : memref<64x8x64xf32, #tpu.memory_space<vmem>> -> memref<1x8x64xf32, #tpu.memory_space<vmem>>
        %dma_start3A_3375 = arith.constant 0 : i32
        %dma_start3A_3376 = arith.constant 0 : i32
        %dma_start3A_3377 = tpu.memref_slice %arg3[%shift_right_arithmetic3A_3361, %dma_start3A_3375, %dma_start3A_3376] : memref<125000x8x64xf32, #tpu.memory_space<hbm>> -> memref<1x8x64xf32, #tpu.memory_space<hbm>>
        tpu.enqueue_dma source(%dma_start3A_3377 : memref<1x8x64xf32, #tpu.memory_space<hbm>>) target(%dma_start3A_3374 : memref<1x8x64xf32, #tpu.memory_space<vmem>>) target_semaphore(%arg8 : memref<!tpu.dma_semaphore, #tpu.memory_space<semaphore_mem>>)
        %slice3A_3378 = vector.extract_strided_slice %get3A_2877 {offsets = [9], sizes = [1], strides = [1]} : vector<16xi32> to vector<1xi32>
        %squeeze3A_3379 = vector.extract %slice3A_3378[0] : i32 from vector<1xi32>
        %shift_right_arithmetic3A_3380 = arith.constant 3 : i32
        %shift_right_arithmetic3A_3381 = arith.shrsi %squeeze3A_3379, %shift_right_arithmetic3A_3380 : i32
        %mul3A_3382 = arith.constant 32 : i32
        %mul3A_3383 = arith.muli %and3A_2855, %mul3A_3382 : i32
        %add3A_3384 = arith.constant 25 : i32
        %add3A_3385 = arith.addi %mul3A_3383, %add3A_3384 : i32
        %dma_start3A_3386 = arith.constant 0 : i32
        %dma_start3A_3387 = arith.constant 0 : i32
        %dma_start3A_3388 = tpu.memref_slice %arg6[%add3A_3385, %dma_start3A_3386, %dma_start3A_3387] : memref<64x8x64xf32, #tpu.memory_space<vmem>> -> memref<1x8x64xf32, #tpu.memory_space<vmem>>
        %dma_start3A_3389 = arith.constant 0 : i32
        %dma_start3A_3390 = arith.constant 0 : i32
        %dma_start3A_3391 = tpu.memref_slice %arg3[%shift_right_arithmetic3A_3381, %dma_start3A_3389, %dma_start3A_3390] : memref<125000x8x64xf32, #tpu.memory_space<hbm>> -> memref<1x8x64xf32, #tpu.memory_space<hbm>>
        %dma_start3A_3392 = arith.constant 0 : i32
        %dma_start3A_3393 = arith.constant 0 : i32
        %dma_start3A_3394 = tpu.memref_slice %arg6[%add3A_3385, %dma_start3A_3392, %dma_start3A_3393] : memref<64x8x64xf32, #tpu.memory_space<vmem>> -> memref<1x8x64xf32, #tpu.memory_space<vmem>>
        %dma_start3A_3395 = arith.constant 0 : i32
        %dma_start3A_3396 = arith.constant 0 : i32
        %dma_start3A_3397 = tpu.memref_slice %arg3[%shift_right_arithmetic3A_3381, %dma_start3A_3395, %dma_start3A_3396] : memref<125000x8x64xf32, #tpu.memory_space<hbm>> -> memref<1x8x64xf32, #tpu.memory_space<hbm>>
        tpu.enqueue_dma source(%dma_start3A_3397 : memref<1x8x64xf32, #tpu.memory_space<hbm>>) target(%dma_start3A_3394 : memref<1x8x64xf32, #tpu.memory_space<vmem>>) target_semaphore(%arg8 : memref<!tpu.dma_semaphore, #tpu.memory_space<semaphore_mem>>)
        %slice3A_3398 = vector.extract_strided_slice %get3A_2877 {offsets = [10], sizes = [1], strides = [1]} : vector<16xi32> to vector<1xi32>
        %squeeze3A_3399 = vector.extract %slice3A_3398[0] : i32 from vector<1xi32>
        %shift_right_arithmetic3A_3400 = arith.constant 3 : i32
        %shift_right_arithmetic3A_3401 = arith.shrsi %squeeze3A_3399, %shift_right_arithmetic3A_3400 : i32
        %mul3A_3402 = arith.constant 32 : i32
        %mul3A_3403 = arith.muli %and3A_2855, %mul3A_3402 : i32
        %add3A_3404 = arith.constant 26 : i32
        %add3A_3405 = arith.addi %mul3A_3403, %add3A_3404 : i32
        %dma_start3A_3406 = arith.constant 0 : i32
        %dma_start3A_3407 = arith.constant 0 : i32
        %dma_start3A_3408 = tpu.memref_slice %arg6[%add3A_3405, %dma_start3A_3406, %dma_start3A_3407] : memref<64x8x64xf32, #tpu.memory_space<vmem>> -> memref<1x8x64xf32, #tpu.memory_space<vmem>>
        %dma_start3A_3409 = arith.constant 0 : i32
        %dma_start3A_3410 = arith.constant 0 : i32
        %dma_start3A_3411 = tpu.memref_slice %arg3[%shift_right_arithmetic3A_3401, %dma_start3A_3409, %dma_start3A_3410] : memref<125000x8x64xf32, #tpu.memory_space<hbm>> -> memref<1x8x64xf32, #tpu.memory_space<hbm>>
        %dma_start3A_3412 = arith.constant 0 : i32
        %dma_start3A_3413 = arith.constant 0 : i32
        %dma_start3A_3414 = tpu.memref_slice %arg6[%add3A_3405, %dma_start3A_3412, %dma_start3A_3413] : memref<64x8x64xf32, #tpu.memory_space<vmem>> -> memref<1x8x64xf32, #tpu.memory_space<vmem>>
        %dma_start3A_3415 = arith.constant 0 : i32
        %dma_start3A_3416 = arith.constant 0 : i32
        %dma_start3A_3417 = tpu.memref_slice %arg3[%shift_right_arithmetic3A_3401, %dma_start3A_3415, %dma_start3A_3416] : memref<125000x8x64xf32, #tpu.memory_space<hbm>> -> memref<1x8x64xf32, #tpu.memory_space<hbm>>
        tpu.enqueue_dma source(%dma_start3A_3417 : memref<1x8x64xf32, #tpu.memory_space<hbm>>) target(%dma_start3A_3414 : memref<1x8x64xf32, #tpu.memory_space<vmem>>) target_semaphore(%arg8 : memref<!tpu.dma_semaphore, #tpu.memory_space<semaphore_mem>>)
        %slice3A_3418 = vector.extract_strided_slice %get3A_2877 {offsets = [11], sizes = [1], strides = [1]} : vector<16xi32> to vector<1xi32>
        %squeeze3A_3419 = vector.extract %slice3A_3418[0] : i32 from vector<1xi32>
        %shift_right_arithmetic3A_3420 = arith.constant 3 : i32
        %shift_right_arithmetic3A_3421 = arith.shrsi %squeeze3A_3419, %shift_right_arithmetic3A_3420 : i32
        %mul3A_3422 = arith.constant 32 : i32
        %mul3A_3423 = arith.muli %and3A_2855, %mul3A_3422 : i32
        %add3A_3424 = arith.constant 27 : i32
        %add3A_3425 = arith.addi %mul3A_3423, %add3A_3424 : i32
        %dma_start3A_3426 = arith.constant 0 : i32
        %dma_start3A_3427 = arith.constant 0 : i32
        %dma_start3A_3428 = tpu.memref_slice %arg6[%add3A_3425, %dma_start3A_3426, %dma_start3A_3427] : memref<64x8x64xf32, #tpu.memory_space<vmem>> -> memref<1x8x64xf32, #tpu.memory_space<vmem>>
        %dma_start3A_3429 = arith.constant 0 : i32
        %dma_start3A_3430 = arith.constant 0 : i32
        %dma_start3A_3431 = tpu.memref_slice %arg3[%shift_right_arithmetic3A_3421, %dma_start3A_3429, %dma_start3A_3430] : memref<125000x8x64xf32, #tpu.memory_space<hbm>> -> memref<1x8x64xf32, #tpu.memory_space<hbm>>
        %dma_start3A_3432 = arith.constant 0 : i32
        %dma_start3A_3433 = arith.constant 0 : i32
        %dma_start3A_3434 = tpu.memref_slice %arg6[%add3A_3425, %dma_start3A_3432, %dma_start3A_3433] : memref<64x8x64xf32, #tpu.memory_space<vmem>> -> memref<1x8x64xf32, #tpu.memory_space<vmem>>
        %dma_start3A_3435 = arith.constant 0 : i32
        %dma_start3A_3436 = arith.constant 0 : i32
        %dma_start3A_3437 = tpu.memref_slice %arg3[%shift_right_arithmetic3A_3421, %dma_start3A_3435, %dma_start3A_3436] : memref<125000x8x64xf32, #tpu.memory_space<hbm>> -> memref<1x8x64xf32, #tpu.memory_space<hbm>>
        tpu.enqueue_dma source(%dma_start3A_3437 : memref<1x8x64xf32, #tpu.memory_space<hbm>>) target(%dma_start3A_3434 : memref<1x8x64xf32, #tpu.memory_space<vmem>>) target_semaphore(%arg8 : memref<!tpu.dma_semaphore, #tpu.memory_space<semaphore_mem>>)
        %slice3A_3438 = vector.extract_strided_slice %get3A_2877 {offsets = [12], sizes = [1], strides = [1]} : vector<16xi32> to vector<1xi32>
        %squeeze3A_3439 = vector.extract %slice3A_3438[0] : i32 from vector<1xi32>
        %shift_right_arithmetic3A_3440 = arith.constant 3 : i32
        %shift_right_arithmetic3A_3441 = arith.shrsi %squeeze3A_3439, %shift_right_arithmetic3A_3440 : i32
        %mul3A_3442 = arith.constant 32 : i32
        %mul3A_3443 = arith.muli %and3A_2855, %mul3A_3442 : i32
        %add3A_3444 = arith.constant 28 : i32
        %add3A_3445 = arith.addi %mul3A_3443, %add3A_3444 : i32
        %dma_start3A_3446 = arith.constant 0 : i32
        %dma_start3A_3447 = arith.constant 0 : i32
        %dma_start3A_3448 = tpu.memref_slice %arg6[%add3A_3445, %dma_start3A_3446, %dma_start3A_3447] : memref<64x8x64xf32, #tpu.memory_space<vmem>> -> memref<1x8x64xf32, #tpu.memory_space<vmem>>
        %dma_start3A_3449 = arith.constant 0 : i32
        %dma_start3A_3450 = arith.constant 0 : i32
        %dma_start3A_3451 = tpu.memref_slice %arg3[%shift_right_arithmetic3A_3441, %dma_start3A_3449, %dma_start3A_3450] : memref<125000x8x64xf32, #tpu.memory_space<hbm>> -> memref<1x8x64xf32, #tpu.memory_space<hbm>>
        %dma_start3A_3452 = arith.constant 0 : i32
        %dma_start3A_3453 = arith.constant 0 : i32
        %dma_start3A_3454 = tpu.memref_slice %arg6[%add3A_3445, %dma_start3A_3452, %dma_start3A_3453] : memref<64x8x64xf32, #tpu.memory_space<vmem>> -> memref<1x8x64xf32, #tpu.memory_space<vmem>>
        %dma_start3A_3455 = arith.constant 0 : i32
        %dma_start3A_3456 = arith.constant 0 : i32
        %dma_start3A_3457 = tpu.memref_slice %arg3[%shift_right_arithmetic3A_3441, %dma_start3A_3455, %dma_start3A_3456] : memref<125000x8x64xf32, #tpu.memory_space<hbm>> -> memref<1x8x64xf32, #tpu.memory_space<hbm>>
        tpu.enqueue_dma source(%dma_start3A_3457 : memref<1x8x64xf32, #tpu.memory_space<hbm>>) target(%dma_start3A_3454 : memref<1x8x64xf32, #tpu.memory_space<vmem>>) target_semaphore(%arg8 : memref<!tpu.dma_semaphore, #tpu.memory_space<semaphore_mem>>)
        %slice3A_3458 = vector.extract_strided_slice %get3A_2877 {offsets = [13], sizes = [1], strides = [1]} : vector<16xi32> to vector<1xi32>
        %squeeze3A_3459 = vector.extract %slice3A_3458[0] : i32 from vector<1xi32>
        %shift_right_arithmetic3A_3460 = arith.constant 3 : i32
        %shift_right_arithmetic3A_3461 = arith.shrsi %squeeze3A_3459, %shift_right_arithmetic3A_3460 : i32
        %mul3A_3462 = arith.constant 32 : i32
        %mul3A_3463 = arith.muli %and3A_2855, %mul3A_3462 : i32
        %add3A_3464 = arith.constant 29 : i32
        %add3A_3465 = arith.addi %mul3A_3463, %add3A_3464 : i32
        %dma_start3A_3466 = arith.constant 0 : i32
        %dma_start3A_3467 = arith.constant 0 : i32
        %dma_start3A_3468 = tpu.memref_slice %arg6[%add3A_3465, %dma_start3A_3466, %dma_start3A_3467] : memref<64x8x64xf32, #tpu.memory_space<vmem>> -> memref<1x8x64xf32, #tpu.memory_space<vmem>>
        %dma_start3A_3469 = arith.constant 0 : i32
        %dma_start3A_3470 = arith.constant 0 : i32
        %dma_start3A_3471 = tpu.memref_slice %arg3[%shift_right_arithmetic3A_3461, %dma_start3A_3469, %dma_start3A_3470] : memref<125000x8x64xf32, #tpu.memory_space<hbm>> -> memref<1x8x64xf32, #tpu.memory_space<hbm>>
        %dma_start3A_3472 = arith.constant 0 : i32
        %dma_start3A_3473 = arith.constant 0 : i32
        %dma_start3A_3474 = tpu.memref_slice %arg6[%add3A_3465, %dma_start3A_3472, %dma_start3A_3473] : memref<64x8x64xf32, #tpu.memory_space<vmem>> -> memref<1x8x64xf32, #tpu.memory_space<vmem>>
        %dma_start3A_3475 = arith.constant 0 : i32
        %dma_start3A_3476 = arith.constant 0 : i32
        %dma_start3A_3477 = tpu.memref_slice %arg3[%shift_right_arithmetic3A_3461, %dma_start3A_3475, %dma_start3A_3476] : memref<125000x8x64xf32, #tpu.memory_space<hbm>> -> memref<1x8x64xf32, #tpu.memory_space<hbm>>
        tpu.enqueue_dma source(%dma_start3A_3477 : memref<1x8x64xf32, #tpu.memory_space<hbm>>) target(%dma_start3A_3474 : memref<1x8x64xf32, #tpu.memory_space<vmem>>) target_semaphore(%arg8 : memref<!tpu.dma_semaphore, #tpu.memory_space<semaphore_mem>>)
        %slice3A_3478 = vector.extract_strided_slice %get3A_2877 {offsets = [14], sizes = [1], strides = [1]} : vector<16xi32> to vector<1xi32>
        %squeeze3A_3479 = vector.extract %slice3A_3478[0] : i32 from vector<1xi32>
        %shift_right_arithmetic3A_3480 = arith.constant 3 : i32
        %shift_right_arithmetic3A_3481 = arith.shrsi %squeeze3A_3479, %shift_right_arithmetic3A_3480 : i32
        %mul3A_3482 = arith.constant 32 : i32
        %mul3A_3483 = arith.muli %and3A_2855, %mul3A_3482 : i32
        %add3A_3484 = arith.constant 30 : i32
        %add3A_3485 = arith.addi %mul3A_3483, %add3A_3484 : i32
        %dma_start3A_3486 = arith.constant 0 : i32
        %dma_start3A_3487 = arith.constant 0 : i32
        %dma_start3A_3488 = tpu.memref_slice %arg6[%add3A_3485, %dma_start3A_3486, %dma_start3A_3487] : memref<64x8x64xf32, #tpu.memory_space<vmem>> -> memref<1x8x64xf32, #tpu.memory_space<vmem>>
        %dma_start3A_3489 = arith.constant 0 : i32
        %dma_start3A_3490 = arith.constant 0 : i32
        %dma_start3A_3491 = tpu.memref_slice %arg3[%shift_right_arithmetic3A_3481, %dma_start3A_3489, %dma_start3A_3490] : memref<125000x8x64xf32, #tpu.memory_space<hbm>> -> memref<1x8x64xf32, #tpu.memory_space<hbm>>
        %dma_start3A_3492 = arith.constant 0 : i32
        %dma_start3A_3493 = arith.constant 0 : i32
        %dma_start3A_3494 = tpu.memref_slice %arg6[%add3A_3485, %dma_start3A_3492, %dma_start3A_3493] : memref<64x8x64xf32, #tpu.memory_space<vmem>> -> memref<1x8x64xf32, #tpu.memory_space<vmem>>
        %dma_start3A_3495 = arith.constant 0 : i32
        %dma_start3A_3496 = arith.constant 0 : i32
        %dma_start3A_3497 = tpu.memref_slice %arg3[%shift_right_arithmetic3A_3481, %dma_start3A_3495, %dma_start3A_3496] : memref<125000x8x64xf32, #tpu.memory_space<hbm>> -> memref<1x8x64xf32, #tpu.memory_space<hbm>>
        tpu.enqueue_dma source(%dma_start3A_3497 : memref<1x8x64xf32, #tpu.memory_space<hbm>>) target(%dma_start3A_3494 : memref<1x8x64xf32, #tpu.memory_space<vmem>>) target_semaphore(%arg8 : memref<!tpu.dma_semaphore, #tpu.memory_space<semaphore_mem>>)
        %slice3A_3498 = vector.extract_strided_slice %get3A_2877 {offsets = [15], sizes = [1], strides = [1]} : vector<16xi32> to vector<1xi32>
        %squeeze3A_3499 = vector.extract %slice3A_3498[0] : i32 from vector<1xi32>
        %shift_right_arithmetic3A_3500 = arith.constant 3 : i32
        %shift_right_arithmetic3A_3501 = arith.shrsi %squeeze3A_3499, %shift_right_arithmetic3A_3500 : i32
        %mul3A_3502 = arith.constant 32 : i32
        %mul3A_3503 = arith.muli %and3A_2855, %mul3A_3502 : i32
        %add3A_3504 = arith.constant 31 : i32
        %add3A_3505 = arith.addi %mul3A_3503, %add3A_3504 : i32
        %dma_start3A_3506 = arith.constant 0 : i32
        %dma_start3A_3507 = arith.constant 0 : i32
        %dma_start3A_3508 = tpu.memref_slice %arg6[%add3A_3505, %dma_start3A_3506, %dma_start3A_3507] : memref<64x8x64xf32, #tpu.memory_space<vmem>> -> memref<1x8x64xf32, #tpu.memory_space<vmem>>
        %dma_start3A_3509 = arith.constant 0 : i32
        %dma_start3A_3510 = arith.constant 0 : i32
        %dma_start3A_3511 = tpu.memref_slice %arg3[%shift_right_arithmetic3A_3501, %dma_start3A_3509, %dma_start3A_3510] : memref<125000x8x64xf32, #tpu.memory_space<hbm>> -> memref<1x8x64xf32, #tpu.memory_space<hbm>>
        %dma_start3A_3512 = arith.constant 0 : i32
        %dma_start3A_3513 = arith.constant 0 : i32
        %dma_start3A_3514 = tpu.memref_slice %arg6[%add3A_3505, %dma_start3A_3512, %dma_start3A_3513] : memref<64x8x64xf32, #tpu.memory_space<vmem>> -> memref<1x8x64xf32, #tpu.memory_space<vmem>>
        %dma_start3A_3515 = arith.constant 0 : i32
        %dma_start3A_3516 = arith.constant 0 : i32
        %dma_start3A_3517 = tpu.memref_slice %arg3[%shift_right_arithmetic3A_3501, %dma_start3A_3515, %dma_start3A_3516] : memref<125000x8x64xf32, #tpu.memory_space<hbm>> -> memref<1x8x64xf32, #tpu.memory_space<hbm>>
        tpu.enqueue_dma source(%dma_start3A_3517 : memref<1x8x64xf32, #tpu.memory_space<hbm>>) target(%dma_start3A_3514 : memref<1x8x64xf32, #tpu.memory_space<vmem>>) target_semaphore(%arg8 : memref<!tpu.dma_semaphore, #tpu.memory_space<semaphore_mem>>)
      } else {
      }
      %and3A = arith.constant 1 : i32
      %and3A_621 = arith.andi %scan3A_616, %and3A : i32
      %mul3A_622 = arith.constant 32 : i32
      %mul3A_623 = arith.muli %and3A_621, %mul3A_622 : i32
      %dma_wait3A_624 = arith.constant 0 : i32
      %dma_wait3A_625 = arith.constant 0 : i32
      %dma_wait3A_626 = tpu.memref_slice %arg6[%mul3A_623, %dma_wait3A_624, %dma_wait3A_625] : memref<64x8x64xf32, #tpu.memory_space<vmem>> -> memref<32x8x64xf32, #tpu.memory_space<vmem>>
      %dma_wait3A_627 = arith.constant 0 : i32
      %dma_wait3A_628 = arith.constant 0 : i32
      %dma_wait3A_629 = arith.constant 0 : i32
      %dma_wait3A_630 = tpu.memref_slice %arg3[%dma_wait3A_627, %dma_wait3A_628, %dma_wait3A_629] : memref<125000x8x64xf32, #tpu.memory_space<hbm>> -> memref<32x8x64xf32, #tpu.memory_space<hbm>>
      %dma_wait3A_631 = arith.constant 0 : i32
      %dma_wait3A_632 = arith.constant 0 : i32
      %dma_wait3A_633 = tpu.memref_slice %arg6[%mul3A_623, %dma_wait3A_631, %dma_wait3A_632] : memref<64x8x64xf32, #tpu.memory_space<vmem>> -> memref<32x8x64xf32, #tpu.memory_space<vmem>>
      %dma_wait3A_634 = arith.constant 0 : i32
      %dma_wait3A_635 = arith.constant 0 : i32
      %dma_wait3A_636 = arith.constant 0 : i32
      %dma_wait3A_637 = tpu.memref_slice %arg3[%dma_wait3A_634, %dma_wait3A_635, %dma_wait3A_636] : memref<125000x8x64xf32, #tpu.memory_space<hbm>> -> memref<32x8x64xf32, #tpu.memory_space<hbm>>
      tpu.wait_dma2 semaphore(%arg8 : memref<!tpu.dma_semaphore, #tpu.memory_space<semaphore_mem>>) src(%dma_wait3A_637 : memref<32x8x64xf32, #tpu.memory_space<hbm>>) dst(%dma_wait3A_633 : memref<32x8x64xf32, #tpu.memory_space<vmem>>)
      %ge3A = arith.constant 2 : i32
      %ge3A_638 = arith.cmpi sge, %scan3A_616, %ge3A : i32
      %convert_element_type3A_639 = arith.extui %ge3A_638 : i1 to i32
      %cond3A_640 = arith.constant 0 : i32
      %cond3A_641 = arith.cmpi ne, %convert_element_type3A_639, %cond3A_640 : i32
      scf.if %cond3A_641 {
        %and3A_2854 = arith.constant 1 : i32
        %and3A_2855 = arith.andi %scan3A_616, %and3A_2854 : i32
        %mul3A_2856 = arith.constant 32 : i32
        %mul3A_2857 = arith.muli %and3A_2855, %mul3A_2856 : i32
        %dma_wait3A_2858 = arith.constant 0 : i32
        %dma_wait3A_2859 = tpu.memref_slice %arg7[%mul3A_2857, %dma_wait3A_2858] : memref<64x64xf32, #tpu.memory_space<vmem>> -> memref<32x64xf32, #tpu.memory_space<vmem>>
        %dma_wait3A_2860 = arith.constant 0 : i32
        %dma_wait3A_2861 = tpu.memref_slice %arg4[%mul3A_2, %dma_wait3A_2860] : memref<16384x64xf32, #tpu.memory_space<hbm>> -> memref<32x64xf32, #tpu.memory_space<hbm>>
        %dma_wait3A_2862 = arith.constant 0 : i32
        %dma_wait3A_2863 = tpu.memref_slice %arg4[%mul3A_2, %dma_wait3A_2862] : memref<16384x64xf32, #tpu.memory_space<hbm>> -> memref<32x64xf32, #tpu.memory_space<hbm>>
        %dma_wait3A_2864 = arith.constant 0 : i32
        %dma_wait3A_2865 = tpu.memref_slice %arg7[%mul3A_2857, %dma_wait3A_2864] : memref<64x64xf32, #tpu.memory_space<vmem>> -> memref<32x64xf32, #tpu.memory_space<vmem>>
        tpu.wait_dma2 semaphore(%arg9 : memref<!tpu.dma_semaphore, #tpu.memory_space<semaphore_mem>>) src(%dma_wait3A_2865 : memref<32x64xf32, #tpu.memory_space<vmem>>) dst(%dma_wait3A_2863 : memref<32x64xf32, #tpu.memory_space<hbm>>)
      } else {
      }
      %shift_right_arithmetic3A_642 = arith.constant 2 : i32
      %shift_right_arithmetic3A_643 = arith.shrsi %scan3A_616, %shift_right_arithmetic3A_642 : i32
      %and3A_644 = arith.constant 3 : i32
      %and3A_645 = arith.andi %scan3A_616, %and3A_644 : i32
      %mul3A_646 = arith.constant 32 : i32
      %mul3A_647 = arith.muli %and3A_645, %mul3A_646 : i32
      %add3A_648 = arith.constant 0 : i32
      %add3A_649 = arith.addi %mul3A_647, %add3A_648 : i32
      %get3A_650 = arith.index_cast %shift_right_arithmetic3A_643 : i32 to index
      %get3A_651 = arith.index_cast %add3A_649 : i32 to index
      %get3A_652 = tpu.vector_load %arg5[%get3A_650, %get3A_651] {strides = array<i32>} : memref<4x128xi32, #tpu.memory_space<vmem>>, vector<16xi32>,
      %shift_right_arithmetic3A_653 = arith.constant 2 : i32
      %shift_right_arithmetic3A_654 = arith.shrsi %scan3A_616, %shift_right_arithmetic3A_653 : i32
      %and3A_655 = arith.constant 3 : i32
      %and3A_656 = arith.andi %scan3A_616, %and3A_655 : i32
      %mul3A_657 = arith.constant 32 : i32
      %mul3A_658 = arith.muli %and3A_656, %mul3A_657 : i32
      %add3A_659 = arith.constant 16 : i32
      %add3A_660 = arith.addi %mul3A_658, %add3A_659 : i32
      %get3A_661 = arith.index_cast %shift_right_arithmetic3A_654 : i32 to index
      %get3A_662 = arith.index_cast %add3A_660 : i32 to index
      %get3A_663 = tpu.vector_load %arg5[%get3A_661, %get3A_662] {strides = array<i32>} : memref<4x128xi32, #tpu.memory_space<vmem>>, vector<16xi32>,
      %slice3A_664 = vector.extract_strided_slice %get3A_652 {offsets = [0], sizes = [1], strides = [1]} : vector<16xi32> to vector<1xi32>
      %squeeze3A_665 = vector.extract %slice3A_664[0] : i32 from vector<1xi32>
      %and3A_666 = arith.constant 1 : i32
      %and3A_667 = arith.andi %scan3A_616, %and3A_666 : i32
      %mul3A_668 = arith.constant 32 : i32
      %mul3A_669 = arith.muli %and3A_667, %mul3A_668 : i32
      %add3A_670 = arith.constant 0 : i32
      %add3A_671 = arith.addi %mul3A_669, %add3A_670 : i32
      %and3A_672 = arith.constant 7 : i32
      %and3A_673 = arith.andi %squeeze3A_665, %and3A_672 : i32
      %get3A_674 = arith.index_cast %add3A_671 : i32 to index
      %get3A_675 = arith.index_cast %and3A_673 : i32 to index
      %get3A_676 = arith.constant 0 : index
      %get3A_677 = tpu.vector_load %arg6[%get3A_674, %get3A_675, %get3A_676] {strides = array<i32>} : memref<64x8x64xf32, #tpu.memory_space<vmem>>, vector<16xf32>,
      %and3A_678 = arith.constant 1 : i32
      %and3A_679 = arith.andi %scan3A_616, %and3A_678 : i32
      %mul3A_680 = arith.constant 32 : i32
      %mul3A_681 = arith.muli %and3A_679, %mul3A_680 : i32
      %add3A_682 = arith.constant 0 : i32
      %add3A_683 = arith.addi %mul3A_681, %add3A_682 : i32
      %swap3A = arith.index_cast %add3A_683 : i32 to index
      %swap3A_684 = arith.constant 0 : index
      %swap3A_685 = tpu.vector_load %arg7[%swap3A, %swap3A_684] {strides = array<i32>} : memref<64x64xf32, #tpu.memory_space<vmem>>, vector<16xf32>,
      tpu.vector_store %arg7[%swap3A, %swap3A_684], %get3A_677 {strides = array<i32>} : memref<64x64xf32, #tpu.memory_space<vmem>>, vector<16xf32>,
      %and3A_686 = arith.constant 7 : i32
      %and3A_687 = arith.andi %squeeze3A_665, %and3A_686 : i32
      %get3A_688 = arith.index_cast %add3A_671 : i32 to index
      %get3A_689 = arith.index_cast %and3A_687 : i32 to index
      %get3A_690 = arith.constant 16 : index
      %get3A_691 = tpu.vector_load %arg6[%get3A_688, %get3A_689, %get3A_690] {strides = array<i32>} : memref<64x8x64xf32, #tpu.memory_space<vmem>>, vector<16xf32>,
      %and3A_692 = arith.constant 1 : i32
      %and3A_693 = arith.andi %scan3A_616, %and3A_692 : i32
      %mul3A_694 = arith.constant 32 : i32
      %mul3A_695 = arith.muli %and3A_693, %mul3A_694 : i32
      %add3A_696 = arith.constant 0 : i32
      %add3A_697 = arith.addi %mul3A_695, %add3A_696 : i32
      %swap3A_698 = arith.index_cast %add3A_697 : i32 to index
      %swap3A_699 = arith.constant 16 : index
      %swap3A_700 = tpu.vector_load %arg7[%swap3A_698, %swap3A_699] {strides = array<i32>} : memref<64x64xf32, #tpu.memory_space<vmem>>, vector<16xf32>,
      tpu.vector_store %arg7[%swap3A_698, %swap3A_699], %get3A_691 {strides = array<i32>} : memref<64x64xf32, #tpu.memory_space<vmem>>, vector<16xf32>,
      %and3A_701 = arith.constant 7 : i32
      %and3A_702 = arith.andi %squeeze3A_665, %and3A_701 : i32
      %get3A_703 = arith.index_cast %add3A_671 : i32 to index
      %get3A_704 = arith.index_cast %and3A_702 : i32 to index
      %get3A_705 = arith.constant 32 : index
      %get3A_706 = tpu.vector_load %arg6[%get3A_703, %get3A_704, %get3A_705] {strides = array<i32>} : memref<64x8x64xf32, #tpu.memory_space<vmem>>, vector<16xf32>,
      %and3A_707 = arith.constant 1 : i32
      %and3A_708 = arith.andi %scan3A_616, %and3A_707 : i32
      %mul3A_709 = arith.constant 32 : i32
      %mul3A_710 = arith.muli %and3A_708, %mul3A_709 : i32
      %add3A_711 = arith.constant 0 : i32
      %add3A_712 = arith.addi %mul3A_710, %add3A_711 : i32
      %swap3A_713 = arith.index_cast %add3A_712 : i32 to index
      %swap3A_714 = arith.constant 32 : index
      %swap3A_715 = tpu.vector_load %arg7[%swap3A_713, %swap3A_714] {strides = array<i32>} : memref<64x64xf32, #tpu.memory_space<vmem>>, vector<16xf32>,
      tpu.vector_store %arg7[%swap3A_713, %swap3A_714], %get3A_706 {strides = array<i32>} : memref<64x64xf32, #tpu.memory_space<vmem>>, vector<16xf32>,
      %and3A_716 = arith.constant 7 : i32
      %and3A_717 = arith.andi %squeeze3A_665, %and3A_716 : i32
      %get3A_718 = arith.index_cast %add3A_671 : i32 to index
      %get3A_719 = arith.index_cast %and3A_717 : i32 to index
      %get3A_720 = arith.constant 48 : index
      %get3A_721 = tpu.vector_load %arg6[%get3A_718, %get3A_719, %get3A_720] {strides = array<i32>} : memref<64x8x64xf32, #tpu.memory_space<vmem>>, vector<16xf32>,
      %and3A_722 = arith.constant 1 : i32
      %and3A_723 = arith.andi %scan3A_616, %and3A_722 : i32
      %mul3A_724 = arith.constant 32 : i32
      %mul3A_725 = arith.muli %and3A_723, %mul3A_724 : i32
      %add3A_726 = arith.constant 0 : i32
      %add3A_727 = arith.addi %mul3A_725, %add3A_726 : i32
      %swap3A_728 = arith.index_cast %add3A_727 : i32 to index
      %swap3A_729 = arith.constant 48 : index
      %swap3A_730 = tpu.vector_load %arg7[%swap3A_728, %swap3A_729] {strides = array<i32>} : memref<64x64xf32, #tpu.memory_space<vmem>>, vector<16xf32>,
      tpu.vector_store %arg7[%swap3A_728, %swap3A_729], %get3A_721 {strides = array<i32>} : memref<64x64xf32, #tpu.memory_space<vmem>>, vector<16xf32>,
      %slice3A_731 = vector.extract_strided_slice %get3A_652 {offsets = [1], sizes = [1], strides = [1]} : vector<16xi32> to vector<1xi32>
      %squeeze3A_732 = vector.extract %slice3A_731[0] : i32 from vector<1xi32>
      %and3A_733 = arith.constant 1 : i32
      %and3A_734 = arith.andi %scan3A_616, %and3A_733 : i32
      %mul3A_735 = arith.constant 32 : i32
      %mul3A_736 = arith.muli %and3A_734, %mul3A_735 : i32
      %add3A_737 = arith.constant 1 : i32
      %add3A_738 = arith.addi %mul3A_736, %add3A_737 : i32
      %and3A_739 = arith.constant 7 : i32
      %and3A_740 = arith.andi %squeeze3A_732, %and3A_739 : i32
      %get3A_741 = arith.index_cast %add3A_738 : i32 to index
      %get3A_742 = arith.index_cast %and3A_740 : i32 to index
      %get3A_743 = arith.constant 0 : index
      %get3A_744 = tpu.vector_load %arg6[%get3A_741, %get3A_742, %get3A_743] {strides = array<i32>} : memref<64x8x64xf32, #tpu.memory_space<vmem>>, vector<16xf32>,
      %and3A_745 = arith.constant 1 : i32
      %and3A_746 = arith.andi %scan3A_616, %and3A_745 : i32
      %mul3A_747 = arith.constant 32 : i32
      %mul3A_748 = arith.muli %and3A_746, %mul3A_747 : i32
      %add3A_749 = arith.constant 1 : i32
      %add3A_750 = arith.addi %mul3A_748, %add3A_749 : i32
      %swap3A_751 = arith.index_cast %add3A_750 : i32 to index
      %swap3A_752 = arith.constant 0 : index
      %swap3A_753 = tpu.vector_load %arg7[%swap3A_751, %swap3A_752] {strides = array<i32>} : memref<64x64xf32, #tpu.memory_space<vmem>>, vector<16xf32>,
      tpu.vector_store %arg7[%swap3A_751, %swap3A_752], %get3A_744 {strides = array<i32>} : memref<64x64xf32, #tpu.memory_space<vmem>>, vector<16xf32>,
      %and3A_754 = arith.constant 7 : i32
      %and3A_755 = arith.andi %squeeze3A_732, %and3A_754 : i32
      %get3A_756 = arith.index_cast %add3A_738 : i32 to index
      %get3A_757 = arith.index_cast %and3A_755 : i32 to index
      %get3A_758 = arith.constant 16 : index
      %get3A_759 = tpu.vector_load %arg6[%get3A_756, %get3A_757, %get3A_758] {strides = array<i32>} : memref<64x8x64xf32, #tpu.memory_space<vmem>>, vector<16xf32>,
      %and3A_760 = arith.constant 1 : i32
      %and3A_761 = arith.andi %scan3A_616, %and3A_760 : i32
      %mul3A_762 = arith.constant 32 : i32
      %mul3A_763 = arith.muli %and3A_761, %mul3A_762 : i32
      %add3A_764 = arith.constant 1 : i32
      %add3A_765 = arith.addi %mul3A_763, %add3A_764 : i32
      %swap3A_766 = arith.index_cast %add3A_765 : i32 to index
      %swap3A_767 = arith.constant 16 : index
      %swap3A_768 = tpu.vector_load %arg7[%swap3A_766, %swap3A_767] {strides = array<i32>} : memref<64x64xf32, #tpu.memory_space<vmem>>, vector<16xf32>,
      tpu.vector_store %arg7[%swap3A_766, %swap3A_767], %get3A_759 {strides = array<i32>} : memref<64x64xf32, #tpu.memory_space<vmem>>, vector<16xf32>,
      %and3A_769 = arith.constant 7 : i32
      %and3A_770 = arith.andi %squeeze3A_732, %and3A_769 : i32
      %get3A_771 = arith.index_cast %add3A_738 : i32 to index
      %get3A_772 = arith.index_cast %and3A_770 : i32 to index
      %get3A_773 = arith.constant 32 : index
      %get3A_774 = tpu.vector_load %arg6[%get3A_771, %get3A_772, %get3A_773] {strides = array<i32>} : memref<64x8x64xf32, #tpu.memory_space<vmem>>, vector<16xf32>,
      %and3A_775 = arith.constant 1 : i32
      %and3A_776 = arith.andi %scan3A_616, %and3A_775 : i32
      %mul3A_777 = arith.constant 32 : i32
      %mul3A_778 = arith.muli %and3A_776, %mul3A_777 : i32
      %add3A_779 = arith.constant 1 : i32
      %add3A_780 = arith.addi %mul3A_778, %add3A_779 : i32
      %swap3A_781 = arith.index_cast %add3A_780 : i32 to index
      %swap3A_782 = arith.constant 32 : index
      %swap3A_783 = tpu.vector_load %arg7[%swap3A_781, %swap3A_782] {strides = array<i32>} : memref<64x64xf32, #tpu.memory_space<vmem>>, vector<16xf32>,
      tpu.vector_store %arg7[%swap3A_781, %swap3A_782], %get3A_774 {strides = array<i32>} : memref<64x64xf32, #tpu.memory_space<vmem>>, vector<16xf32>,
      %and3A_784 = arith.constant 7 : i32
      %and3A_785 = arith.andi %squeeze3A_732, %and3A_784 : i32
      %get3A_786 = arith.index_cast %add3A_738 : i32 to index
      %get3A_787 = arith.index_cast %and3A_785 : i32 to index
      %get3A_788 = arith.constant 48 : index
      %get3A_789 = tpu.vector_load %arg6[%get3A_786, %get3A_787, %get3A_788] {strides = array<i32>} : memref<64x8x64xf32, #tpu.memory_space<vmem>>, vector<16xf32>,
      %and3A_790 = arith.constant 1 : i32
      %and3A_791 = arith.andi %scan3A_616, %and3A_790 : i32
      %mul3A_792 = arith.constant 32 : i32
      %mul3A_793 = arith.muli %and3A_791, %mul3A_792 : i32
      %add3A_794 = arith.constant 1 : i32
      %add3A_795 = arith.addi %mul3A_793, %add3A_794 : i32
      %swap3A_796 = arith.index_cast %add3A_795 : i32 to index
      %swap3A_797 = arith.constant 48 : index
      %swap3A_798 = tpu.vector_load %arg7[%swap3A_796, %swap3A_797] {strides = array<i32>} : memref<64x64xf32, #tpu.memory_space<vmem>>, vector<16xf32>,
      tpu.vector_store %arg7[%swap3A_796, %swap3A_797], %get3A_789 {strides = array<i32>} : memref<64x64xf32, #tpu.memory_space<vmem>>, vector<16xf32>,
      %slice3A_799 = vector.extract_strided_slice %get3A_652 {offsets = [2], sizes = [1], strides = [1]} : vector<16xi32> to vector<1xi32>
      %squeeze3A_800 = vector.extract %slice3A_799[0] : i32 from vector<1xi32>
      %and3A_801 = arith.constant 1 : i32
      %and3A_802 = arith.andi %scan3A_616, %and3A_801 : i32
      %mul3A_803 = arith.constant 32 : i32
      %mul3A_804 = arith.muli %and3A_802, %mul3A_803 : i32
      %add3A_805 = arith.constant 2 : i32
      %add3A_806 = arith.addi %mul3A_804, %add3A_805 : i32
      %and3A_807 = arith.constant 7 : i32
      %and3A_808 = arith.andi %squeeze3A_800, %and3A_807 : i32
      %get3A_809 = arith.index_cast %add3A_806 : i32 to index
      %get3A_810 = arith.index_cast %and3A_808 : i32 to index
      %get3A_811 = arith.constant 0 : index
      %get3A_812 = tpu.vector_load %arg6[%get3A_809, %get3A_810, %get3A_811] {strides = array<i32>} : memref<64x8x64xf32, #tpu.memory_space<vmem>>, vector<16xf32>,
      %and3A_813 = arith.constant 1 : i32
      %and3A_814 = arith.andi %scan3A_616, %and3A_813 : i32
      %mul3A_815 = arith.constant 32 : i32
      %mul3A_816 = arith.muli %and3A_814, %mul3A_815 : i32
      %add3A_817 = arith.constant 2 : i32
      %add3A_818 = arith.addi %mul3A_816, %add3A_817 : i32
      %swap3A_819 = arith.index_cast %add3A_818 : i32 to index
      %swap3A_820 = arith.constant 0 : index
      %swap3A_821 = tpu.vector_load %arg7[%swap3A_819, %swap3A_820] {strides = array<i32>} : memref<64x64xf32, #tpu.memory_space<vmem>>, vector<16xf32>,
      tpu.vector_store %arg7[%swap3A_819, %swap3A_820], %get3A_812 {strides = array<i32>} : memref<64x64xf32, #tpu.memory_space<vmem>>, vector<16xf32>,
      %and3A_822 = arith.constant 7 : i32
      %and3A_823 = arith.andi %squeeze3A_800, %and3A_822 : i32
      %get3A_824 = arith.index_cast %add3A_806 : i32 to index
      %get3A_825 = arith.index_cast %and3A_823 : i32 to index
      %get3A_826 = arith.constant 16 : index
      %get3A_827 = tpu.vector_load %arg6[%get3A_824, %get3A_825, %get3A_826] {strides = array<i32>} : memref<64x8x64xf32, #tpu.memory_space<vmem>>, vector<16xf32>,
      %and3A_828 = arith.constant 1 : i32
      %and3A_829 = arith.andi %scan3A_616, %and3A_828 : i32
      %mul3A_830 = arith.constant 32 : i32
      %mul3A_831 = arith.muli %and3A_829, %mul3A_830 : i32
      %add3A_832 = arith.constant 2 : i32
      %add3A_833 = arith.addi %mul3A_831, %add3A_832 : i32
      %swap3A_834 = arith.index_cast %add3A_833 : i32 to index
      %swap3A_835 = arith.constant 16 : index
      %swap3A_836 = tpu.vector_load %arg7[%swap3A_834, %swap3A_835] {strides = array<i32>} : memref<64x64xf32, #tpu.memory_space<vmem>>, vector<16xf32>,
      tpu.vector_store %arg7[%swap3A_834, %swap3A_835], %get3A_827 {strides = array<i32>} : memref<64x64xf32, #tpu.memory_space<vmem>>, vector<16xf32>,
      %and3A_837 = arith.constant 7 : i32
      %and3A_838 = arith.andi %squeeze3A_800, %and3A_837 : i32
      %get3A_839 = arith.index_cast %add3A_806 : i32 to index
      %get3A_840 = arith.index_cast %and3A_838 : i32 to index
      %get3A_841 = arith.constant 32 : index
      %get3A_842 = tpu.vector_load %arg6[%get3A_839, %get3A_840, %get3A_841] {strides = array<i32>} : memref<64x8x64xf32, #tpu.memory_space<vmem>>, vector<16xf32>,
      %and3A_843 = arith.constant 1 : i32
      %and3A_844 = arith.andi %scan3A_616, %and3A_843 : i32
      %mul3A_845 = arith.constant 32 : i32
      %mul3A_846 = arith.muli %and3A_844, %mul3A_845 : i32
      %add3A_847 = arith.constant 2 : i32
      %add3A_848 = arith.addi %mul3A_846, %add3A_847 : i32
      %swap3A_849 = arith.index_cast %add3A_848 : i32 to index
      %swap3A_850 = arith.constant 32 : index
      %swap3A_851 = tpu.vector_load %arg7[%swap3A_849, %swap3A_850] {strides = array<i32>} : memref<64x64xf32, #tpu.memory_space<vmem>>, vector<16xf32>,
      tpu.vector_store %arg7[%swap3A_849, %swap3A_850], %get3A_842 {strides = array<i32>} : memref<64x64xf32, #tpu.memory_space<vmem>>, vector<16xf32>,
      %and3A_852 = arith.constant 7 : i32
      %and3A_853 = arith.andi %squeeze3A_800, %and3A_852 : i32
      %get3A_854 = arith.index_cast %add3A_806 : i32 to index
      %get3A_855 = arith.index_cast %and3A_853 : i32 to index
      %get3A_856 = arith.constant 48 : index
      %get3A_857 = tpu.vector_load %arg6[%get3A_854, %get3A_855, %get3A_856] {strides = array<i32>} : memref<64x8x64xf32, #tpu.memory_space<vmem>>, vector<16xf32>,
      %and3A_858 = arith.constant 1 : i32
      %and3A_859 = arith.andi %scan3A_616, %and3A_858 : i32
      %mul3A_860 = arith.constant 32 : i32
      %mul3A_861 = arith.muli %and3A_859, %mul3A_860 : i32
      %add3A_862 = arith.constant 2 : i32
      %add3A_863 = arith.addi %mul3A_861, %add3A_862 : i32
      %swap3A_864 = arith.index_cast %add3A_863 : i32 to index
      %swap3A_865 = arith.constant 48 : index
      %swap3A_866 = tpu.vector_load %arg7[%swap3A_864, %swap3A_865] {strides = array<i32>} : memref<64x64xf32, #tpu.memory_space<vmem>>, vector<16xf32>,
      tpu.vector_store %arg7[%swap3A_864, %swap3A_865], %get3A_857 {strides = array<i32>} : memref<64x64xf32, #tpu.memory_space<vmem>>, vector<16xf32>,
      %slice3A_867 = vector.extract_strided_slice %get3A_652 {offsets = [3], sizes = [1], strides = [1]} : vector<16xi32> to vector<1xi32>
      %squeeze3A_868 = vector.extract %slice3A_867[0] : i32 from vector<1xi32>
      %and3A_869 = arith.constant 1 : i32
      %and3A_870 = arith.andi %scan3A_616, %and3A_869 : i32
      %mul3A_871 = arith.constant 32 : i32
      %mul3A_872 = arith.muli %and3A_870, %mul3A_871 : i32
      %add3A_873 = arith.constant 3 : i32
      %add3A_874 = arith.addi %mul3A_872, %add3A_873 : i32
      %and3A_875 = arith.constant 7 : i32
      %and3A_876 = arith.andi %squeeze3A_868, %and3A_875 : i32
      %get3A_877 = arith.index_cast %add3A_874 : i32 to index
      %get3A_878 = arith.index_cast %and3A_876 : i32 to index
      %get3A_879 = arith.constant 0 : index
      %get3A_880 = tpu.vector_load %arg6[%get3A_877, %get3A_878, %get3A_879] {strides = array<i32>} : memref<64x8x64xf32, #tpu.memory_space<vmem>>, vector<16xf32>,
      %and3A_881 = arith.constant 1 : i32
      %and3A_882 = arith.andi %scan3A_616, %and3A_881 : i32
      %mul3A_883 = arith.constant 32 : i32
      %mul3A_884 = arith.muli %and3A_882, %mul3A_883 : i32
      %add3A_885 = arith.constant 3 : i32
      %add3A_886 = arith.addi %mul3A_884, %add3A_885 : i32
      %swap3A_887 = arith.index_cast %add3A_886 : i32 to index
      %swap3A_888 = arith.constant 0 : index
      %swap3A_889 = tpu.vector_load %arg7[%swap3A_887, %swap3A_888] {strides = array<i32>} : memref<64x64xf32, #tpu.memory_space<vmem>>, vector<16xf32>,
      tpu.vector_store %arg7[%swap3A_887, %swap3A_888], %get3A_880 {strides = array<i32>} : memref<64x64xf32, #tpu.memory_space<vmem>>, vector<16xf32>,
      %and3A_890 = arith.constant 7 : i32
      %and3A_891 = arith.andi %squeeze3A_868, %and3A_890 : i32
      %get3A_892 = arith.index_cast %add3A_874 : i32 to index
      %get3A_893 = arith.index_cast %and3A_891 : i32 to index
      %get3A_894 = arith.constant 16 : index
      %get3A_895 = tpu.vector_load %arg6[%get3A_892, %get3A_893, %get3A_894] {strides = array<i32>} : memref<64x8x64xf32, #tpu.memory_space<vmem>>, vector<16xf32>,
      %and3A_896 = arith.constant 1 : i32
      %and3A_897 = arith.andi %scan3A_616, %and3A_896 : i32
      %mul3A_898 = arith.constant 32 : i32
      %mul3A_899 = arith.muli %and3A_897, %mul3A_898 : i32
      %add3A_900 = arith.constant 3 : i32
      %add3A_901 = arith.addi %mul3A_899, %add3A_900 : i32
      %swap3A_902 = arith.index_cast %add3A_901 : i32 to index
      %swap3A_903 = arith.constant 16 : index
      %swap3A_904 = tpu.vector_load %arg7[%swap3A_902, %swap3A_903] {strides = array<i32>} : memref<64x64xf32, #tpu.memory_space<vmem>>, vector<16xf32>,
      tpu.vector_store %arg7[%swap3A_902, %swap3A_903], %get3A_895 {strides = array<i32>} : memref<64x64xf32, #tpu.memory_space<vmem>>, vector<16xf32>,
      %and3A_905 = arith.constant 7 : i32
      %and3A_906 = arith.andi %squeeze3A_868, %and3A_905 : i32
      %get3A_907 = arith.index_cast %add3A_874 : i32 to index
      %get3A_908 = arith.index_cast %and3A_906 : i32 to index
      %get3A_909 = arith.constant 32 : index
      %get3A_910 = tpu.vector_load %arg6[%get3A_907, %get3A_908, %get3A_909] {strides = array<i32>} : memref<64x8x64xf32, #tpu.memory_space<vmem>>, vector<16xf32>,
      %and3A_911 = arith.constant 1 : i32
      %and3A_912 = arith.andi %scan3A_616, %and3A_911 : i32
      %mul3A_913 = arith.constant 32 : i32
      %mul3A_914 = arith.muli %and3A_912, %mul3A_913 : i32
      %add3A_915 = arith.constant 3 : i32
      %add3A_916 = arith.addi %mul3A_914, %add3A_915 : i32
      %swap3A_917 = arith.index_cast %add3A_916 : i32 to index
      %swap3A_918 = arith.constant 32 : index
      %swap3A_919 = tpu.vector_load %arg7[%swap3A_917, %swap3A_918] {strides = array<i32>} : memref<64x64xf32, #tpu.memory_space<vmem>>, vector<16xf32>,
      tpu.vector_store %arg7[%swap3A_917, %swap3A_918], %get3A_910 {strides = array<i32>} : memref<64x64xf32, #tpu.memory_space<vmem>>, vector<16xf32>,
      %and3A_920 = arith.constant 7 : i32
      %and3A_921 = arith.andi %squeeze3A_868, %and3A_920 : i32
      %get3A_922 = arith.index_cast %add3A_874 : i32 to index
      %get3A_923 = arith.index_cast %and3A_921 : i32 to index
      %get3A_924 = arith.constant 48 : index
      %get3A_925 = tpu.vector_load %arg6[%get3A_922, %get3A_923, %get3A_924] {strides = array<i32>} : memref<64x8x64xf32, #tpu.memory_space<vmem>>, vector<16xf32>,
      %and3A_926 = arith.constant 1 : i32
      %and3A_927 = arith.andi %scan3A_616, %and3A_926 : i32
      %mul3A_928 = arith.constant 32 : i32
      %mul3A_929 = arith.muli %and3A_927, %mul3A_928 : i32
      %add3A_930 = arith.constant 3 : i32
      %add3A_931 = arith.addi %mul3A_929, %add3A_930 : i32
      %swap3A_932 = arith.index_cast %add3A_931 : i32 to index
      %swap3A_933 = arith.constant 48 : index
      %swap3A_934 = tpu.vector_load %arg7[%swap3A_932, %swap3A_933] {strides = array<i32>} : memref<64x64xf32, #tpu.memory_space<vmem>>, vector<16xf32>,
      tpu.vector_store %arg7[%swap3A_932, %swap3A_933], %get3A_925 {strides = array<i32>} : memref<64x64xf32, #tpu.memory_space<vmem>>, vector<16xf32>,
      %slice3A_935 = vector.extract_strided_slice %get3A_652 {offsets = [4], sizes = [1], strides = [1]} : vector<16xi32> to vector<1xi32>
      %squeeze3A_936 = vector.extract %slice3A_935[0] : i32 from vector<1xi32>
      %and3A_937 = arith.constant 1 : i32
      %and3A_938 = arith.andi %scan3A_616, %and3A_937 : i32
      %mul3A_939 = arith.constant 32 : i32
      %mul3A_940 = arith.muli %and3A_938, %mul3A_939 : i32
      %add3A_941 = arith.constant 4 : i32
      %add3A_942 = arith.addi %mul3A_940, %add3A_941 : i32
      %and3A_943 = arith.constant 7 : i32
      %and3A_944 = arith.andi %squeeze3A_936, %and3A_943 : i32
      %get3A_945 = arith.index_cast %add3A_942 : i32 to index
      %get3A_946 = arith.index_cast %and3A_944 : i32 to index
      %get3A_947 = arith.constant 0 : index
      %get3A_948 = tpu.vector_load %arg6[%get3A_945, %get3A_946, %get3A_947] {strides = array<i32>} : memref<64x8x64xf32, #tpu.memory_space<vmem>>, vector<16xf32>,
      %and3A_949 = arith.constant 1 : i32
      %and3A_950 = arith.andi %scan3A_616, %and3A_949 : i32
      %mul3A_951 = arith.constant 32 : i32
      %mul3A_952 = arith.muli %and3A_950, %mul3A_951 : i32
      %add3A_953 = arith.constant 4 : i32
      %add3A_954 = arith.addi %mul3A_952, %add3A_953 : i32
      %swap3A_955 = arith.index_cast %add3A_954 : i32 to index
      %swap3A_956 = arith.constant 0 : index
      %swap3A_957 = tpu.vector_load %arg7[%swap3A_955, %swap3A_956] {strides = array<i32>} : memref<64x64xf32, #tpu.memory_space<vmem>>, vector<16xf32>,
      tpu.vector_store %arg7[%swap3A_955, %swap3A_956], %get3A_948 {strides = array<i32>} : memref<64x64xf32, #tpu.memory_space<vmem>>, vector<16xf32>,
      %and3A_958 = arith.constant 7 : i32
      %and3A_959 = arith.andi %squeeze3A_936, %and3A_958 : i32
      %get3A_960 = arith.index_cast %add3A_942 : i32 to index
      %get3A_961 = arith.index_cast %and3A_959 : i32 to index
      %get3A_962 = arith.constant 16 : index
      %get3A_963 = tpu.vector_load %arg6[%get3A_960, %get3A_961, %get3A_962] {strides = array<i32>} : memref<64x8x64xf32, #tpu.memory_space<vmem>>, vector<16xf32>,
      %and3A_964 = arith.constant 1 : i32
      %and3A_965 = arith.andi %scan3A_616, %and3A_964 : i32
      %mul3A_966 = arith.constant 32 : i32
      %mul3A_967 = arith.muli %and3A_965, %mul3A_966 : i32
      %add3A_968 = arith.constant 4 : i32
      %add3A_969 = arith.addi %mul3A_967, %add3A_968 : i32
      %swap3A_970 = arith.index_cast %add3A_969 : i32 to index
      %swap3A_971 = arith.constant 16 : index
      %swap3A_972 = tpu.vector_load %arg7[%swap3A_970, %swap3A_971] {strides = array<i32>} : memref<64x64xf32, #tpu.memory_space<vmem>>, vector<16xf32>,
      tpu.vector_store %arg7[%swap3A_970, %swap3A_971], %get3A_963 {strides = array<i32>} : memref<64x64xf32, #tpu.memory_space<vmem>>, vector<16xf32>,
      %and3A_973 = arith.constant 7 : i32
      %and3A_974 = arith.andi %squeeze3A_936, %and3A_973 : i32
      %get3A_975 = arith.index_cast %add3A_942 : i32 to index
      %get3A_976 = arith.index_cast %and3A_974 : i32 to index
      %get3A_977 = arith.constant 32 : index
      %get3A_978 = tpu.vector_load %arg6[%get3A_975, %get3A_976, %get3A_977] {strides = array<i32>} : memref<64x8x64xf32, #tpu.memory_space<vmem>>, vector<16xf32>,
      %and3A_979 = arith.constant 1 : i32
      %and3A_980 = arith.andi %scan3A_616, %and3A_979 : i32
      %mul3A_981 = arith.constant 32 : i32
      %mul3A_982 = arith.muli %and3A_980, %mul3A_981 : i32
      %add3A_983 = arith.constant 4 : i32
      %add3A_984 = arith.addi %mul3A_982, %add3A_983 : i32
      %swap3A_985 = arith.index_cast %add3A_984 : i32 to index
      %swap3A_986 = arith.constant 32 : index
      %swap3A_987 = tpu.vector_load %arg7[%swap3A_985, %swap3A_986] {strides = array<i32>} : memref<64x64xf32, #tpu.memory_space<vmem>>, vector<16xf32>,
      tpu.vector_store %arg7[%swap3A_985, %swap3A_986], %get3A_978 {strides = array<i32>} : memref<64x64xf32, #tpu.memory_space<vmem>>, vector<16xf32>,
      %and3A_988 = arith.constant 7 : i32
      %and3A_989 = arith.andi %squeeze3A_936, %and3A_988 : i32
      %get3A_990 = arith.index_cast %add3A_942 : i32 to index
      %get3A_991 = arith.index_cast %and3A_989 : i32 to index
      %get3A_992 = arith.constant 48 : index
      %get3A_993 = tpu.vector_load %arg6[%get3A_990, %get3A_991, %get3A_992] {strides = array<i32>} : memref<64x8x64xf32, #tpu.memory_space<vmem>>, vector<16xf32>,
      %and3A_994 = arith.constant 1 : i32
      %and3A_995 = arith.andi %scan3A_616, %and3A_994 : i32
      %mul3A_996 = arith.constant 32 : i32
      %mul3A_997 = arith.muli %and3A_995, %mul3A_996 : i32
      %add3A_998 = arith.constant 4 : i32
      %add3A_999 = arith.addi %mul3A_997, %add3A_998 : i32
      %swap3A_1000 = arith.index_cast %add3A_999 : i32 to index
      %swap3A_1001 = arith.constant 48 : index
      %swap3A_1002 = tpu.vector_load %arg7[%swap3A_1000, %swap3A_1001] {strides = array<i32>} : memref<64x64xf32, #tpu.memory_space<vmem>>, vector<16xf32>,
      tpu.vector_store %arg7[%swap3A_1000, %swap3A_1001], %get3A_993 {strides = array<i32>} : memref<64x64xf32, #tpu.memory_space<vmem>>, vector<16xf32>,
      %slice3A_1003 = vector.extract_strided_slice %get3A_652 {offsets = [5], sizes = [1], strides = [1]} : vector<16xi32> to vector<1xi32>
      %squeeze3A_1004 = vector.extract %slice3A_1003[0] : i32 from vector<1xi32>
      %and3A_1005 = arith.constant 1 : i32
      %and3A_1006 = arith.andi %scan3A_616, %and3A_1005 : i32
      %mul3A_1007 = arith.constant 32 : i32
      %mul3A_1008 = arith.muli %and3A_1006, %mul3A_1007 : i32
      %add3A_1009 = arith.constant 5 : i32
      %add3A_1010 = arith.addi %mul3A_1008, %add3A_1009 : i32
      %and3A_1011 = arith.constant 7 : i32
      %and3A_1012 = arith.andi %squeeze3A_1004, %and3A_1011 : i32
      %get3A_1013 = arith.index_cast %add3A_1010 : i32 to index
      %get3A_1014 = arith.index_cast %and3A_1012 : i32 to index
      %get3A_1015 = arith.constant 0 : index
      %get3A_1016 = tpu.vector_load %arg6[%get3A_1013, %get3A_1014, %get3A_1015] {strides = array<i32>} : memref<64x8x64xf32, #tpu.memory_space<vmem>>, vector<16xf32>,
      %and3A_1017 = arith.constant 1 : i32
      %and3A_1018 = arith.andi %scan3A_616, %and3A_1017 : i32
      %mul3A_1019 = arith.constant 32 : i32
      %mul3A_1020 = arith.muli %and3A_1018, %mul3A_1019 : i32
      %add3A_1021 = arith.constant 5 : i32
      %add3A_1022 = arith.addi %mul3A_1020, %add3A_1021 : i32
      %swap3A_1023 = arith.index_cast %add3A_1022 : i32 to index
      %swap3A_1024 = arith.constant 0 : index
      %swap3A_1025 = tpu.vector_load %arg7[%swap3A_1023, %swap3A_1024] {strides = array<i32>} : memref<64x64xf32, #tpu.memory_space<vmem>>, vector<16xf32>,
      tpu.vector_store %arg7[%swap3A_1023, %swap3A_1024], %get3A_1016 {strides = array<i32>} : memref<64x64xf32, #tpu.memory_space<vmem>>, vector<16xf32>,
      %and3A_1026 = arith.constant 7 : i32
      %and3A_1027 = arith.andi %squeeze3A_1004, %and3A_1026 : i32
      %get3A_1028 = arith.index_cast %add3A_1010 : i32 to index
      %get3A_1029 = arith.index_cast %and3A_1027 : i32 to index
      %get3A_1030 = arith.constant 16 : index
      %get3A_1031 = tpu.vector_load %arg6[%get3A_1028, %get3A_1029, %get3A_1030] {strides = array<i32>} : memref<64x8x64xf32, #tpu.memory_space<vmem>>, vector<16xf32>,
      %and3A_1032 = arith.constant 1 : i32
      %and3A_1033 = arith.andi %scan3A_616, %and3A_1032 : i32
      %mul3A_1034 = arith.constant 32 : i32
      %mul3A_1035 = arith.muli %and3A_1033, %mul3A_1034 : i32
      %add3A_1036 = arith.constant 5 : i32
      %add3A_1037 = arith.addi %mul3A_1035, %add3A_1036 : i32
      %swap3A_1038 = arith.index_cast %add3A_1037 : i32 to index
      %swap3A_1039 = arith.constant 16 : index
      %swap3A_1040 = tpu.vector_load %arg7[%swap3A_1038, %swap3A_1039] {strides = array<i32>} : memref<64x64xf32, #tpu.memory_space<vmem>>, vector<16xf32>,
      tpu.vector_store %arg7[%swap3A_1038, %swap3A_1039], %get3A_1031 {strides = array<i32>} : memref<64x64xf32, #tpu.memory_space<vmem>>, vector<16xf32>,
      %and3A_1041 = arith.constant 7 : i32
      %and3A_1042 = arith.andi %squeeze3A_1004, %and3A_1041 : i32
      %get3A_1043 = arith.index_cast %add3A_1010 : i32 to index
      %get3A_1044 = arith.index_cast %and3A_1042 : i32 to index
      %get3A_1045 = arith.constant 32 : index
      %get3A_1046 = tpu.vector_load %arg6[%get3A_1043, %get3A_1044, %get3A_1045] {strides = array<i32>} : memref<64x8x64xf32, #tpu.memory_space<vmem>>, vector<16xf32>,
      %and3A_1047 = arith.constant 1 : i32
      %and3A_1048 = arith.andi %scan3A_616, %and3A_1047 : i32
      %mul3A_1049 = arith.constant 32 : i32
      %mul3A_1050 = arith.muli %and3A_1048, %mul3A_1049 : i32
      %add3A_1051 = arith.constant 5 : i32
      %add3A_1052 = arith.addi %mul3A_1050, %add3A_1051 : i32
      %swap3A_1053 = arith.index_cast %add3A_1052 : i32 to index
      %swap3A_1054 = arith.constant 32 : index
      %swap3A_1055 = tpu.vector_load %arg7[%swap3A_1053, %swap3A_1054] {strides = array<i32>} : memref<64x64xf32, #tpu.memory_space<vmem>>, vector<16xf32>,
      tpu.vector_store %arg7[%swap3A_1053, %swap3A_1054], %get3A_1046 {strides = array<i32>} : memref<64x64xf32, #tpu.memory_space<vmem>>, vector<16xf32>,
      %and3A_1056 = arith.constant 7 : i32
      %and3A_1057 = arith.andi %squeeze3A_1004, %and3A_1056 : i32
      %get3A_1058 = arith.index_cast %add3A_1010 : i32 to index
      %get3A_1059 = arith.index_cast %and3A_1057 : i32 to index
      %get3A_1060 = arith.constant 48 : index
      %get3A_1061 = tpu.vector_load %arg6[%get3A_1058, %get3A_1059, %get3A_1060] {strides = array<i32>} : memref<64x8x64xf32, #tpu.memory_space<vmem>>, vector<16xf32>,
      %and3A_1062 = arith.constant 1 : i32
      %and3A_1063 = arith.andi %scan3A_616, %and3A_1062 : i32
      %mul3A_1064 = arith.constant 32 : i32
      %mul3A_1065 = arith.muli %and3A_1063, %mul3A_1064 : i32
      %add3A_1066 = arith.constant 5 : i32
      %add3A_1067 = arith.addi %mul3A_1065, %add3A_1066 : i32
      %swap3A_1068 = arith.index_cast %add3A_1067 : i32 to index
      %swap3A_1069 = arith.constant 48 : index
      %swap3A_1070 = tpu.vector_load %arg7[%swap3A_1068, %swap3A_1069] {strides = array<i32>} : memref<64x64xf32, #tpu.memory_space<vmem>>, vector<16xf32>,
      tpu.vector_store %arg7[%swap3A_1068, %swap3A_1069], %get3A_1061 {strides = array<i32>} : memref<64x64xf32, #tpu.memory_space<vmem>>, vector<16xf32>,
      %slice3A_1071 = vector.extract_strided_slice %get3A_652 {offsets = [6], sizes = [1], strides = [1]} : vector<16xi32> to vector<1xi32>
      %squeeze3A_1072 = vector.extract %slice3A_1071[0] : i32 from vector<1xi32>
      %and3A_1073 = arith.constant 1 : i32
      %and3A_1074 = arith.andi %scan3A_616, %and3A_1073 : i32
      %mul3A_1075 = arith.constant 32 : i32
      %mul3A_1076 = arith.muli %and3A_1074, %mul3A_1075 : i32
      %add3A_1077 = arith.constant 6 : i32
      %add3A_1078 = arith.addi %mul3A_1076, %add3A_1077 : i32
      %and3A_1079 = arith.constant 7 : i32
      %and3A_1080 = arith.andi %squeeze3A_1072, %and3A_1079 : i32
      %get3A_1081 = arith.index_cast %add3A_1078 : i32 to index
      %get3A_1082 = arith.index_cast %and3A_1080 : i32 to index
      %get3A_1083 = arith.constant 0 : index
      %get3A_1084 = tpu.vector_load %arg6[%get3A_1081, %get3A_1082, %get3A_1083] {strides = array<i32>} : memref<64x8x64xf32, #tpu.memory_space<vmem>>, vector<16xf32>,
      %and3A_1085 = arith.constant 1 : i32
      %and3A_1086 = arith.andi %scan3A_616, %and3A_1085 : i32
      %mul3A_1087 = arith.constant 32 : i32
      %mul3A_1088 = arith.muli %and3A_1086, %mul3A_1087 : i32
      %add3A_1089 = arith.constant 6 : i32
      %add3A_1090 = arith.addi %mul3A_1088, %add3A_1089 : i32
      %swap3A_1091 = arith.index_cast %add3A_1090 : i32 to index
      %swap3A_1092 = arith.constant 0 : index
      %swap3A_1093 = tpu.vector_load %arg7[%swap3A_1091, %swap3A_1092] {strides = array<i32>} : memref<64x64xf32, #tpu.memory_space<vmem>>, vector<16xf32>,
      tpu.vector_store %arg7[%swap3A_1091, %swap3A_1092], %get3A_1084 {strides = array<i32>} : memref<64x64xf32, #tpu.memory_space<vmem>>, vector<16xf32>,
      %and3A_1094 = arith.constant 7 : i32
      %and3A_1095 = arith.andi %squeeze3A_1072, %and3A_1094 : i32
      %get3A_1096 = arith.index_cast %add3A_1078 : i32 to index
      %get3A_1097 = arith.index_cast %and3A_1095 : i32 to index
      %get3A_1098 = arith.constant 16 : index
      %get3A_1099 = tpu.vector_load %arg6[%get3A_1096, %get3A_1097, %get3A_1098] {strides = array<i32>} : memref<64x8x64xf32, #tpu.memory_space<vmem>>, vector<16xf32>,
      %and3A_1100 = arith.constant 1 : i32
      %and3A_1101 = arith.andi %scan3A_616, %and3A_1100 : i32
      %mul3A_1102 = arith.constant 32 : i32
      %mul3A_1103 = arith.muli %and3A_1101, %mul3A_1102 : i32
      %add3A_1104 = arith.constant 6 : i32
      %add3A_1105 = arith.addi %mul3A_1103, %add3A_1104 : i32
      %swap3A_1106 = arith.index_cast %add3A_1105 : i32 to index
      %swap3A_1107 = arith.constant 16 : index
      %swap3A_1108 = tpu.vector_load %arg7[%swap3A_1106, %swap3A_1107] {strides = array<i32>} : memref<64x64xf32, #tpu.memory_space<vmem>>, vector<16xf32>,
      tpu.vector_store %arg7[%swap3A_1106, %swap3A_1107], %get3A_1099 {strides = array<i32>} : memref<64x64xf32, #tpu.memory_space<vmem>>, vector<16xf32>,
      %and3A_1109 = arith.constant 7 : i32
      %and3A_1110 = arith.andi %squeeze3A_1072, %and3A_1109 : i32
      %get3A_1111 = arith.index_cast %add3A_1078 : i32 to index
      %get3A_1112 = arith.index_cast %and3A_1110 : i32 to index
      %get3A_1113 = arith.constant 32 : index
      %get3A_1114 = tpu.vector_load %arg6[%get3A_1111, %get3A_1112, %get3A_1113] {strides = array<i32>} : memref<64x8x64xf32, #tpu.memory_space<vmem>>, vector<16xf32>,
      %and3A_1115 = arith.constant 1 : i32
      %and3A_1116 = arith.andi %scan3A_616, %and3A_1115 : i32
      %mul3A_1117 = arith.constant 32 : i32
      %mul3A_1118 = arith.muli %and3A_1116, %mul3A_1117 : i32
      %add3A_1119 = arith.constant 6 : i32
      %add3A_1120 = arith.addi %mul3A_1118, %add3A_1119 : i32
      %swap3A_1121 = arith.index_cast %add3A_1120 : i32 to index
      %swap3A_1122 = arith.constant 32 : index
      %swap3A_1123 = tpu.vector_load %arg7[%swap3A_1121, %swap3A_1122] {strides = array<i32>} : memref<64x64xf32, #tpu.memory_space<vmem>>, vector<16xf32>,
      tpu.vector_store %arg7[%swap3A_1121, %swap3A_1122], %get3A_1114 {strides = array<i32>} : memref<64x64xf32, #tpu.memory_space<vmem>>, vector<16xf32>,
      %and3A_1124 = arith.constant 7 : i32
      %and3A_1125 = arith.andi %squeeze3A_1072, %and3A_1124 : i32
      %get3A_1126 = arith.index_cast %add3A_1078 : i32 to index
      %get3A_1127 = arith.index_cast %and3A_1125 : i32 to index
      %get3A_1128 = arith.constant 48 : index
      %get3A_1129 = tpu.vector_load %arg6[%get3A_1126, %get3A_1127, %get3A_1128] {strides = array<i32>} : memref<64x8x64xf32, #tpu.memory_space<vmem>>, vector<16xf32>,
      %and3A_1130 = arith.constant 1 : i32
      %and3A_1131 = arith.andi %scan3A_616, %and3A_1130 : i32
      %mul3A_1132 = arith.constant 32 : i32
      %mul3A_1133 = arith.muli %and3A_1131, %mul3A_1132 : i32
      %add3A_1134 = arith.constant 6 : i32
      %add3A_1135 = arith.addi %mul3A_1133, %add3A_1134 : i32
      %swap3A_1136 = arith.index_cast %add3A_1135 : i32 to index
      %swap3A_1137 = arith.constant 48 : index
      %swap3A_1138 = tpu.vector_load %arg7[%swap3A_1136, %swap3A_1137] {strides = array<i32>} : memref<64x64xf32, #tpu.memory_space<vmem>>, vector<16xf32>,
      tpu.vector_store %arg7[%swap3A_1136, %swap3A_1137], %get3A_1129 {strides = array<i32>} : memref<64x64xf32, #tpu.memory_space<vmem>>, vector<16xf32>,
      %slice3A_1139 = vector.extract_strided_slice %get3A_652 {offsets = [7], sizes = [1], strides = [1]} : vector<16xi32> to vector<1xi32>
      %squeeze3A_1140 = vector.extract %slice3A_1139[0] : i32 from vector<1xi32>
      %and3A_1141 = arith.constant 1 : i32
      %and3A_1142 = arith.andi %scan3A_616, %and3A_1141 : i32
      %mul3A_1143 = arith.constant 32 : i32
      %mul3A_1144 = arith.muli %and3A_1142, %mul3A_1143 : i32
      %add3A_1145 = arith.constant 7 : i32
      %add3A_1146 = arith.addi %mul3A_1144, %add3A_1145 : i32
      %and3A_1147 = arith.constant 7 : i32
      %and3A_1148 = arith.andi %squeeze3A_1140, %and3A_1147 : i32
      %get3A_1149 = arith.index_cast %add3A_1146 : i32 to index
      %get3A_1150 = arith.index_cast %and3A_1148 : i32 to index
      %get3A_1151 = arith.constant 0 : index
      %get3A_1152 = tpu.vector_load %arg6[%get3A_1149, %get3A_1150, %get3A_1151] {strides = array<i32>} : memref<64x8x64xf32, #tpu.memory_space<vmem>>, vector<16xf32>,
      %and3A_1153 = arith.constant 1 : i32
      %and3A_1154 = arith.andi %scan3A_616, %and3A_1153 : i32
      %mul3A_1155 = arith.constant 32 : i32
      %mul3A_1156 = arith.muli %and3A_1154, %mul3A_1155 : i32
      %add3A_1157 = arith.constant 7 : i32
      %add3A_1158 = arith.addi %mul3A_1156, %add3A_1157 : i32
      %swap3A_1159 = arith.index_cast %add3A_1158 : i32 to index
      %swap3A_1160 = arith.constant 0 : index
      %swap3A_1161 = tpu.vector_load %arg7[%swap3A_1159, %swap3A_1160] {strides = array<i32>} : memref<64x64xf32, #tpu.memory_space<vmem>>, vector<16xf32>,
      tpu.vector_store %arg7[%swap3A_1159, %swap3A_1160], %get3A_1152 {strides = array<i32>} : memref<64x64xf32, #tpu.memory_space<vmem>>, vector<16xf32>,
      %and3A_1162 = arith.constant 7 : i32
      %and3A_1163 = arith.andi %squeeze3A_1140, %and3A_1162 : i32
      %get3A_1164 = arith.index_cast %add3A_1146 : i32 to index
      %get3A_1165 = arith.index_cast %and3A_1163 : i32 to index
      %get3A_1166 = arith.constant 16 : index
      %get3A_1167 = tpu.vector_load %arg6[%get3A_1164, %get3A_1165, %get3A_1166] {strides = array<i32>} : memref<64x8x64xf32, #tpu.memory_space<vmem>>, vector<16xf32>,
      %and3A_1168 = arith.constant 1 : i32
      %and3A_1169 = arith.andi %scan3A_616, %and3A_1168 : i32
      %mul3A_1170 = arith.constant 32 : i32
      %mul3A_1171 = arith.muli %and3A_1169, %mul3A_1170 : i32
      %add3A_1172 = arith.constant 7 : i32
      %add3A_1173 = arith.addi %mul3A_1171, %add3A_1172 : i32
      %swap3A_1174 = arith.index_cast %add3A_1173 : i32 to index
      %swap3A_1175 = arith.constant 16 : index
      %swap3A_1176 = tpu.vector_load %arg7[%swap3A_1174, %swap3A_1175] {strides = array<i32>} : memref<64x64xf32, #tpu.memory_space<vmem>>, vector<16xf32>,
      tpu.vector_store %arg7[%swap3A_1174, %swap3A_1175], %get3A_1167 {strides = array<i32>} : memref<64x64xf32, #tpu.memory_space<vmem>>, vector<16xf32>,
      %and3A_1177 = arith.constant 7 : i32
      %and3A_1178 = arith.andi %squeeze3A_1140, %and3A_1177 : i32
      %get3A_1179 = arith.index_cast %add3A_1146 : i32 to index
      %get3A_1180 = arith.index_cast %and3A_1178 : i32 to index
      %get3A_1181 = arith.constant 32 : index
      %get3A_1182 = tpu.vector_load %arg6[%get3A_1179, %get3A_1180, %get3A_1181] {strides = array<i32>} : memref<64x8x64xf32, #tpu.memory_space<vmem>>, vector<16xf32>,
      %and3A_1183 = arith.constant 1 : i32
      %and3A_1184 = arith.andi %scan3A_616, %and3A_1183 : i32
      %mul3A_1185 = arith.constant 32 : i32
      %mul3A_1186 = arith.muli %and3A_1184, %mul3A_1185 : i32
      %add3A_1187 = arith.constant 7 : i32
      %add3A_1188 = arith.addi %mul3A_1186, %add3A_1187 : i32
      %swap3A_1189 = arith.index_cast %add3A_1188 : i32 to index
      %swap3A_1190 = arith.constant 32 : index
      %swap3A_1191 = tpu.vector_load %arg7[%swap3A_1189, %swap3A_1190] {strides = array<i32>} : memref<64x64xf32, #tpu.memory_space<vmem>>, vector<16xf32>,
      tpu.vector_store %arg7[%swap3A_1189, %swap3A_1190], %get3A_1182 {strides = array<i32>} : memref<64x64xf32, #tpu.memory_space<vmem>>, vector<16xf32>,
      %and3A_1192 = arith.constant 7 : i32
      %and3A_1193 = arith.andi %squeeze3A_1140, %and3A_1192 : i32
      %get3A_1194 = arith.index_cast %add3A_1146 : i32 to index
      %get3A_1195 = arith.index_cast %and3A_1193 : i32 to index
      %get3A_1196 = arith.constant 48 : index
      %get3A_1197 = tpu.vector_load %arg6[%get3A_1194, %get3A_1195, %get3A_1196] {strides = array<i32>} : memref<64x8x64xf32, #tpu.memory_space<vmem>>, vector<16xf32>,
      %and3A_1198 = arith.constant 1 : i32
      %and3A_1199 = arith.andi %scan3A_616, %and3A_1198 : i32
      %mul3A_1200 = arith.constant 32 : i32
      %mul3A_1201 = arith.muli %and3A_1199, %mul3A_1200 : i32
      %add3A_1202 = arith.constant 7 : i32
      %add3A_1203 = arith.addi %mul3A_1201, %add3A_1202 : i32
      %swap3A_1204 = arith.index_cast %add3A_1203 : i32 to index
      %swap3A_1205 = arith.constant 48 : index
      %swap3A_1206 = tpu.vector_load %arg7[%swap3A_1204, %swap3A_1205] {strides = array<i32>} : memref<64x64xf32, #tpu.memory_space<vmem>>, vector<16xf32>,
      tpu.vector_store %arg7[%swap3A_1204, %swap3A_1205], %get3A_1197 {strides = array<i32>} : memref<64x64xf32, #tpu.memory_space<vmem>>, vector<16xf32>,
      %slice3A_1207 = vector.extract_strided_slice %get3A_652 {offsets = [8], sizes = [1], strides = [1]} : vector<16xi32> to vector<1xi32>
      %squeeze3A_1208 = vector.extract %slice3A_1207[0] : i32 from vector<1xi32>
      %and3A_1209 = arith.constant 1 : i32
      %and3A_1210 = arith.andi %scan3A_616, %and3A_1209 : i32
      %mul3A_1211 = arith.constant 32 : i32
      %mul3A_1212 = arith.muli %and3A_1210, %mul3A_1211 : i32
      %add3A_1213 = arith.constant 8 : i32
      %add3A_1214 = arith.addi %mul3A_1212, %add3A_1213 : i32
      %and3A_1215 = arith.constant 7 : i32
      %and3A_1216 = arith.andi %squeeze3A_1208, %and3A_1215 : i32
      %get3A_1217 = arith.index_cast %add3A_1214 : i32 to index
      %get3A_1218 = arith.index_cast %and3A_1216 : i32 to index
      %get3A_1219 = arith.constant 0 : index
      %get3A_1220 = tpu.vector_load %arg6[%get3A_1217, %get3A_1218, %get3A_1219] {strides = array<i32>} : memref<64x8x64xf32, #tpu.memory_space<vmem>>, vector<16xf32>,
      %and3A_1221 = arith.constant 1 : i32
      %and3A_1222 = arith.andi %scan3A_616, %and3A_1221 : i32
      %mul3A_1223 = arith.constant 32 : i32
      %mul3A_1224 = arith.muli %and3A_1222, %mul3A_1223 : i32
      %add3A_1225 = arith.constant 8 : i32
      %add3A_1226 = arith.addi %mul3A_1224, %add3A_1225 : i32
      %swap3A_1227 = arith.index_cast %add3A_1226 : i32 to index
      %swap3A_1228 = arith.constant 0 : index
      %swap3A_1229 = tpu.vector_load %arg7[%swap3A_1227, %swap3A_1228] {strides = array<i32>} : memref<64x64xf32, #tpu.memory_space<vmem>>, vector<16xf32>,
      tpu.vector_store %arg7[%swap3A_1227, %swap3A_1228], %get3A_1220 {strides = array<i32>} : memref<64x64xf32, #tpu.memory_space<vmem>>, vector<16xf32>,
      %and3A_1230 = arith.constant 7 : i32
      %and3A_1231 = arith.andi %squeeze3A_1208, %and3A_1230 : i32
      %get3A_1232 = arith.index_cast %add3A_1214 : i32 to index
      %get3A_1233 = arith.index_cast %and3A_1231 : i32 to index
      %get3A_1234 = arith.constant 16 : index
      %get3A_1235 = tpu.vector_load %arg6[%get3A_1232, %get3A_1233, %get3A_1234] {strides = array<i32>} : memref<64x8x64xf32, #tpu.memory_space<vmem>>, vector<16xf32>,
      %and3A_1236 = arith.constant 1 : i32
      %and3A_1237 = arith.andi %scan3A_616, %and3A_1236 : i32
      %mul3A_1238 = arith.constant 32 : i32
      %mul3A_1239 = arith.muli %and3A_1237, %mul3A_1238 : i32
      %add3A_1240 = arith.constant 8 : i32
      %add3A_1241 = arith.addi %mul3A_1239, %add3A_1240 : i32
      %swap3A_1242 = arith.index_cast %add3A_1241 : i32 to index
      %swap3A_1243 = arith.constant 16 : index
      %swap3A_1244 = tpu.vector_load %arg7[%swap3A_1242, %swap3A_1243] {strides = array<i32>} : memref<64x64xf32, #tpu.memory_space<vmem>>, vector<16xf32>,
      tpu.vector_store %arg7[%swap3A_1242, %swap3A_1243], %get3A_1235 {strides = array<i32>} : memref<64x64xf32, #tpu.memory_space<vmem>>, vector<16xf32>,
      %and3A_1245 = arith.constant 7 : i32
      %and3A_1246 = arith.andi %squeeze3A_1208, %and3A_1245 : i32
      %get3A_1247 = arith.index_cast %add3A_1214 : i32 to index
      %get3A_1248 = arith.index_cast %and3A_1246 : i32 to index
      %get3A_1249 = arith.constant 32 : index
      %get3A_1250 = tpu.vector_load %arg6[%get3A_1247, %get3A_1248, %get3A_1249] {strides = array<i32>} : memref<64x8x64xf32, #tpu.memory_space<vmem>>, vector<16xf32>,
      %and3A_1251 = arith.constant 1 : i32
      %and3A_1252 = arith.andi %scan3A_616, %and3A_1251 : i32
      %mul3A_1253 = arith.constant 32 : i32
      %mul3A_1254 = arith.muli %and3A_1252, %mul3A_1253 : i32
      %add3A_1255 = arith.constant 8 : i32
      %add3A_1256 = arith.addi %mul3A_1254, %add3A_1255 : i32
      %swap3A_1257 = arith.index_cast %add3A_1256 : i32 to index
      %swap3A_1258 = arith.constant 32 : index
      %swap3A_1259 = tpu.vector_load %arg7[%swap3A_1257, %swap3A_1258] {strides = array<i32>} : memref<64x64xf32, #tpu.memory_space<vmem>>, vector<16xf32>,
      tpu.vector_store %arg7[%swap3A_1257, %swap3A_1258], %get3A_1250 {strides = array<i32>} : memref<64x64xf32, #tpu.memory_space<vmem>>, vector<16xf32>,
      %and3A_1260 = arith.constant 7 : i32
      %and3A_1261 = arith.andi %squeeze3A_1208, %and3A_1260 : i32
      %get3A_1262 = arith.index_cast %add3A_1214 : i32 to index
      %get3A_1263 = arith.index_cast %and3A_1261 : i32 to index
      %get3A_1264 = arith.constant 48 : index
      %get3A_1265 = tpu.vector_load %arg6[%get3A_1262, %get3A_1263, %get3A_1264] {strides = array<i32>} : memref<64x8x64xf32, #tpu.memory_space<vmem>>, vector<16xf32>,
      %and3A_1266 = arith.constant 1 : i32
      %and3A_1267 = arith.andi %scan3A_616, %and3A_1266 : i32
      %mul3A_1268 = arith.constant 32 : i32
      %mul3A_1269 = arith.muli %and3A_1267, %mul3A_1268 : i32
      %add3A_1270 = arith.constant 8 : i32
      %add3A_1271 = arith.addi %mul3A_1269, %add3A_1270 : i32
      %swap3A_1272 = arith.index_cast %add3A_1271 : i32 to index
      %swap3A_1273 = arith.constant 48 : index
      %swap3A_1274 = tpu.vector_load %arg7[%swap3A_1272, %swap3A_1273] {strides = array<i32>} : memref<64x64xf32, #tpu.memory_space<vmem>>, vector<16xf32>,
      tpu.vector_store %arg7[%swap3A_1272, %swap3A_1273], %get3A_1265 {strides = array<i32>} : memref<64x64xf32, #tpu.memory_space<vmem>>, vector<16xf32>,
      %slice3A_1275 = vector.extract_strided_slice %get3A_652 {offsets = [9], sizes = [1], strides = [1]} : vector<16xi32> to vector<1xi32>
      %squeeze3A_1276 = vector.extract %slice3A_1275[0] : i32 from vector<1xi32>
      %and3A_1277 = arith.constant 1 : i32
      %and3A_1278 = arith.andi %scan3A_616, %and3A_1277 : i32
      %mul3A_1279 = arith.constant 32 : i32
      %mul3A_1280 = arith.muli %and3A_1278, %mul3A_1279 : i32
      %add3A_1281 = arith.constant 9 : i32
      %add3A_1282 = arith.addi %mul3A_1280, %add3A_1281 : i32
      %and3A_1283 = arith.constant 7 : i32
      %and3A_1284 = arith.andi %squeeze3A_1276, %and3A_1283 : i32
      %get3A_1285 = arith.index_cast %add3A_1282 : i32 to index
      %get3A_1286 = arith.index_cast %and3A_1284 : i32 to index
      %get3A_1287 = arith.constant 0 : index
      %get3A_1288 = tpu.vector_load %arg6[%get3A_1285, %get3A_1286, %get3A_1287] {strides = array<i32>} : memref<64x8x64xf32, #tpu.memory_space<vmem>>, vector<16xf32>,
      %and3A_1289 = arith.constant 1 : i32
      %and3A_1290 = arith.andi %scan3A_616, %and3A_1289 : i32
      %mul3A_1291 = arith.constant 32 : i32
      %mul3A_1292 = arith.muli %and3A_1290, %mul3A_1291 : i32
      %add3A_1293 = arith.constant 9 : i32
      %add3A_1294 = arith.addi %mul3A_1292, %add3A_1293 : i32
      %swap3A_1295 = arith.index_cast %add3A_1294 : i32 to index
      %swap3A_1296 = arith.constant 0 : index
      %swap3A_1297 = tpu.vector_load %arg7[%swap3A_1295, %swap3A_1296] {strides = array<i32>} : memref<64x64xf32, #tpu.memory_space<vmem>>, vector<16xf32>,
      tpu.vector_store %arg7[%swap3A_1295, %swap3A_1296], %get3A_1288 {strides = array<i32>} : memref<64x64xf32, #tpu.memory_space<vmem>>, vector<16xf32>,
      %and3A_1298 = arith.constant 7 : i32
      %and3A_1299 = arith.andi %squeeze3A_1276, %and3A_1298 : i32
      %get3A_1300 = arith.index_cast %add3A_1282 : i32 to index
      %get3A_1301 = arith.index_cast %and3A_1299 : i32 to index
      %get3A_1302 = arith.constant 16 : index
      %get3A_1303 = tpu.vector_load %arg6[%get3A_1300, %get3A_1301, %get3A_1302] {strides = array<i32>} : memref<64x8x64xf32, #tpu.memory_space<vmem>>, vector<16xf32>,
      %and3A_1304 = arith.constant 1 : i32
      %and3A_1305 = arith.andi %scan3A_616, %and3A_1304 : i32
      %mul3A_1306 = arith.constant 32 : i32
      %mul3A_1307 = arith.muli %and3A_1305, %mul3A_1306 : i32
      %add3A_1308 = arith.constant 9 : i32
      %add3A_1309 = arith.addi %mul3A_1307, %add3A_1308 : i32
      %swap3A_1310 = arith.index_cast %add3A_1309 : i32 to index
      %swap3A_1311 = arith.constant 16 : index
      %swap3A_1312 = tpu.vector_load %arg7[%swap3A_1310, %swap3A_1311] {strides = array<i32>} : memref<64x64xf32, #tpu.memory_space<vmem>>, vector<16xf32>,
      tpu.vector_store %arg7[%swap3A_1310, %swap3A_1311], %get3A_1303 {strides = array<i32>} : memref<64x64xf32, #tpu.memory_space<vmem>>, vector<16xf32>,
      %and3A_1313 = arith.constant 7 : i32
      %and3A_1314 = arith.andi %squeeze3A_1276, %and3A_1313 : i32
      %get3A_1315 = arith.index_cast %add3A_1282 : i32 to index
      %get3A_1316 = arith.index_cast %and3A_1314 : i32 to index
      %get3A_1317 = arith.constant 32 : index
      %get3A_1318 = tpu.vector_load %arg6[%get3A_1315, %get3A_1316, %get3A_1317] {strides = array<i32>} : memref<64x8x64xf32, #tpu.memory_space<vmem>>, vector<16xf32>,
      %and3A_1319 = arith.constant 1 : i32
      %and3A_1320 = arith.andi %scan3A_616, %and3A_1319 : i32
      %mul3A_1321 = arith.constant 32 : i32
      %mul3A_1322 = arith.muli %and3A_1320, %mul3A_1321 : i32
      %add3A_1323 = arith.constant 9 : i32
      %add3A_1324 = arith.addi %mul3A_1322, %add3A_1323 : i32
      %swap3A_1325 = arith.index_cast %add3A_1324 : i32 to index
      %swap3A_1326 = arith.constant 32 : index
      %swap3A_1327 = tpu.vector_load %arg7[%swap3A_1325, %swap3A_1326] {strides = array<i32>} : memref<64x64xf32, #tpu.memory_space<vmem>>, vector<16xf32>,
      tpu.vector_store %arg7[%swap3A_1325, %swap3A_1326], %get3A_1318 {strides = array<i32>} : memref<64x64xf32, #tpu.memory_space<vmem>>, vector<16xf32>,
      %and3A_1328 = arith.constant 7 : i32
      %and3A_1329 = arith.andi %squeeze3A_1276, %and3A_1328 : i32
      %get3A_1330 = arith.index_cast %add3A_1282 : i32 to index
      %get3A_1331 = arith.index_cast %and3A_1329 : i32 to index
      %get3A_1332 = arith.constant 48 : index
      %get3A_1333 = tpu.vector_load %arg6[%get3A_1330, %get3A_1331, %get3A_1332] {strides = array<i32>} : memref<64x8x64xf32, #tpu.memory_space<vmem>>, vector<16xf32>,
      %and3A_1334 = arith.constant 1 : i32
      %and3A_1335 = arith.andi %scan3A_616, %and3A_1334 : i32
      %mul3A_1336 = arith.constant 32 : i32
      %mul3A_1337 = arith.muli %and3A_1335, %mul3A_1336 : i32
      %add3A_1338 = arith.constant 9 : i32
      %add3A_1339 = arith.addi %mul3A_1337, %add3A_1338 : i32
      %swap3A_1340 = arith.index_cast %add3A_1339 : i32 to index
      %swap3A_1341 = arith.constant 48 : index
      %swap3A_1342 = tpu.vector_load %arg7[%swap3A_1340, %swap3A_1341] {strides = array<i32>} : memref<64x64xf32, #tpu.memory_space<vmem>>, vector<16xf32>,
      tpu.vector_store %arg7[%swap3A_1340, %swap3A_1341], %get3A_1333 {strides = array<i32>} : memref<64x64xf32, #tpu.memory_space<vmem>>, vector<16xf32>,
      %slice3A_1343 = vector.extract_strided_slice %get3A_652 {offsets = [10], sizes = [1], strides = [1]} : vector<16xi32> to vector<1xi32>
      %squeeze3A_1344 = vector.extract %slice3A_1343[0] : i32 from vector<1xi32>
      %and3A_1345 = arith.constant 1 : i32
      %and3A_1346 = arith.andi %scan3A_616, %and3A_1345 : i32
      %mul3A_1347 = arith.constant 32 : i32
      %mul3A_1348 = arith.muli %and3A_1346, %mul3A_1347 : i32
      %add3A_1349 = arith.constant 10 : i32
      %add3A_1350 = arith.addi %mul3A_1348, %add3A_1349 : i32
      %and3A_1351 = arith.constant 7 : i32
      %and3A_1352 = arith.andi %squeeze3A_1344, %and3A_1351 : i32
      %get3A_1353 = arith.index_cast %add3A_1350 : i32 to index
      %get3A_1354 = arith.index_cast %and3A_1352 : i32 to index
      %get3A_1355 = arith.constant 0 : index
      %get3A_1356 = tpu.vector_load %arg6[%get3A_1353, %get3A_1354, %get3A_1355] {strides = array<i32>} : memref<64x8x64xf32, #tpu.memory_space<vmem>>, vector<16xf32>,
      %and3A_1357 = arith.constant 1 : i32
      %and3A_1358 = arith.andi %scan3A_616, %and3A_1357 : i32
      %mul3A_1359 = arith.constant 32 : i32
      %mul3A_1360 = arith.muli %and3A_1358, %mul3A_1359 : i32
      %add3A_1361 = arith.constant 10 : i32
      %add3A_1362 = arith.addi %mul3A_1360, %add3A_1361 : i32
      %swap3A_1363 = arith.index_cast %add3A_1362 : i32 to index
      %swap3A_1364 = arith.constant 0 : index
      %swap3A_1365 = tpu.vector_load %arg7[%swap3A_1363, %swap3A_1364] {strides = array<i32>} : memref<64x64xf32, #tpu.memory_space<vmem>>, vector<16xf32>,
      tpu.vector_store %arg7[%swap3A_1363, %swap3A_1364], %get3A_1356 {strides = array<i32>} : memref<64x64xf32, #tpu.memory_space<vmem>>, vector<16xf32>,
      %and3A_1366 = arith.constant 7 : i32
      %and3A_1367 = arith.andi %squeeze3A_1344, %and3A_1366 : i32
      %get3A_1368 = arith.index_cast %add3A_1350 : i32 to index
      %get3A_1369 = arith.index_cast %and3A_1367 : i32 to index
      %get3A_1370 = arith.constant 16 : index
      %get3A_1371 = tpu.vector_load %arg6[%get3A_1368, %get3A_1369, %get3A_1370] {strides = array<i32>} : memref<64x8x64xf32, #tpu.memory_space<vmem>>, vector<16xf32>,
      %and3A_1372 = arith.constant 1 : i32
      %and3A_1373 = arith.andi %scan3A_616, %and3A_1372 : i32
      %mul3A_1374 = arith.constant 32 : i32
      %mul3A_1375 = arith.muli %and3A_1373, %mul3A_1374 : i32
      %add3A_1376 = arith.constant 10 : i32
      %add3A_1377 = arith.addi %mul3A_1375, %add3A_1376 : i32
      %swap3A_1378 = arith.index_cast %add3A_1377 : i32 to index
      %swap3A_1379 = arith.constant 16 : index
      %swap3A_1380 = tpu.vector_load %arg7[%swap3A_1378, %swap3A_1379] {strides = array<i32>} : memref<64x64xf32, #tpu.memory_space<vmem>>, vector<16xf32>,
      tpu.vector_store %arg7[%swap3A_1378, %swap3A_1379], %get3A_1371 {strides = array<i32>} : memref<64x64xf32, #tpu.memory_space<vmem>>, vector<16xf32>,
      %and3A_1381 = arith.constant 7 : i32
      %and3A_1382 = arith.andi %squeeze3A_1344, %and3A_1381 : i32
      %get3A_1383 = arith.index_cast %add3A_1350 : i32 to index
      %get3A_1384 = arith.index_cast %and3A_1382 : i32 to index
      %get3A_1385 = arith.constant 32 : index
      %get3A_1386 = tpu.vector_load %arg6[%get3A_1383, %get3A_1384, %get3A_1385] {strides = array<i32>} : memref<64x8x64xf32, #tpu.memory_space<vmem>>, vector<16xf32>,
      %and3A_1387 = arith.constant 1 : i32
      %and3A_1388 = arith.andi %scan3A_616, %and3A_1387 : i32
      %mul3A_1389 = arith.constant 32 : i32
      %mul3A_1390 = arith.muli %and3A_1388, %mul3A_1389 : i32
      %add3A_1391 = arith.constant 10 : i32
      %add3A_1392 = arith.addi %mul3A_1390, %add3A_1391 : i32
      %swap3A_1393 = arith.index_cast %add3A_1392 : i32 to index
      %swap3A_1394 = arith.constant 32 : index
      %swap3A_1395 = tpu.vector_load %arg7[%swap3A_1393, %swap3A_1394] {strides = array<i32>} : memref<64x64xf32, #tpu.memory_space<vmem>>, vector<16xf32>,
      tpu.vector_store %arg7[%swap3A_1393, %swap3A_1394], %get3A_1386 {strides = array<i32>} : memref<64x64xf32, #tpu.memory_space<vmem>>, vector<16xf32>,
      %and3A_1396 = arith.constant 7 : i32
      %and3A_1397 = arith.andi %squeeze3A_1344, %and3A_1396 : i32
      %get3A_1398 = arith.index_cast %add3A_1350 : i32 to index
      %get3A_1399 = arith.index_cast %and3A_1397 : i32 to index
      %get3A_1400 = arith.constant 48 : index
      %get3A_1401 = tpu.vector_load %arg6[%get3A_1398, %get3A_1399, %get3A_1400] {strides = array<i32>} : memref<64x8x64xf32, #tpu.memory_space<vmem>>, vector<16xf32>,
      %and3A_1402 = arith.constant 1 : i32
      %and3A_1403 = arith.andi %scan3A_616, %and3A_1402 : i32
      %mul3A_1404 = arith.constant 32 : i32
      %mul3A_1405 = arith.muli %and3A_1403, %mul3A_1404 : i32
      %add3A_1406 = arith.constant 10 : i32
      %add3A_1407 = arith.addi %mul3A_1405, %add3A_1406 : i32
      %swap3A_1408 = arith.index_cast %add3A_1407 : i32 to index
      %swap3A_1409 = arith.constant 48 : index
      %swap3A_1410 = tpu.vector_load %arg7[%swap3A_1408, %swap3A_1409] {strides = array<i32>} : memref<64x64xf32, #tpu.memory_space<vmem>>, vector<16xf32>,
      tpu.vector_store %arg7[%swap3A_1408, %swap3A_1409], %get3A_1401 {strides = array<i32>} : memref<64x64xf32, #tpu.memory_space<vmem>>, vector<16xf32>,
      %slice3A_1411 = vector.extract_strided_slice %get3A_652 {offsets = [11], sizes = [1], strides = [1]} : vector<16xi32> to vector<1xi32>
      %squeeze3A_1412 = vector.extract %slice3A_1411[0] : i32 from vector<1xi32>
      %and3A_1413 = arith.constant 1 : i32
      %and3A_1414 = arith.andi %scan3A_616, %and3A_1413 : i32
      %mul3A_1415 = arith.constant 32 : i32
      %mul3A_1416 = arith.muli %and3A_1414, %mul3A_1415 : i32
      %add3A_1417 = arith.constant 11 : i32
      %add3A_1418 = arith.addi %mul3A_1416, %add3A_1417 : i32
      %and3A_1419 = arith.constant 7 : i32
      %and3A_1420 = arith.andi %squeeze3A_1412, %and3A_1419 : i32
      %get3A_1421 = arith.index_cast %add3A_1418 : i32 to index
      %get3A_1422 = arith.index_cast %and3A_1420 : i32 to index
      %get3A_1423 = arith.constant 0 : index
      %get3A_1424 = tpu.vector_load %arg6[%get3A_1421, %get3A_1422, %get3A_1423] {strides = array<i32>} : memref<64x8x64xf32, #tpu.memory_space<vmem>>, vector<16xf32>,
      %and3A_1425 = arith.constant 1 : i32
      %and3A_1426 = arith.andi %scan3A_616, %and3A_1425 : i32
      %mul3A_1427 = arith.constant 32 : i32
      %mul3A_1428 = arith.muli %and3A_1426, %mul3A_1427 : i32
      %add3A_1429 = arith.constant 11 : i32
      %add3A_1430 = arith.addi %mul3A_1428, %add3A_1429 : i32
      %swap3A_1431 = arith.index_cast %add3A_1430 : i32 to index
      %swap3A_1432 = arith.constant 0 : index
      %swap3A_1433 = tpu.vector_load %arg7[%swap3A_1431, %swap3A_1432] {strides = array<i32>} : memref<64x64xf32, #tpu.memory_space<vmem>>, vector<16xf32>,
      tpu.vector_store %arg7[%swap3A_1431, %swap3A_1432], %get3A_1424 {strides = array<i32>} : memref<64x64xf32, #tpu.memory_space<vmem>>, vector<16xf32>,
      %and3A_1434 = arith.constant 7 : i32
      %and3A_1435 = arith.andi %squeeze3A_1412, %and3A_1434 : i32
      %get3A_1436 = arith.index_cast %add3A_1418 : i32 to index
      %get3A_1437 = arith.index_cast %and3A_1435 : i32 to index
      %get3A_1438 = arith.constant 16 : index
      %get3A_1439 = tpu.vector_load %arg6[%get3A_1436, %get3A_1437, %get3A_1438] {strides = array<i32>} : memref<64x8x64xf32, #tpu.memory_space<vmem>>, vector<16xf32>,
      %and3A_1440 = arith.constant 1 : i32
      %and3A_1441 = arith.andi %scan3A_616, %and3A_1440 : i32
      %mul3A_1442 = arith.constant 32 : i32
      %mul3A_1443 = arith.muli %and3A_1441, %mul3A_1442 : i32
      %add3A_1444 = arith.constant 11 : i32
      %add3A_1445 = arith.addi %mul3A_1443, %add3A_1444 : i32
      %swap3A_1446 = arith.index_cast %add3A_1445 : i32 to index
      %swap3A_1447 = arith.constant 16 : index
      %swap3A_1448 = tpu.vector_load %arg7[%swap3A_1446, %swap3A_1447] {strides = array<i32>} : memref<64x64xf32, #tpu.memory_space<vmem>>, vector<16xf32>,
      tpu.vector_store %arg7[%swap3A_1446, %swap3A_1447], %get3A_1439 {strides = array<i32>} : memref<64x64xf32, #tpu.memory_space<vmem>>, vector<16xf32>,
      %and3A_1449 = arith.constant 7 : i32
      %and3A_1450 = arith.andi %squeeze3A_1412, %and3A_1449 : i32
      %get3A_1451 = arith.index_cast %add3A_1418 : i32 to index
      %get3A_1452 = arith.index_cast %and3A_1450 : i32 to index
      %get3A_1453 = arith.constant 32 : index
      %get3A_1454 = tpu.vector_load %arg6[%get3A_1451, %get3A_1452, %get3A_1453] {strides = array<i32>} : memref<64x8x64xf32, #tpu.memory_space<vmem>>, vector<16xf32>,
      %and3A_1455 = arith.constant 1 : i32
      %and3A_1456 = arith.andi %scan3A_616, %and3A_1455 : i32
      %mul3A_1457 = arith.constant 32 : i32
      %mul3A_1458 = arith.muli %and3A_1456, %mul3A_1457 : i32
      %add3A_1459 = arith.constant 11 : i32
      %add3A_1460 = arith.addi %mul3A_1458, %add3A_1459 : i32
      %swap3A_1461 = arith.index_cast %add3A_1460 : i32 to index
      %swap3A_1462 = arith.constant 32 : index
      %swap3A_1463 = tpu.vector_load %arg7[%swap3A_1461, %swap3A_1462] {strides = array<i32>} : memref<64x64xf32, #tpu.memory_space<vmem>>, vector<16xf32>,
      tpu.vector_store %arg7[%swap3A_1461, %swap3A_1462], %get3A_1454 {strides = array<i32>} : memref<64x64xf32, #tpu.memory_space<vmem>>, vector<16xf32>,
      %and3A_1464 = arith.constant 7 : i32
      %and3A_1465 = arith.andi %squeeze3A_1412, %and3A_1464 : i32
      %get3A_1466 = arith.index_cast %add3A_1418 : i32 to index
      %get3A_1467 = arith.index_cast %and3A_1465 : i32 to index
      %get3A_1468 = arith.constant 48 : index
      %get3A_1469 = tpu.vector_load %arg6[%get3A_1466, %get3A_1467, %get3A_1468] {strides = array<i32>} : memref<64x8x64xf32, #tpu.memory_space<vmem>>, vector<16xf32>,
      %and3A_1470 = arith.constant 1 : i32
      %and3A_1471 = arith.andi %scan3A_616, %and3A_1470 : i32
      %mul3A_1472 = arith.constant 32 : i32
      %mul3A_1473 = arith.muli %and3A_1471, %mul3A_1472 : i32
      %add3A_1474 = arith.constant 11 : i32
      %add3A_1475 = arith.addi %mul3A_1473, %add3A_1474 : i32
      %swap3A_1476 = arith.index_cast %add3A_1475 : i32 to index
      %swap3A_1477 = arith.constant 48 : index
      %swap3A_1478 = tpu.vector_load %arg7[%swap3A_1476, %swap3A_1477] {strides = array<i32>} : memref<64x64xf32, #tpu.memory_space<vmem>>, vector<16xf32>,
      tpu.vector_store %arg7[%swap3A_1476, %swap3A_1477], %get3A_1469 {strides = array<i32>} : memref<64x64xf32, #tpu.memory_space<vmem>>, vector<16xf32>,
      %slice3A_1479 = vector.extract_strided_slice %get3A_652 {offsets = [12], sizes = [1], strides = [1]} : vector<16xi32> to vector<1xi32>
      %squeeze3A_1480 = vector.extract %slice3A_1479[0] : i32 from vector<1xi32>
      %and3A_1481 = arith.constant 1 : i32
      %and3A_1482 = arith.andi %scan3A_616, %and3A_1481 : i32
      %mul3A_1483 = arith.constant 32 : i32
      %mul3A_1484 = arith.muli %and3A_1482, %mul3A_1483 : i32
      %add3A_1485 = arith.constant 12 : i32
      %add3A_1486 = arith.addi %mul3A_1484, %add3A_1485 : i32
      %and3A_1487 = arith.constant 7 : i32
      %and3A_1488 = arith.andi %squeeze3A_1480, %and3A_1487 : i32
      %get3A_1489 = arith.index_cast %add3A_1486 : i32 to index
      %get3A_1490 = arith.index_cast %and3A_1488 : i32 to index
      %get3A_1491 = arith.constant 0 : index
      %get3A_1492 = tpu.vector_load %arg6[%get3A_1489, %get3A_1490, %get3A_1491] {strides = array<i32>} : memref<64x8x64xf32, #tpu.memory_space<vmem>>, vector<16xf32>,
      %and3A_1493 = arith.constant 1 : i32
      %and3A_1494 = arith.andi %scan3A_616, %and3A_1493 : i32
      %mul3A_1495 = arith.constant 32 : i32
      %mul3A_1496 = arith.muli %and3A_1494, %mul3A_1495 : i32
      %add3A_1497 = arith.constant 12 : i32
      %add3A_1498 = arith.addi %mul3A_1496, %add3A_1497 : i32
      %swap3A_1499 = arith.index_cast %add3A_1498 : i32 to index
      %swap3A_1500 = arith.constant 0 : index
      %swap3A_1501 = tpu.vector_load %arg7[%swap3A_1499, %swap3A_1500] {strides = array<i32>} : memref<64x64xf32, #tpu.memory_space<vmem>>, vector<16xf32>,
      tpu.vector_store %arg7[%swap3A_1499, %swap3A_1500], %get3A_1492 {strides = array<i32>} : memref<64x64xf32, #tpu.memory_space<vmem>>, vector<16xf32>,
      %and3A_1502 = arith.constant 7 : i32
      %and3A_1503 = arith.andi %squeeze3A_1480, %and3A_1502 : i32
      %get3A_1504 = arith.index_cast %add3A_1486 : i32 to index
      %get3A_1505 = arith.index_cast %and3A_1503 : i32 to index
      %get3A_1506 = arith.constant 16 : index
      %get3A_1507 = tpu.vector_load %arg6[%get3A_1504, %get3A_1505, %get3A_1506] {strides = array<i32>} : memref<64x8x64xf32, #tpu.memory_space<vmem>>, vector<16xf32>,
      %and3A_1508 = arith.constant 1 : i32
      %and3A_1509 = arith.andi %scan3A_616, %and3A_1508 : i32
      %mul3A_1510 = arith.constant 32 : i32
      %mul3A_1511 = arith.muli %and3A_1509, %mul3A_1510 : i32
      %add3A_1512 = arith.constant 12 : i32
      %add3A_1513 = arith.addi %mul3A_1511, %add3A_1512 : i32
      %swap3A_1514 = arith.index_cast %add3A_1513 : i32 to index
      %swap3A_1515 = arith.constant 16 : index
      %swap3A_1516 = tpu.vector_load %arg7[%swap3A_1514, %swap3A_1515] {strides = array<i32>} : memref<64x64xf32, #tpu.memory_space<vmem>>, vector<16xf32>,
      tpu.vector_store %arg7[%swap3A_1514, %swap3A_1515], %get3A_1507 {strides = array<i32>} : memref<64x64xf32, #tpu.memory_space<vmem>>, vector<16xf32>,
      %and3A_1517 = arith.constant 7 : i32
      %and3A_1518 = arith.andi %squeeze3A_1480, %and3A_1517 : i32
      %get3A_1519 = arith.index_cast %add3A_1486 : i32 to index
      %get3A_1520 = arith.index_cast %and3A_1518 : i32 to index
      %get3A_1521 = arith.constant 32 : index
      %get3A_1522 = tpu.vector_load %arg6[%get3A_1519, %get3A_1520, %get3A_1521] {strides = array<i32>} : memref<64x8x64xf32, #tpu.memory_space<vmem>>, vector<16xf32>,
      %and3A_1523 = arith.constant 1 : i32
      %and3A_1524 = arith.andi %scan3A_616, %and3A_1523 : i32
      %mul3A_1525 = arith.constant 32 : i32
      %mul3A_1526 = arith.muli %and3A_1524, %mul3A_1525 : i32
      %add3A_1527 = arith.constant 12 : i32
      %add3A_1528 = arith.addi %mul3A_1526, %add3A_1527 : i32
      %swap3A_1529 = arith.index_cast %add3A_1528 : i32 to index
      %swap3A_1530 = arith.constant 32 : index
      %swap3A_1531 = tpu.vector_load %arg7[%swap3A_1529, %swap3A_1530] {strides = array<i32>} : memref<64x64xf32, #tpu.memory_space<vmem>>, vector<16xf32>,
      tpu.vector_store %arg7[%swap3A_1529, %swap3A_1530], %get3A_1522 {strides = array<i32>} : memref<64x64xf32, #tpu.memory_space<vmem>>, vector<16xf32>,
      %and3A_1532 = arith.constant 7 : i32
      %and3A_1533 = arith.andi %squeeze3A_1480, %and3A_1532 : i32
      %get3A_1534 = arith.index_cast %add3A_1486 : i32 to index
      %get3A_1535 = arith.index_cast %and3A_1533 : i32 to index
      %get3A_1536 = arith.constant 48 : index
      %get3A_1537 = tpu.vector_load %arg6[%get3A_1534, %get3A_1535, %get3A_1536] {strides = array<i32>} : memref<64x8x64xf32, #tpu.memory_space<vmem>>, vector<16xf32>,
      %and3A_1538 = arith.constant 1 : i32
      %and3A_1539 = arith.andi %scan3A_616, %and3A_1538 : i32
      %mul3A_1540 = arith.constant 32 : i32
      %mul3A_1541 = arith.muli %and3A_1539, %mul3A_1540 : i32
      %add3A_1542 = arith.constant 12 : i32
      %add3A_1543 = arith.addi %mul3A_1541, %add3A_1542 : i32
      %swap3A_1544 = arith.index_cast %add3A_1543 : i32 to index
      %swap3A_1545 = arith.constant 48 : index
      %swap3A_1546 = tpu.vector_load %arg7[%swap3A_1544, %swap3A_1545] {strides = array<i32>} : memref<64x64xf32, #tpu.memory_space<vmem>>, vector<16xf32>,
      tpu.vector_store %arg7[%swap3A_1544, %swap3A_1545], %get3A_1537 {strides = array<i32>} : memref<64x64xf32, #tpu.memory_space<vmem>>, vector<16xf32>,
      %slice3A_1547 = vector.extract_strided_slice %get3A_652 {offsets = [13], sizes = [1], strides = [1]} : vector<16xi32> to vector<1xi32>
      %squeeze3A_1548 = vector.extract %slice3A_1547[0] : i32 from vector<1xi32>
      %and3A_1549 = arith.constant 1 : i32
      %and3A_1550 = arith.andi %scan3A_616, %and3A_1549 : i32
      %mul3A_1551 = arith.constant 32 : i32
      %mul3A_1552 = arith.muli %and3A_1550, %mul3A_1551 : i32
      %add3A_1553 = arith.constant 13 : i32
      %add3A_1554 = arith.addi %mul3A_1552, %add3A_1553 : i32
      %and3A_1555 = arith.constant 7 : i32
      %and3A_1556 = arith.andi %squeeze3A_1548, %and3A_1555 : i32
      %get3A_1557 = arith.index_cast %add3A_1554 : i32 to index
      %get3A_1558 = arith.index_cast %and3A_1556 : i32 to index
      %get3A_1559 = arith.constant 0 : index
      %get3A_1560 = tpu.vector_load %arg6[%get3A_1557, %get3A_1558, %get3A_1559] {strides = array<i32>} : memref<64x8x64xf32, #tpu.memory_space<vmem>>, vector<16xf32>,
      %and3A_1561 = arith.constant 1 : i32
      %and3A_1562 = arith.andi %scan3A_616, %and3A_1561 : i32
      %mul3A_1563 = arith.constant 32 : i32
      %mul3A_1564 = arith.muli %and3A_1562, %mul3A_1563 : i32
      %add3A_1565 = arith.constant 13 : i32
      %add3A_1566 = arith.addi %mul3A_1564, %add3A_1565 : i32
      %swap3A_1567 = arith.index_cast %add3A_1566 : i32 to index
      %swap3A_1568 = arith.constant 0 : index
      %swap3A_1569 = tpu.vector_load %arg7[%swap3A_1567, %swap3A_1568] {strides = array<i32>} : memref<64x64xf32, #tpu.memory_space<vmem>>, vector<16xf32>,
      tpu.vector_store %arg7[%swap3A_1567, %swap3A_1568], %get3A_1560 {strides = array<i32>} : memref<64x64xf32, #tpu.memory_space<vmem>>, vector<16xf32>,
      %and3A_1570 = arith.constant 7 : i32
      %and3A_1571 = arith.andi %squeeze3A_1548, %and3A_1570 : i32
      %get3A_1572 = arith.index_cast %add3A_1554 : i32 to index
      %get3A_1573 = arith.index_cast %and3A_1571 : i32 to index
      %get3A_1574 = arith.constant 16 : index
      %get3A_1575 = tpu.vector_load %arg6[%get3A_1572, %get3A_1573, %get3A_1574] {strides = array<i32>} : memref<64x8x64xf32, #tpu.memory_space<vmem>>, vector<16xf32>,
      %and3A_1576 = arith.constant 1 : i32
      %and3A_1577 = arith.andi %scan3A_616, %and3A_1576 : i32
      %mul3A_1578 = arith.constant 32 : i32
      %mul3A_1579 = arith.muli %and3A_1577, %mul3A_1578 : i32
      %add3A_1580 = arith.constant 13 : i32
      %add3A_1581 = arith.addi %mul3A_1579, %add3A_1580 : i32
      %swap3A_1582 = arith.index_cast %add3A_1581 : i32 to index
      %swap3A_1583 = arith.constant 16 : index
      %swap3A_1584 = tpu.vector_load %arg7[%swap3A_1582, %swap3A_1583] {strides = array<i32>} : memref<64x64xf32, #tpu.memory_space<vmem>>, vector<16xf32>,
      tpu.vector_store %arg7[%swap3A_1582, %swap3A_1583], %get3A_1575 {strides = array<i32>} : memref<64x64xf32, #tpu.memory_space<vmem>>, vector<16xf32>,
      %and3A_1585 = arith.constant 7 : i32
      %and3A_1586 = arith.andi %squeeze3A_1548, %and3A_1585 : i32
      %get3A_1587 = arith.index_cast %add3A_1554 : i32 to index
      %get3A_1588 = arith.index_cast %and3A_1586 : i32 to index
      %get3A_1589 = arith.constant 32 : index
      %get3A_1590 = tpu.vector_load %arg6[%get3A_1587, %get3A_1588, %get3A_1589] {strides = array<i32>} : memref<64x8x64xf32, #tpu.memory_space<vmem>>, vector<16xf32>,
      %and3A_1591 = arith.constant 1 : i32
      %and3A_1592 = arith.andi %scan3A_616, %and3A_1591 : i32
      %mul3A_1593 = arith.constant 32 : i32
      %mul3A_1594 = arith.muli %and3A_1592, %mul3A_1593 : i32
      %add3A_1595 = arith.constant 13 : i32
      %add3A_1596 = arith.addi %mul3A_1594, %add3A_1595 : i32
      %swap3A_1597 = arith.index_cast %add3A_1596 : i32 to index
      %swap3A_1598 = arith.constant 32 : index
      %swap3A_1599 = tpu.vector_load %arg7[%swap3A_1597, %swap3A_1598] {strides = array<i32>} : memref<64x64xf32, #tpu.memory_space<vmem>>, vector<16xf32>,
      tpu.vector_store %arg7[%swap3A_1597, %swap3A_1598], %get3A_1590 {strides = array<i32>} : memref<64x64xf32, #tpu.memory_space<vmem>>, vector<16xf32>,
      %and3A_1600 = arith.constant 7 : i32
      %and3A_1601 = arith.andi %squeeze3A_1548, %and3A_1600 : i32
      %get3A_1602 = arith.index_cast %add3A_1554 : i32 to index
      %get3A_1603 = arith.index_cast %and3A_1601 : i32 to index
      %get3A_1604 = arith.constant 48 : index
      %get3A_1605 = tpu.vector_load %arg6[%get3A_1602, %get3A_1603, %get3A_1604] {strides = array<i32>} : memref<64x8x64xf32, #tpu.memory_space<vmem>>, vector<16xf32>,
      %and3A_1606 = arith.constant 1 : i32
      %and3A_1607 = arith.andi %scan3A_616, %and3A_1606 : i32
      %mul3A_1608 = arith.constant 32 : i32
      %mul3A_1609 = arith.muli %and3A_1607, %mul3A_1608 : i32
      %add3A_1610 = arith.constant 13 : i32
      %add3A_1611 = arith.addi %mul3A_1609, %add3A_1610 : i32
      %swap3A_1612 = arith.index_cast %add3A_1611 : i32 to index
      %swap3A_1613 = arith.constant 48 : index
      %swap3A_1614 = tpu.vector_load %arg7[%swap3A_1612, %swap3A_1613] {strides = array<i32>} : memref<64x64xf32, #tpu.memory_space<vmem>>, vector<16xf32>,
      tpu.vector_store %arg7[%swap3A_1612, %swap3A_1613], %get3A_1605 {strides = array<i32>} : memref<64x64xf32, #tpu.memory_space<vmem>>, vector<16xf32>,
      %slice3A_1615 = vector.extract_strided_slice %get3A_652 {offsets = [14], sizes = [1], strides = [1]} : vector<16xi32> to vector<1xi32>
      %squeeze3A_1616 = vector.extract %slice3A_1615[0] : i32 from vector<1xi32>
      %and3A_1617 = arith.constant 1 : i32
      %and3A_1618 = arith.andi %scan3A_616, %and3A_1617 : i32
      %mul3A_1619 = arith.constant 32 : i32
      %mul3A_1620 = arith.muli %and3A_1618, %mul3A_1619 : i32
      %add3A_1621 = arith.constant 14 : i32
      %add3A_1622 = arith.addi %mul3A_1620, %add3A_1621 : i32
      %and3A_1623 = arith.constant 7 : i32
      %and3A_1624 = arith.andi %squeeze3A_1616, %and3A_1623 : i32
      %get3A_1625 = arith.index_cast %add3A_1622 : i32 to index
      %get3A_1626 = arith.index_cast %and3A_1624 : i32 to index
      %get3A_1627 = arith.constant 0 : index
      %get3A_1628 = tpu.vector_load %arg6[%get3A_1625, %get3A_1626, %get3A_1627] {strides = array<i32>} : memref<64x8x64xf32, #tpu.memory_space<vmem>>, vector<16xf32>,
      %and3A_1629 = arith.constant 1 : i32
      %and3A_1630 = arith.andi %scan3A_616, %and3A_1629 : i32
      %mul3A_1631 = arith.constant 32 : i32
      %mul3A_1632 = arith.muli %and3A_1630, %mul3A_1631 : i32
      %add3A_1633 = arith.constant 14 : i32
      %add3A_1634 = arith.addi %mul3A_1632, %add3A_1633 : i32
      %swap3A_1635 = arith.index_cast %add3A_1634 : i32 to index
      %swap3A_1636 = arith.constant 0 : index
      %swap3A_1637 = tpu.vector_load %arg7[%swap3A_1635, %swap3A_1636] {strides = array<i32>} : memref<64x64xf32, #tpu.memory_space<vmem>>, vector<16xf32>,
      tpu.vector_store %arg7[%swap3A_1635, %swap3A_1636], %get3A_1628 {strides = array<i32>} : memref<64x64xf32, #tpu.memory_space<vmem>>, vector<16xf32>,
      %and3A_1638 = arith.constant 7 : i32
      %and3A_1639 = arith.andi %squeeze3A_1616, %and3A_1638 : i32
      %get3A_1640 = arith.index_cast %add3A_1622 : i32 to index
      %get3A_1641 = arith.index_cast %and3A_1639 : i32 to index
      %get3A_1642 = arith.constant 16 : index
      %get3A_1643 = tpu.vector_load %arg6[%get3A_1640, %get3A_1641, %get3A_1642] {strides = array<i32>} : memref<64x8x64xf32, #tpu.memory_space<vmem>>, vector<16xf32>,
      %and3A_1644 = arith.constant 1 : i32
      %and3A_1645 = arith.andi %scan3A_616, %and3A_1644 : i32
      %mul3A_1646 = arith.constant 32 : i32
      %mul3A_1647 = arith.muli %and3A_1645, %mul3A_1646 : i32
      %add3A_1648 = arith.constant 14 : i32
      %add3A_1649 = arith.addi %mul3A_1647, %add3A_1648 : i32
      %swap3A_1650 = arith.index_cast %add3A_1649 : i32 to index
      %swap3A_1651 = arith.constant 16 : index
      %swap3A_1652 = tpu.vector_load %arg7[%swap3A_1650, %swap3A_1651] {strides = array<i32>} : memref<64x64xf32, #tpu.memory_space<vmem>>, vector<16xf32>,
      tpu.vector_store %arg7[%swap3A_1650, %swap3A_1651], %get3A_1643 {strides = array<i32>} : memref<64x64xf32, #tpu.memory_space<vmem>>, vector<16xf32>,
      %and3A_1653 = arith.constant 7 : i32
      %and3A_1654 = arith.andi %squeeze3A_1616, %and3A_1653 : i32
      %get3A_1655 = arith.index_cast %add3A_1622 : i32 to index
      %get3A_1656 = arith.index_cast %and3A_1654 : i32 to index
      %get3A_1657 = arith.constant 32 : index
      %get3A_1658 = tpu.vector_load %arg6[%get3A_1655, %get3A_1656, %get3A_1657] {strides = array<i32>} : memref<64x8x64xf32, #tpu.memory_space<vmem>>, vector<16xf32>,
      %and3A_1659 = arith.constant 1 : i32
      %and3A_1660 = arith.andi %scan3A_616, %and3A_1659 : i32
      %mul3A_1661 = arith.constant 32 : i32
      %mul3A_1662 = arith.muli %and3A_1660, %mul3A_1661 : i32
      %add3A_1663 = arith.constant 14 : i32
      %add3A_1664 = arith.addi %mul3A_1662, %add3A_1663 : i32
      %swap3A_1665 = arith.index_cast %add3A_1664 : i32 to index
      %swap3A_1666 = arith.constant 32 : index
      %swap3A_1667 = tpu.vector_load %arg7[%swap3A_1665, %swap3A_1666] {strides = array<i32>} : memref<64x64xf32, #tpu.memory_space<vmem>>, vector<16xf32>,
      tpu.vector_store %arg7[%swap3A_1665, %swap3A_1666], %get3A_1658 {strides = array<i32>} : memref<64x64xf32, #tpu.memory_space<vmem>>, vector<16xf32>,
      %and3A_1668 = arith.constant 7 : i32
      %and3A_1669 = arith.andi %squeeze3A_1616, %and3A_1668 : i32
      %get3A_1670 = arith.index_cast %add3A_1622 : i32 to index
      %get3A_1671 = arith.index_cast %and3A_1669 : i32 to index
      %get3A_1672 = arith.constant 48 : index
      %get3A_1673 = tpu.vector_load %arg6[%get3A_1670, %get3A_1671, %get3A_1672] {strides = array<i32>} : memref<64x8x64xf32, #tpu.memory_space<vmem>>, vector<16xf32>,
      %and3A_1674 = arith.constant 1 : i32
      %and3A_1675 = arith.andi %scan3A_616, %and3A_1674 : i32
      %mul3A_1676 = arith.constant 32 : i32
      %mul3A_1677 = arith.muli %and3A_1675, %mul3A_1676 : i32
      %add3A_1678 = arith.constant 14 : i32
      %add3A_1679 = arith.addi %mul3A_1677, %add3A_1678 : i32
      %swap3A_1680 = arith.index_cast %add3A_1679 : i32 to index
      %swap3A_1681 = arith.constant 48 : index
      %swap3A_1682 = tpu.vector_load %arg7[%swap3A_1680, %swap3A_1681] {strides = array<i32>} : memref<64x64xf32, #tpu.memory_space<vmem>>, vector<16xf32>,
      tpu.vector_store %arg7[%swap3A_1680, %swap3A_1681], %get3A_1673 {strides = array<i32>} : memref<64x64xf32, #tpu.memory_space<vmem>>, vector<16xf32>,
      %slice3A_1683 = vector.extract_strided_slice %get3A_652 {offsets = [15], sizes = [1], strides = [1]} : vector<16xi32> to vector<1xi32>
      %squeeze3A_1684 = vector.extract %slice3A_1683[0] : i32 from vector<1xi32>
      %and3A_1685 = arith.constant 1 : i32
      %and3A_1686 = arith.andi %scan3A_616, %and3A_1685 : i32
      %mul3A_1687 = arith.constant 32 : i32
      %mul3A_1688 = arith.muli %and3A_1686, %mul3A_1687 : i32
      %add3A_1689 = arith.constant 15 : i32
      %add3A_1690 = arith.addi %mul3A_1688, %add3A_1689 : i32
      %and3A_1691 = arith.constant 7 : i32
      %and3A_1692 = arith.andi %squeeze3A_1684, %and3A_1691 : i32
      %get3A_1693 = arith.index_cast %add3A_1690 : i32 to index
      %get3A_1694 = arith.index_cast %and3A_1692 : i32 to index
      %get3A_1695 = arith.constant 0 : index
      %get3A_1696 = tpu.vector_load %arg6[%get3A_1693, %get3A_1694, %get3A_1695] {strides = array<i32>} : memref<64x8x64xf32, #tpu.memory_space<vmem>>, vector<16xf32>,
      %and3A_1697 = arith.constant 1 : i32
      %and3A_1698 = arith.andi %scan3A_616, %and3A_1697 : i32
      %mul3A_1699 = arith.constant 32 : i32
      %mul3A_1700 = arith.muli %and3A_1698, %mul3A_1699 : i32
      %add3A_1701 = arith.constant 15 : i32
      %add3A_1702 = arith.addi %mul3A_1700, %add3A_1701 : i32
      %swap3A_1703 = arith.index_cast %add3A_1702 : i32 to index
      %swap3A_1704 = arith.constant 0 : index
      %swap3A_1705 = tpu.vector_load %arg7[%swap3A_1703, %swap3A_1704] {strides = array<i32>} : memref<64x64xf32, #tpu.memory_space<vmem>>, vector<16xf32>,
      tpu.vector_store %arg7[%swap3A_1703, %swap3A_1704], %get3A_1696 {strides = array<i32>} : memref<64x64xf32, #tpu.memory_space<vmem>>, vector<16xf32>,
      %and3A_1706 = arith.constant 7 : i32
      %and3A_1707 = arith.andi %squeeze3A_1684, %and3A_1706 : i32
      %get3A_1708 = arith.index_cast %add3A_1690 : i32 to index
      %get3A_1709 = arith.index_cast %and3A_1707 : i32 to index
      %get3A_1710 = arith.constant 16 : index
      %get3A_1711 = tpu.vector_load %arg6[%get3A_1708, %get3A_1709, %get3A_1710] {strides = array<i32>} : memref<64x8x64xf32, #tpu.memory_space<vmem>>, vector<16xf32>,
      %and3A_1712 = arith.constant 1 : i32
      %and3A_1713 = arith.andi %scan3A_616, %and3A_1712 : i32
      %mul3A_1714 = arith.constant 32 : i32
      %mul3A_1715 = arith.muli %and3A_1713, %mul3A_1714 : i32
      %add3A_1716 = arith.constant 15 : i32
      %add3A_1717 = arith.addi %mul3A_1715, %add3A_1716 : i32
      %swap3A_1718 = arith.index_cast %add3A_1717 : i32 to index
      %swap3A_1719 = arith.constant 16 : index
      %swap3A_1720 = tpu.vector_load %arg7[%swap3A_1718, %swap3A_1719] {strides = array<i32>} : memref<64x64xf32, #tpu.memory_space<vmem>>, vector<16xf32>,
      tpu.vector_store %arg7[%swap3A_1718, %swap3A_1719], %get3A_1711 {strides = array<i32>} : memref<64x64xf32, #tpu.memory_space<vmem>>, vector<16xf32>,
      %and3A_1721 = arith.constant 7 : i32
      %and3A_1722 = arith.andi %squeeze3A_1684, %and3A_1721 : i32
      %get3A_1723 = arith.index_cast %add3A_1690 : i32 to index
      %get3A_1724 = arith.index_cast %and3A_1722 : i32 to index
      %get3A_1725 = arith.constant 32 : index
      %get3A_1726 = tpu.vector_load %arg6[%get3A_1723, %get3A_1724, %get3A_1725] {strides = array<i32>} : memref<64x8x64xf32, #tpu.memory_space<vmem>>, vector<16xf32>,
      %and3A_1727 = arith.constant 1 : i32
      %and3A_1728 = arith.andi %scan3A_616, %and3A_1727 : i32
      %mul3A_1729 = arith.constant 32 : i32
      %mul3A_1730 = arith.muli %and3A_1728, %mul3A_1729 : i32
      %add3A_1731 = arith.constant 15 : i32
      %add3A_1732 = arith.addi %mul3A_1730, %add3A_1731 : i32
      %swap3A_1733 = arith.index_cast %add3A_1732 : i32 to index
      %swap3A_1734 = arith.constant 32 : index
      %swap3A_1735 = tpu.vector_load %arg7[%swap3A_1733, %swap3A_1734] {strides = array<i32>} : memref<64x64xf32, #tpu.memory_space<vmem>>, vector<16xf32>,
      tpu.vector_store %arg7[%swap3A_1733, %swap3A_1734], %get3A_1726 {strides = array<i32>} : memref<64x64xf32, #tpu.memory_space<vmem>>, vector<16xf32>,
      %and3A_1736 = arith.constant 7 : i32
      %and3A_1737 = arith.andi %squeeze3A_1684, %and3A_1736 : i32
      %get3A_1738 = arith.index_cast %add3A_1690 : i32 to index
      %get3A_1739 = arith.index_cast %and3A_1737 : i32 to index
      %get3A_1740 = arith.constant 48 : index
      %get3A_1741 = tpu.vector_load %arg6[%get3A_1738, %get3A_1739, %get3A_1740] {strides = array<i32>} : memref<64x8x64xf32, #tpu.memory_space<vmem>>, vector<16xf32>,
      %and3A_1742 = arith.constant 1 : i32
      %and3A_1743 = arith.andi %scan3A_616, %and3A_1742 : i32
      %mul3A_1744 = arith.constant 32 : i32
      %mul3A_1745 = arith.muli %and3A_1743, %mul3A_1744 : i32
      %add3A_1746 = arith.constant 15 : i32
      %add3A_1747 = arith.addi %mul3A_1745, %add3A_1746 : i32
      %swap3A_1748 = arith.index_cast %add3A_1747 : i32 to index
      %swap3A_1749 = arith.constant 48 : index
      %swap3A_1750 = tpu.vector_load %arg7[%swap3A_1748, %swap3A_1749] {strides = array<i32>} : memref<64x64xf32, #tpu.memory_space<vmem>>, vector<16xf32>,
      tpu.vector_store %arg7[%swap3A_1748, %swap3A_1749], %get3A_1741 {strides = array<i32>} : memref<64x64xf32, #tpu.memory_space<vmem>>, vector<16xf32>,
      %slice3A_1751 = vector.extract_strided_slice %get3A_663 {offsets = [0], sizes = [1], strides = [1]} : vector<16xi32> to vector<1xi32>
      %squeeze3A_1752 = vector.extract %slice3A_1751[0] : i32 from vector<1xi32>
      %and3A_1753 = arith.constant 1 : i32
      %and3A_1754 = arith.andi %scan3A_616, %and3A_1753 : i32
      %mul3A_1755 = arith.constant 32 : i32
      %mul3A_1756 = arith.muli %and3A_1754, %mul3A_1755 : i32
      %add3A_1757 = arith.constant 16 : i32
      %add3A_1758 = arith.addi %mul3A_1756, %add3A_1757 : i32
      %and3A_1759 = arith.constant 7 : i32
      %and3A_1760 = arith.andi %squeeze3A_1752, %and3A_1759 : i32
      %get3A_1761 = arith.index_cast %add3A_1758 : i32 to index
      %get3A_1762 = arith.index_cast %and3A_1760 : i32 to index
      %get3A_1763 = arith.constant 0 : index
      %get3A_1764 = tpu.vector_load %arg6[%get3A_1761, %get3A_1762, %get3A_1763] {strides = array<i32>} : memref<64x8x64xf32, #tpu.memory_space<vmem>>, vector<16xf32>,
      %and3A_1765 = arith.constant 1 : i32
      %and3A_1766 = arith.andi %scan3A_616, %and3A_1765 : i32
      %mul3A_1767 = arith.constant 32 : i32
      %mul3A_1768 = arith.muli %and3A_1766, %mul3A_1767 : i32
      %add3A_1769 = arith.constant 16 : i32
      %add3A_1770 = arith.addi %mul3A_1768, %add3A_1769 : i32
      %swap3A_1771 = arith.index_cast %add3A_1770 : i32 to index
      %swap3A_1772 = arith.constant 0 : index
      %swap3A_1773 = tpu.vector_load %arg7[%swap3A_1771, %swap3A_1772] {strides = array<i32>} : memref<64x64xf32, #tpu.memory_space<vmem>>, vector<16xf32>,
      tpu.vector_store %arg7[%swap3A_1771, %swap3A_1772], %get3A_1764 {strides = array<i32>} : memref<64x64xf32, #tpu.memory_space<vmem>>, vector<16xf32>,
      %and3A_1774 = arith.constant 7 : i32
      %and3A_1775 = arith.andi %squeeze3A_1752, %and3A_1774 : i32
      %get3A_1776 = arith.index_cast %add3A_1758 : i32 to index
      %get3A_1777 = arith.index_cast %and3A_1775 : i32 to index
      %get3A_1778 = arith.constant 16 : index
      %get3A_1779 = tpu.vector_load %arg6[%get3A_1776, %get3A_1777, %get3A_1778] {strides = array<i32>} : memref<64x8x64xf32, #tpu.memory_space<vmem>>, vector<16xf32>,
      %and3A_1780 = arith.constant 1 : i32
      %and3A_1781 = arith.andi %scan3A_616, %and3A_1780 : i32
      %mul3A_1782 = arith.constant 32 : i32
      %mul3A_1783 = arith.muli %and3A_1781, %mul3A_1782 : i32
      %add3A_1784 = arith.constant 16 : i32
      %add3A_1785 = arith.addi %mul3A_1783, %add3A_1784 : i32
      %swap3A_1786 = arith.index_cast %add3A_1785 : i32 to index
      %swap3A_1787 = arith.constant 16 : index
      %swap3A_1788 = tpu.vector_load %arg7[%swap3A_1786, %swap3A_1787] {strides = array<i32>} : memref<64x64xf32, #tpu.memory_space<vmem>>, vector<16xf32>,
      tpu.vector_store %arg7[%swap3A_1786, %swap3A_1787], %get3A_1779 {strides = array<i32>} : memref<64x64xf32, #tpu.memory_space<vmem>>, vector<16xf32>,
      %and3A_1789 = arith.constant 7 : i32
      %and3A_1790 = arith.andi %squeeze3A_1752, %and3A_1789 : i32
      %get3A_1791 = arith.index_cast %add3A_1758 : i32 to index
      %get3A_1792 = arith.index_cast %and3A_1790 : i32 to index
      %get3A_1793 = arith.constant 32 : index
      %get3A_1794 = tpu.vector_load %arg6[%get3A_1791, %get3A_1792, %get3A_1793] {strides = array<i32>} : memref<64x8x64xf32, #tpu.memory_space<vmem>>, vector<16xf32>,
      %and3A_1795 = arith.constant 1 : i32
      %and3A_1796 = arith.andi %scan3A_616, %and3A_1795 : i32
      %mul3A_1797 = arith.constant 32 : i32
      %mul3A_1798 = arith.muli %and3A_1796, %mul3A_1797 : i32
      %add3A_1799 = arith.constant 16 : i32
      %add3A_1800 = arith.addi %mul3A_1798, %add3A_1799 : i32
      %swap3A_1801 = arith.index_cast %add3A_1800 : i32 to index
      %swap3A_1802 = arith.constant 32 : index
      %swap3A_1803 = tpu.vector_load %arg7[%swap3A_1801, %swap3A_1802] {strides = array<i32>} : memref<64x64xf32, #tpu.memory_space<vmem>>, vector<16xf32>,
      tpu.vector_store %arg7[%swap3A_1801, %swap3A_1802], %get3A_1794 {strides = array<i32>} : memref<64x64xf32, #tpu.memory_space<vmem>>, vector<16xf32>,
      %and3A_1804 = arith.constant 7 : i32
      %and3A_1805 = arith.andi %squeeze3A_1752, %and3A_1804 : i32
      %get3A_1806 = arith.index_cast %add3A_1758 : i32 to index
      %get3A_1807 = arith.index_cast %and3A_1805 : i32 to index
      %get3A_1808 = arith.constant 48 : index
      %get3A_1809 = tpu.vector_load %arg6[%get3A_1806, %get3A_1807, %get3A_1808] {strides = array<i32>} : memref<64x8x64xf32, #tpu.memory_space<vmem>>, vector<16xf32>,
      %and3A_1810 = arith.constant 1 : i32
      %and3A_1811 = arith.andi %scan3A_616, %and3A_1810 : i32
      %mul3A_1812 = arith.constant 32 : i32
      %mul3A_1813 = arith.muli %and3A_1811, %mul3A_1812 : i32
      %add3A_1814 = arith.constant 16 : i32
      %add3A_1815 = arith.addi %mul3A_1813, %add3A_1814 : i32
      %swap3A_1816 = arith.index_cast %add3A_1815 : i32 to index
      %swap3A_1817 = arith.constant 48 : index
      %swap3A_1818 = tpu.vector_load %arg7[%swap3A_1816, %swap3A_1817] {strides = array<i32>} : memref<64x64xf32, #tpu.memory_space<vmem>>, vector<16xf32>,
      tpu.vector_store %arg7[%swap3A_1816, %swap3A_1817], %get3A_1809 {strides = array<i32>} : memref<64x64xf32, #tpu.memory_space<vmem>>, vector<16xf32>,
      %slice3A_1819 = vector.extract_strided_slice %get3A_663 {offsets = [1], sizes = [1], strides = [1]} : vector<16xi32> to vector<1xi32>
      %squeeze3A_1820 = vector.extract %slice3A_1819[0] : i32 from vector<1xi32>
      %and3A_1821 = arith.constant 1 : i32
      %and3A_1822 = arith.andi %scan3A_616, %and3A_1821 : i32
      %mul3A_1823 = arith.constant 32 : i32
      %mul3A_1824 = arith.muli %and3A_1822, %mul3A_1823 : i32
      %add3A_1825 = arith.constant 17 : i32
      %add3A_1826 = arith.addi %mul3A_1824, %add3A_1825 : i32
      %and3A_1827 = arith.constant 7 : i32
      %and3A_1828 = arith.andi %squeeze3A_1820, %and3A_1827 : i32
      %get3A_1829 = arith.index_cast %add3A_1826 : i32 to index
      %get3A_1830 = arith.index_cast %and3A_1828 : i32 to index
      %get3A_1831 = arith.constant 0 : index
      %get3A_1832 = tpu.vector_load %arg6[%get3A_1829, %get3A_1830, %get3A_1831] {strides = array<i32>} : memref<64x8x64xf32, #tpu.memory_space<vmem>>, vector<16xf32>,
      %and3A_1833 = arith.constant 1 : i32
      %and3A_1834 = arith.andi %scan3A_616, %and3A_1833 : i32
      %mul3A_1835 = arith.constant 32 : i32
      %mul3A_1836 = arith.muli %and3A_1834, %mul3A_1835 : i32
      %add3A_1837 = arith.constant 17 : i32
      %add3A_1838 = arith.addi %mul3A_1836, %add3A_1837 : i32
      %swap3A_1839 = arith.index_cast %add3A_1838 : i32 to index
      %swap3A_1840 = arith.constant 0 : index
      %swap3A_1841 = tpu.vector_load %arg7[%swap3A_1839, %swap3A_1840] {strides = array<i32>} : memref<64x64xf32, #tpu.memory_space<vmem>>, vector<16xf32>,
      tpu.vector_store %arg7[%swap3A_1839, %swap3A_1840], %get3A_1832 {strides = array<i32>} : memref<64x64xf32, #tpu.memory_space<vmem>>, vector<16xf32>,
      %and3A_1842 = arith.constant 7 : i32
      %and3A_1843 = arith.andi %squeeze3A_1820, %and3A_1842 : i32
      %get3A_1844 = arith.index_cast %add3A_1826 : i32 to index
      %get3A_1845 = arith.index_cast %and3A_1843 : i32 to index
      %get3A_1846 = arith.constant 16 : index
      %get3A_1847 = tpu.vector_load %arg6[%get3A_1844, %get3A_1845, %get3A_1846] {strides = array<i32>} : memref<64x8x64xf32, #tpu.memory_space<vmem>>, vector<16xf32>,
      %and3A_1848 = arith.constant 1 : i32
      %and3A_1849 = arith.andi %scan3A_616, %and3A_1848 : i32
      %mul3A_1850 = arith.constant 32 : i32
      %mul3A_1851 = arith.muli %and3A_1849, %mul3A_1850 : i32
      %add3A_1852 = arith.constant 17 : i32
      %add3A_1853 = arith.addi %mul3A_1851, %add3A_1852 : i32
      %swap3A_1854 = arith.index_cast %add3A_1853 : i32 to index
      %swap3A_1855 = arith.constant 16 : index
      %swap3A_1856 = tpu.vector_load %arg7[%swap3A_1854, %swap3A_1855] {strides = array<i32>} : memref<64x64xf32, #tpu.memory_space<vmem>>, vector<16xf32>,
      tpu.vector_store %arg7[%swap3A_1854, %swap3A_1855], %get3A_1847 {strides = array<i32>} : memref<64x64xf32, #tpu.memory_space<vmem>>, vector<16xf32>,
      %and3A_1857 = arith.constant 7 : i32
      %and3A_1858 = arith.andi %squeeze3A_1820, %and3A_1857 : i32
      %get3A_1859 = arith.index_cast %add3A_1826 : i32 to index
      %get3A_1860 = arith.index_cast %and3A_1858 : i32 to index
      %get3A_1861 = arith.constant 32 : index
      %get3A_1862 = tpu.vector_load %arg6[%get3A_1859, %get3A_1860, %get3A_1861] {strides = array<i32>} : memref<64x8x64xf32, #tpu.memory_space<vmem>>, vector<16xf32>,
      %and3A_1863 = arith.constant 1 : i32
      %and3A_1864 = arith.andi %scan3A_616, %and3A_1863 : i32
      %mul3A_1865 = arith.constant 32 : i32
      %mul3A_1866 = arith.muli %and3A_1864, %mul3A_1865 : i32
      %add3A_1867 = arith.constant 17 : i32
      %add3A_1868 = arith.addi %mul3A_1866, %add3A_1867 : i32
      %swap3A_1869 = arith.index_cast %add3A_1868 : i32 to index
      %swap3A_1870 = arith.constant 32 : index
      %swap3A_1871 = tpu.vector_load %arg7[%swap3A_1869, %swap3A_1870] {strides = array<i32>} : memref<64x64xf32, #tpu.memory_space<vmem>>, vector<16xf32>,
      tpu.vector_store %arg7[%swap3A_1869, %swap3A_1870], %get3A_1862 {strides = array<i32>} : memref<64x64xf32, #tpu.memory_space<vmem>>, vector<16xf32>,
      %and3A_1872 = arith.constant 7 : i32
      %and3A_1873 = arith.andi %squeeze3A_1820, %and3A_1872 : i32
      %get3A_1874 = arith.index_cast %add3A_1826 : i32 to index
      %get3A_1875 = arith.index_cast %and3A_1873 : i32 to index
      %get3A_1876 = arith.constant 48 : index
      %get3A_1877 = tpu.vector_load %arg6[%get3A_1874, %get3A_1875, %get3A_1876] {strides = array<i32>} : memref<64x8x64xf32, #tpu.memory_space<vmem>>, vector<16xf32>,
      %and3A_1878 = arith.constant 1 : i32
      %and3A_1879 = arith.andi %scan3A_616, %and3A_1878 : i32
      %mul3A_1880 = arith.constant 32 : i32
      %mul3A_1881 = arith.muli %and3A_1879, %mul3A_1880 : i32
      %add3A_1882 = arith.constant 17 : i32
      %add3A_1883 = arith.addi %mul3A_1881, %add3A_1882 : i32
      %swap3A_1884 = arith.index_cast %add3A_1883 : i32 to index
      %swap3A_1885 = arith.constant 48 : index
      %swap3A_1886 = tpu.vector_load %arg7[%swap3A_1884, %swap3A_1885] {strides = array<i32>} : memref<64x64xf32, #tpu.memory_space<vmem>>, vector<16xf32>,
      tpu.vector_store %arg7[%swap3A_1884, %swap3A_1885], %get3A_1877 {strides = array<i32>} : memref<64x64xf32, #tpu.memory_space<vmem>>, vector<16xf32>,
      %slice3A_1887 = vector.extract_strided_slice %get3A_663 {offsets = [2], sizes = [1], strides = [1]} : vector<16xi32> to vector<1xi32>
      %squeeze3A_1888 = vector.extract %slice3A_1887[0] : i32 from vector<1xi32>
      %and3A_1889 = arith.constant 1 : i32
      %and3A_1890 = arith.andi %scan3A_616, %and3A_1889 : i32
      %mul3A_1891 = arith.constant 32 : i32
      %mul3A_1892 = arith.muli %and3A_1890, %mul3A_1891 : i32
      %add3A_1893 = arith.constant 18 : i32
      %add3A_1894 = arith.addi %mul3A_1892, %add3A_1893 : i32
      %and3A_1895 = arith.constant 7 : i32
      %and3A_1896 = arith.andi %squeeze3A_1888, %and3A_1895 : i32
      %get3A_1897 = arith.index_cast %add3A_1894 : i32 to index
      %get3A_1898 = arith.index_cast %and3A_1896 : i32 to index
      %get3A_1899 = arith.constant 0 : index
      %get3A_1900 = tpu.vector_load %arg6[%get3A_1897, %get3A_1898, %get3A_1899] {strides = array<i32>} : memref<64x8x64xf32, #tpu.memory_space<vmem>>, vector<16xf32>,
      %and3A_1901 = arith.constant 1 : i32
      %and3A_1902 = arith.andi %scan3A_616, %and3A_1901 : i32
      %mul3A_1903 = arith.constant 32 : i32
      %mul3A_1904 = arith.muli %and3A_1902, %mul3A_1903 : i32
      %add3A_1905 = arith.constant 18 : i32
      %add3A_1906 = arith.addi %mul3A_1904, %add3A_1905 : i32
      %swap3A_1907 = arith.index_cast %add3A_1906 : i32 to index
      %swap3A_1908 = arith.constant 0 : index
      %swap3A_1909 = tpu.vector_load %arg7[%swap3A_1907, %swap3A_1908] {strides = array<i32>} : memref<64x64xf32, #tpu.memory_space<vmem>>, vector<16xf32>,
      tpu.vector_store %arg7[%swap3A_1907, %swap3A_1908], %get3A_1900 {strides = array<i32>} : memref<64x64xf32, #tpu.memory_space<vmem>>, vector<16xf32>,
      %and3A_1910 = arith.constant 7 : i32
      %and3A_1911 = arith.andi %squeeze3A_1888, %and3A_1910 : i32
      %get3A_1912 = arith.index_cast %add3A_1894 : i32 to index
      %get3A_1913 = arith.index_cast %and3A_1911 : i32 to index
      %get3A_1914 = arith.constant 16 : index
      %get3A_1915 = tpu.vector_load %arg6[%get3A_1912, %get3A_1913, %get3A_1914] {strides = array<i32>} : memref<64x8x64xf32, #tpu.memory_space<vmem>>, vector<16xf32>,
      %and3A_1916 = arith.constant 1 : i32
      %and3A_1917 = arith.andi %scan3A_616, %and3A_1916 : i32
      %mul3A_1918 = arith.constant 32 : i32
      %mul3A_1919 = arith.muli %and3A_1917, %mul3A_1918 : i32
      %add3A_1920 = arith.constant 18 : i32
      %add3A_1921 = arith.addi %mul3A_1919, %add3A_1920 : i32
      %swap3A_1922 = arith.index_cast %add3A_1921 : i32 to index
      %swap3A_1923 = arith.constant 16 : index
      %swap3A_1924 = tpu.vector_load %arg7[%swap3A_1922, %swap3A_1923] {strides = array<i32>} : memref<64x64xf32, #tpu.memory_space<vmem>>, vector<16xf32>,
      tpu.vector_store %arg7[%swap3A_1922, %swap3A_1923], %get3A_1915 {strides = array<i32>} : memref<64x64xf32, #tpu.memory_space<vmem>>, vector<16xf32>,
      %and3A_1925 = arith.constant 7 : i32
      %and3A_1926 = arith.andi %squeeze3A_1888, %and3A_1925 : i32
      %get3A_1927 = arith.index_cast %add3A_1894 : i32 to index
      %get3A_1928 = arith.index_cast %and3A_1926 : i32 to index
      %get3A_1929 = arith.constant 32 : index
      %get3A_1930 = tpu.vector_load %arg6[%get3A_1927, %get3A_1928, %get3A_1929] {strides = array<i32>} : memref<64x8x64xf32, #tpu.memory_space<vmem>>, vector<16xf32>,
      %and3A_1931 = arith.constant 1 : i32
      %and3A_1932 = arith.andi %scan3A_616, %and3A_1931 : i32
      %mul3A_1933 = arith.constant 32 : i32
      %mul3A_1934 = arith.muli %and3A_1932, %mul3A_1933 : i32
      %add3A_1935 = arith.constant 18 : i32
      %add3A_1936 = arith.addi %mul3A_1934, %add3A_1935 : i32
      %swap3A_1937 = arith.index_cast %add3A_1936 : i32 to index
      %swap3A_1938 = arith.constant 32 : index
      %swap3A_1939 = tpu.vector_load %arg7[%swap3A_1937, %swap3A_1938] {strides = array<i32>} : memref<64x64xf32, #tpu.memory_space<vmem>>, vector<16xf32>,
      tpu.vector_store %arg7[%swap3A_1937, %swap3A_1938], %get3A_1930 {strides = array<i32>} : memref<64x64xf32, #tpu.memory_space<vmem>>, vector<16xf32>,
      %and3A_1940 = arith.constant 7 : i32
      %and3A_1941 = arith.andi %squeeze3A_1888, %and3A_1940 : i32
      %get3A_1942 = arith.index_cast %add3A_1894 : i32 to index
      %get3A_1943 = arith.index_cast %and3A_1941 : i32 to index
      %get3A_1944 = arith.constant 48 : index
      %get3A_1945 = tpu.vector_load %arg6[%get3A_1942, %get3A_1943, %get3A_1944] {strides = array<i32>} : memref<64x8x64xf32, #tpu.memory_space<vmem>>, vector<16xf32>,
      %and3A_1946 = arith.constant 1 : i32
      %and3A_1947 = arith.andi %scan3A_616, %and3A_1946 : i32
      %mul3A_1948 = arith.constant 32 : i32
      %mul3A_1949 = arith.muli %and3A_1947, %mul3A_1948 : i32
      %add3A_1950 = arith.constant 18 : i32
      %add3A_1951 = arith.addi %mul3A_1949, %add3A_1950 : i32
      %swap3A_1952 = arith.index_cast %add3A_1951 : i32 to index
      %swap3A_1953 = arith.constant 48 : index
      %swap3A_1954 = tpu.vector_load %arg7[%swap3A_1952, %swap3A_1953] {strides = array<i32>} : memref<64x64xf32, #tpu.memory_space<vmem>>, vector<16xf32>,
      tpu.vector_store %arg7[%swap3A_1952, %swap3A_1953], %get3A_1945 {strides = array<i32>} : memref<64x64xf32, #tpu.memory_space<vmem>>, vector<16xf32>,
      %slice3A_1955 = vector.extract_strided_slice %get3A_663 {offsets = [3], sizes = [1], strides = [1]} : vector<16xi32> to vector<1xi32>
      %squeeze3A_1956 = vector.extract %slice3A_1955[0] : i32 from vector<1xi32>
      %and3A_1957 = arith.constant 1 : i32
      %and3A_1958 = arith.andi %scan3A_616, %and3A_1957 : i32
      %mul3A_1959 = arith.constant 32 : i32
      %mul3A_1960 = arith.muli %and3A_1958, %mul3A_1959 : i32
      %add3A_1961 = arith.constant 19 : i32
      %add3A_1962 = arith.addi %mul3A_1960, %add3A_1961 : i32
      %and3A_1963 = arith.constant 7 : i32
      %and3A_1964 = arith.andi %squeeze3A_1956, %and3A_1963 : i32
      %get3A_1965 = arith.index_cast %add3A_1962 : i32 to index
      %get3A_1966 = arith.index_cast %and3A_1964 : i32 to index
      %get3A_1967 = arith.constant 0 : index
      %get3A_1968 = tpu.vector_load %arg6[%get3A_1965, %get3A_1966, %get3A_1967] {strides = array<i32>} : memref<64x8x64xf32, #tpu.memory_space<vmem>>, vector<16xf32>,
      %and3A_1969 = arith.constant 1 : i32
      %and3A_1970 = arith.andi %scan3A_616, %and3A_1969 : i32
      %mul3A_1971 = arith.constant 32 : i32
      %mul3A_1972 = arith.muli %and3A_1970, %mul3A_1971 : i32
      %add3A_1973 = arith.constant 19 : i32
      %add3A_1974 = arith.addi %mul3A_1972, %add3A_1973 : i32
      %swap3A_1975 = arith.index_cast %add3A_1974 : i32 to index
      %swap3A_1976 = arith.constant 0 : index
      %swap3A_1977 = tpu.vector_load %arg7[%swap3A_1975, %swap3A_1976] {strides = array<i32>} : memref<64x64xf32, #tpu.memory_space<vmem>>, vector<16xf32>,
      tpu.vector_store %arg7[%swap3A_1975, %swap3A_1976], %get3A_1968 {strides = array<i32>} : memref<64x64xf32, #tpu.memory_space<vmem>>, vector<16xf32>,
      %and3A_1978 = arith.constant 7 : i32
      %and3A_1979 = arith.andi %squeeze3A_1956, %and3A_1978 : i32
      %get3A_1980 = arith.index_cast %add3A_1962 : i32 to index
      %get3A_1981 = arith.index_cast %and3A_1979 : i32 to index
      %get3A_1982 = arith.constant 16 : index
      %get3A_1983 = tpu.vector_load %arg6[%get3A_1980, %get3A_1981, %get3A_1982] {strides = array<i32>} : memref<64x8x64xf32, #tpu.memory_space<vmem>>, vector<16xf32>,
      %and3A_1984 = arith.constant 1 : i32
      %and3A_1985 = arith.andi %scan3A_616, %and3A_1984 : i32
      %mul3A_1986 = arith.constant 32 : i32
      %mul3A_1987 = arith.muli %and3A_1985, %mul3A_1986 : i32
      %add3A_1988 = arith.constant 19 : i32
      %add3A_1989 = arith.addi %mul3A_1987, %add3A_1988 : i32
      %swap3A_1990 = arith.index_cast %add3A_1989 : i32 to index
      %swap3A_1991 = arith.constant 16 : index
      %swap3A_1992 = tpu.vector_load %arg7[%swap3A_1990, %swap3A_1991] {strides = array<i32>} : memref<64x64xf32, #tpu.memory_space<vmem>>, vector<16xf32>,
      tpu.vector_store %arg7[%swap3A_1990, %swap3A_1991], %get3A_1983 {strides = array<i32>} : memref<64x64xf32, #tpu.memory_space<vmem>>, vector<16xf32>,
      %and3A_1993 = arith.constant 7 : i32
      %and3A_1994 = arith.andi %squeeze3A_1956, %and3A_1993 : i32
      %get3A_1995 = arith.index_cast %add3A_1962 : i32 to index
      %get3A_1996 = arith.index_cast %and3A_1994 : i32 to index
      %get3A_1997 = arith.constant 32 : index
      %get3A_1998 = tpu.vector_load %arg6[%get3A_1995, %get3A_1996, %get3A_1997] {strides = array<i32>} : memref<64x8x64xf32, #tpu.memory_space<vmem>>, vector<16xf32>,
      %and3A_1999 = arith.constant 1 : i32
      %and3A_2000 = arith.andi %scan3A_616, %and3A_1999 : i32
      %mul3A_2001 = arith.constant 32 : i32
      %mul3A_2002 = arith.muli %and3A_2000, %mul3A_2001 : i32
      %add3A_2003 = arith.constant 19 : i32
      %add3A_2004 = arith.addi %mul3A_2002, %add3A_2003 : i32
      %swap3A_2005 = arith.index_cast %add3A_2004 : i32 to index
      %swap3A_2006 = arith.constant 32 : index
      %swap3A_2007 = tpu.vector_load %arg7[%swap3A_2005, %swap3A_2006] {strides = array<i32>} : memref<64x64xf32, #tpu.memory_space<vmem>>, vector<16xf32>,
      tpu.vector_store %arg7[%swap3A_2005, %swap3A_2006], %get3A_1998 {strides = array<i32>} : memref<64x64xf32, #tpu.memory_space<vmem>>, vector<16xf32>,
      %and3A_2008 = arith.constant 7 : i32
      %and3A_2009 = arith.andi %squeeze3A_1956, %and3A_2008 : i32
      %get3A_2010 = arith.index_cast %add3A_1962 : i32 to index
      %get3A_2011 = arith.index_cast %and3A_2009 : i32 to index
      %get3A_2012 = arith.constant 48 : index
      %get3A_2013 = tpu.vector_load %arg6[%get3A_2010, %get3A_2011, %get3A_2012] {strides = array<i32>} : memref<64x8x64xf32, #tpu.memory_space<vmem>>, vector<16xf32>,
      %and3A_2014 = arith.constant 1 : i32
      %and3A_2015 = arith.andi %scan3A_616, %and3A_2014 : i32
      %mul3A_2016 = arith.constant 32 : i32
      %mul3A_2017 = arith.muli %and3A_2015, %mul3A_2016 : i32
      %add3A_2018 = arith.constant 19 : i32
      %add3A_2019 = arith.addi %mul3A_2017, %add3A_2018 : i32
      %swap3A_2020 = arith.index_cast %add3A_2019 : i32 to index
      %swap3A_2021 = arith.constant 48 : index
      %swap3A_2022 = tpu.vector_load %arg7[%swap3A_2020, %swap3A_2021] {strides = array<i32>} : memref<64x64xf32, #tpu.memory_space<vmem>>, vector<16xf32>,
      tpu.vector_store %arg7[%swap3A_2020, %swap3A_2021], %get3A_2013 {strides = array<i32>} : memref<64x64xf32, #tpu.memory_space<vmem>>, vector<16xf32>,
      %slice3A_2023 = vector.extract_strided_slice %get3A_663 {offsets = [4], sizes = [1], strides = [1]} : vector<16xi32> to vector<1xi32>
      %squeeze3A_2024 = vector.extract %slice3A_2023[0] : i32 from vector<1xi32>
      %and3A_2025 = arith.constant 1 : i32
      %and3A_2026 = arith.andi %scan3A_616, %and3A_2025 : i32
      %mul3A_2027 = arith.constant 32 : i32
      %mul3A_2028 = arith.muli %and3A_2026, %mul3A_2027 : i32
      %add3A_2029 = arith.constant 20 : i32
      %add3A_2030 = arith.addi %mul3A_2028, %add3A_2029 : i32
      %and3A_2031 = arith.constant 7 : i32
      %and3A_2032 = arith.andi %squeeze3A_2024, %and3A_2031 : i32
      %get3A_2033 = arith.index_cast %add3A_2030 : i32 to index
      %get3A_2034 = arith.index_cast %and3A_2032 : i32 to index
      %get3A_2035 = arith.constant 0 : index
      %get3A_2036 = tpu.vector_load %arg6[%get3A_2033, %get3A_2034, %get3A_2035] {strides = array<i32>} : memref<64x8x64xf32, #tpu.memory_space<vmem>>, vector<16xf32>,
      %and3A_2037 = arith.constant 1 : i32
      %and3A_2038 = arith.andi %scan3A_616, %and3A_2037 : i32
      %mul3A_2039 = arith.constant 32 : i32
      %mul3A_2040 = arith.muli %and3A_2038, %mul3A_2039 : i32
      %add3A_2041 = arith.constant 20 : i32
      %add3A_2042 = arith.addi %mul3A_2040, %add3A_2041 : i32
      %swap3A_2043 = arith.index_cast %add3A_2042 : i32 to index
      %swap3A_2044 = arith.constant 0 : index
      %swap3A_2045 = tpu.vector_load %arg7[%swap3A_2043, %swap3A_2044] {strides = array<i32>} : memref<64x64xf32, #tpu.memory_space<vmem>>, vector<16xf32>,
      tpu.vector_store %arg7[%swap3A_2043, %swap3A_2044], %get3A_2036 {strides = array<i32>} : memref<64x64xf32, #tpu.memory_space<vmem>>, vector<16xf32>,
      %and3A_2046 = arith.constant 7 : i32
      %and3A_2047 = arith.andi %squeeze3A_2024, %and3A_2046 : i32
      %get3A_2048 = arith.index_cast %add3A_2030 : i32 to index
      %get3A_2049 = arith.index_cast %and3A_2047 : i32 to index
      %get3A_2050 = arith.constant 16 : index
      %get3A_2051 = tpu.vector_load %arg6[%get3A_2048, %get3A_2049, %get3A_2050] {strides = array<i32>} : memref<64x8x64xf32, #tpu.memory_space<vmem>>, vector<16xf32>,
      %and3A_2052 = arith.constant 1 : i32
      %and3A_2053 = arith.andi %scan3A_616, %and3A_2052 : i32
      %mul3A_2054 = arith.constant 32 : i32
      %mul3A_2055 = arith.muli %and3A_2053, %mul3A_2054 : i32
      %add3A_2056 = arith.constant 20 : i32
      %add3A_2057 = arith.addi %mul3A_2055, %add3A_2056 : i32
      %swap3A_2058 = arith.index_cast %add3A_2057 : i32 to index
      %swap3A_2059 = arith.constant 16 : index
      %swap3A_2060 = tpu.vector_load %arg7[%swap3A_2058, %swap3A_2059] {strides = array<i32>} : memref<64x64xf32, #tpu.memory_space<vmem>>, vector<16xf32>,
      tpu.vector_store %arg7[%swap3A_2058, %swap3A_2059], %get3A_2051 {strides = array<i32>} : memref<64x64xf32, #tpu.memory_space<vmem>>, vector<16xf32>,
      %and3A_2061 = arith.constant 7 : i32
      %and3A_2062 = arith.andi %squeeze3A_2024, %and3A_2061 : i32
      %get3A_2063 = arith.index_cast %add3A_2030 : i32 to index
      %get3A_2064 = arith.index_cast %and3A_2062 : i32 to index
      %get3A_2065 = arith.constant 32 : index
      %get3A_2066 = tpu.vector_load %arg6[%get3A_2063, %get3A_2064, %get3A_2065] {strides = array<i32>} : memref<64x8x64xf32, #tpu.memory_space<vmem>>, vector<16xf32>,
      %and3A_2067 = arith.constant 1 : i32
      %and3A_2068 = arith.andi %scan3A_616, %and3A_2067 : i32
      %mul3A_2069 = arith.constant 32 : i32
      %mul3A_2070 = arith.muli %and3A_2068, %mul3A_2069 : i32
      %add3A_2071 = arith.constant 20 : i32
      %add3A_2072 = arith.addi %mul3A_2070, %add3A_2071 : i32
      %swap3A_2073 = arith.index_cast %add3A_2072 : i32 to index
      %swap3A_2074 = arith.constant 32 : index
      %swap3A_2075 = tpu.vector_load %arg7[%swap3A_2073, %swap3A_2074] {strides = array<i32>} : memref<64x64xf32, #tpu.memory_space<vmem>>, vector<16xf32>,
      tpu.vector_store %arg7[%swap3A_2073, %swap3A_2074], %get3A_2066 {strides = array<i32>} : memref<64x64xf32, #tpu.memory_space<vmem>>, vector<16xf32>,
      %and3A_2076 = arith.constant 7 : i32
      %and3A_2077 = arith.andi %squeeze3A_2024, %and3A_2076 : i32
      %get3A_2078 = arith.index_cast %add3A_2030 : i32 to index
      %get3A_2079 = arith.index_cast %and3A_2077 : i32 to index
      %get3A_2080 = arith.constant 48 : index
      %get3A_2081 = tpu.vector_load %arg6[%get3A_2078, %get3A_2079, %get3A_2080] {strides = array<i32>} : memref<64x8x64xf32, #tpu.memory_space<vmem>>, vector<16xf32>,
      %and3A_2082 = arith.constant 1 : i32
      %and3A_2083 = arith.andi %scan3A_616, %and3A_2082 : i32
      %mul3A_2084 = arith.constant 32 : i32
      %mul3A_2085 = arith.muli %and3A_2083, %mul3A_2084 : i32
      %add3A_2086 = arith.constant 20 : i32
      %add3A_2087 = arith.addi %mul3A_2085, %add3A_2086 : i32
      %swap3A_2088 = arith.index_cast %add3A_2087 : i32 to index
      %swap3A_2089 = arith.constant 48 : index
      %swap3A_2090 = tpu.vector_load %arg7[%swap3A_2088, %swap3A_2089] {strides = array<i32>} : memref<64x64xf32, #tpu.memory_space<vmem>>, vector<16xf32>,
      tpu.vector_store %arg7[%swap3A_2088, %swap3A_2089], %get3A_2081 {strides = array<i32>} : memref<64x64xf32, #tpu.memory_space<vmem>>, vector<16xf32>,
      %slice3A_2091 = vector.extract_strided_slice %get3A_663 {offsets = [5], sizes = [1], strides = [1]} : vector<16xi32> to vector<1xi32>
      %squeeze3A_2092 = vector.extract %slice3A_2091[0] : i32 from vector<1xi32>
      %and3A_2093 = arith.constant 1 : i32
      %and3A_2094 = arith.andi %scan3A_616, %and3A_2093 : i32
      %mul3A_2095 = arith.constant 32 : i32
      %mul3A_2096 = arith.muli %and3A_2094, %mul3A_2095 : i32
      %add3A_2097 = arith.constant 21 : i32
      %add3A_2098 = arith.addi %mul3A_2096, %add3A_2097 : i32
      %and3A_2099 = arith.constant 7 : i32
      %and3A_2100 = arith.andi %squeeze3A_2092, %and3A_2099 : i32
      %get3A_2101 = arith.index_cast %add3A_2098 : i32 to index
      %get3A_2102 = arith.index_cast %and3A_2100 : i32 to index
      %get3A_2103 = arith.constant 0 : index
      %get3A_2104 = tpu.vector_load %arg6[%get3A_2101, %get3A_2102, %get3A_2103] {strides = array<i32>} : memref<64x8x64xf32, #tpu.memory_space<vmem>>, vector<16xf32>,
      %and3A_2105 = arith.constant 1 : i32
      %and3A_2106 = arith.andi %scan3A_616, %and3A_2105 : i32
      %mul3A_2107 = arith.constant 32 : i32
      %mul3A_2108 = arith.muli %and3A_2106, %mul3A_2107 : i32
      %add3A_2109 = arith.constant 21 : i32
      %add3A_2110 = arith.addi %mul3A_2108, %add3A_2109 : i32
      %swap3A_2111 = arith.index_cast %add3A_2110 : i32 to index
      %swap3A_2112 = arith.constant 0 : index
      %swap3A_2113 = tpu.vector_load %arg7[%swap3A_2111, %swap3A_2112] {strides = array<i32>} : memref<64x64xf32, #tpu.memory_space<vmem>>, vector<16xf32>,
      tpu.vector_store %arg7[%swap3A_2111, %swap3A_2112], %get3A_2104 {strides = array<i32>} : memref<64x64xf32, #tpu.memory_space<vmem>>, vector<16xf32>,
      %and3A_2114 = arith.constant 7 : i32
      %and3A_2115 = arith.andi %squeeze3A_2092, %and3A_2114 : i32
      %get3A_2116 = arith.index_cast %add3A_2098 : i32 to index
      %get3A_2117 = arith.index_cast %and3A_2115 : i32 to index
      %get3A_2118 = arith.constant 16 : index
      %get3A_2119 = tpu.vector_load %arg6[%get3A_2116, %get3A_2117, %get3A_2118] {strides = array<i32>} : memref<64x8x64xf32, #tpu.memory_space<vmem>>, vector<16xf32>,
      %and3A_2120 = arith.constant 1 : i32
      %and3A_2121 = arith.andi %scan3A_616, %and3A_2120 : i32
      %mul3A_2122 = arith.constant 32 : i32
      %mul3A_2123 = arith.muli %and3A_2121, %mul3A_2122 : i32
      %add3A_2124 = arith.constant 21 : i32
      %add3A_2125 = arith.addi %mul3A_2123, %add3A_2124 : i32
      %swap3A_2126 = arith.index_cast %add3A_2125 : i32 to index
      %swap3A_2127 = arith.constant 16 : index
      %swap3A_2128 = tpu.vector_load %arg7[%swap3A_2126, %swap3A_2127] {strides = array<i32>} : memref<64x64xf32, #tpu.memory_space<vmem>>, vector<16xf32>,
      tpu.vector_store %arg7[%swap3A_2126, %swap3A_2127], %get3A_2119 {strides = array<i32>} : memref<64x64xf32, #tpu.memory_space<vmem>>, vector<16xf32>,
      %and3A_2129 = arith.constant 7 : i32
      %and3A_2130 = arith.andi %squeeze3A_2092, %and3A_2129 : i32
      %get3A_2131 = arith.index_cast %add3A_2098 : i32 to index
      %get3A_2132 = arith.index_cast %and3A_2130 : i32 to index
      %get3A_2133 = arith.constant 32 : index
      %get3A_2134 = tpu.vector_load %arg6[%get3A_2131, %get3A_2132, %get3A_2133] {strides = array<i32>} : memref<64x8x64xf32, #tpu.memory_space<vmem>>, vector<16xf32>,
      %and3A_2135 = arith.constant 1 : i32
      %and3A_2136 = arith.andi %scan3A_616, %and3A_2135 : i32
      %mul3A_2137 = arith.constant 32 : i32
      %mul3A_2138 = arith.muli %and3A_2136, %mul3A_2137 : i32
      %add3A_2139 = arith.constant 21 : i32
      %add3A_2140 = arith.addi %mul3A_2138, %add3A_2139 : i32
      %swap3A_2141 = arith.index_cast %add3A_2140 : i32 to index
      %swap3A_2142 = arith.constant 32 : index
      %swap3A_2143 = tpu.vector_load %arg7[%swap3A_2141, %swap3A_2142] {strides = array<i32>} : memref<64x64xf32, #tpu.memory_space<vmem>>, vector<16xf32>,
      tpu.vector_store %arg7[%swap3A_2141, %swap3A_2142], %get3A_2134 {strides = array<i32>} : memref<64x64xf32, #tpu.memory_space<vmem>>, vector<16xf32>,
      %and3A_2144 = arith.constant 7 : i32
      %and3A_2145 = arith.andi %squeeze3A_2092, %and3A_2144 : i32
      %get3A_2146 = arith.index_cast %add3A_2098 : i32 to index
      %get3A_2147 = arith.index_cast %and3A_2145 : i32 to index
      %get3A_2148 = arith.constant 48 : index
      %get3A_2149 = tpu.vector_load %arg6[%get3A_2146, %get3A_2147, %get3A_2148] {strides = array<i32>} : memref<64x8x64xf32, #tpu.memory_space<vmem>>, vector<16xf32>,
      %and3A_2150 = arith.constant 1 : i32
      %and3A_2151 = arith.andi %scan3A_616, %and3A_2150 : i32
      %mul3A_2152 = arith.constant 32 : i32
      %mul3A_2153 = arith.muli %and3A_2151, %mul3A_2152 : i32
      %add3A_2154 = arith.constant 21 : i32
      %add3A_2155 = arith.addi %mul3A_2153, %add3A_2154 : i32
      %swap3A_2156 = arith.index_cast %add3A_2155 : i32 to index
      %swap3A_2157 = arith.constant 48 : index
      %swap3A_2158 = tpu.vector_load %arg7[%swap3A_2156, %swap3A_2157] {strides = array<i32>} : memref<64x64xf32, #tpu.memory_space<vmem>>, vector<16xf32>,
      tpu.vector_store %arg7[%swap3A_2156, %swap3A_2157], %get3A_2149 {strides = array<i32>} : memref<64x64xf32, #tpu.memory_space<vmem>>, vector<16xf32>,
      %slice3A_2159 = vector.extract_strided_slice %get3A_663 {offsets = [6], sizes = [1], strides = [1]} : vector<16xi32> to vector<1xi32>
      %squeeze3A_2160 = vector.extract %slice3A_2159[0] : i32 from vector<1xi32>
      %and3A_2161 = arith.constant 1 : i32
      %and3A_2162 = arith.andi %scan3A_616, %and3A_2161 : i32
      %mul3A_2163 = arith.constant 32 : i32
      %mul3A_2164 = arith.muli %and3A_2162, %mul3A_2163 : i32
      %add3A_2165 = arith.constant 22 : i32
      %add3A_2166 = arith.addi %mul3A_2164, %add3A_2165 : i32
      %and3A_2167 = arith.constant 7 : i32
      %and3A_2168 = arith.andi %squeeze3A_2160, %and3A_2167 : i32
      %get3A_2169 = arith.index_cast %add3A_2166 : i32 to index
      %get3A_2170 = arith.index_cast %and3A_2168 : i32 to index
      %get3A_2171 = arith.constant 0 : index
      %get3A_2172 = tpu.vector_load %arg6[%get3A_2169, %get3A_2170, %get3A_2171] {strides = array<i32>} : memref<64x8x64xf32, #tpu.memory_space<vmem>>, vector<16xf32>,
      %and3A_2173 = arith.constant 1 : i32
      %and3A_2174 = arith.andi %scan3A_616, %and3A_2173 : i32
      %mul3A_2175 = arith.constant 32 : i32
      %mul3A_2176 = arith.muli %and3A_2174, %mul3A_2175 : i32
      %add3A_2177 = arith.constant 22 : i32
      %add3A_2178 = arith.addi %mul3A_2176, %add3A_2177 : i32
      %swap3A_2179 = arith.index_cast %add3A_2178 : i32 to index
      %swap3A_2180 = arith.constant 0 : index
      %swap3A_2181 = tpu.vector_load %arg7[%swap3A_2179, %swap3A_2180] {strides = array<i32>} : memref<64x64xf32, #tpu.memory_space<vmem>>, vector<16xf32>,
      tpu.vector_store %arg7[%swap3A_2179, %swap3A_2180], %get3A_2172 {strides = array<i32>} : memref<64x64xf32, #tpu.memory_space<vmem>>, vector<16xf32>,
      %and3A_2182 = arith.constant 7 : i32
      %and3A_2183 = arith.andi %squeeze3A_2160, %and3A_2182 : i32
      %get3A_2184 = arith.index_cast %add3A_2166 : i32 to index
      %get3A_2185 = arith.index_cast %and3A_2183 : i32 to index
      %get3A_2186 = arith.constant 16 : index
      %get3A_2187 = tpu.vector_load %arg6[%get3A_2184, %get3A_2185, %get3A_2186] {strides = array<i32>} : memref<64x8x64xf32, #tpu.memory_space<vmem>>, vector<16xf32>,
      %and3A_2188 = arith.constant 1 : i32
      %and3A_2189 = arith.andi %scan3A_616, %and3A_2188 : i32
      %mul3A_2190 = arith.constant 32 : i32
      %mul3A_2191 = arith.muli %and3A_2189, %mul3A_2190 : i32
      %add3A_2192 = arith.constant 22 : i32
      %add3A_2193 = arith.addi %mul3A_2191, %add3A_2192 : i32
      %swap3A_2194 = arith.index_cast %add3A_2193 : i32 to index
      %swap3A_2195 = arith.constant 16 : index
      %swap3A_2196 = tpu.vector_load %arg7[%swap3A_2194, %swap3A_2195] {strides = array<i32>} : memref<64x64xf32, #tpu.memory_space<vmem>>, vector<16xf32>,
      tpu.vector_store %arg7[%swap3A_2194, %swap3A_2195], %get3A_2187 {strides = array<i32>} : memref<64x64xf32, #tpu.memory_space<vmem>>, vector<16xf32>,
      %and3A_2197 = arith.constant 7 : i32
      %and3A_2198 = arith.andi %squeeze3A_2160, %and3A_2197 : i32
      %get3A_2199 = arith.index_cast %add3A_2166 : i32 to index
      %get3A_2200 = arith.index_cast %and3A_2198 : i32 to index
      %get3A_2201 = arith.constant 32 : index
      %get3A_2202 = tpu.vector_load %arg6[%get3A_2199, %get3A_2200, %get3A_2201] {strides = array<i32>} : memref<64x8x64xf32, #tpu.memory_space<vmem>>, vector<16xf32>,
      %and3A_2203 = arith.constant 1 : i32
      %and3A_2204 = arith.andi %scan3A_616, %and3A_2203 : i32
      %mul3A_2205 = arith.constant 32 : i32
      %mul3A_2206 = arith.muli %and3A_2204, %mul3A_2205 : i32
      %add3A_2207 = arith.constant 22 : i32
      %add3A_2208 = arith.addi %mul3A_2206, %add3A_2207 : i32
      %swap3A_2209 = arith.index_cast %add3A_2208 : i32 to index
      %swap3A_2210 = arith.constant 32 : index
      %swap3A_2211 = tpu.vector_load %arg7[%swap3A_2209, %swap3A_2210] {strides = array<i32>} : memref<64x64xf32, #tpu.memory_space<vmem>>, vector<16xf32>,
      tpu.vector_store %arg7[%swap3A_2209, %swap3A_2210], %get3A_2202 {strides = array<i32>} : memref<64x64xf32, #tpu.memory_space<vmem>>, vector<16xf32>,
      %and3A_2212 = arith.constant 7 : i32
      %and3A_2213 = arith.andi %squeeze3A_2160, %and3A_2212 : i32
      %get3A_2214 = arith.index_cast %add3A_2166 : i32 to index
      %get3A_2215 = arith.index_cast %and3A_2213 : i32 to index
      %get3A_2216 = arith.constant 48 : index
      %get3A_2217 = tpu.vector_load %arg6[%get3A_2214, %get3A_2215, %get3A_2216] {strides = array<i32>} : memref<64x8x64xf32, #tpu.memory_space<vmem>>, vector<16xf32>,
      %and3A_2218 = arith.constant 1 : i32
      %and3A_2219 = arith.andi %scan3A_616, %and3A_2218 : i32
      %mul3A_2220 = arith.constant 32 : i32
      %mul3A_2221 = arith.muli %and3A_2219, %mul3A_2220 : i32
      %add3A_2222 = arith.constant 22 : i32
      %add3A_2223 = arith.addi %mul3A_2221, %add3A_2222 : i32
      %swap3A_2224 = arith.index_cast %add3A_2223 : i32 to index
      %swap3A_2225 = arith.constant 48 : index
      %swap3A_2226 = tpu.vector_load %arg7[%swap3A_2224, %swap3A_2225] {strides = array<i32>} : memref<64x64xf32, #tpu.memory_space<vmem>>, vector<16xf32>,
      tpu.vector_store %arg7[%swap3A_2224, %swap3A_2225], %get3A_2217 {strides = array<i32>} : memref<64x64xf32, #tpu.memory_space<vmem>>, vector<16xf32>,
      %slice3A_2227 = vector.extract_strided_slice %get3A_663 {offsets = [7], sizes = [1], strides = [1]} : vector<16xi32> to vector<1xi32>
      %squeeze3A_2228 = vector.extract %slice3A_2227[0] : i32 from vector<1xi32>
      %and3A_2229 = arith.constant 1 : i32
      %and3A_2230 = arith.andi %scan3A_616, %and3A_2229 : i32
      %mul3A_2231 = arith.constant 32 : i32
      %mul3A_2232 = arith.muli %and3A_2230, %mul3A_2231 : i32
      %add3A_2233 = arith.constant 23 : i32
      %add3A_2234 = arith.addi %mul3A_2232, %add3A_2233 : i32
      %and3A_2235 = arith.constant 7 : i32
      %and3A_2236 = arith.andi %squeeze3A_2228, %and3A_2235 : i32
      %get3A_2237 = arith.index_cast %add3A_2234 : i32 to index
      %get3A_2238 = arith.index_cast %and3A_2236 : i32 to index
      %get3A_2239 = arith.constant 0 : index
      %get3A_2240 = tpu.vector_load %arg6[%get3A_2237, %get3A_2238, %get3A_2239] {strides = array<i32>} : memref<64x8x64xf32, #tpu.memory_space<vmem>>, vector<16xf32>,
      %and3A_2241 = arith.constant 1 : i32
      %and3A_2242 = arith.andi %scan3A_616, %and3A_2241 : i32
      %mul3A_2243 = arith.constant 32 : i32
      %mul3A_2244 = arith.muli %and3A_2242, %mul3A_2243 : i32
      %add3A_2245 = arith.constant 23 : i32
      %add3A_2246 = arith.addi %mul3A_2244, %add3A_2245 : i32
      %swap3A_2247 = arith.index_cast %add3A_2246 : i32 to index
      %swap3A_2248 = arith.constant 0 : index
      %swap3A_2249 = tpu.vector_load %arg7[%swap3A_2247, %swap3A_2248] {strides = array<i32>} : memref<64x64xf32, #tpu.memory_space<vmem>>, vector<16xf32>,
      tpu.vector_store %arg7[%swap3A_2247, %swap3A_2248], %get3A_2240 {strides = array<i32>} : memref<64x64xf32, #tpu.memory_space<vmem>>, vector<16xf32>,
      %and3A_2250 = arith.constant 7 : i32
      %and3A_2251 = arith.andi %squeeze3A_2228, %and3A_2250 : i32
      %get3A_2252 = arith.index_cast %add3A_2234 : i32 to index
      %get3A_2253 = arith.index_cast %and3A_2251 : i32 to index
      %get3A_2254 = arith.constant 16 : index
      %get3A_2255 = tpu.vector_load %arg6[%get3A_2252, %get3A_2253, %get3A_2254] {strides = array<i32>} : memref<64x8x64xf32, #tpu.memory_space<vmem>>, vector<16xf32>,
      %and3A_2256 = arith.constant 1 : i32
      %and3A_2257 = arith.andi %scan3A_616, %and3A_2256 : i32
      %mul3A_2258 = arith.constant 32 : i32
      %mul3A_2259 = arith.muli %and3A_2257, %mul3A_2258 : i32
      %add3A_2260 = arith.constant 23 : i32
      %add3A_2261 = arith.addi %mul3A_2259, %add3A_2260 : i32
      %swap3A_2262 = arith.index_cast %add3A_2261 : i32 to index
      %swap3A_2263 = arith.constant 16 : index
      %swap3A_2264 = tpu.vector_load %arg7[%swap3A_2262, %swap3A_2263] {strides = array<i32>} : memref<64x64xf32, #tpu.memory_space<vmem>>, vector<16xf32>,
      tpu.vector_store %arg7[%swap3A_2262, %swap3A_2263], %get3A_2255 {strides = array<i32>} : memref<64x64xf32, #tpu.memory_space<vmem>>, vector<16xf32>,
      %and3A_2265 = arith.constant 7 : i32
      %and3A_2266 = arith.andi %squeeze3A_2228, %and3A_2265 : i32
      %get3A_2267 = arith.index_cast %add3A_2234 : i32 to index
      %get3A_2268 = arith.index_cast %and3A_2266 : i32 to index
      %get3A_2269 = arith.constant 32 : index
      %get3A_2270 = tpu.vector_load %arg6[%get3A_2267, %get3A_2268, %get3A_2269] {strides = array<i32>} : memref<64x8x64xf32, #tpu.memory_space<vmem>>, vector<16xf32>,
      %and3A_2271 = arith.constant 1 : i32
      %and3A_2272 = arith.andi %scan3A_616, %and3A_2271 : i32
      %mul3A_2273 = arith.constant 32 : i32
      %mul3A_2274 = arith.muli %and3A_2272, %mul3A_2273 : i32
      %add3A_2275 = arith.constant 23 : i32
      %add3A_2276 = arith.addi %mul3A_2274, %add3A_2275 : i32
      %swap3A_2277 = arith.index_cast %add3A_2276 : i32 to index
      %swap3A_2278 = arith.constant 32 : index
      %swap3A_2279 = tpu.vector_load %arg7[%swap3A_2277, %swap3A_2278] {strides = array<i32>} : memref<64x64xf32, #tpu.memory_space<vmem>>, vector<16xf32>,
      tpu.vector_store %arg7[%swap3A_2277, %swap3A_2278], %get3A_2270 {strides = array<i32>} : memref<64x64xf32, #tpu.memory_space<vmem>>, vector<16xf32>,
      %and3A_2280 = arith.constant 7 : i32
      %and3A_2281 = arith.andi %squeeze3A_2228, %and3A_2280 : i32
      %get3A_2282 = arith.index_cast %add3A_2234 : i32 to index
      %get3A_2283 = arith.index_cast %and3A_2281 : i32 to index
      %get3A_2284 = arith.constant 48 : index
      %get3A_2285 = tpu.vector_load %arg6[%get3A_2282, %get3A_2283, %get3A_2284] {strides = array<i32>} : memref<64x8x64xf32, #tpu.memory_space<vmem>>, vector<16xf32>,
      %and3A_2286 = arith.constant 1 : i32
      %and3A_2287 = arith.andi %scan3A_616, %and3A_2286 : i32
      %mul3A_2288 = arith.constant 32 : i32
      %mul3A_2289 = arith.muli %and3A_2287, %mul3A_2288 : i32
      %add3A_2290 = arith.constant 23 : i32
      %add3A_2291 = arith.addi %mul3A_2289, %add3A_2290 : i32
      %swap3A_2292 = arith.index_cast %add3A_2291 : i32 to index
      %swap3A_2293 = arith.constant 48 : index
      %swap3A_2294 = tpu.vector_load %arg7[%swap3A_2292, %swap3A_2293] {strides = array<i32>} : memref<64x64xf32, #tpu.memory_space<vmem>>, vector<16xf32>,
      tpu.vector_store %arg7[%swap3A_2292, %swap3A_2293], %get3A_2285 {strides = array<i32>} : memref<64x64xf32, #tpu.memory_space<vmem>>, vector<16xf32>,
      %slice3A_2295 = vector.extract_strided_slice %get3A_663 {offsets = [8], sizes = [1], strides = [1]} : vector<16xi32> to vector<1xi32>
      %squeeze3A_2296 = vector.extract %slice3A_2295[0] : i32 from vector<1xi32>
      %and3A_2297 = arith.constant 1 : i32
      %and3A_2298 = arith.andi %scan3A_616, %and3A_2297 : i32
      %mul3A_2299 = arith.constant 32 : i32
      %mul3A_2300 = arith.muli %and3A_2298, %mul3A_2299 : i32
      %add3A_2301 = arith.constant 24 : i32
      %add3A_2302 = arith.addi %mul3A_2300, %add3A_2301 : i32
      %and3A_2303 = arith.constant 7 : i32
      %and3A_2304 = arith.andi %squeeze3A_2296, %and3A_2303 : i32
      %get3A_2305 = arith.index_cast %add3A_2302 : i32 to index
      %get3A_2306 = arith.index_cast %and3A_2304 : i32 to index
      %get3A_2307 = arith.constant 0 : index
      %get3A_2308 = tpu.vector_load %arg6[%get3A_2305, %get3A_2306, %get3A_2307] {strides = array<i32>} : memref<64x8x64xf32, #tpu.memory_space<vmem>>, vector<16xf32>,
      %and3A_2309 = arith.constant 1 : i32
      %and3A_2310 = arith.andi %scan3A_616, %and3A_2309 : i32
      %mul3A_2311 = arith.constant 32 : i32
      %mul3A_2312 = arith.muli %and3A_2310, %mul3A_2311 : i32
      %add3A_2313 = arith.constant 24 : i32
      %add3A_2314 = arith.addi %mul3A_2312, %add3A_2313 : i32
      %swap3A_2315 = arith.index_cast %add3A_2314 : i32 to index
      %swap3A_2316 = arith.constant 0 : index
      %swap3A_2317 = tpu.vector_load %arg7[%swap3A_2315, %swap3A_2316] {strides = array<i32>} : memref<64x64xf32, #tpu.memory_space<vmem>>, vector<16xf32>,
      tpu.vector_store %arg7[%swap3A_2315, %swap3A_2316], %get3A_2308 {strides = array<i32>} : memref<64x64xf32, #tpu.memory_space<vmem>>, vector<16xf32>,
      %and3A_2318 = arith.constant 7 : i32
      %and3A_2319 = arith.andi %squeeze3A_2296, %and3A_2318 : i32
      %get3A_2320 = arith.index_cast %add3A_2302 : i32 to index
      %get3A_2321 = arith.index_cast %and3A_2319 : i32 to index
      %get3A_2322 = arith.constant 16 : index
      %get3A_2323 = tpu.vector_load %arg6[%get3A_2320, %get3A_2321, %get3A_2322] {strides = array<i32>} : memref<64x8x64xf32, #tpu.memory_space<vmem>>, vector<16xf32>,
      %and3A_2324 = arith.constant 1 : i32
      %and3A_2325 = arith.andi %scan3A_616, %and3A_2324 : i32
      %mul3A_2326 = arith.constant 32 : i32
      %mul3A_2327 = arith.muli %and3A_2325, %mul3A_2326 : i32
      %add3A_2328 = arith.constant 24 : i32
      %add3A_2329 = arith.addi %mul3A_2327, %add3A_2328 : i32
      %swap3A_2330 = arith.index_cast %add3A_2329 : i32 to index
      %swap3A_2331 = arith.constant 16 : index
      %swap3A_2332 = tpu.vector_load %arg7[%swap3A_2330, %swap3A_2331] {strides = array<i32>} : memref<64x64xf32, #tpu.memory_space<vmem>>, vector<16xf32>,
      tpu.vector_store %arg7[%swap3A_2330, %swap3A_2331], %get3A_2323 {strides = array<i32>} : memref<64x64xf32, #tpu.memory_space<vmem>>, vector<16xf32>,
      %and3A_2333 = arith.constant 7 : i32
      %and3A_2334 = arith.andi %squeeze3A_2296, %and3A_2333 : i32
      %get3A_2335 = arith.index_cast %add3A_2302 : i32 to index
      %get3A_2336 = arith.index_cast %and3A_2334 : i32 to index
      %get3A_2337 = arith.constant 32 : index
      %get3A_2338 = tpu.vector_load %arg6[%get3A_2335, %get3A_2336, %get3A_2337] {strides = array<i32>} : memref<64x8x64xf32, #tpu.memory_space<vmem>>, vector<16xf32>,
      %and3A_2339 = arith.constant 1 : i32
      %and3A_2340 = arith.andi %scan3A_616, %and3A_2339 : i32
      %mul3A_2341 = arith.constant 32 : i32
      %mul3A_2342 = arith.muli %and3A_2340, %mul3A_2341 : i32
      %add3A_2343 = arith.constant 24 : i32
      %add3A_2344 = arith.addi %mul3A_2342, %add3A_2343 : i32
      %swap3A_2345 = arith.index_cast %add3A_2344 : i32 to index
      %swap3A_2346 = arith.constant 32 : index
      %swap3A_2347 = tpu.vector_load %arg7[%swap3A_2345, %swap3A_2346] {strides = array<i32>} : memref<64x64xf32, #tpu.memory_space<vmem>>, vector<16xf32>,
      tpu.vector_store %arg7[%swap3A_2345, %swap3A_2346], %get3A_2338 {strides = array<i32>} : memref<64x64xf32, #tpu.memory_space<vmem>>, vector<16xf32>,
      %and3A_2348 = arith.constant 7 : i32
      %and3A_2349 = arith.andi %squeeze3A_2296, %and3A_2348 : i32
      %get3A_2350 = arith.index_cast %add3A_2302 : i32 to index
      %get3A_2351 = arith.index_cast %and3A_2349 : i32 to index
      %get3A_2352 = arith.constant 48 : index
      %get3A_2353 = tpu.vector_load %arg6[%get3A_2350, %get3A_2351, %get3A_2352] {strides = array<i32>} : memref<64x8x64xf32, #tpu.memory_space<vmem>>, vector<16xf32>,
      %and3A_2354 = arith.constant 1 : i32
      %and3A_2355 = arith.andi %scan3A_616, %and3A_2354 : i32
      %mul3A_2356 = arith.constant 32 : i32
      %mul3A_2357 = arith.muli %and3A_2355, %mul3A_2356 : i32
      %add3A_2358 = arith.constant 24 : i32
      %add3A_2359 = arith.addi %mul3A_2357, %add3A_2358 : i32
      %swap3A_2360 = arith.index_cast %add3A_2359 : i32 to index
      %swap3A_2361 = arith.constant 48 : index
      %swap3A_2362 = tpu.vector_load %arg7[%swap3A_2360, %swap3A_2361] {strides = array<i32>} : memref<64x64xf32, #tpu.memory_space<vmem>>, vector<16xf32>,
      tpu.vector_store %arg7[%swap3A_2360, %swap3A_2361], %get3A_2353 {strides = array<i32>} : memref<64x64xf32, #tpu.memory_space<vmem>>, vector<16xf32>,
      %slice3A_2363 = vector.extract_strided_slice %get3A_663 {offsets = [9], sizes = [1], strides = [1]} : vector<16xi32> to vector<1xi32>
      %squeeze3A_2364 = vector.extract %slice3A_2363[0] : i32 from vector<1xi32>
      %and3A_2365 = arith.constant 1 : i32
      %and3A_2366 = arith.andi %scan3A_616, %and3A_2365 : i32
      %mul3A_2367 = arith.constant 32 : i32
      %mul3A_2368 = arith.muli %and3A_2366, %mul3A_2367 : i32
      %add3A_2369 = arith.constant 25 : i32
      %add3A_2370 = arith.addi %mul3A_2368, %add3A_2369 : i32
      %and3A_2371 = arith.constant 7 : i32
      %and3A_2372 = arith.andi %squeeze3A_2364, %and3A_2371 : i32
      %get3A_2373 = arith.index_cast %add3A_2370 : i32 to index
      %get3A_2374 = arith.index_cast %and3A_2372 : i32 to index
      %get3A_2375 = arith.constant 0 : index
      %get3A_2376 = tpu.vector_load %arg6[%get3A_2373, %get3A_2374, %get3A_2375] {strides = array<i32>} : memref<64x8x64xf32, #tpu.memory_space<vmem>>, vector<16xf32>,
      %and3A_2377 = arith.constant 1 : i32
      %and3A_2378 = arith.andi %scan3A_616, %and3A_2377 : i32
      %mul3A_2379 = arith.constant 32 : i32
      %mul3A_2380 = arith.muli %and3A_2378, %mul3A_2379 : i32
      %add3A_2381 = arith.constant 25 : i32
      %add3A_2382 = arith.addi %mul3A_2380, %add3A_2381 : i32
      %swap3A_2383 = arith.index_cast %add3A_2382 : i32 to index
      %swap3A_2384 = arith.constant 0 : index
      %swap3A_2385 = tpu.vector_load %arg7[%swap3A_2383, %swap3A_2384] {strides = array<i32>} : memref<64x64xf32, #tpu.memory_space<vmem>>, vector<16xf32>,
      tpu.vector_store %arg7[%swap3A_2383, %swap3A_2384], %get3A_2376 {strides = array<i32>} : memref<64x64xf32, #tpu.memory_space<vmem>>, vector<16xf32>,
      %and3A_2386 = arith.constant 7 : i32
      %and3A_2387 = arith.andi %squeeze3A_2364, %and3A_2386 : i32
      %get3A_2388 = arith.index_cast %add3A_2370 : i32 to index
      %get3A_2389 = arith.index_cast %and3A_2387 : i32 to index
      %get3A_2390 = arith.constant 16 : index
      %get3A_2391 = tpu.vector_load %arg6[%get3A_2388, %get3A_2389, %get3A_2390] {strides = array<i32>} : memref<64x8x64xf32, #tpu.memory_space<vmem>>, vector<16xf32>,
      %and3A_2392 = arith.constant 1 : i32
      %and3A_2393 = arith.andi %scan3A_616, %and3A_2392 : i32
      %mul3A_2394 = arith.constant 32 : i32
      %mul3A_2395 = arith.muli %and3A_2393, %mul3A_2394 : i32
      %add3A_2396 = arith.constant 25 : i32
      %add3A_2397 = arith.addi %mul3A_2395, %add3A_2396 : i32
      %swap3A_2398 = arith.index_cast %add3A_2397 : i32 to index
      %swap3A_2399 = arith.constant 16 : index
      %swap3A_2400 = tpu.vector_load %arg7[%swap3A_2398, %swap3A_2399] {strides = array<i32>} : memref<64x64xf32, #tpu.memory_space<vmem>>, vector<16xf32>,
      tpu.vector_store %arg7[%swap3A_2398, %swap3A_2399], %get3A_2391 {strides = array<i32>} : memref<64x64xf32, #tpu.memory_space<vmem>>, vector<16xf32>,
      %and3A_2401 = arith.constant 7 : i32
      %and3A_2402 = arith.andi %squeeze3A_2364, %and3A_2401 : i32
      %get3A_2403 = arith.index_cast %add3A_2370 : i32 to index
      %get3A_2404 = arith.index_cast %and3A_2402 : i32 to index
      %get3A_2405 = arith.constant 32 : index
      %get3A_2406 = tpu.vector_load %arg6[%get3A_2403, %get3A_2404, %get3A_2405] {strides = array<i32>} : memref<64x8x64xf32, #tpu.memory_space<vmem>>, vector<16xf32>,
      %and3A_2407 = arith.constant 1 : i32
      %and3A_2408 = arith.andi %scan3A_616, %and3A_2407 : i32
      %mul3A_2409 = arith.constant 32 : i32
      %mul3A_2410 = arith.muli %and3A_2408, %mul3A_2409 : i32
      %add3A_2411 = arith.constant 25 : i32
      %add3A_2412 = arith.addi %mul3A_2410, %add3A_2411 : i32
      %swap3A_2413 = arith.index_cast %add3A_2412 : i32 to index
      %swap3A_2414 = arith.constant 32 : index
      %swap3A_2415 = tpu.vector_load %arg7[%swap3A_2413, %swap3A_2414] {strides = array<i32>} : memref<64x64xf32, #tpu.memory_space<vmem>>, vector<16xf32>,
      tpu.vector_store %arg7[%swap3A_2413, %swap3A_2414], %get3A_2406 {strides = array<i32>} : memref<64x64xf32, #tpu.memory_space<vmem>>, vector<16xf32>,
      %and3A_2416 = arith.constant 7 : i32
      %and3A_2417 = arith.andi %squeeze3A_2364, %and3A_2416 : i32
      %get3A_2418 = arith.index_cast %add3A_2370 : i32 to index
      %get3A_2419 = arith.index_cast %and3A_2417 : i32 to index
      %get3A_2420 = arith.constant 48 : index
      %get3A_2421 = tpu.vector_load %arg6[%get3A_2418, %get3A_2419, %get3A_2420] {strides = array<i32>} : memref<64x8x64xf32, #tpu.memory_space<vmem>>, vector<16xf32>,
      %and3A_2422 = arith.constant 1 : i32
      %and3A_2423 = arith.andi %scan3A_616, %and3A_2422 : i32
      %mul3A_2424 = arith.constant 32 : i32
      %mul3A_2425 = arith.muli %and3A_2423, %mul3A_2424 : i32
      %add3A_2426 = arith.constant 25 : i32
      %add3A_2427 = arith.addi %mul3A_2425, %add3A_2426 : i32
      %swap3A_2428 = arith.index_cast %add3A_2427 : i32 to index
      %swap3A_2429 = arith.constant 48 : index
      %swap3A_2430 = tpu.vector_load %arg7[%swap3A_2428, %swap3A_2429] {strides = array<i32>} : memref<64x64xf32, #tpu.memory_space<vmem>>, vector<16xf32>,
      tpu.vector_store %arg7[%swap3A_2428, %swap3A_2429], %get3A_2421 {strides = array<i32>} : memref<64x64xf32, #tpu.memory_space<vmem>>, vector<16xf32>,
      %slice3A_2431 = vector.extract_strided_slice %get3A_663 {offsets = [10], sizes = [1], strides = [1]} : vector<16xi32> to vector<1xi32>
      %squeeze3A_2432 = vector.extract %slice3A_2431[0] : i32 from vector<1xi32>
      %and3A_2433 = arith.constant 1 : i32
      %and3A_2434 = arith.andi %scan3A_616, %and3A_2433 : i32
      %mul3A_2435 = arith.constant 32 : i32
      %mul3A_2436 = arith.muli %and3A_2434, %mul3A_2435 : i32
      %add3A_2437 = arith.constant 26 : i32
      %add3A_2438 = arith.addi %mul3A_2436, %add3A_2437 : i32
      %and3A_2439 = arith.constant 7 : i32
      %and3A_2440 = arith.andi %squeeze3A_2432, %and3A_2439 : i32
      %get3A_2441 = arith.index_cast %add3A_2438 : i32 to index
      %get3A_2442 = arith.index_cast %and3A_2440 : i32 to index
      %get3A_2443 = arith.constant 0 : index
      %get3A_2444 = tpu.vector_load %arg6[%get3A_2441, %get3A_2442, %get3A_2443] {strides = array<i32>} : memref<64x8x64xf32, #tpu.memory_space<vmem>>, vector<16xf32>,
      %and3A_2445 = arith.constant 1 : i32
      %and3A_2446 = arith.andi %scan3A_616, %and3A_2445 : i32
      %mul3A_2447 = arith.constant 32 : i32
      %mul3A_2448 = arith.muli %and3A_2446, %mul3A_2447 : i32
      %add3A_2449 = arith.constant 26 : i32
      %add3A_2450 = arith.addi %mul3A_2448, %add3A_2449 : i32
      %swap3A_2451 = arith.index_cast %add3A_2450 : i32 to index
      %swap3A_2452 = arith.constant 0 : index
      %swap3A_2453 = tpu.vector_load %arg7[%swap3A_2451, %swap3A_2452] {strides = array<i32>} : memref<64x64xf32, #tpu.memory_space<vmem>>, vector<16xf32>,
      tpu.vector_store %arg7[%swap3A_2451, %swap3A_2452], %get3A_2444 {strides = array<i32>} : memref<64x64xf32, #tpu.memory_space<vmem>>, vector<16xf32>,
      %and3A_2454 = arith.constant 7 : i32
      %and3A_2455 = arith.andi %squeeze3A_2432, %and3A_2454 : i32
      %get3A_2456 = arith.index_cast %add3A_2438 : i32 to index
      %get3A_2457 = arith.index_cast %and3A_2455 : i32 to index
      %get3A_2458 = arith.constant 16 : index
      %get3A_2459 = tpu.vector_load %arg6[%get3A_2456, %get3A_2457, %get3A_2458] {strides = array<i32>} : memref<64x8x64xf32, #tpu.memory_space<vmem>>, vector<16xf32>,
      %and3A_2460 = arith.constant 1 : i32
      %and3A_2461 = arith.andi %scan3A_616, %and3A_2460 : i32
      %mul3A_2462 = arith.constant 32 : i32
      %mul3A_2463 = arith.muli %and3A_2461, %mul3A_2462 : i32
      %add3A_2464 = arith.constant 26 : i32
      %add3A_2465 = arith.addi %mul3A_2463, %add3A_2464 : i32
      %swap3A_2466 = arith.index_cast %add3A_2465 : i32 to index
      %swap3A_2467 = arith.constant 16 : index
      %swap3A_2468 = tpu.vector_load %arg7[%swap3A_2466, %swap3A_2467] {strides = array<i32>} : memref<64x64xf32, #tpu.memory_space<vmem>>, vector<16xf32>,
      tpu.vector_store %arg7[%swap3A_2466, %swap3A_2467], %get3A_2459 {strides = array<i32>} : memref<64x64xf32, #tpu.memory_space<vmem>>, vector<16xf32>,
      %and3A_2469 = arith.constant 7 : i32
      %and3A_2470 = arith.andi %squeeze3A_2432, %and3A_2469 : i32
      %get3A_2471 = arith.index_cast %add3A_2438 : i32 to index
      %get3A_2472 = arith.index_cast %and3A_2470 : i32 to index
      %get3A_2473 = arith.constant 32 : index
      %get3A_2474 = tpu.vector_load %arg6[%get3A_2471, %get3A_2472, %get3A_2473] {strides = array<i32>} : memref<64x8x64xf32, #tpu.memory_space<vmem>>, vector<16xf32>,
      %and3A_2475 = arith.constant 1 : i32
      %and3A_2476 = arith.andi %scan3A_616, %and3A_2475 : i32
      %mul3A_2477 = arith.constant 32 : i32
      %mul3A_2478 = arith.muli %and3A_2476, %mul3A_2477 : i32
      %add3A_2479 = arith.constant 26 : i32
      %add3A_2480 = arith.addi %mul3A_2478, %add3A_2479 : i32
      %swap3A_2481 = arith.index_cast %add3A_2480 : i32 to index
      %swap3A_2482 = arith.constant 32 : index
      %swap3A_2483 = tpu.vector_load %arg7[%swap3A_2481, %swap3A_2482] {strides = array<i32>} : memref<64x64xf32, #tpu.memory_space<vmem>>, vector<16xf32>,
      tpu.vector_store %arg7[%swap3A_2481, %swap3A_2482], %get3A_2474 {strides = array<i32>} : memref<64x64xf32, #tpu.memory_space<vmem>>, vector<16xf32>,
      %and3A_2484 = arith.constant 7 : i32
      %and3A_2485 = arith.andi %squeeze3A_2432, %and3A_2484 : i32
      %get3A_2486 = arith.index_cast %add3A_2438 : i32 to index
      %get3A_2487 = arith.index_cast %and3A_2485 : i32 to index
      %get3A_2488 = arith.constant 48 : index
      %get3A_2489 = tpu.vector_load %arg6[%get3A_2486, %get3A_2487, %get3A_2488] {strides = array<i32>} : memref<64x8x64xf32, #tpu.memory_space<vmem>>, vector<16xf32>,
      %and3A_2490 = arith.constant 1 : i32
      %and3A_2491 = arith.andi %scan3A_616, %and3A_2490 : i32
      %mul3A_2492 = arith.constant 32 : i32
      %mul3A_2493 = arith.muli %and3A_2491, %mul3A_2492 : i32
      %add3A_2494 = arith.constant 26 : i32
      %add3A_2495 = arith.addi %mul3A_2493, %add3A_2494 : i32
      %swap3A_2496 = arith.index_cast %add3A_2495 : i32 to index
      %swap3A_2497 = arith.constant 48 : index
      %swap3A_2498 = tpu.vector_load %arg7[%swap3A_2496, %swap3A_2497] {strides = array<i32>} : memref<64x64xf32, #tpu.memory_space<vmem>>, vector<16xf32>,
      tpu.vector_store %arg7[%swap3A_2496, %swap3A_2497], %get3A_2489 {strides = array<i32>} : memref<64x64xf32, #tpu.memory_space<vmem>>, vector<16xf32>,
      %slice3A_2499 = vector.extract_strided_slice %get3A_663 {offsets = [11], sizes = [1], strides = [1]} : vector<16xi32> to vector<1xi32>
      %squeeze3A_2500 = vector.extract %slice3A_2499[0] : i32 from vector<1xi32>
      %and3A_2501 = arith.constant 1 : i32
      %and3A_2502 = arith.andi %scan3A_616, %and3A_2501 : i32
      %mul3A_2503 = arith.constant 32 : i32
      %mul3A_2504 = arith.muli %and3A_2502, %mul3A_2503 : i32
      %add3A_2505 = arith.constant 27 : i32
      %add3A_2506 = arith.addi %mul3A_2504, %add3A_2505 : i32
      %and3A_2507 = arith.constant 7 : i32
      %and3A_2508 = arith.andi %squeeze3A_2500, %and3A_2507 : i32
      %get3A_2509 = arith.index_cast %add3A_2506 : i32 to index
      %get3A_2510 = arith.index_cast %and3A_2508 : i32 to index
      %get3A_2511 = arith.constant 0 : index
      %get3A_2512 = tpu.vector_load %arg6[%get3A_2509, %get3A_2510, %get3A_2511] {strides = array<i32>} : memref<64x8x64xf32, #tpu.memory_space<vmem>>, vector<16xf32>,
      %and3A_2513 = arith.constant 1 : i32
      %and3A_2514 = arith.andi %scan3A_616, %and3A_2513 : i32
      %mul3A_2515 = arith.constant 32 : i32
      %mul3A_2516 = arith.muli %and3A_2514, %mul3A_2515 : i32
      %add3A_2517 = arith.constant 27 : i32
      %add3A_2518 = arith.addi %mul3A_2516, %add3A_2517 : i32
      %swap3A_2519 = arith.index_cast %add3A_2518 : i32 to index
      %swap3A_2520 = arith.constant 0 : index
      %swap3A_2521 = tpu.vector_load %arg7[%swap3A_2519, %swap3A_2520] {strides = array<i32>} : memref<64x64xf32, #tpu.memory_space<vmem>>, vector<16xf32>,
      tpu.vector_store %arg7[%swap3A_2519, %swap3A_2520], %get3A_2512 {strides = array<i32>} : memref<64x64xf32, #tpu.memory_space<vmem>>, vector<16xf32>,
      %and3A_2522 = arith.constant 7 : i32
      %and3A_2523 = arith.andi %squeeze3A_2500, %and3A_2522 : i32
      %get3A_2524 = arith.index_cast %add3A_2506 : i32 to index
      %get3A_2525 = arith.index_cast %and3A_2523 : i32 to index
      %get3A_2526 = arith.constant 16 : index
      %get3A_2527 = tpu.vector_load %arg6[%get3A_2524, %get3A_2525, %get3A_2526] {strides = array<i32>} : memref<64x8x64xf32, #tpu.memory_space<vmem>>, vector<16xf32>,
      %and3A_2528 = arith.constant 1 : i32
      %and3A_2529 = arith.andi %scan3A_616, %and3A_2528 : i32
      %mul3A_2530 = arith.constant 32 : i32
      %mul3A_2531 = arith.muli %and3A_2529, %mul3A_2530 : i32
      %add3A_2532 = arith.constant 27 : i32
      %add3A_2533 = arith.addi %mul3A_2531, %add3A_2532 : i32
      %swap3A_2534 = arith.index_cast %add3A_2533 : i32 to index
      %swap3A_2535 = arith.constant 16 : index
      %swap3A_2536 = tpu.vector_load %arg7[%swap3A_2534, %swap3A_2535] {strides = array<i32>} : memref<64x64xf32, #tpu.memory_space<vmem>>, vector<16xf32>,
      tpu.vector_store %arg7[%swap3A_2534, %swap3A_2535], %get3A_2527 {strides = array<i32>} : memref<64x64xf32, #tpu.memory_space<vmem>>, vector<16xf32>,
      %and3A_2537 = arith.constant 7 : i32
      %and3A_2538 = arith.andi %squeeze3A_2500, %and3A_2537 : i32
      %get3A_2539 = arith.index_cast %add3A_2506 : i32 to index
      %get3A_2540 = arith.index_cast %and3A_2538 : i32 to index
      %get3A_2541 = arith.constant 32 : index
      %get3A_2542 = tpu.vector_load %arg6[%get3A_2539, %get3A_2540, %get3A_2541] {strides = array<i32>} : memref<64x8x64xf32, #tpu.memory_space<vmem>>, vector<16xf32>,
      %and3A_2543 = arith.constant 1 : i32
      %and3A_2544 = arith.andi %scan3A_616, %and3A_2543 : i32
      %mul3A_2545 = arith.constant 32 : i32
      %mul3A_2546 = arith.muli %and3A_2544, %mul3A_2545 : i32
      %add3A_2547 = arith.constant 27 : i32
      %add3A_2548 = arith.addi %mul3A_2546, %add3A_2547 : i32
      %swap3A_2549 = arith.index_cast %add3A_2548 : i32 to index
      %swap3A_2550 = arith.constant 32 : index
      %swap3A_2551 = tpu.vector_load %arg7[%swap3A_2549, %swap3A_2550] {strides = array<i32>} : memref<64x64xf32, #tpu.memory_space<vmem>>, vector<16xf32>,
      tpu.vector_store %arg7[%swap3A_2549, %swap3A_2550], %get3A_2542 {strides = array<i32>} : memref<64x64xf32, #tpu.memory_space<vmem>>, vector<16xf32>,
      %and3A_2552 = arith.constant 7 : i32
      %and3A_2553 = arith.andi %squeeze3A_2500, %and3A_2552 : i32
      %get3A_2554 = arith.index_cast %add3A_2506 : i32 to index
      %get3A_2555 = arith.index_cast %and3A_2553 : i32 to index
      %get3A_2556 = arith.constant 48 : index
      %get3A_2557 = tpu.vector_load %arg6[%get3A_2554, %get3A_2555, %get3A_2556] {strides = array<i32>} : memref<64x8x64xf32, #tpu.memory_space<vmem>>, vector<16xf32>,
      %and3A_2558 = arith.constant 1 : i32
      %and3A_2559 = arith.andi %scan3A_616, %and3A_2558 : i32
      %mul3A_2560 = arith.constant 32 : i32
      %mul3A_2561 = arith.muli %and3A_2559, %mul3A_2560 : i32
      %add3A_2562 = arith.constant 27 : i32
      %add3A_2563 = arith.addi %mul3A_2561, %add3A_2562 : i32
      %swap3A_2564 = arith.index_cast %add3A_2563 : i32 to index
      %swap3A_2565 = arith.constant 48 : index
      %swap3A_2566 = tpu.vector_load %arg7[%swap3A_2564, %swap3A_2565] {strides = array<i32>} : memref<64x64xf32, #tpu.memory_space<vmem>>, vector<16xf32>,
      tpu.vector_store %arg7[%swap3A_2564, %swap3A_2565], %get3A_2557 {strides = array<i32>} : memref<64x64xf32, #tpu.memory_space<vmem>>, vector<16xf32>,
      %slice3A_2567 = vector.extract_strided_slice %get3A_663 {offsets = [12], sizes = [1], strides = [1]} : vector<16xi32> to vector<1xi32>
      %squeeze3A_2568 = vector.extract %slice3A_2567[0] : i32 from vector<1xi32>
      %and3A_2569 = arith.constant 1 : i32
      %and3A_2570 = arith.andi %scan3A_616, %and3A_2569 : i32
      %mul3A_2571 = arith.constant 32 : i32
      %mul3A_2572 = arith.muli %and3A_2570, %mul3A_2571 : i32
      %add3A_2573 = arith.constant 28 : i32
      %add3A_2574 = arith.addi %mul3A_2572, %add3A_2573 : i32
      %and3A_2575 = arith.constant 7 : i32
      %and3A_2576 = arith.andi %squeeze3A_2568, %and3A_2575 : i32
      %get3A_2577 = arith.index_cast %add3A_2574 : i32 to index
      %get3A_2578 = arith.index_cast %and3A_2576 : i32 to index
      %get3A_2579 = arith.constant 0 : index
      %get3A_2580 = tpu.vector_load %arg6[%get3A_2577, %get3A_2578, %get3A_2579] {strides = array<i32>} : memref<64x8x64xf32, #tpu.memory_space<vmem>>, vector<16xf32>,
      %and3A_2581 = arith.constant 1 : i32
      %and3A_2582 = arith.andi %scan3A_616, %and3A_2581 : i32
      %mul3A_2583 = arith.constant 32 : i32
      %mul3A_2584 = arith.muli %and3A_2582, %mul3A_2583 : i32
      %add3A_2585 = arith.constant 28 : i32
      %add3A_2586 = arith.addi %mul3A_2584, %add3A_2585 : i32
      %swap3A_2587 = arith.index_cast %add3A_2586 : i32 to index
      %swap3A_2588 = arith.constant 0 : index
      %swap3A_2589 = tpu.vector_load %arg7[%swap3A_2587, %swap3A_2588] {strides = array<i32>} : memref<64x64xf32, #tpu.memory_space<vmem>>, vector<16xf32>,
      tpu.vector_store %arg7[%swap3A_2587, %swap3A_2588], %get3A_2580 {strides = array<i32>} : memref<64x64xf32, #tpu.memory_space<vmem>>, vector<16xf32>,
      %and3A_2590 = arith.constant 7 : i32
      %and3A_2591 = arith.andi %squeeze3A_2568, %and3A_2590 : i32
      %get3A_2592 = arith.index_cast %add3A_2574 : i32 to index
      %get3A_2593 = arith.index_cast %and3A_2591 : i32 to index
      %get3A_2594 = arith.constant 16 : index
      %get3A_2595 = tpu.vector_load %arg6[%get3A_2592, %get3A_2593, %get3A_2594] {strides = array<i32>} : memref<64x8x64xf32, #tpu.memory_space<vmem>>, vector<16xf32>,
      %and3A_2596 = arith.constant 1 : i32
      %and3A_2597 = arith.andi %scan3A_616, %and3A_2596 : i32
      %mul3A_2598 = arith.constant 32 : i32
      %mul3A_2599 = arith.muli %and3A_2597, %mul3A_2598 : i32
      %add3A_2600 = arith.constant 28 : i32
      %add3A_2601 = arith.addi %mul3A_2599, %add3A_2600 : i32
      %swap3A_2602 = arith.index_cast %add3A_2601 : i32 to index
      %swap3A_2603 = arith.constant 16 : index
      %swap3A_2604 = tpu.vector_load %arg7[%swap3A_2602, %swap3A_2603] {strides = array<i32>} : memref<64x64xf32, #tpu.memory_space<vmem>>, vector<16xf32>,
      tpu.vector_store %arg7[%swap3A_2602, %swap3A_2603], %get3A_2595 {strides = array<i32>} : memref<64x64xf32, #tpu.memory_space<vmem>>, vector<16xf32>,
      %and3A_2605 = arith.constant 7 : i32
      %and3A_2606 = arith.andi %squeeze3A_2568, %and3A_2605 : i32
      %get3A_2607 = arith.index_cast %add3A_2574 : i32 to index
      %get3A_2608 = arith.index_cast %and3A_2606 : i32 to index
      %get3A_2609 = arith.constant 32 : index
      %get3A_2610 = tpu.vector_load %arg6[%get3A_2607, %get3A_2608, %get3A_2609] {strides = array<i32>} : memref<64x8x64xf32, #tpu.memory_space<vmem>>, vector<16xf32>,
      %and3A_2611 = arith.constant 1 : i32
      %and3A_2612 = arith.andi %scan3A_616, %and3A_2611 : i32
      %mul3A_2613 = arith.constant 32 : i32
      %mul3A_2614 = arith.muli %and3A_2612, %mul3A_2613 : i32
      %add3A_2615 = arith.constant 28 : i32
      %add3A_2616 = arith.addi %mul3A_2614, %add3A_2615 : i32
      %swap3A_2617 = arith.index_cast %add3A_2616 : i32 to index
      %swap3A_2618 = arith.constant 32 : index
      %swap3A_2619 = tpu.vector_load %arg7[%swap3A_2617, %swap3A_2618] {strides = array<i32>} : memref<64x64xf32, #tpu.memory_space<vmem>>, vector<16xf32>,
      tpu.vector_store %arg7[%swap3A_2617, %swap3A_2618], %get3A_2610 {strides = array<i32>} : memref<64x64xf32, #tpu.memory_space<vmem>>, vector<16xf32>,
      %and3A_2620 = arith.constant 7 : i32
      %and3A_2621 = arith.andi %squeeze3A_2568, %and3A_2620 : i32
      %get3A_2622 = arith.index_cast %add3A_2574 : i32 to index
      %get3A_2623 = arith.index_cast %and3A_2621 : i32 to index
      %get3A_2624 = arith.constant 48 : index
      %get3A_2625 = tpu.vector_load %arg6[%get3A_2622, %get3A_2623, %get3A_2624] {strides = array<i32>} : memref<64x8x64xf32, #tpu.memory_space<vmem>>, vector<16xf32>,
      %and3A_2626 = arith.constant 1 : i32
      %and3A_2627 = arith.andi %scan3A_616, %and3A_2626 : i32
      %mul3A_2628 = arith.constant 32 : i32
      %mul3A_2629 = arith.muli %and3A_2627, %mul3A_2628 : i32
      %add3A_2630 = arith.constant 28 : i32
      %add3A_2631 = arith.addi %mul3A_2629, %add3A_2630 : i32
      %swap3A_2632 = arith.index_cast %add3A_2631 : i32 to index
      %swap3A_2633 = arith.constant 48 : index
      %swap3A_2634 = tpu.vector_load %arg7[%swap3A_2632, %swap3A_2633] {strides = array<i32>} : memref<64x64xf32, #tpu.memory_space<vmem>>, vector<16xf32>,
      tpu.vector_store %arg7[%swap3A_2632, %swap3A_2633], %get3A_2625 {strides = array<i32>} : memref<64x64xf32, #tpu.memory_space<vmem>>, vector<16xf32>,
      %slice3A_2635 = vector.extract_strided_slice %get3A_663 {offsets = [13], sizes = [1], strides = [1]} : vector<16xi32> to vector<1xi32>
      %squeeze3A_2636 = vector.extract %slice3A_2635[0] : i32 from vector<1xi32>
      %and3A_2637 = arith.constant 1 : i32
      %and3A_2638 = arith.andi %scan3A_616, %and3A_2637 : i32
      %mul3A_2639 = arith.constant 32 : i32
      %mul3A_2640 = arith.muli %and3A_2638, %mul3A_2639 : i32
      %add3A_2641 = arith.constant 29 : i32
      %add3A_2642 = arith.addi %mul3A_2640, %add3A_2641 : i32
      %and3A_2643 = arith.constant 7 : i32
      %and3A_2644 = arith.andi %squeeze3A_2636, %and3A_2643 : i32
      %get3A_2645 = arith.index_cast %add3A_2642 : i32 to index
      %get3A_2646 = arith.index_cast %and3A_2644 : i32 to index
      %get3A_2647 = arith.constant 0 : index
      %get3A_2648 = tpu.vector_load %arg6[%get3A_2645, %get3A_2646, %get3A_2647] {strides = array<i32>} : memref<64x8x64xf32, #tpu.memory_space<vmem>>, vector<16xf32>,
      %and3A_2649 = arith.constant 1 : i32
      %and3A_2650 = arith.andi %scan3A_616, %and3A_2649 : i32
      %mul3A_2651 = arith.constant 32 : i32
      %mul3A_2652 = arith.muli %and3A_2650, %mul3A_2651 : i32
      %add3A_2653 = arith.constant 29 : i32
      %add3A_2654 = arith.addi %mul3A_2652, %add3A_2653 : i32
      %swap3A_2655 = arith.index_cast %add3A_2654 : i32 to index
      %swap3A_2656 = arith.constant 0 : index
      %swap3A_2657 = tpu.vector_load %arg7[%swap3A_2655, %swap3A_2656] {strides = array<i32>} : memref<64x64xf32, #tpu.memory_space<vmem>>, vector<16xf32>,
      tpu.vector_store %arg7[%swap3A_2655, %swap3A_2656], %get3A_2648 {strides = array<i32>} : memref<64x64xf32, #tpu.memory_space<vmem>>, vector<16xf32>,
      %and3A_2658 = arith.constant 7 : i32
      %and3A_2659 = arith.andi %squeeze3A_2636, %and3A_2658 : i32
      %get3A_2660 = arith.index_cast %add3A_2642 : i32 to index
      %get3A_2661 = arith.index_cast %and3A_2659 : i32 to index
      %get3A_2662 = arith.constant 16 : index
      %get3A_2663 = tpu.vector_load %arg6[%get3A_2660, %get3A_2661, %get3A_2662] {strides = array<i32>} : memref<64x8x64xf32, #tpu.memory_space<vmem>>, vector<16xf32>,
      %and3A_2664 = arith.constant 1 : i32
      %and3A_2665 = arith.andi %scan3A_616, %and3A_2664 : i32
      %mul3A_2666 = arith.constant 32 : i32
      %mul3A_2667 = arith.muli %and3A_2665, %mul3A_2666 : i32
      %add3A_2668 = arith.constant 29 : i32
      %add3A_2669 = arith.addi %mul3A_2667, %add3A_2668 : i32
      %swap3A_2670 = arith.index_cast %add3A_2669 : i32 to index
      %swap3A_2671 = arith.constant 16 : index
      %swap3A_2672 = tpu.vector_load %arg7[%swap3A_2670, %swap3A_2671] {strides = array<i32>} : memref<64x64xf32, #tpu.memory_space<vmem>>, vector<16xf32>,
      tpu.vector_store %arg7[%swap3A_2670, %swap3A_2671], %get3A_2663 {strides = array<i32>} : memref<64x64xf32, #tpu.memory_space<vmem>>, vector<16xf32>,
      %and3A_2673 = arith.constant 7 : i32
      %and3A_2674 = arith.andi %squeeze3A_2636, %and3A_2673 : i32
      %get3A_2675 = arith.index_cast %add3A_2642 : i32 to index
      %get3A_2676 = arith.index_cast %and3A_2674 : i32 to index
      %get3A_2677 = arith.constant 32 : index
      %get3A_2678 = tpu.vector_load %arg6[%get3A_2675, %get3A_2676, %get3A_2677] {strides = array<i32>} : memref<64x8x64xf32, #tpu.memory_space<vmem>>, vector<16xf32>,
      %and3A_2679 = arith.constant 1 : i32
      %and3A_2680 = arith.andi %scan3A_616, %and3A_2679 : i32
      %mul3A_2681 = arith.constant 32 : i32
      %mul3A_2682 = arith.muli %and3A_2680, %mul3A_2681 : i32
      %add3A_2683 = arith.constant 29 : i32
      %add3A_2684 = arith.addi %mul3A_2682, %add3A_2683 : i32
      %swap3A_2685 = arith.index_cast %add3A_2684 : i32 to index
      %swap3A_2686 = arith.constant 32 : index
      %swap3A_2687 = tpu.vector_load %arg7[%swap3A_2685, %swap3A_2686] {strides = array<i32>} : memref<64x64xf32, #tpu.memory_space<vmem>>, vector<16xf32>,
      tpu.vector_store %arg7[%swap3A_2685, %swap3A_2686], %get3A_2678 {strides = array<i32>} : memref<64x64xf32, #tpu.memory_space<vmem>>, vector<16xf32>,
      %and3A_2688 = arith.constant 7 : i32
      %and3A_2689 = arith.andi %squeeze3A_2636, %and3A_2688 : i32
      %get3A_2690 = arith.index_cast %add3A_2642 : i32 to index
      %get3A_2691 = arith.index_cast %and3A_2689 : i32 to index
      %get3A_2692 = arith.constant 48 : index
      %get3A_2693 = tpu.vector_load %arg6[%get3A_2690, %get3A_2691, %get3A_2692] {strides = array<i32>} : memref<64x8x64xf32, #tpu.memory_space<vmem>>, vector<16xf32>,
      %and3A_2694 = arith.constant 1 : i32
      %and3A_2695 = arith.andi %scan3A_616, %and3A_2694 : i32
      %mul3A_2696 = arith.constant 32 : i32
      %mul3A_2697 = arith.muli %and3A_2695, %mul3A_2696 : i32
      %add3A_2698 = arith.constant 29 : i32
      %add3A_2699 = arith.addi %mul3A_2697, %add3A_2698 : i32
      %swap3A_2700 = arith.index_cast %add3A_2699 : i32 to index
      %swap3A_2701 = arith.constant 48 : index
      %swap3A_2702 = tpu.vector_load %arg7[%swap3A_2700, %swap3A_2701] {strides = array<i32>} : memref<64x64xf32, #tpu.memory_space<vmem>>, vector<16xf32>,
      tpu.vector_store %arg7[%swap3A_2700, %swap3A_2701], %get3A_2693 {strides = array<i32>} : memref<64x64xf32, #tpu.memory_space<vmem>>, vector<16xf32>,
      %slice3A_2703 = vector.extract_strided_slice %get3A_663 {offsets = [14], sizes = [1], strides = [1]} : vector<16xi32> to vector<1xi32>
      %squeeze3A_2704 = vector.extract %slice3A_2703[0] : i32 from vector<1xi32>
      %and3A_2705 = arith.constant 1 : i32
      %and3A_2706 = arith.andi %scan3A_616, %and3A_2705 : i32
      %mul3A_2707 = arith.constant 32 : i32
      %mul3A_2708 = arith.muli %and3A_2706, %mul3A_2707 : i32
      %add3A_2709 = arith.constant 30 : i32
      %add3A_2710 = arith.addi %mul3A_2708, %add3A_2709 : i32
      %and3A_2711 = arith.constant 7 : i32
      %and3A_2712 = arith.andi %squeeze3A_2704, %and3A_2711 : i32
      %get3A_2713 = arith.index_cast %add3A_2710 : i32 to index
      %get3A_2714 = arith.index_cast %and3A_2712 : i32 to index
      %get3A_2715 = arith.constant 0 : index
      %get3A_2716 = tpu.vector_load %arg6[%get3A_2713, %get3A_2714, %get3A_2715] {strides = array<i32>} : memref<64x8x64xf32, #tpu.memory_space<vmem>>, vector<16xf32>,
      %and3A_2717 = arith.constant 1 : i32
      %and3A_2718 = arith.andi %scan3A_616, %and3A_2717 : i32
      %mul3A_2719 = arith.constant 32 : i32
      %mul3A_2720 = arith.muli %and3A_2718, %mul3A_2719 : i32
      %add3A_2721 = arith.constant 30 : i32
      %add3A_2722 = arith.addi %mul3A_2720, %add3A_2721 : i32
      %swap3A_2723 = arith.index_cast %add3A_2722 : i32 to index
      %swap3A_2724 = arith.constant 0 : index
      %swap3A_2725 = tpu.vector_load %arg7[%swap3A_2723, %swap3A_2724] {strides = array<i32>} : memref<64x64xf32, #tpu.memory_space<vmem>>, vector<16xf32>,
      tpu.vector_store %arg7[%swap3A_2723, %swap3A_2724], %get3A_2716 {strides = array<i32>} : memref<64x64xf32, #tpu.memory_space<vmem>>, vector<16xf32>,
      %and3A_2726 = arith.constant 7 : i32
      %and3A_2727 = arith.andi %squeeze3A_2704, %and3A_2726 : i32
      %get3A_2728 = arith.index_cast %add3A_2710 : i32 to index
      %get3A_2729 = arith.index_cast %and3A_2727 : i32 to index
      %get3A_2730 = arith.constant 16 : index
      %get3A_2731 = tpu.vector_load %arg6[%get3A_2728, %get3A_2729, %get3A_2730] {strides = array<i32>} : memref<64x8x64xf32, #tpu.memory_space<vmem>>, vector<16xf32>,
      %and3A_2732 = arith.constant 1 : i32
      %and3A_2733 = arith.andi %scan3A_616, %and3A_2732 : i32
      %mul3A_2734 = arith.constant 32 : i32
      %mul3A_2735 = arith.muli %and3A_2733, %mul3A_2734 : i32
      %add3A_2736 = arith.constant 30 : i32
      %add3A_2737 = arith.addi %mul3A_2735, %add3A_2736 : i32
      %swap3A_2738 = arith.index_cast %add3A_2737 : i32 to index
      %swap3A_2739 = arith.constant 16 : index
      %swap3A_2740 = tpu.vector_load %arg7[%swap3A_2738, %swap3A_2739] {strides = array<i32>} : memref<64x64xf32, #tpu.memory_space<vmem>>, vector<16xf32>,
      tpu.vector_store %arg7[%swap3A_2738, %swap3A_2739], %get3A_2731 {strides = array<i32>} : memref<64x64xf32, #tpu.memory_space<vmem>>, vector<16xf32>,
      %and3A_2741 = arith.constant 7 : i32
      %and3A_2742 = arith.andi %squeeze3A_2704, %and3A_2741 : i32
      %get3A_2743 = arith.index_cast %add3A_2710 : i32 to index
      %get3A_2744 = arith.index_cast %and3A_2742 : i32 to index
      %get3A_2745 = arith.constant 32 : index
      %get3A_2746 = tpu.vector_load %arg6[%get3A_2743, %get3A_2744, %get3A_2745] {strides = array<i32>} : memref<64x8x64xf32, #tpu.memory_space<vmem>>, vector<16xf32>,
      %and3A_2747 = arith.constant 1 : i32
      %and3A_2748 = arith.andi %scan3A_616, %and3A_2747 : i32
      %mul3A_2749 = arith.constant 32 : i32
      %mul3A_2750 = arith.muli %and3A_2748, %mul3A_2749 : i32
      %add3A_2751 = arith.constant 30 : i32
      %add3A_2752 = arith.addi %mul3A_2750, %add3A_2751 : i32
      %swap3A_2753 = arith.index_cast %add3A_2752 : i32 to index
      %swap3A_2754 = arith.constant 32 : index
      %swap3A_2755 = tpu.vector_load %arg7[%swap3A_2753, %swap3A_2754] {strides = array<i32>} : memref<64x64xf32, #tpu.memory_space<vmem>>, vector<16xf32>,
      tpu.vector_store %arg7[%swap3A_2753, %swap3A_2754], %get3A_2746 {strides = array<i32>} : memref<64x64xf32, #tpu.memory_space<vmem>>, vector<16xf32>,
      %and3A_2756 = arith.constant 7 : i32
      %and3A_2757 = arith.andi %squeeze3A_2704, %and3A_2756 : i32
      %get3A_2758 = arith.index_cast %add3A_2710 : i32 to index
      %get3A_2759 = arith.index_cast %and3A_2757 : i32 to index
      %get3A_2760 = arith.constant 48 : index
      %get3A_2761 = tpu.vector_load %arg6[%get3A_2758, %get3A_2759, %get3A_2760] {strides = array<i32>} : memref<64x8x64xf32, #tpu.memory_space<vmem>>, vector<16xf32>,
      %and3A_2762 = arith.constant 1 : i32
      %and3A_2763 = arith.andi %scan3A_616, %and3A_2762 : i32
      %mul3A_2764 = arith.constant 32 : i32
      %mul3A_2765 = arith.muli %and3A_2763, %mul3A_2764 : i32
      %add3A_2766 = arith.constant 30 : i32
      %add3A_2767 = arith.addi %mul3A_2765, %add3A_2766 : i32
      %swap3A_2768 = arith.index_cast %add3A_2767 : i32 to index
      %swap3A_2769 = arith.constant 48 : index
      %swap3A_2770 = tpu.vector_load %arg7[%swap3A_2768, %swap3A_2769] {strides = array<i32>} : memref<64x64xf32, #tpu.memory_space<vmem>>, vector<16xf32>,
      tpu.vector_store %arg7[%swap3A_2768, %swap3A_2769], %get3A_2761 {strides = array<i32>} : memref<64x64xf32, #tpu.memory_space<vmem>>, vector<16xf32>,
      %slice3A_2771 = vector.extract_strided_slice %get3A_663 {offsets = [15], sizes = [1], strides = [1]} : vector<16xi32> to vector<1xi32>
      %squeeze3A_2772 = vector.extract %slice3A_2771[0] : i32 from vector<1xi32>
      %and3A_2773 = arith.constant 1 : i32
      %and3A_2774 = arith.andi %scan3A_616, %and3A_2773 : i32
      %mul3A_2775 = arith.constant 32 : i32
      %mul3A_2776 = arith.muli %and3A_2774, %mul3A_2775 : i32
      %add3A_2777 = arith.constant 31 : i32
      %add3A_2778 = arith.addi %mul3A_2776, %add3A_2777 : i32
      %and3A_2779 = arith.constant 7 : i32
      %and3A_2780 = arith.andi %squeeze3A_2772, %and3A_2779 : i32
      %get3A_2781 = arith.index_cast %add3A_2778 : i32 to index
      %get3A_2782 = arith.index_cast %and3A_2780 : i32 to index
      %get3A_2783 = arith.constant 0 : index
      %get3A_2784 = tpu.vector_load %arg6[%get3A_2781, %get3A_2782, %get3A_2783] {strides = array<i32>} : memref<64x8x64xf32, #tpu.memory_space<vmem>>, vector<16xf32>,
      %and3A_2785 = arith.constant 1 : i32
      %and3A_2786 = arith.andi %scan3A_616, %and3A_2785 : i32
      %mul3A_2787 = arith.constant 32 : i32
      %mul3A_2788 = arith.muli %and3A_2786, %mul3A_2787 : i32
      %add3A_2789 = arith.constant 31 : i32
      %add3A_2790 = arith.addi %mul3A_2788, %add3A_2789 : i32
      %swap3A_2791 = arith.index_cast %add3A_2790 : i32 to index
      %swap3A_2792 = arith.constant 0 : index
      %swap3A_2793 = tpu.vector_load %arg7[%swap3A_2791, %swap3A_2792] {strides = array<i32>} : memref<64x64xf32, #tpu.memory_space<vmem>>, vector<16xf32>,
      tpu.vector_store %arg7[%swap3A_2791, %swap3A_2792], %get3A_2784 {strides = array<i32>} : memref<64x64xf32, #tpu.memory_space<vmem>>, vector<16xf32>,
      %and3A_2794 = arith.constant 7 : i32
      %and3A_2795 = arith.andi %squeeze3A_2772, %and3A_2794 : i32
      %get3A_2796 = arith.index_cast %add3A_2778 : i32 to index
      %get3A_2797 = arith.index_cast %and3A_2795 : i32 to index
      %get3A_2798 = arith.constant 16 : index
      %get3A_2799 = tpu.vector_load %arg6[%get3A_2796, %get3A_2797, %get3A_2798] {strides = array<i32>} : memref<64x8x64xf32, #tpu.memory_space<vmem>>, vector<16xf32>,
      %and3A_2800 = arith.constant 1 : i32
      %and3A_2801 = arith.andi %scan3A_616, %and3A_2800 : i32
      %mul3A_2802 = arith.constant 32 : i32
      %mul3A_2803 = arith.muli %and3A_2801, %mul3A_2802 : i32
      %add3A_2804 = arith.constant 31 : i32
      %add3A_2805 = arith.addi %mul3A_2803, %add3A_2804 : i32
      %swap3A_2806 = arith.index_cast %add3A_2805 : i32 to index
      %swap3A_2807 = arith.constant 16 : index
      %swap3A_2808 = tpu.vector_load %arg7[%swap3A_2806, %swap3A_2807] {strides = array<i32>} : memref<64x64xf32, #tpu.memory_space<vmem>>, vector<16xf32>,
      tpu.vector_store %arg7[%swap3A_2806, %swap3A_2807], %get3A_2799 {strides = array<i32>} : memref<64x64xf32, #tpu.memory_space<vmem>>, vector<16xf32>,
      %and3A_2809 = arith.constant 7 : i32
      %and3A_2810 = arith.andi %squeeze3A_2772, %and3A_2809 : i32
      %get3A_2811 = arith.index_cast %add3A_2778 : i32 to index
      %get3A_2812 = arith.index_cast %and3A_2810 : i32 to index
      %get3A_2813 = arith.constant 32 : index
      %get3A_2814 = tpu.vector_load %arg6[%get3A_2811, %get3A_2812, %get3A_2813] {strides = array<i32>} : memref<64x8x64xf32, #tpu.memory_space<vmem>>, vector<16xf32>,
      %and3A_2815 = arith.constant 1 : i32
      %and3A_2816 = arith.andi %scan3A_616, %and3A_2815 : i32
      %mul3A_2817 = arith.constant 32 : i32
      %mul3A_2818 = arith.muli %and3A_2816, %mul3A_2817 : i32
      %add3A_2819 = arith.constant 31 : i32
      %add3A_2820 = arith.addi %mul3A_2818, %add3A_2819 : i32
      %swap3A_2821 = arith.index_cast %add3A_2820 : i32 to index
      %swap3A_2822 = arith.constant 32 : index
      %swap3A_2823 = tpu.vector_load %arg7[%swap3A_2821, %swap3A_2822] {strides = array<i32>} : memref<64x64xf32, #tpu.memory_space<vmem>>, vector<16xf32>,
      tpu.vector_store %arg7[%swap3A_2821, %swap3A_2822], %get3A_2814 {strides = array<i32>} : memref<64x64xf32, #tpu.memory_space<vmem>>, vector<16xf32>,
      %and3A_2824 = arith.constant 7 : i32
      %and3A_2825 = arith.andi %squeeze3A_2772, %and3A_2824 : i32
      %get3A_2826 = arith.index_cast %add3A_2778 : i32 to index
      %get3A_2827 = arith.index_cast %and3A_2825 : i32 to index
      %get3A_2828 = arith.constant 48 : index
      %get3A_2829 = tpu.vector_load %arg6[%get3A_2826, %get3A_2827, %get3A_2828] {strides = array<i32>} : memref<64x8x64xf32, #tpu.memory_space<vmem>>, vector<16xf32>,
      %and3A_2830 = arith.constant 1 : i32
      %and3A_2831 = arith.andi %scan3A_616, %and3A_2830 : i32
      %mul3A_2832 = arith.constant 32 : i32
      %mul3A_2833 = arith.muli %and3A_2831, %mul3A_2832 : i32
      %add3A_2834 = arith.constant 31 : i32
      %add3A_2835 = arith.addi %mul3A_2833, %add3A_2834 : i32
      %swap3A_2836 = arith.index_cast %add3A_2835 : i32 to index
      %swap3A_2837 = arith.constant 48 : index
      %swap3A_2838 = tpu.vector_load %arg7[%swap3A_2836, %swap3A_2837] {strides = array<i32>} : memref<64x64xf32, #tpu.memory_space<vmem>>, vector<16xf32>,
      tpu.vector_store %arg7[%swap3A_2836, %swap3A_2837], %get3A_2829 {strides = array<i32>} : memref<64x64xf32, #tpu.memory_space<vmem>>, vector<16xf32>,
      %and3A_2839 = arith.constant 1 : i32
      %and3A_2840 = arith.andi %scan3A_616, %and3A_2839 : i32
      %mul3A_2841 = arith.constant 32 : i32
      %mul3A_2842 = arith.muli %and3A_2840, %mul3A_2841 : i32
      %mul3A_2843 = arith.constant 32 : i32
      %mul3A_2844 = arith.muli %scan3A_616, %mul3A_2843 : i32
      %add3A_2845 = arith.addi %mul3A_2, %mul3A_2844 : i32
      %dma_start3A_2846 = arith.constant 0 : i32
      %dma_start3A_2847 = tpu.memref_slice %arg7[%mul3A_2842, %dma_start3A_2846] : memref<64x64xf32, #tpu.memory_space<vmem>> -> memref<32x64xf32, #tpu.memory_space<vmem>>
      %dma_start3A_2848 = arith.constant 0 : i32
      %dma_start3A_2849 = tpu.memref_slice %arg4[%add3A_2845, %dma_start3A_2848] : memref<16384x64xf32, #tpu.memory_space<hbm>> -> memref<32x64xf32, #tpu.memory_space<hbm>>
      %dma_start3A_2850 = arith.constant 0 : i32
      %dma_start3A_2851 = tpu.memref_slice %arg4[%add3A_2845, %dma_start3A_2850] : memref<16384x64xf32, #tpu.memory_space<hbm>> -> memref<32x64xf32, #tpu.memory_space<hbm>>
      %dma_start3A_2852 = arith.constant 0 : i32
      %dma_start3A_2853 = tpu.memref_slice %arg7[%mul3A_2842, %dma_start3A_2852] : memref<64x64xf32, #tpu.memory_space<vmem>> -> memref<32x64xf32, #tpu.memory_space<vmem>>
      tpu.enqueue_dma source(%dma_start3A_2853 : memref<32x64xf32, #tpu.memory_space<vmem>>) target(%dma_start3A_2851 : memref<32x64xf32, #tpu.memory_space<hbm>>) target_semaphore(%arg9 : memref<!tpu.dma_semaphore, #tpu.memory_space<semaphore_mem>>)
    }
    %scan3A_596 = arith.constant 16 : i32
    %dma_wait3A = arith.constant 0 : i32
    %dma_wait3A_597 = arith.constant 0 : i32
    %dma_wait3A_598 = tpu.memref_slice %arg7[%dma_wait3A, %dma_wait3A_597] : memref<64x64xf32, #tpu.memory_space<vmem>> -> memref<32x64xf32, #tpu.memory_space<vmem>>
    %dma_wait3A_599 = arith.constant 0 : i32
    %dma_wait3A_600 = tpu.memref_slice %arg4[%mul3A_2, %dma_wait3A_599] : memref<16384x64xf32, #tpu.memory_space<hbm>> -> memref<32x64xf32, #tpu.memory_space<hbm>>
    %dma_wait3A_601 = arith.constant 0 : i32
    %dma_wait3A_602 = tpu.memref_slice %arg4[%mul3A_2, %dma_wait3A_601] : memref<16384x64xf32, #tpu.memory_space<hbm>> -> memref<32x64xf32, #tpu.memory_space<hbm>>
    %dma_wait3A_603 = arith.constant 0 : i32
    %dma_wait3A_604 = arith.constant 0 : i32
    %dma_wait3A_605 = tpu.memref_slice %arg7[%dma_wait3A_603, %dma_wait3A_604] : memref<64x64xf32, #tpu.memory_space<vmem>> -> memref<32x64xf32, #tpu.memory_space<vmem>>
    tpu.wait_dma2 semaphore(%arg9 : memref<!tpu.dma_semaphore, #tpu.memory_space<semaphore_mem>>) src(%dma_wait3A_605 : memref<32x64xf32, #tpu.memory_space<vmem>>) dst(%dma_wait3A_602 : memref<32x64xf32, #tpu.memory_space<hbm>>)
    %dma_wait3A_606 = arith.constant 32 : i32
    %dma_wait3A_607 = arith.constant 0 : i32
    %dma_wait3A_608 = tpu.memref_slice %arg7[%dma_wait3A_606, %dma_wait3A_607] : memref<64x64xf32, #tpu.memory_space<vmem>> -> memref<32x64xf32, #tpu.memory_space<vmem>>
    %dma_wait3A_609 = arith.constant 0 : i32
    %dma_wait3A_610 = tpu.memref_slice %arg4[%mul3A_2, %dma_wait3A_609] : memref<16384x64xf32, #tpu.memory_space<hbm>> -> memref<32x64xf32, #tpu.memory_space<hbm>>
    %dma_wait3A_611 = arith.constant 0 : i32
    %dma_wait3A_612 = tpu.memref_slice %arg4[%mul3A_2, %dma_wait3A_611] : memref<16384x64xf32, #tpu.memory_space<hbm>> -> memref<32x64xf32, #tpu.memory_space<hbm>>
    %dma_wait3A_613 = arith.constant 32 : i32
    %dma_wait3A_614 = arith.constant 0 : i32
    %dma_wait3A_615 = tpu.memref_slice %arg7[%dma_wait3A_613, %dma_wait3A_614] : memref<64x64xf32, #tpu.memory_space<vmem>> -> memref<32x64xf32, #tpu.memory_space<vmem>>
    tpu.wait_dma2 semaphore(%arg9 : memref<!tpu.dma_semaphore, #tpu.memory_space<semaphore_mem>>) src(%dma_wait3A_615 : memref<32x64xf32, #tpu.memory_space<vmem>>) dst(%dma_wait3A_612 : memref<32x64xf32, #tpu.memory_space<hbm>>)
    return
  }
}

</mosaic_0001>

<sc_bundles>
// kernel: kernel.3.cloned.1.call-start
scs
__scs_entry_jumppad:
0x0: {  	(pc) =	sbr.rel $0x88, $3  }
0x1: {  	(tag) =	ssettag $0x0;
	lr =	simm.s32 $0x1  }
0x2: {  	[smem:$0x3F9F] =	sst lr;
	_ =	strace $0xD0000000  }
0x3: {  	_ = 	snop  }
0x4: {  	_ = 	snop  }
0x5: {  	_ = 	snop  }
0x6: {  	_ = 	snop  }
0x7: {  	_ = 	snop  }
__scs_overlays_trampoline_lowered:
0x8: {  	[smem:$0x3FAE] =	sst s0  }
0x9: {  	[smem:$0x3FAF] =	sst s1  }
0xa: {  	[smem:$0x3FB0] =	sst s2  }
0xb: {  	[smem:$0x3FB1] =	sst s3  }
0xc: {  	[smem:$0x3FB2] =	sst s4  }
0xd: {  	[smem:$0x3FB3] =	sst s5  }
0xe: {  	[smem:$0x3FB4] =	sst s6  }
0xf: {  	[smem:$0x3FB5] =	sst s7  }
0x10: {  	[smem:$0x3FB6] =	sst s8  }
0x11: {  	[smem:$0x3FB7] =	sst s9;
	s0 =	simm.s32 @!p0 $0x0  }
0x12: {  	s1 =	sld [smem:$0x3F9D];
	s0 =	simm.s32 @p0 $0x1  }
0x13: {  	[smem:$0x3FB8] =	sst s0;
	s0 =	simm.s32 @!p1 $0x0  }
0x14: {  	s2 =	sld [smem:$0x3F9C];
	s0 =	simm.s32 @p1 $0x1  }
0x15: {  	[smem:$0x3FB9] =	sst s0;
	s0 =	simm.s32 @!p2 $0x0  }
0x16: {  	s3 =	sld [smem:$0x3FDB];
	s0 =	simm.s32 @p2 $0x1  }
0x17: {  	s4 =	simm.s32 $0x1BF5;
	[smem:$0x3FBB] =	sst s0  }
0x18: {  	s0 =	sld [smem:$0x3F9E];
	_ =	swait.ge [sflag:s4], $0x0  }
0x19: {  	s7 =	sld [smem:$0x3F9F]  }
0x1a: {  	s8 =	sadd.s32 $0xFFFFE003, lr  }
0x1b: {  	s9 =	sadd.s32 $0xFFFFFEF7, lr;
	s5 =	simm.s32 $0xFFFFFFFF;
	p2 =	slt.u32 s8, $0xFFFFF086  }
0x1c: {  	p1 =	slt.u32 s9, $0xF7A;
	s5 =	simm.s32 @!p2 $0x0  }
0x1d: {  	s5 =	simm.s32 @p1 $0x1;
	p0 =	seq.s32 s7, s2  }
0x1e: {  	s7 =	smul.u32 @!p0 $0xF7A, s2;
	p2 =	seq.s32 @!p0 s5, $0x0  }
0x1f: {  	s9 =	smul.u32 $0xF7A, s1;
	s8 =	simm.s32 @!p0 $0x1BF5;
	p2 =	por !p2, p0  }
0x20: {  	[sflag:s8] =	ssyncset.s32 @!p0 $0xFFFFF086;
	s6 =	sadd.s32 @!p0 s3, s7;
	s7 =	simm.s32 @!p0 $0x108  }
0x21: {  	s3 =	sadd.s32 s3, s9;
	s6 =	sadd.s32 @!p0 $0x88, s6;
	s7 =	simm.s32 @p2 $0x1082  }
0x22: {  	[simem:s7], [sflag:s8] =	dma.local @!p0 [hbm:s6], $0xF7A  }
0x23: {  	s9 =	sor.u32 $0xD0000000, s2;
	s6 =	simm.s32 $0x108;
	_ =	swait.ge @!p0 [sflag:s8], $0x0  }
0x24: {  	s3 =	sadd.s32 $0x88, s3;
	s6 =	simm.s32 @!p1 $0x1082;
	[sflag:s4] =	ssyncset.s32 $0xFFFFF086  }
0x25: {  	[simem:s6], [sflag:s4] =	dma.local [hbm:s3], $0xF7A  }
0x26: {  	[smem:$0x3F9F] =	sst s1;
	(tag) =	ssettag s2;
	_ =	strace s9  }
0x27: {  	s1 =	sld [smem:$0x3FAF]  }
0x28: {  	s2 =	sld [smem:$0x3FB0]  }
0x29: {  	s4 =	sld [smem:$0x3FB2]  }
0x2a: {  	p0 =	seq.s32 s5, $0x0;
	s5 =	sld [smem:$0x3FB3]  }
0x2b: {  	s6 =	sld [smem:$0x3FB4]  }
0x2c: {  	s7 =	sld [smem:$0x3FB5]  }
0x2d: {  	s3 =	simm.s32 $0x108;
	s8 =	sld [smem:$0x3FB6]  }
0x2e: {  	s3 =	simm.s32 @!p0 $0x1082;
	s9 =	sld [smem:$0x3FB7]  }
0x2f: {  	lr =	sadd.s32 s0, s3;
	s0 =	sld [smem:$0x3FAE]  }
0x30: {  	s3 =	sld [smem:$0x3FB1]  }
0x31: {  	[smem:$0x3FBA] =	sst s10  }
0x32: {  	s10 =	sld [smem:$0x3FB8];
	_ =	sdelay $0x3  }
0x33: {  	p0 =	seq.s32 s10, $0x1;
	s10 =	sld [smem:$0x3FBA];
	_ =	sdelay $0x3  }
0x34: {  	[smem:$0x3FBA] =	sst s10  }
0x35: {  	s10 =	sld [smem:$0x3FB9];
	_ =	sdelay $0x3  }
0x36: {  	p1 =	seq.s32 s10, $0x1;
	s10 =	sld [smem:$0x3FBA];
	_ =	sdelay $0x3  }
0x37: {  	[smem:$0x3FBA] =	sst s10  }
0x38: {  	s10 =	sld [smem:$0x3FBB]  }
0x39: {  	_ = 	snop;
	(pc) =	sbr.ind lr, $3  }
0x3a: {  	_ = 	snop  }
0x3b: {  	_ = 	snop  }
0x3c: {  	p2 =	seq.s32 s10, $0x1;
	s10 =	sld [smem:$0x3FBA]  }
0x3d: {  	_ =	shalt  }
0x3e: {  	_ =	shalt  }
0x3f: {  	_ =	shalt  }
0x40: {  	_ =	shalt  }
0x41: {  	_ =	shalt  }
0x42: {  	_ =	shalt  }
0x43: {  	_ =	shalt  }
0x44: {  	_ =	shalt  }
0x45: {  	_ =	shalt  }
0x46: {  	_ =	shalt  }
0x47: {  	_ =	shalt  }
0x48: {  	_ =	shalt  }
0x49: {  	_ =	shalt  }
0x4a: {  	_ =	shalt  }
0x4b: {  	_ =	shalt  }
0x4c: {  	_ =	shalt  }
0x4d: {  	_ =	shalt  }
0x4e: {  	_ =	shalt  }
0x4f: {  	_ =	shalt  }
0x50: {  	_ =	shalt  }
0x51: {  	_ =	shalt  }
0x52: {  	_ =	shalt  }
0x53: {  	_ =	shalt  }
0x54: {  	_ =	shalt  }
0x55: {  	_ =	shalt  }
0x56: {  	_ =	shalt  }
0x57: {  	_ =	shalt  }
0x58: {  	_ =	shalt  }
0x59: {  	_ =	shalt  }
0x5a: {  	_ =	shalt  }
0x5b: {  	_ =	shalt  }
0x5c: {  	_ =	shalt  }
0x5d: {  	_ =	shalt  }
0x5e: {  	_ =	shalt  }
0x5f: {  	_ =	shalt  }
0x60: {  	_ =	shalt  }
0x61: {  	_ =	shalt  }
0x62: {  	_ =	shalt  }
0x63: {  	_ =	shalt  }
0x64: {  	_ =	shalt  }
0x65: {  	_ =	shalt  }
0x66: {  	_ =	shalt  }
0x67: {  	_ =	shalt  }
0x68: {  	_ =	shalt  }
0x69: {  	_ =	shalt  }
0x6a: {  	_ =	shalt  }
0x6b: {  	_ =	shalt  }
0x6c: {  	_ =	shalt  }
0x6d: {  	_ =	shalt  }
0x6e: {  	_ =	shalt  }
0x6f: {  	_ =	shalt  }
0x70: {  	_ =	shalt  }
0x71: {  	_ =	shalt  }
0x72: {  	_ =	shalt  }
0x73: {  	_ =	shalt  }
0x74: {  	_ =	shalt  }
0x75: {  	_ =	shalt  }
0x76: {  	_ =	shalt  }
0x77: {  	_ =	shalt  }
0x78: {  	_ =	shalt  }
0x79: {  	_ =	shalt  }
0x7a: {  	_ =	shalt  }
0x7b: {  	_ =	shalt  }
0x7c: {  	_ =	shalt  }
0x7d: {  	_ =	shalt  }
0x7e: {  	_ =	shalt  }
0x7f: {  	_ =	shalt  }
0x80: {  	_ =	shalt  }
0x81: {  	_ =	shalt  }
0x82: {  	_ =	shalt  }
0x83: {  	_ =	shalt  }
0x84: {  	_ =	shalt  }
0x85: {  	_ =	shalt  }
0x86: {  	_ =	shalt  }
0x87: {  	_ =	shalt  }
.Lfunc_end0:
.L_simem_size_0:
called_computation_lowered:
.L_overlay_start_0:
0x88: {  	s2 =	sld [smem:$0x3FD9]  }
0x89: {  	s3 =	sld [smem:$0x3FFE];
	_ =	sdelay $0x1  }
0x8a: {  	s1 =	srdreg.scid  }
0x8b: {  	s0 =	sand.u32 $0x1, s1  }
0x8c: {  	s17 =	sshll.u32 s0, $0xA;
	s2 =	sadd.s32 s3, s2  }
0x8d: {  	s2 =	sadd.s32 s2, s17  }
0x8e: {  	[smem:$0x3FC6] =	sst s2  }
0x8f: {  	_ = 	snop  }
0x90: {  	s2 =	sld [smem:$0x3FC9];
	(tm) =	ssettm $0x1  }
0x91: {  	s18 =	sld [smem:$0x3FFB];
	_ =	sdelay $0x3  }
0x92: {  	_ =	strace s18  }
0x93: {  	s3 =	sld [smem:$0x3FFC];
	_ =	sdelay $0x3  }
0x94: {  	_ =	strace s3  }
0x95: {  	s3 =	sld [smem:$0x3FFD];
	_ =	sdelay $0x3  }
0x96: {  	_ =	strace s3  }
0x97: {  	_ =	strace $0x8FFFFFFF  }
0x98: {  	s19 =	sld [smem:$0x3FDB];
	_ =	sdelay $0x1  }
0x99: {  	s4 =	simm.s32 $_scs_section_size  }
0x9a: {  	s5 =	simm.s32 $_size__tile_overlayer_lowered;
	s6 =	simm.s32 $_tile_overlayer_lowered  }
0x9b: {  	s22 =	simm.s32 $0x1BFF;
	s21 =	sshll.u32 s6, $0x1;
	s3 =	sadd.s32 s4, s19  }
0x9c: {  	s7 =	simm.s32 $0x0;
	s20 =	sshll.u32 s5, $0x1;
	s5 =	sadd.s32 s21, s3  }
0x9d: {  	[timem:s7], [sflag:s22] =	dma.local [hbm:s5], s20  }
0x9e: {  	_ =	swait.ge [sflag:s22], s20  }
0x9f: {  	s4 =	ssub.s32 $0x0, s20;
	[sflag:s22] =	ssyncset.done $0x0  }
0xa0: {  	[sflag:s22] =	ssyncadd.s32 s4;
	_ =	sdelay $0x1  }
0xa1: {  	s23 =	simm.s32 $0x1B8B  }
0xa2: {  	_ =	swait.ge [sflag:s23], $0x1  }
0xa3: {  	[sflag:s23] =	ssyncset.done $0x0  }
0xa4: {  	s25 =	simm.s32 $0x1B8E;
	s24 =	sld [smem:$0x3FFE];
	[sflag:s23] =	ssyncadd.s32 $0xFFFFFFFF  }
0xa5: {  	s26 =	simm.s32 $execute0_lowered;
	[smem:$0x3FD2] =	sst s25  }
0xa6: {  	s5 =	sshll.u32 s26, $0x1;
	_ =	strace $0x80000046;
	[dreg:$0x1] =	wrdreg $0xFFFFFFFF  }
0xa7: {  	s28 =	simm.s32 $_size_execute0_lowered;
	s3 =	sadd.s32 s3, s5;
	[dreg:$0x0] =	wrdreg $0x0  }
0xa8: {  	s5 =	sshll.u32 s28, $0x1;
	[dreg:$0x2] =	wrdreg s3  }
0xa9: {  	[dreg:$0x3] =	wrdreg s5  }
0xaa: {  	[dreg:$0x4] =	wrdreg $0xC0  }
0xab: {  	_ =	task [dreg:s7], $0x5FFFF  }
0xac: {  	[dreg:$0x1] =	wrdreg $0xFFFFFFFF  }
0xad: {  	[dreg:$0x0] =	wrdreg $0x60  }
0xae: {  	[dreg:$0x2] =	wrdreg s2  }
0xaf: {  	[dreg:$0x3] =	wrdreg s24  }
0xb0: {  	[dreg:$0x4] =	wrdreg $0x9  }
0xb1: {  	_ =	task.clear_ibuf [dreg:s7], $0x5FFFF;
	_ =	strace $0x90000046  }
0xb2: {  	s29 =	simm.s32 $0x9;
	_ =	strace $0x80000048  }
0xb3: {  	_ =	swait.ge [sflag:s29], $0x1  }
0xb4: {  	[sflag:s29] =	ssyncadd.s32 $0xFFFFFFFF  }
0xb5: {  	_ =	strace $0x90000048  }
0xb6: {  	_ =	sfence  }
0xb7: {  	s30 =	sld [smem:$0x0];
	_ =	sdelay $0x2  }
0xb8: {  	s31 =	sshll.u32 s1, $0xD;
	s1 =	sshrl.u32 s1, $0x2  }
0xb9: {  	s3 =	sand.u32 $0x4000, s31;
	s1 =	sadd.s32 s1, s30  }
0xba: {  	s0 =	sor.u32 s3, s0;
	s1 =	sshll.u32 s1, $0x11  }
0xbb: {  	s0 =	sor.u32 s1, s0  }
0xbc: {  	s0 =	sadd.s32 $0x8F2B, s0  }
0xbd: {  	[sflag:s0] =	ssyncadd.remote.s32 $0x1  }
0xbe: {  	_ =	sfence.sel $0xFFFF  }
0xbf: {  	[dreg:$0x0] =	wrdreg $0xFFFFFFFF;
	(pc) =	sbr.abs _section_cstart, $3  }
0xc0: {  	[dreg:$0x1] =	wrdreg $0xFFFFFFFF  }
0xc1: {  	_ =	task.clear_ibuf [dreg:s7], $0x2FFFF;
	_ =	strace $0x9FFFFFFF  }
0xc2: {  	(tm) =	ssettm $0x7FFFFFFF  }
0xc3: {  	_ =	shalt  }
tec
execute0_lowered:
.L_overlay_start_1:
0x0: {  	(tag) =	ssettag $0x1  }
0x1: {  	s0 =	rddreg [dreg:$0x0]  }
0x2: {  	s1 =	rddreg [dreg:$0x1];
	s2 =	simm.s32 $0x0;
	s3 =	srdreg.scid  }
0x3: {  	s7 =	stileid.u32;
	s10 =	simm.s32 $0x3;
	s15 =	simm.s32 $0x5E00  }
0x4: {  	s16 =	simm.s32 $0x6200;
	s17 =	simm.s32 $0x6600;
	s18 =	simm.s32 $0x6A00  }
0x5: {  	s19 =	simm.s32 $0x6E00;
	s20 =	simm.s32 $0x7200;
	s21 =	simm.s32 $0x7600  }
0x6: {  	s22 =	simm.s32 $0x7A00;
	s23 =	simm.s32 $0x7E00;
	s24 =	simm.s32 $0x1  }
0x7: {  	s25 =	simm.s32 $0x2;
	s26 =	simm.s32 $0x0;
	[smem:$0x7FF] =	sst s2  }
0x8: {  	s5 =	sand.u32 $0x1, s3;
	s3 =	sadd.s32 $0x400, s1;
	s4 =	sshll.u32 s7, $0xA  }
0x9: {  	s7 =	sshll.u32 s7, $0xE;
	_ =	strace $0x80000047;
	s6 =	sshll.u32 s5, $0x9  }
.Ltmp0:
0xa: {  	s8 =	ssub.s32 $0x2, s5;
	s4 =	sor.u32 s6, s4;
	(pc) =	sbr.rel .LBB2_1-.Ltmp0, $4  }
0xb: {  	s1 =	sadd.s32 s7, s1;
	s29 =	sshrl.u32 s8, $0x1;
	s4 =	sshrl.u32 s4, $0x3  }
0xc: {  	s31 =	sshll.u32 s5, $0xD;
	s8 =	ssub.s32 s8, s29;
	s4 =	sadd.s32 s0, s4  }
0xd: {  	s0 =	sadd.s32 s31, s1;
	s8 =	smax.u32 s8, $0x1;
	s5 =	sadd.s32 $0x10, s4  }
0xe: {  	s6 =	sadd.s32 $0x20, s4;
	s7 =	sadd.s32 $0x30, s4;
	s30 =	sadd.s32 $0xF42800, s0  }
.LBB2_5:
0xf: {  	s26 =	sadd.s32 $0x1, s26  }
0x10: {  	_ =	swait.ge [sflag:s25], $0x1000;
	p0 =	sne.s32 s26, s8  }
.Ltmp1:
0x11: {  	[sflag:s25] =	ssyncset.done $0x0;
	(pc) =	sbr.rel @!p0 .LBB2_6-.Ltmp1, $4  }
0x12: {  	[sflag:s25] =	ssyncadd.s32 $0xFFFFF000  }
0x13: {  	_ =	swait.ge [sflag:s25], $0x1000  }
0x14: {  	[sflag:s25] =	ssyncset.done $0x0  }
0x15: {  	[sflag:s25] =	ssyncadd.s32 $0xFFFFF000  }
.LBB2_1:
0x16: {  	[tilespmem:s2], [sflag:$0x3] =	stream.linear.gather [hbm4b:s4+s2], $0x80, $0x38;
	[tilespmem:$0x12200] =	vst v63  }
0x17: {  	_ =	swait.ge [sflag:s10], $0x80  }
0x18: {  	[sflag:s10] =	ssyncset.done $0x0  }
0x19: {  	s0 =	simm.s32 $0x80;
	[sflag:s10] =	ssyncadd.s32 $0xFFFFFF80  }
0x1a: {  	[tilespmem:s0], [sflag:$0x3] =	stream.linear.gather [hbm4b:s5+s2], $0x80, $0x38;
	[tilespmem:$0x12200] =	vst v63  }
0x1b: {  	_ =	swait.ge [sflag:s10], $0x80  }
0x1c: {  	[sflag:s10] =	ssyncset.done $0x0  }
0x1d: {  	s14 =	simm.s32 $0x100;
	[sflag:s10] =	ssyncadd.s32 $0xFFFFFF80  }
0x1e: {  	[tilespmem:s14], [sflag:$0x3] =	stream.linear.gather [hbm4b:s6+s2], $0x80, $0x38;
	[tilespmem:$0x12200] =	vst v63  }
0x1f: {  	_ =	swait.ge [sflag:s10], $0x80  }
0x20: {  	[sflag:s10] =	ssyncset.done $0x0  }
0x21: {  	s1 =	simm.s32 $0x180;
	[sflag:s10] =	ssyncadd.s32 $0xFFFFFF80  }
0x22: {  	[tilespmem:s1], [sflag:$0x3] =	stream.linear.gather [hbm4b:s7+s2], $0x80, $0x38;
	[tilespmem:$0x12200] =	vst v63  }
0x23: {  	_ =	swait.ge [sflag:s10], $0x80  }
0x24: {  	[sflag:s10] =	ssyncset.done $0x0  }
0x25: {  	[sflag:s10] =	ssyncadd.s32 $0xFFFFFF80  }
0x26: {  	v0 =	vld [tilespmem:$0x0];
	_ =	sdelay $0x4  }
0x27: {  	v0 =	vshll.u32 v0, $0x4  }
0x28: {  	(v2sf) =	vpush v0, $0x0  }
0x29: {  	(v2sf) =	vpush v0, $0x1;
	_ =	sdelay $0x5  }
0x2a: {  	(v2sf) =	vpush v0, $0x2;
	_ =	sdelay $0x1  }
0x2b: {  	(v2sf) =	vpush v0, $0x3;
	_ =	sdelay $0x5  }
0x2c: {  	s9 =	spop (v2sf);
	(v2sf) =	vpush v0, $0x4  }
0x2d: {  	s11 =	spop (v2sf);
	(v2sf) =	vpush v0, $0x5;
	_ =	sdelay $0x4  }
0x2e: {  	s0 =	sand.u32 $0x1FFFFF80, s9  }
0x2f: {  	s1 =	simm.s32 $0x200;
	s0 =	sadd.s32 s3, s0;
	s13 =	spop (v2sf);
	(v2sf) =	vpush v0, $0x6  }
0x30: {  	v1 =	vld [tilespmem:$0x10];
	[tilespmem:s1], [sflag:$0x1] =	stream.linear.gather [hbm4b:s0+s2], $0x400, $0x38  }
0x31: {  	s1 =	spop (v2sf);
	(v2sf) =	vpush v0, $0x7;
	_ =	sdelay $0x2  }
0x32: {  	s0 =	sand.u32 $0x1FFFFF80, s11  }
0x33: {  	s12 =	simm.s32 $0x600;
	s0 =	sadd.s32 s3, s0  }
0x34: {  	[tilespmem:s12], [sflag:$0x1] =	stream.linear.gather [hbm4b:s0+s2], $0x400, $0x38;
	[tilespmem:$0x12200] =	vst v63  }
0x35: {  	s11 =	spop (v2sf);
	(v2sf) =	vpush v0, $0x8  }
0x36: {  	s0 =	sand.u32 $0x1FFFFF80, s13;
	s13 =	spop (v2sf);
	(v2sf) =	vpush v0, $0x9;
	_ =	sdelay $0x2  }
0x37: {  	s14 =	simm.s32 $0xA00;
	s0 =	sadd.s32 s3, s0  }
0x38: {  	[tilespmem:s14], [sflag:$0x1] =	stream.linear.gather [hbm4b:s0+s2], $0x400, $0x38;
	[tilespmem:$0x12200] =	vst v63  }
0x39: {  	s0 =	sand.u32 $0x1FFFFF80, s1  }
0x3a: {  	s9 =	simm.s32 $0xE00;
	s0 =	sadd.s32 s3, s0;
	s1 =	spop (v2sf);
	(v2sf) =	vpush v0, $0xA  }
0x3b: {  	[tilespmem:s9], [sflag:$0x1] =	stream.linear.gather [hbm4b:s0+s2], $0x400, $0x38;
	[tilespmem:$0x12200] =	vst v63  }
0x3c: {  	s0 =	sand.u32 $0x1FFFFF80, s11;
	s11 =	spop (v2sf);
	(v2sf) =	vpush v0, $0xB  }
0x3d: {  	s12 =	simm.s32 $0x1200;
	s0 =	sadd.s32 s3, s0  }
0x3e: {  	[tilespmem:s12], [sflag:$0x1] =	stream.linear.gather [hbm4b:s0+s2], $0x400, $0x38;
	[tilespmem:$0x12200] =	vst v63  }
0x3f: {  	s0 =	sand.u32 $0x1FFFFF80, s13  }
0x40: {  	s14 =	simm.s32 $0x1600;
	s0 =	sadd.s32 s3, s0  }
0x41: {  	[tilespmem:s14], [sflag:$0x1] =	stream.linear.gather [hbm4b:s0+s2], $0x400, $0x38;
	[tilespmem:$0x12200] =	vst v63  }
0x42: {  	s13 =	spop (v2sf);
	(v2sf) =	vpush v0, $0xC  }
0x43: {  	s0 =	sand.u32 $0x1FFFFF80, s1;
	s1 =	spop (v2sf);
	(v2sf) =	vpush v0, $0xD;
	_ =	sdelay $0x2  }
0x44: {  	s9 =	simm.s32 $0x1A00;
	s0 =	sadd.s32 s3, s0  }
0x45: {  	[tilespmem:s9], [sflag:$0x1] =	stream.linear.gather [hbm4b:s0+s2], $0x400, $0x38;
	[tilespmem:$0x12200] =	vst v63  }
0x46: {  	s0 =	sand.u32 $0x1FFFFF80, s11  }
0x47: {  	s12 =	simm.s32 $0x1E00;
	s0 =	sadd.s32 s3, s0;
	s11 =	spop (v2sf);
	(v2sf) =	vpush v0, $0xE  }
0x48: {  	[tilespmem:s12], [sflag:$0x1] =	stream.linear.gather [hbm4b:s0+s2], $0x400, $0x38;
	[tilespmem:$0x12200] =	vst v63  }
0x49: {  	s0 =	sand.u32 $0x1FFFFF80, s13;
	s13 =	spop (v2sf);
	(v2sf) =	vpush v0, $0xF  }
0x4a: {  	s14 =	simm.s32 $0x2200;
	s0 =	sadd.s32 s3, s0  }
0x4b: {  	[tilespmem:s14], [sflag:$0x1] =	stream.linear.gather [hbm4b:s0+s2], $0x400, $0x38;
	[tilespmem:$0x12200] =	vst v63  }
0x4c: {  	s0 =	sand.u32 $0x1FFFFF80, s1  }
0x4d: {  	s9 =	simm.s32 $0x2600;
	s0 =	sadd.s32 s3, s0  }
0x4e: {  	v63 =	vshll.u32 v1, $0x4;
	[tilespmem:s9], [sflag:$0x1] =	stream.linear.gather [hbm4b:s0+s2], $0x400, $0x38;
	[tilespmem:$0x12200] =	vst v63  }
0x4f: {  	s1 =	spop (v2sf);
	(v2sf) =	vpush v63, $0x0  }
0x50: {  	s0 =	sand.u32 $0x1FFFFF80, s11;
	s11 =	spop (v2sf);
	(v2sf) =	vpush v63, $0x1;
	_ =	sdelay $0x2  }
0x51: {  	s12 =	simm.s32 $0x2A00;
	s0 =	sadd.s32 s3, s0  }
0x52: {  	[tilespmem:s12], [sflag:$0x1] =	stream.linear.gather [hbm4b:s0+s2], $0x400, $0x38;
	[tilespmem:$0x12200] =	vst v63  }
0x53: {  	s0 =	sand.u32 $0x1FFFFF80, s13  }
0x54: {  	s14 =	simm.s32 $0x2E00;
	s0 =	sadd.s32 s3, s0;
	s13 =	spop (v2sf);
	(v2sf) =	vpush v63, $0x2  }
0x55: {  	[tilespmem:s14], [sflag:$0x1] =	stream.linear.gather [hbm4b:s0+s2], $0x400, $0x38;
	[tilespmem:$0x12200] =	vst v63  }
0x56: {  	s0 =	sand.u32 $0x1FFFFF80, s1;
	s1 =	spop (v2sf);
	(v2sf) =	vpush v63, $0x3  }
0x57: {  	s9 =	simm.s32 $0x3200;
	s0 =	sadd.s32 s3, s0  }
0x58: {  	[tilespmem:s9], [sflag:$0x1] =	stream.linear.gather [hbm4b:s0+s2], $0x400, $0x38;
	[tilespmem:$0x12200] =	vst v63  }
0x59: {  	s0 =	sand.u32 $0x1FFFFF80, s11  }
0x5a: {  	s12 =	simm.s32 $0x3600;
	s0 =	sadd.s32 s3, s0  }
0x5b: {  	[tilespmem:s12], [sflag:$0x1] =	stream.linear.gather [hbm4b:s0+s2], $0x400, $0x38;
	[tilespmem:$0x12200] =	vst v63  }
0x5c: {  	s0 =	sand.u32 $0x1FFFFF80, s13;
	s11 =	spop (v2sf);
	(v2sf) =	vpush v63, $0x4  }
0x5d: {  	s14 =	simm.s32 $0x3A00;
	s0 =	sadd.s32 s3, s0;
	s13 =	spop (v2sf);
	(v2sf) =	vpush v63, $0x5  }
0x5e: {  	[tilespmem:s14], [sflag:$0x1] =	stream.linear.gather [hbm4b:s0+s2], $0x400, $0x38;
	[tilespmem:$0x12200] =	vst v63  }
0x5f: {  	s0 =	sand.u32 $0x1FFFFF80, s1  }
0x60: {  	s9 =	simm.s32 $0x3E00;
	s0 =	sadd.s32 s3, s0  }
0x61: {  	[tilespmem:s9], [sflag:$0x1] =	stream.linear.gather [hbm4b:s0+s2], $0x400, $0x38;
	[tilespmem:$0x12200] =	vst v63  }
0x62: {  	s0 =	sand.u32 $0x1FFFFF80, s11  }
0x63: {  	s12 =	simm.s32 $0x4200;
	s0 =	sadd.s32 s3, s0;
	s1 =	spop (v2sf);
	(v2sf) =	vpush v63, $0x6  }
0x64: {  	[tilespmem:s12], [sflag:$0x1] =	stream.linear.gather [hbm4b:s0+s2], $0x400, $0x38;
	[tilespmem:$0x12200] =	vst v63  }
0x65: {  	s0 =	sand.u32 $0x1FFFFF80, s13;
	s11 =	spop (v2sf);
	(v2sf) =	vpush v63, $0x7  }
0x66: {  	s14 =	simm.s32 $0x4600;
	s0 =	sadd.s32 s3, s0  }
0x67: {  	[tilespmem:s14], [sflag:$0x1] =	stream.linear.gather [hbm4b:s0+s2], $0x400, $0x38;
	[tilespmem:$0x12200] =	vst v63  }
0x68: {  	s0 =	sand.u32 $0x1FFFFF80, s1  }
0x69: {  	s9 =	simm.s32 $0x4A00;
	s0 =	sadd.s32 s3, s0  }
0x6a: {  	[tilespmem:s9], [sflag:$0x1] =	stream.linear.gather [hbm4b:s0+s2], $0x400, $0x38;
	[tilespmem:$0x12200] =	vst v63  }
0x6b: {  	s0 =	sand.u32 $0x1FFFFF80, s11;
	s13 =	spop (v2sf);
	(v2sf) =	vpush v63, $0x8  }
0x6c: {  	s12 =	simm.s32 $0x4E00;
	s0 =	sadd.s32 s3, s0;
	s9 =	spop (v2sf);
	(v2sf) =	vpush v63, $0x9  }
0x6d: {  	[tilespmem:s12], [sflag:$0x1] =	stream.linear.gather [hbm4b:s0+s2], $0x400, $0x38;
	[tilespmem:$0x12200] =	vst v63  }
0x6e: {  	s0 =	sand.u32 $0x1FFFFF80, s13;
	(v2sf) =	vpush v63, $0xA  }
0x6f: {  	s14 =	simm.s32 $0x5200;
	s0 =	sadd.s32 s3, s0  }
0x70: {  	[tilespmem:s14], [sflag:$0x1] =	stream.linear.gather [hbm4b:s0+s2], $0x400, $0x38;
	[tilespmem:$0x12200] =	vst v63  }
0x71: {  	s0 =	sand.u32 $0x1FFFFF80, s9  }
0x72: {  	s11 =	simm.s32 $0x5600;
	s12 =	spop (v2sf);
	s0 =	sadd.s32 s3, s0  }
0x73: {  	(v2sf) =	vpush v63, $0xB;
	[tilespmem:s11], [sflag:$0x1] =	stream.linear.gather [hbm4b:s0+s2], $0x400, $0x38;
	[tilespmem:$0x12200] =	vst v63  }
0x74: {  	s14 =	spop (v2sf);
	(v2sf) =	vpush v63, $0xC;
	s0 =	sand.u32 $0x1FFFFF80, s12  }
0x75: {  	s13 =	simm.s32 $0x5A00;
	s0 =	sadd.s32 s3, s0  }
0x76: {  	[tilespmem:s13], [sflag:$0x1] =	stream.linear.gather [hbm4b:s0+s2], $0x400, $0x38;
	[tilespmem:$0x12200] =	vst v63  }
0x77: {  	s0 =	sand.u32 $0x1FFFFF80, s14  }
0x78: {  	s0 =	sadd.s32 s3, s0  }
0x79: {  	[tilespmem:s15], [sflag:$0x1] =	stream.linear.gather [hbm4b:s0+s2], $0x400, $0x38;
	[tilespmem:$0x12200] =	vst v63  }
0x7a: {  	s1 =	spop (v2sf);
	(v2sf) =	vpush v63, $0xD  }
0x7b: {  	s9 =	spop (v2sf);
	(v2sf) =	vpush v63, $0xE  }
0x7c: {  	s0 =	sand.u32 $0x1FFFFF80, s1  }
0x7d: {  	s0 =	sadd.s32 s3, s0;
	s11 =	spop (v2sf)  }
0x7e: {  	(v2sf) =	vpush v63, $0xF;
	[tilespmem:s16], [sflag:$0x1] =	stream.linear.gather [hbm4b:s0+s2], $0x400, $0x38;
	[tilespmem:$0x12200] =	vst v63  }
0x7f: {  	s0 =	sand.u32 $0x1FFFFF80, s9  }
0x80: {  	s0 =	sadd.s32 s3, s0  }
0x81: {  	[tilespmem:s17], [sflag:$0x1] =	stream.linear.gather [hbm4b:s0+s2], $0x400, $0x38;
	[tilespmem:$0x12200] =	vst v63  }
0x82: {  	s12 =	spop (v2sf);
	s0 =	sand.u32 $0x1FFFFF80, s11  }
0x83: {  	s13 =	sand.u32 $0x1FFFFF80, s12;
	s14 =	spop (v2sf);
	s0 =	sadd.s32 s3, s0  }
0x84: {  	[tilespmem:s18], [sflag:$0x1] =	stream.linear.gather [hbm4b:s0+s2], $0x400, $0x38;
	[tilespmem:$0x12200] =	vst v63  }
0x85: {  	s1 =	sand.u32 $0x1FFFFF80, s14;
	s0 =	sadd.s32 s3, s13  }
0x86: {  	[tilespmem:s19], [sflag:$0x1] =	stream.linear.gather [hbm4b:s0+s2], $0x400, $0x38;
	[tilespmem:$0x12200] =	vst v63  }
0x87: {  	s0 =	sadd.s32 s3, s1  }
0x88: {  	[tilespmem:s20], [sflag:$0x1] =	stream.linear.gather [hbm4b:s0+s2], $0x400, $0x38;
	[tilespmem:$0x12200] =	vst v63  }
0x89: {  	s9 =	spop (v2sf)  }
0x8a: {  	s11 =	sand.u32 $0x1FFFFF80, s9;
	s12 =	spop (v2sf)  }
0x8b: {  	s0 =	sadd.s32 s3, s11;
	s13 =	sand.u32 $0x1FFFFF80, s12  }
0x8c: {  	[tilespmem:s21], [sflag:$0x1] =	stream.linear.gather [hbm4b:s0+s2], $0x400, $0x38;
	[tilespmem:$0x12200] =	vst v63  }
.Ltmp2:
0x8d: {  	s14 =	spop (v2sf);
	s0 =	sadd.s32 s3, s13;
	(pc) =	sbr.rel .LBB2_2-.Ltmp2, $4  }
0x8e: {  	[tilespmem:s22], [sflag:$0x1] =	stream.linear.gather [hbm4b:s0+s2], $0x400, $0x38;
	[tilespmem:$0x12200] =	vst v63  }
0x8f: {  	s28 =	simm.s32 $0x20000;
	s29 =	simm.s32 $0x0;
	s0 =	sand.u32 $0x1FFFFF80, s14  }
0x90: {  	s31 =	simm.s32 $0x0;
	s9 =	smov.u32 s30;
	s0 =	sadd.s32 s3, s0  }
0x91: {  	[tilespmem:s23], [sflag:$0x1] =	stream.linear.gather [hbm4b:s0+s2], $0x400, $0x38;
	[tilespmem:$0x12200] =	vst v63  }
.LBB2_4:
0x92: {  	_ =	swait.ge [sflag:s24], $0x8000  }
0x93: {  	p0 =	slt.u32 s31, $0x2;
	[sflag:s24] =	ssyncset.done $0x0  }
0x94: {  	s0 =	simm.s32 @!p0 $0x2;
	[sflag:s24] =	ssyncadd.s32 $0xFFFF8000  }
0x95: {  	_ =	swait.ge @!p0 [sflag:s0], $0x1000  }
0x96: {  	[sflag:s0] =	ssyncset.done @!p0 $0x0  }
0x97: {  	s13 =	sand.u32 $0x1E0, s29;
	[sflag:s0] =	ssyncadd.s32 @!p0 $0xFFFFF000  }
0x98: {  	v0 =	vld [tilespmem:s13+$0x0];
	_ =	sdelay $0x4  }
0x99: {  	v1 =	vshll.u32 v0, $0x7  }
0x9a: {  	(v2sf) =	vpush v1, $0x0;
	_ =	sdelay $0xe  }
0x9b: {  	s1 =	sand.u32 $0x20, s29;
	s11 =	spop (v2sf)  }
0x9c: {  	s12 =	sshll.u32 s1, $0xA;
	s11 =	sand.u32 $0x380, s11  }
0x9d: {  	s11 =	sor.u32 s11, s12  }
0x9e: {  	v2 =	vld [tilespmem:s11+$0x200];
	_ =	sdelay $0x3  }
0x9f: {  	s0 =	sshll.u32 s1, $0x7  }
0xa0: {  	v61 =	vld [tilespmem:s13+$0x10];
	[tilespmem:s0+$0x10200] =	vst v2  }
0xa1: {  	(v2sf) =	vpush v1, $0x1;
	v2 =	vld [tilespmem:s11+$0x210];
	_ =	sdelay $0x4  }
0xa2: {  	[tilespmem:s0+$0x10210] =	vst v2  }
0xa3: {  	v2 =	vld [tilespmem:s11+$0x220];
	_ =	sdelay $0x4  }
0xa4: {  	[tilespmem:s0+$0x10220] =	vst v2  }
0xa5: {  	v2 =	vld [tilespmem:s11+$0x230];
	_ =	sdelay $0x2  }
0xa6: {  	s14 =	sor.u32 $0x1, s1;
	s13 =	spop (v2sf)  }
0xa7: {  	s12 =	sand.u32 $0x380, s13;
	s13 =	sshll.u32 s14, $0xA  }
0xa8: {  	s12 =	sor.u32 s12, s13;
	[tilespmem:s0+$0x10230] =	vst v2  }
0xa9: {  	v2 =	vld [tilespmem:s12+$0x200];
	_ =	sdelay $0x3  }
0xaa: {  	s11 =	sshll.u32 s14, $0x7  }
0xab: {  	[tilespmem:s11+$0x10200] =	vst v2  }
0xac: {  	(v2sf) =	vpush v1, $0x2;
	v2 =	vld [tilespmem:s12+$0x210];
	_ =	sdelay $0x4  }
0xad: {  	[tilespmem:s11+$0x10210] =	vst v2  }
0xae: {  	v2 =	vld [tilespmem:s12+$0x220];
	_ =	sdelay $0x4  }
0xaf: {  	[tilespmem:s11+$0x10220] =	vst v2  }
0xb0: {  	v2 =	vld [tilespmem:s12+$0x230];
	_ =	sdelay $0x2  }
0xb1: {  	s14 =	spop (v2sf);
	s12 =	sor.u32 $0x2, s1  }
0xb2: {  	s13 =	sand.u32 $0x380, s14;
	s14 =	sshll.u32 s12, $0xA  }
0xb3: {  	s13 =	sor.u32 s13, s14;
	[tilespmem:s11+$0x10230] =	vst v2  }
0xb4: {  	v2 =	vld [tilespmem:s13+$0x200];
	_ =	sdelay $0x3  }
0xb5: {  	s12 =	sshll.u32 s12, $0x7  }
0xb6: {  	[tilespmem:s12+$0x10200] =	vst v2  }
0xb7: {  	(v2sf) =	vpush v1, $0x3;
	v2 =	vld [tilespmem:s13+$0x210];
	_ =	sdelay $0x4  }
0xb8: {  	[tilespmem:s12+$0x10210] =	vst v2  }
0xb9: {  	v2 =	vld [tilespmem:s13+$0x220];
	_ =	sdelay $0x4  }
0xba: {  	[tilespmem:s12+$0x10220] =	vst v2  }
0xbb: {  	v2 =	vld [tilespmem:s13+$0x230];
	_ =	sdelay $0x2  }
0xbc: {  	s14 =	spop (v2sf);
	s11 =	sor.u32 $0x3, s1  }
0xbd: {  	s13 =	sand.u32 $0x380, s14;
	s14 =	sshll.u32 s11, $0xA  }
0xbe: {  	s13 =	sor.u32 s13, s14;
	[tilespmem:s12+$0x10230] =	vst v2  }
0xbf: {  	v2 =	vld [tilespmem:s13+$0x200];
	_ =	sdelay $0x3  }
0xc0: {  	s11 =	sshll.u32 s11, $0x7  }
0xc1: {  	[tilespmem:s11+$0x10200] =	vst v2  }
0xc2: {  	(v2sf) =	vpush v1, $0x4;
	v2 =	vld [tilespmem:s13+$0x210];
	_ =	sdelay $0x4  }
0xc3: {  	[tilespmem:s11+$0x10210] =	vst v2  }
0xc4: {  	v2 =	vld [tilespmem:s13+$0x220];
	_ =	sdelay $0x4  }
0xc5: {  	[tilespmem:s11+$0x10220] =	vst v2  }
0xc6: {  	v2 =	vld [tilespmem:s13+$0x230];
	_ =	sdelay $0x2  }
0xc7: {  	s14 =	spop (v2sf);
	s12 =	sor.u32 $0x4, s1  }
0xc8: {  	s13 =	sand.u32 $0x380, s14;
	s14 =	sshll.u32 s12, $0xA  }
0xc9: {  	s13 =	sor.u32 s13, s14;
	[tilespmem:s11+$0x10230] =	vst v2  }
0xca: {  	v2 =	vld [tilespmem:s13+$0x200];
	_ =	sdelay $0x3  }
0xcb: {  	s12 =	sshll.u32 s12, $0x7  }
0xcc: {  	[tilespmem:s12+$0x10200] =	vst v2  }
0xcd: {  	(v2sf) =	vpush v1, $0x5;
	v2 =	vld [tilespmem:s13+$0x210];
	_ =	sdelay $0x4  }
0xce: {  	[tilespmem:s12+$0x10210] =	vst v2  }
0xcf: {  	v2 =	vld [tilespmem:s13+$0x220];
	_ =	sdelay $0x4  }
0xd0: {  	[tilespmem:s12+$0x10220] =	vst v2  }
0xd1: {  	v2 =	vld [tilespmem:s13+$0x230];
	_ =	sdelay $0x2  }
0xd2: {  	s14 =	spop (v2sf);
	s11 =	sor.u32 $0x5, s1  }
0xd3: {  	s13 =	sand.u32 $0x380, s14;
	s14 =	sshll.u32 s11, $0xA  }
0xd4: {  	s13 =	sor.u32 s13, s14;
	[tilespmem:s12+$0x10230] =	vst v2  }
0xd5: {  	v2 =	vld [tilespmem:s13+$0x200];
	_ =	sdelay $0x3  }
0xd6: {  	s11 =	sshll.u32 s11, $0x7  }
0xd7: {  	[tilespmem:s11+$0x10200] =	vst v2  }
0xd8: {  	(v2sf) =	vpush v1, $0x6;
	v2 =	vld [tilespmem:s13+$0x210];
	_ =	sdelay $0x4  }
0xd9: {  	[tilespmem:s11+$0x10210] =	vst v2  }
0xda: {  	v2 =	vld [tilespmem:s13+$0x220];
	_ =	sdelay $0x4  }
0xdb: {  	[tilespmem:s11+$0x10220] =	vst v2  }
0xdc: {  	v2 =	vld [tilespmem:s13+$0x230];
	_ =	sdelay $0x2  }
0xdd: {  	s14 =	spop (v2sf);
	s12 =	sor.u32 $0x6, s1  }
0xde: {  	s13 =	sand.u32 $0x380, s14;
	s14 =	sshll.u32 s12, $0xA  }
0xdf: {  	s13 =	sor.u32 s13, s14;
	[tilespmem:s11+$0x10230] =	vst v2  }
0xe0: {  	v2 =	vld [tilespmem:s13+$0x200];
	_ =	sdelay $0x3  }
0xe1: {  	s12 =	sshll.u32 s12, $0x7  }
0xe2: {  	[tilespmem:s12+$0x10200] =	vst v2  }
0xe3: {  	(v2sf) =	vpush v1, $0x7;
	v2 =	vld [tilespmem:s13+$0x210];
	_ =	sdelay $0x4  }
0xe4: {  	[tilespmem:s12+$0x10210] =	vst v2  }
0xe5: {  	v2 =	vld [tilespmem:s13+$0x220];
	_ =	sdelay $0x4  }
0xe6: {  	[tilespmem:s12+$0x10220] =	vst v2  }
0xe7: {  	v2 =	vld [tilespmem:s13+$0x230];
	_ =	sdelay $0x2  }
0xe8: {  	s14 =	spop (v2sf);
	s11 =	sor.u32 $0x7, s1  }
0xe9: {  	s13 =	sand.u32 $0x380, s14;
	s14 =	sshll.u32 s11, $0xA  }
0xea: {  	s13 =	sor.u32 s13, s14;
	[tilespmem:s12+$0x10230] =	vst v2  }
0xeb: {  	v2 =	vld [tilespmem:s13+$0x200];
	_ =	sdelay $0x3  }
0xec: {  	s11 =	sshll.u32 s11, $0x7  }
0xed: {  	[tilespmem:s11+$0x10200] =	vst v2  }
0xee: {  	(v2sf) =	vpush v1, $0x8;
	v2 =	vld [tilespmem:s13+$0x210];
	_ =	sdelay $0x4  }
0xef: {  	[tilespmem:s11+$0x10210] =	vst v2  }
0xf0: {  	v2 =	vld [tilespmem:s13+$0x220];
	_ =	sdelay $0x4  }
0xf1: {  	[tilespmem:s11+$0x10220] =	vst v2  }
0xf2: {  	v2 =	vld [tilespmem:s13+$0x230];
	_ =	sdelay $0x2  }
0xf3: {  	s14 =	spop (v2sf);
	s12 =	sor.u32 $0x8, s1  }
0xf4: {  	s13 =	sand.u32 $0x380, s14;
	s14 =	sshll.u32 s12, $0xA  }
0xf5: {  	s13 =	sor.u32 s13, s14;
	[tilespmem:s11+$0x10230] =	vst v2  }
0xf6: {  	v2 =	vld [tilespmem:s13+$0x200];
	_ =	sdelay $0x3  }
0xf7: {  	s12 =	sshll.u32 s12, $0x7  }
0xf8: {  	[tilespmem:s12+$0x10200] =	vst v2  }
0xf9: {  	(v2sf) =	vpush v1, $0x9;
	v2 =	vld [tilespmem:s13+$0x210];
	_ =	sdelay $0x4  }
0xfa: {  	[tilespmem:s12+$0x10210] =	vst v2  }
0xfb: {  	v2 =	vld [tilespmem:s13+$0x220];
	_ =	sdelay $0x4  }
0xfc: {  	[tilespmem:s12+$0x10220] =	vst v2  }
0xfd: {  	v2 =	vld [tilespmem:s13+$0x230];
	_ =	sdelay $0x2  }
0xfe: {  	s14 =	spop (v2sf);
	s11 =	sor.u32 $0x9, s1  }
0xff: {  	s13 =	sand.u32 $0x380, s14;
	s14 =	sshll.u32 s11, $0xA  }
0x100: {  	s13 =	sor.u32 s13, s14;
	[tilespmem:s12+$0x10230] =	vst v2  }
0x101: {  	v2 =	vld [tilespmem:s13+$0x200];
	_ =	sdelay $0x3  }
0x102: {  	s11 =	sshll.u32 s11, $0x7  }
0x103: {  	[tilespmem:s11+$0x10200] =	vst v2  }
0x104: {  	(v2sf) =	vpush v1, $0xA;
	v2 =	vld [tilespmem:s13+$0x210];
	_ =	sdelay $0x4  }
0x105: {  	[tilespmem:s11+$0x10210] =	vst v2  }
0x106: {  	v2 =	vld [tilespmem:s13+$0x220];
	_ =	sdelay $0x4  }
0x107: {  	[tilespmem:s11+$0x10220] =	vst v2  }
0x108: {  	v2 =	vld [tilespmem:s13+$0x230];
	_ =	sdelay $0x2  }
0x109: {  	s14 =	spop (v2sf);
	s12 =	sor.u32 $0xA, s1  }
0x10a: {  	s13 =	sand.u32 $0x380, s14;
	s14 =	sshll.u32 s12, $0xA  }
0x10b: {  	s13 =	sor.u32 s13, s14;
	[tilespmem:s11+$0x10230] =	vst v2  }
0x10c: {  	v2 =	vld [tilespmem:s13+$0x200];
	_ =	sdelay $0x3  }
0x10d: {  	s12 =	sshll.u32 s12, $0x7  }
0x10e: {  	[tilespmem:s12+$0x10200] =	vst v2  }
0x10f: {  	(v2sf) =	vpush v1, $0xB;
	v2 =	vld [tilespmem:s13+$0x210];
	_ =	sdelay $0x4  }
0x110: {  	[tilespmem:s12+$0x10210] =	vst v2  }
0x111: {  	v2 =	vld [tilespmem:s13+$0x220];
	_ =	sdelay $0x4  }
0x112: {  	[tilespmem:s12+$0x10220] =	vst v2  }
0x113: {  	v2 =	vld [tilespmem:s13+$0x230];
	_ =	sdelay $0x2  }
0x114: {  	s14 =	spop (v2sf);
	s11 =	sor.u32 $0xB, s1  }
0x115: {  	s13 =	sand.u32 $0x380, s14;
	s14 =	sshll.u32 s11, $0xA  }
0x116: {  	s13 =	sor.u32 s13, s14;
	[tilespmem:s12+$0x10230] =	vst v2  }
0x117: {  	v2 =	vld [tilespmem:s13+$0x200];
	_ =	sdelay $0x3  }
0x118: {  	s11 =	sshll.u32 s11, $0x7  }
0x119: {  	[tilespmem:s11+$0x10200] =	vst v2  }
0x11a: {  	(v2sf) =	vpush v1, $0xC;
	v2 =	vld [tilespmem:s13+$0x210];
	_ =	sdelay $0x4  }
0x11b: {  	[tilespmem:s11+$0x10210] =	vst v2  }
0x11c: {  	v2 =	vld [tilespmem:s13+$0x220];
	_ =	sdelay $0x4  }
0x11d: {  	[tilespmem:s11+$0x10220] =	vst v2  }
0x11e: {  	v2 =	vld [tilespmem:s13+$0x230];
	_ =	sdelay $0x2  }
0x11f: {  	s14 =	spop (v2sf);
	s12 =	sor.u32 $0xC, s1  }
0x120: {  	s13 =	sand.u32 $0x380, s14;
	s14 =	sshll.u32 s12, $0xA  }
0x121: {  	s13 =	sor.u32 s13, s14;
	[tilespmem:s11+$0x10230] =	vst v2  }
0x122: {  	v2 =	vld [tilespmem:s13+$0x200];
	_ =	sdelay $0x3  }
0x123: {  	s12 =	sshll.u32 s12, $0x7  }
0x124: {  	[tilespmem:s12+$0x10200] =	vst v2  }
0x125: {  	(v2sf) =	vpush v1, $0xD;
	v2 =	vld [tilespmem:s13+$0x210];
	_ =	sdelay $0x4  }
0x126: {  	[tilespmem:s12+$0x10210] =	vst v2  }
0x127: {  	v2 =	vld [tilespmem:s13+$0x220];
	_ =	sdelay $0x4  }
0x128: {  	[tilespmem:s12+$0x10220] =	vst v2  }
0x129: {  	v2 =	vld [tilespmem:s13+$0x230];
	_ =	sdelay $0x2  }
0x12a: {  	s14 =	spop (v2sf);
	s11 =	sor.u32 $0xD, s1  }
0x12b: {  	s13 =	sand.u32 $0x380, s14;
	s14 =	sshll.u32 s11, $0xA  }
0x12c: {  	s13 =	sor.u32 s13, s14;
	[tilespmem:s12+$0x10230] =	vst v2  }
0x12d: {  	v2 =	vld [tilespmem:s13+$0x200];
	_ =	sdelay $0x3  }
0x12e: {  	s11 =	sshll.u32 s11, $0x7  }
0x12f: {  	[tilespmem:s11+$0x10200] =	vst v2  }
0x130: {  	(v2sf) =	vpush v1, $0xE;
	v2 =	vld [tilespmem:s13+$0x210];
	_ =	sdelay $0x4  }
0x131: {  	[tilespmem:s11+$0x10210] =	vst v2  }
0x132: {  	v2 =	vld [tilespmem:s13+$0x220];
	_ =	sdelay $0x4  }
0x133: {  	[tilespmem:s11+$0x10220] =	vst v2  }
0x134: {  	v2 =	vld [tilespmem:s13+$0x230];
	_ =	sdelay $0x2  }
0x135: {  	s14 =	spop (v2sf);
	s12 =	sor.u32 $0xE, s1  }
0x136: {  	s13 =	sand.u32 $0x380, s14;
	s14 =	sshll.u32 s12, $0xA  }
0x137: {  	s13 =	sor.u32 s13, s14;
	[tilespmem:s11+$0x10230] =	vst v2  }
0x138: {  	v2 =	vld [tilespmem:s13+$0x200];
	_ =	sdelay $0x3  }
0x139: {  	s12 =	sshll.u32 s12, $0x7  }
0x13a: {  	[tilespmem:s12+$0x10200] =	vst v2  }
0x13b: {  	(v2sf) =	vpush v1, $0xF;
	v2 =	vld [tilespmem:s13+$0x210];
	_ =	sdelay $0x4  }
0x13c: {  	[tilespmem:s12+$0x10210] =	vst v2  }
0x13d: {  	v62 =	vld [tilespmem:s13+$0x220];
	_ =	sdelay $0x4  }
0x13e: {  	[tilespmem:s12+$0x10220] =	vst v62  }
0x13f: {  	v1 =	vld [tilespmem:s13+$0x230];
	_ =	sdelay $0x2  }
0x140: {  	s14 =	spop (v2sf);
	s11 =	sor.u32 $0xF, s1  }
0x141: {  	s13 =	sand.u32 $0x380, s14;
	s14 =	sshll.u32 s11, $0xA  }
0x142: {  	s13 =	sor.u32 s13, s14;
	[tilespmem:s12+$0x10230] =	vst v1  }
0x143: {  	v1 =	vld [tilespmem:s13+$0x200];
	_ =	sdelay $0x3  }
0x144: {  	s11 =	sshll.u32 s11, $0x7  }
0x145: {  	v0 =	vshll.u32 v61, $0x7;
	[tilespmem:s11+$0x10200] =	vst v1  }
0x146: {  	(v2sf) =	vpush v0, $0x0;
	v1 =	vld [tilespmem:s13+$0x210];
	_ =	sdelay $0x4  }
0x147: {  	[tilespmem:s11+$0x10210] =	vst v1  }
0x148: {  	v1 =	vld [tilespmem:s13+$0x220];
	_ =	sdelay $0x4  }
0x149: {  	[tilespmem:s11+$0x10220] =	vst v1  }
0x14a: {  	v1 =	vld [tilespmem:s13+$0x230];
	_ =	sdelay $0x2  }
0x14b: {  	s14 =	spop (v2sf);
	s12 =	sor.u32 $0x10, s1  }
0x14c: {  	s13 =	sand.u32 $0x380, s14;
	s14 =	sshll.u32 s12, $0xA  }
0x14d: {  	s13 =	sor.u32 s13, s14;
	[tilespmem:s11+$0x10230] =	vst v1  }
0x14e: {  	v1 =	vld [tilespmem:s13+$0x200];
	_ =	sdelay $0x3  }
0x14f: {  	s12 =	sshll.u32 s12, $0x7  }
0x150: {  	[tilespmem:s12+$0x10200] =	vst v1  }
0x151: {  	(v2sf) =	vpush v0, $0x1;
	v1 =	vld [tilespmem:s13+$0x210];
	_ =	sdelay $0x4  }
0x152: {  	[tilespmem:s12+$0x10210] =	vst v1  }
0x153: {  	v1 =	vld [tilespmem:s13+$0x220];
	_ =	sdelay $0x4  }
0x154: {  	[tilespmem:s12+$0x10220] =	vst v1  }
0x155: {  	v1 =	vld [tilespmem:s13+$0x230];
	_ =	sdelay $0x2  }
0x156: {  	s14 =	spop (v2sf);
	s11 =	sor.u32 $0x11, s1  }
0x157: {  	s13 =	sand.u32 $0x380, s14;
	s14 =	sshll.u32 s11, $0xA  }
0x158: {  	s13 =	sor.u32 s13, s14;
	[tilespmem:s12+$0x10230] =	vst v1  }
0x159: {  	v1 =	vld [tilespmem:s13+$0x200];
	_ =	sdelay $0x3  }
0x15a: {  	s11 =	sshll.u32 s11, $0x7  }
0x15b: {  	[tilespmem:s11+$0x10200] =	vst v1  }
0x15c: {  	(v2sf) =	vpush v0, $0x2;
	v1 =	vld [tilespmem:s13+$0x210];
	_ =	sdelay $0x4  }
0x15d: {  	[tilespmem:s11+$0x10210] =	vst v1  }
0x15e: {  	v1 =	vld [tilespmem:s13+$0x220];
	_ =	sdelay $0x4  }
0x15f: {  	[tilespmem:s11+$0x10220] =	vst v1  }
0x160: {  	v1 =	vld [tilespmem:s13+$0x230];
	_ =	sdelay $0x2  }
0x161: {  	s14 =	spop (v2sf);
	s12 =	sor.u32 $0x12, s1  }
0x162: {  	s13 =	sand.u32 $0x380, s14;
	s14 =	sshll.u32 s12, $0xA  }
0x163: {  	s13 =	sor.u32 s13, s14;
	[tilespmem:s11+$0x10230] =	vst v1  }
0x164: {  	v1 =	vld [tilespmem:s13+$0x200];
	_ =	sdelay $0x3  }
0x165: {  	s12 =	sshll.u32 s12, $0x7  }
0x166: {  	[tilespmem:s12+$0x10200] =	vst v1  }
0x167: {  	(v2sf) =	vpush v0, $0x3;
	v1 =	vld [tilespmem:s13+$0x210];
	_ =	sdelay $0x4  }
0x168: {  	[tilespmem:s12+$0x10210] =	vst v1  }
0x169: {  	v1 =	vld [tilespmem:s13+$0x220];
	_ =	sdelay $0x4  }
0x16a: {  	[tilespmem:s12+$0x10220] =	vst v1  }
0x16b: {  	v1 =	vld [tilespmem:s13+$0x230];
	_ =	sdelay $0x2  }
0x16c: {  	s14 =	spop (v2sf);
	s11 =	sor.u32 $0x13, s1  }
0x16d: {  	s13 =	sand.u32 $0x380, s14;
	s14 =	sshll.u32 s11, $0xA  }
0x16e: {  	s13 =	sor.u32 s13, s14;
	[tilespmem:s12+$0x10230] =	vst v1  }
0x16f: {  	v1 =	vld [tilespmem:s13+$0x200];
	_ =	sdelay $0x3  }
0x170: {  	s11 =	sshll.u32 s11, $0x7  }
0x171: {  	[tilespmem:s11+$0x10200] =	vst v1  }
0x172: {  	(v2sf) =	vpush v0, $0x4;
	v1 =	vld [tilespmem:s13+$0x210];
	_ =	sdelay $0x4  }
0x173: {  	[tilespmem:s11+$0x10210] =	vst v1  }
0x174: {  	v1 =	vld [tilespmem:s13+$0x220];
	_ =	sdelay $0x4  }
0x175: {  	[tilespmem:s11+$0x10220] =	vst v1  }
0x176: {  	v1 =	vld [tilespmem:s13+$0x230];
	_ =	sdelay $0x2  }
0x177: {  	s14 =	spop (v2sf);
	s12 =	sor.u32 $0x14, s1  }
0x178: {  	s13 =	sand.u32 $0x380, s14;
	s14 =	sshll.u32 s12, $0xA  }
0x179: {  	s13 =	sor.u32 s13, s14;
	[tilespmem:s11+$0x10230] =	vst v1  }
0x17a: {  	v1 =	vld [tilespmem:s13+$0x200];
	_ =	sdelay $0x3  }
0x17b: {  	s12 =	sshll.u32 s12, $0x7  }
0x17c: {  	[tilespmem:s12+$0x10200] =	vst v1  }
0x17d: {  	(v2sf) =	vpush v0, $0x5;
	v1 =	vld [tilespmem:s13+$0x210];
	_ =	sdelay $0x4  }
0x17e: {  	[tilespmem:s12+$0x10210] =	vst v1  }
0x17f: {  	v1 =	vld [tilespmem:s13+$0x220];
	_ =	sdelay $0x4  }
0x180: {  	[tilespmem:s12+$0x10220] =	vst v1  }
0x181: {  	v1 =	vld [tilespmem:s13+$0x230];
	_ =	sdelay $0x2  }
0x182: {  	s14 =	spop (v2sf);
	s11 =	sor.u32 $0x15, s1  }
0x183: {  	s13 =	sand.u32 $0x380, s14;
	s14 =	sshll.u32 s11, $0xA  }
0x184: {  	s13 =	sor.u32 s13, s14;
	[tilespmem:s12+$0x10230] =	vst v1  }
0x185: {  	v1 =	vld [tilespmem:s13+$0x200];
	_ =	sdelay $0x3  }
0x186: {  	s11 =	sshll.u32 s11, $0x7  }
0x187: {  	[tilespmem:s11+$0x10200] =	vst v1  }
0x188: {  	(v2sf) =	vpush v0, $0x6;
	v1 =	vld [tilespmem:s13+$0x210];
	_ =	sdelay $0x4  }
0x189: {  	[tilespmem:s11+$0x10210] =	vst v1  }
0x18a: {  	v1 =	vld [tilespmem:s13+$0x220];
	_ =	sdelay $0x4  }
0x18b: {  	[tilespmem:s11+$0x10220] =	vst v1  }
0x18c: {  	v1 =	vld [tilespmem:s13+$0x230];
	_ =	sdelay $0x2  }
0x18d: {  	s14 =	spop (v2sf);
	s12 =	sor.u32 $0x16, s1  }
0x18e: {  	s13 =	sand.u32 $0x380, s14;
	s14 =	sshll.u32 s12, $0xA  }
0x18f: {  	s13 =	sor.u32 s13, s14;
	[tilespmem:s11+$0x10230] =	vst v1  }
0x190: {  	v1 =	vld [tilespmem:s13+$0x200];
	_ =	sdelay $0x3  }
0x191: {  	s12 =	sshll.u32 s12, $0x7  }
0x192: {  	[tilespmem:s12+$0x10200] =	vst v1  }
0x193: {  	(v2sf) =	vpush v0, $0x7;
	v1 =	vld [tilespmem:s13+$0x210];
	_ =	sdelay $0x4  }
0x194: {  	[tilespmem:s12+$0x10210] =	vst v1  }
0x195: {  	v1 =	vld [tilespmem:s13+$0x220];
	_ =	sdelay $0x4  }
0x196: {  	[tilespmem:s12+$0x10220] =	vst v1  }
0x197: {  	v1 =	vld [tilespmem:s13+$0x230];
	_ =	sdelay $0x2  }
0x198: {  	s14 =	spop (v2sf);
	s11 =	sor.u32 $0x17, s1  }
0x199: {  	s13 =	sand.u32 $0x380, s14;
	s14 =	sshll.u32 s11, $0xA  }
0x19a: {  	s13 =	sor.u32 s13, s14;
	[tilespmem:s12+$0x10230] =	vst v1  }
0x19b: {  	v1 =	vld [tilespmem:s13+$0x200];
	_ =	sdelay $0x3  }
0x19c: {  	s11 =	sshll.u32 s11, $0x7  }
0x19d: {  	[tilespmem:s11+$0x10200] =	vst v1  }
0x19e: {  	(v2sf) =	vpush v0, $0x8;
	v1 =	vld [tilespmem:s13+$0x210];
	_ =	sdelay $0x4  }
0x19f: {  	[tilespmem:s11+$0x10210] =	vst v1  }
0x1a0: {  	v1 =	vld [tilespmem:s13+$0x220];
	_ =	sdelay $0x4  }
0x1a1: {  	[tilespmem:s11+$0x10220] =	vst v1  }
0x1a2: {  	v1 =	vld [tilespmem:s13+$0x230];
	_ =	sdelay $0x2  }
0x1a3: {  	s14 =	spop (v2sf);
	s12 =	sor.u32 $0x18, s1  }
0x1a4: {  	s13 =	sand.u32 $0x380, s14;
	s14 =	sshll.u32 s12, $0xA  }
0x1a5: {  	s13 =	sor.u32 s13, s14;
	[tilespmem:s11+$0x10230] =	vst v1  }
0x1a6: {  	v1 =	vld [tilespmem:s13+$0x200];
	_ =	sdelay $0x3  }
0x1a7: {  	s12 =	sshll.u32 s12, $0x7  }
0x1a8: {  	[tilespmem:s12+$0x10200] =	vst v1  }
0x1a9: {  	(v2sf) =	vpush v0, $0x9;
	v1 =	vld [tilespmem:s13+$0x210];
	_ =	sdelay $0x4  }
0x1aa: {  	[tilespmem:s12+$0x10210] =	vst v1  }
0x1ab: {  	v1 =	vld [tilespmem:s13+$0x220];
	_ =	sdelay $0x4  }
0x1ac: {  	[tilespmem:s12+$0x10220] =	vst v1  }
0x1ad: {  	v1 =	vld [tilespmem:s13+$0x230];
	_ =	sdelay $0x2  }
0x1ae: {  	s14 =	spop (v2sf);
	s11 =	sor.u32 $0x19, s1  }
0x1af: {  	s13 =	sand.u32 $0x380, s14;
	s14 =	sshll.u32 s11, $0xA  }
0x1b0: {  	s13 =	sor.u32 s13, s14;
	[tilespmem:s12+$0x10230] =	vst v1  }
0x1b1: {  	v1 =	vld [tilespmem:s13+$0x200];
	_ =	sdelay $0x3  }
0x1b2: {  	s11 =	sshll.u32 s11, $0x7  }
0x1b3: {  	[tilespmem:s11+$0x10200] =	vst v1  }
0x1b4: {  	(v2sf) =	vpush v0, $0xA;
	v1 =	vld [tilespmem:s13+$0x210];
	_ =	sdelay $0x4  }
0x1b5: {  	[tilespmem:s11+$0x10210] =	vst v1  }
0x1b6: {  	v1 =	vld [tilespmem:s13+$0x220];
	_ =	sdelay $0x4  }
0x1b7: {  	[tilespmem:s11+$0x10220] =	vst v1  }
0x1b8: {  	v1 =	vld [tilespmem:s13+$0x230];
	_ =	sdelay $0x2  }
0x1b9: {  	s14 =	spop (v2sf);
	s12 =	sor.u32 $0x1A, s1  }
0x1ba: {  	s13 =	sand.u32 $0x380, s14;
	s14 =	sshll.u32 s12, $0xA  }
0x1bb: {  	s13 =	sor.u32 s13, s14;
	[tilespmem:s11+$0x10230] =	vst v1  }
0x1bc: {  	v1 =	vld [tilespmem:s13+$0x200];
	_ =	sdelay $0x3  }
0x1bd: {  	s12 =	sshll.u32 s12, $0x7  }
0x1be: {  	[tilespmem:s12+$0x10200] =	vst v1  }
0x1bf: {  	(v2sf) =	vpush v0, $0xB;
	v1 =	vld [tilespmem:s13+$0x210];
	_ =	sdelay $0x4  }
0x1c0: {  	[tilespmem:s12+$0x10210] =	vst v1  }
0x1c1: {  	v1 =	vld [tilespmem:s13+$0x220];
	_ =	sdelay $0x4  }
0x1c2: {  	[tilespmem:s12+$0x10220] =	vst v1  }
0x1c3: {  	v1 =	vld [tilespmem:s13+$0x230];
	_ =	sdelay $0x2  }
0x1c4: {  	s14 =	spop (v2sf);
	s11 =	sor.u32 $0x1B, s1  }
0x1c5: {  	s13 =	sand.u32 $0x380, s14;
	s14 =	sshll.u32 s11, $0xA  }
0x1c6: {  	s13 =	sor.u32 s13, s14;
	[tilespmem:s12+$0x10230] =	vst v1  }
0x1c7: {  	v1 =	vld [tilespmem:s13+$0x200];
	_ =	sdelay $0x3  }
0x1c8: {  	s11 =	sshll.u32 s11, $0x7  }
0x1c9: {  	[tilespmem:s11+$0x10200] =	vst v1  }
0x1ca: {  	(v2sf) =	vpush v0, $0xC;
	v1 =	vld [tilespmem:s13+$0x210];
	_ =	sdelay $0x4  }
0x1cb: {  	[tilespmem:s11+$0x10210] =	vst v1  }
0x1cc: {  	v1 =	vld [tilespmem:s13+$0x220];
	_ =	sdelay $0x4  }
0x1cd: {  	[tilespmem:s11+$0x10220] =	vst v1  }
0x1ce: {  	v1 =	vld [tilespmem:s13+$0x230];
	_ =	sdelay $0x2  }
0x1cf: {  	s14 =	spop (v2sf);
	s12 =	sor.u32 $0x1C, s1  }
0x1d0: {  	s13 =	sand.u32 $0x380, s14;
	s14 =	sshll.u32 s12, $0xA  }
0x1d1: {  	s13 =	sor.u32 s13, s14;
	[tilespmem:s11+$0x10230] =	vst v1  }
0x1d2: {  	v1 =	vld [tilespmem:s13+$0x200];
	_ =	sdelay $0x3  }
0x1d3: {  	s12 =	sshll.u32 s12, $0x7  }
0x1d4: {  	[tilespmem:s12+$0x10200] =	vst v1  }
0x1d5: {  	(v2sf) =	vpush v0, $0xD;
	v1 =	vld [tilespmem:s13+$0x210];
	_ =	sdelay $0x4  }
0x1d6: {  	[tilespmem:s12+$0x10210] =	vst v1  }
0x1d7: {  	v1 =	vld [tilespmem:s13+$0x220];
	_ =	sdelay $0x4  }
0x1d8: {  	[tilespmem:s12+$0x10220] =	vst v1  }
0x1d9: {  	v1 =	vld [tilespmem:s13+$0x230];
	_ =	sdelay $0x2  }
0x1da: {  	s14 =	spop (v2sf);
	s11 =	sor.u32 $0x1D, s1  }
0x1db: {  	s13 =	sand.u32 $0x380, s14;
	s14 =	sshll.u32 s11, $0xA  }
0x1dc: {  	s13 =	sor.u32 s13, s14;
	[tilespmem:s12+$0x10230] =	vst v1  }
0x1dd: {  	v1 =	vld [tilespmem:s13+$0x200];
	_ =	sdelay $0x3  }
0x1de: {  	s11 =	sshll.u32 s11, $0x7  }
0x1df: {  	[tilespmem:s11+$0x10200] =	vst v1  }
0x1e0: {  	(v2sf) =	vpush v0, $0xE;
	v1 =	vld [tilespmem:s13+$0x210];
	_ =	sdelay $0x4  }
0x1e1: {  	[tilespmem:s11+$0x10210] =	vst v1  }
0x1e2: {  	v1 =	vld [tilespmem:s13+$0x220];
	_ =	sdelay $0x4  }
0x1e3: {  	[tilespmem:s11+$0x10220] =	vst v1  }
0x1e4: {  	v1 =	vld [tilespmem:s13+$0x230];
	_ =	sdelay $0x2  }
0x1e5: {  	s14 =	spop (v2sf);
	s12 =	sor.u32 $0x1E, s1  }
0x1e6: {  	s13 =	sand.u32 $0x380, s14;
	s14 =	sshll.u32 s12, $0xA  }
0x1e7: {  	s14 =	sor.u32 s13, s14;
	[tilespmem:s11+$0x10230] =	vst v1  }
0x1e8: {  	v1 =	vld [tilespmem:s14+$0x200];
	_ =	sdelay $0x3  }
0x1e9: {  	s12 =	sshll.u32 s12, $0x7  }
0x1ea: {  	[tilespmem:s12+$0x10200] =	vst v1  }
0x1eb: {  	(v2sf) =	vpush v0, $0xF;
	v1 =	vld [tilespmem:s14+$0x210];
	_ =	sdelay $0x4  }
0x1ec: {  	[tilespmem:s12+$0x10210] =	vst v1  }
0x1ed: {  	v63 =	vld [tilespmem:s14+$0x220];
	_ =	sdelay $0x4  }
0x1ee: {  	[tilespmem:s12+$0x10220] =	vst v63  }
0x1ef: {  	v0 =	vld [tilespmem:s14+$0x230];
	_ =	sdelay $0x2  }
0x1f0: {  	s1 =	sor.u32 $0x1F, s1;
	s13 =	spop (v2sf)  }
0x1f1: {  	s11 =	sand.u32 $0x380, s13;
	s14 =	sshll.u32 s1, $0xA  }
0x1f2: {  	s11 =	sor.u32 s11, s14;
	[tilespmem:s12+$0x10230] =	vst v0  }
0x1f3: {  	v0 =	vld [tilespmem:s11+$0x200];
	_ =	sdelay $0x3  }
0x1f4: {  	s1 =	sshll.u32 s1, $0x7  }
0x1f5: {  	[tilespmem:s1+$0x10200] =	vst v0  }
0x1f6: {  	v0 =	vld [tilespmem:s11+$0x210];
	_ =	sdelay $0x4  }
0x1f7: {  	[tilespmem:s1+$0x10210] =	vst v0  }
0x1f8: {  	v0 =	vld [tilespmem:s11+$0x220];
	_ =	sdelay $0x4  }
0x1f9: {  	[tilespmem:s1+$0x10220] =	vst v0  }
0x1fa: {  	v0 =	vld [tilespmem:s11+$0x230]  }
0x1fb: {  	s29 =	sadd.s32 $0x20, s29  }
0x1fc: {  	p0 =	sne.s32 s29, $0x200  }
.Ltmp3:
0x1fd: {  	_ = 	snop;
	(pc) =	sbr.rel @!p0 .LBB2_5-.Ltmp3, $4  }
0x1fe: {  	_ = 	snop  }
0x1ff: {  	s0 =	sadd.s32 $0x10200, s0;
	[tilespmem:s1+$0x10230] =	vst v0  }
0x200: {  	[hbm4b:s9+s2] =	stream.linear.scatter [tilespmem:s0], [sflag:$0x2], $0x1000, $0x38;
	[tilespmem:$0x12200] =	vst v63  }
0x201: {  	s28 =	sadd.s32 $0x20000, s28;
	s31 =	sadd.s32 $0x1, s31;
	s9 =	sadd.s32 $0x200, s9  }
.LBB2_2:
0x202: {  	p0 =	seq.s32 s29, $0x1E0  }
.Ltmp4:
0x203: {  	_ = 	snop;
	(pc) =	sbr.rel @p0 .LBB2_4-.Ltmp4, $1  }
0x204: {  	_ =	sdelay $0x3  }
0x205: {  	s0 =	sadd.s32 $0x20, s29  }
0x206: {  	s1 =	sand.u32 $0x3E0, s0  }
0x207: {  	v0 =	vld [tilespmem:s1+$0x0];
	_ =	sdelay $0x4  }
0x208: {  	v0 =	vshll.u32 v0, $0x4  }
0x209: {  	(v2sf) =	vpush v0, $0x0;
	_ =	sdelay $0x1  }
0x20a: {  	(v2sf) =	vpush v0, $0x1;
	_ =	sdelay $0x2  }
0x20b: {  	(v2sf) =	vpush v0, $0x2;
	_ =	sdelay $0x1  }
0x20c: {  	(v2sf) =	vpush v0, $0x3;
	_ =	sdelay $0x7  }
0x20d: {  	s11 =	spop (v2sf);
	(v2sf) =	vpush v0, $0x4  }
0x20e: {  	s14 =	sshrl.u32 s28, $0x2  }
0x20f: {  	s0 =	sand.u32 $0x8000, s14;
	s11 =	sand.u32 $0x1FFFFF80, s11;
	s13 =	spop (v2sf);
	(v2sf) =	vpush v0, $0x5  }
0x210: {  	s12 =	sor.u32 $0x200, s0;
	s11 =	sadd.s32 s3, s11  }
0x211: {  	v1 =	vld [tilespmem:s1+$0x10];
	[tilespmem:s12], [sflag:$0x1] =	stream.linear.gather [hbm4b:s11+s2], $0x400, $0x38  }
0x212: {  	s11 =	spop (v2sf);
	(v2sf) =	vpush v0, $0x6;
	_ =	sdelay $0x1  }
0x213: {  	s1 =	sand.u32 $0x1FFFFF80, s13;
	s13 =	spop (v2sf);
	(v2sf) =	vpush v0, $0x7;
	_ =	sdelay $0x2  }
0x214: {  	s14 =	sor.u32 $0x600, s0;
	s1 =	sadd.s32 s3, s1  }
0x215: {  	[tilespmem:s14], [sflag:$0x1] =	stream.linear.gather [hbm4b:s1+s2], $0x400, $0x38;
	[tilespmem:$0x12200] =	vst v63  }
0x216: {  	s1 =	sand.u32 $0x1FFFFF80, s11  }
0x217: {  	s12 =	sor.u32 $0xA00, s0;
	s1 =	sadd.s32 s3, s1  }
0x218: {  	[tilespmem:s12], [sflag:$0x1] =	stream.linear.gather [hbm4b:s1+s2], $0x400, $0x38;
	[tilespmem:$0x12200] =	vst v63  }
0x219: {  	s11 =	spop (v2sf);
	(v2sf) =	vpush v0, $0x8  }
0x21a: {  	s1 =	sand.u32 $0x1FFFFF80, s13  }
0x21b: {  	s14 =	sor.u32 $0xE00, s0;
	s1 =	sadd.s32 s3, s1;
	s13 =	spop (v2sf);
	(v2sf) =	vpush v0, $0x9  }
0x21c: {  	[tilespmem:s14], [sflag:$0x1] =	stream.linear.gather [hbm4b:s1+s2], $0x400, $0x38;
	[tilespmem:$0x12200] =	vst v63  }
0x21d: {  	s1 =	sand.u32 $0x1FFFFF80, s11  }
0x21e: {  	s12 =	sor.u32 $0x1200, s0;
	s1 =	sadd.s32 s3, s1;
	s11 =	spop (v2sf);
	(v2sf) =	vpush v0, $0xA  }
0x21f: {  	[tilespmem:s12], [sflag:$0x1] =	stream.linear.gather [hbm4b:s1+s2], $0x400, $0x38;
	[tilespmem:$0x12200] =	vst v63  }
0x220: {  	s1 =	sand.u32 $0x1FFFFF80, s13;
	s13 =	spop (v2sf);
	(v2sf) =	vpush v0, $0xB;
	_ =	sdelay $0x2  }
0x221: {  	s14 =	sor.u32 $0x1600, s0;
	s1 =	sadd.s32 s3, s1  }
0x222: {  	[tilespmem:s14], [sflag:$0x1] =	stream.linear.gather [hbm4b:s1+s2], $0x400, $0x38;
	[tilespmem:$0x12200] =	vst v63  }
0x223: {  	s1 =	sand.u32 $0x1FFFFF80, s11  }
0x224: {  	s12 =	sor.u32 $0x1A00, s0;
	s1 =	sadd.s32 s3, s1  }
0x225: {  	[tilespmem:s12], [sflag:$0x1] =	stream.linear.gather [hbm4b:s1+s2], $0x400, $0x38;
	[tilespmem:$0x12200] =	vst v63  }
0x226: {  	s11 =	spop (v2sf);
	(v2sf) =	vpush v0, $0xC  }
0x227: {  	s1 =	sand.u32 $0x1FFFFF80, s13  }
0x228: {  	s14 =	sor.u32 $0x1E00, s0;
	s1 =	sadd.s32 s3, s1;
	s13 =	spop (v2sf);
	(v2sf) =	vpush v0, $0xD  }
0x229: {  	[tilespmem:s14], [sflag:$0x1] =	stream.linear.gather [hbm4b:s1+s2], $0x400, $0x38;
	[tilespmem:$0x12200] =	vst v63  }
0x22a: {  	s1 =	sand.u32 $0x1FFFFF80, s11  }
0x22b: {  	s12 =	sor.u32 $0x2200, s0;
	s1 =	sadd.s32 s3, s1;
	s11 =	spop (v2sf);
	(v2sf) =	vpush v0, $0xE  }
0x22c: {  	[tilespmem:s12], [sflag:$0x1] =	stream.linear.gather [hbm4b:s1+s2], $0x400, $0x38;
	[tilespmem:$0x12200] =	vst v63  }
0x22d: {  	s1 =	sand.u32 $0x1FFFFF80, s13;
	s13 =	spop (v2sf);
	(v2sf) =	vpush v0, $0xF;
	_ =	sdelay $0x2  }
0x22e: {  	s14 =	sor.u32 $0x2600, s0;
	s1 =	sadd.s32 s3, s1  }
0x22f: {  	[tilespmem:s14], [sflag:$0x1] =	stream.linear.gather [hbm4b:s1+s2], $0x400, $0x38;
	[tilespmem:$0x12200] =	vst v63  }
0x230: {  	s1 =	sand.u32 $0x1FFFFF80, s11  }
0x231: {  	s12 =	sor.u32 $0x2A00, s0;
	s1 =	sadd.s32 s3, s1  }
0x232: {  	v63 =	vshll.u32 v1, $0x4;
	[tilespmem:s12], [sflag:$0x1] =	stream.linear.gather [hbm4b:s1+s2], $0x400, $0x38;
	[tilespmem:$0x12200] =	vst v63  }
0x233: {  	s11 =	spop (v2sf);
	(v2sf) =	vpush v63, $0x0  }
0x234: {  	s1 =	sand.u32 $0x1FFFFF80, s13  }
0x235: {  	s14 =	sor.u32 $0x2E00, s0;
	s1 =	sadd.s32 s3, s1;
	s13 =	spop (v2sf);
	(v2sf) =	vpush v63, $0x1  }
0x236: {  	[tilespmem:s14], [sflag:$0x1] =	stream.linear.gather [hbm4b:s1+s2], $0x400, $0x38;
	[tilespmem:$0x12200] =	vst v63  }
0x237: {  	s1 =	sand.u32 $0x1FFFFF80, s11  }
0x238: {  	s12 =	sor.u32 $0x3200, s0;
	s1 =	sadd.s32 s3, s1;
	s11 =	spop (v2sf);
	(v2sf) =	vpush v63, $0x2  }
0x239: {  	[tilespmem:s12], [sflag:$0x1] =	stream.linear.gather [hbm4b:s1+s2], $0x400, $0x38;
	[tilespmem:$0x12200] =	vst v63  }
0x23a: {  	s1 =	sand.u32 $0x1FFFFF80, s13;
	s13 =	spop (v2sf);
	(v2sf) =	vpush v63, $0x3;
	_ =	sdelay $0x2  }
0x23b: {  	s14 =	sor.u32 $0x3600, s0;
	s1 =	sadd.s32 s3, s1  }
0x23c: {  	[tilespmem:s14], [sflag:$0x1] =	stream.linear.gather [hbm4b:s1+s2], $0x400, $0x38;
	[tilespmem:$0x12200] =	vst v63  }
0x23d: {  	s1 =	sand.u32 $0x1FFFFF80, s11  }
0x23e: {  	s12 =	sor.u32 $0x3A00, s0;
	s1 =	sadd.s32 s3, s1  }
0x23f: {  	[tilespmem:s12], [sflag:$0x1] =	stream.linear.gather [hbm4b:s1+s2], $0x400, $0x38;
	[tilespmem:$0x12200] =	vst v63  }
0x240: {  	s11 =	spop (v2sf);
	(v2sf) =	vpush v63, $0x4  }
0x241: {  	s1 =	sand.u32 $0x1FFFFF80, s13  }
0x242: {  	s14 =	sor.u32 $0x3E00, s0;
	s1 =	sadd.s32 s3, s1;
	s13 =	spop (v2sf);
	(v2sf) =	vpush v63, $0x5  }
0x243: {  	[tilespmem:s14], [sflag:$0x1] =	stream.linear.gather [hbm4b:s1+s2], $0x400, $0x38;
	[tilespmem:$0x12200] =	vst v63  }
0x244: {  	s1 =	sand.u32 $0x1FFFFF80, s11  }
0x245: {  	s12 =	sor.u32 $0x4200, s0;
	s1 =	sadd.s32 s3, s1;
	s11 =	spop (v2sf);
	(v2sf) =	vpush v63, $0x6  }
0x246: {  	[tilespmem:s12], [sflag:$0x1] =	stream.linear.gather [hbm4b:s1+s2], $0x400, $0x38;
	[tilespmem:$0x12200] =	vst v63  }
0x247: {  	s1 =	sand.u32 $0x1FFFFF80, s13;
	s13 =	spop (v2sf);
	(v2sf) =	vpush v63, $0x7;
	_ =	sdelay $0x2  }
0x248: {  	s14 =	sor.u32 $0x4600, s0;
	s1 =	sadd.s32 s3, s1  }
0x249: {  	[tilespmem:s14], [sflag:$0x1] =	stream.linear.gather [hbm4b:s1+s2], $0x400, $0x38;
	[tilespmem:$0x12200] =	vst v63  }
0x24a: {  	s1 =	sand.u32 $0x1FFFFF80, s11  }
0x24b: {  	s12 =	sor.u32 $0x4A00, s0;
	s1 =	sadd.s32 s3, s1  }
0x24c: {  	[tilespmem:s12], [sflag:$0x1] =	stream.linear.gather [hbm4b:s1+s2], $0x400, $0x38;
	[tilespmem:$0x12200] =	vst v63  }
0x24d: {  	s11 =	spop (v2sf);
	(v2sf) =	vpush v63, $0x8  }
0x24e: {  	s1 =	sand.u32 $0x1FFFFF80, s13  }
0x24f: {  	s14 =	sor.u32 $0x4E00, s0;
	s1 =	sadd.s32 s3, s1;
	s13 =	spop (v2sf);
	(v2sf) =	vpush v63, $0x9  }
0x250: {  	[tilespmem:s14], [sflag:$0x1] =	stream.linear.gather [hbm4b:s1+s2], $0x400, $0x38;
	[tilespmem:$0x12200] =	vst v63  }
0x251: {  	s1 =	sand.u32 $0x1FFFFF80, s11  }
0x252: {  	s12 =	sor.u32 $0x5200, s0;
	s1 =	sadd.s32 s3, s1;
	s11 =	spop (v2sf);
	(v2sf) =	vpush v63, $0xA  }
0x253: {  	[tilespmem:s12], [sflag:$0x1] =	stream.linear.gather [hbm4b:s1+s2], $0x400, $0x38;
	[tilespmem:$0x12200] =	vst v63  }
0x254: {  	s1 =	sand.u32 $0x1FFFFF80, s13;
	s13 =	spop (v2sf);
	(v2sf) =	vpush v63, $0xB;
	_ =	sdelay $0x1  }
0x255: {  	s14 =	sor.u32 $0x5600, s0;
	s1 =	sadd.s32 s3, s1  }
0x256: {  	[tilespmem:s14], [sflag:$0x1] =	stream.linear.gather [hbm4b:s1+s2], $0x400, $0x38;
	[tilespmem:$0x12200] =	vst v63  }
0x257: {  	s1 =	sand.u32 $0x1FFFFF80, s11  }
0x258: {  	s12 =	sor.u32 $0x5A00, s0;
	s1 =	sadd.s32 s3, s1  }
0x259: {  	[tilespmem:s12], [sflag:$0x1] =	stream.linear.gather [hbm4b:s1+s2], $0x400, $0x38;
	[tilespmem:$0x12200] =	vst v63  }
0x25a: {  	s1 =	sand.u32 $0x1FFFFF80, s13  }
0x25b: {  	s14 =	sor.u32 $0x5E00, s0;
	s1 =	sadd.s32 s3, s1;
	s11 =	spop (v2sf);
	(v2sf) =	vpush v63, $0xC  }
0x25c: {  	[tilespmem:s14], [sflag:$0x1] =	stream.linear.gather [hbm4b:s1+s2], $0x400, $0x38;
	[tilespmem:$0x12200] =	vst v63  }
0x25d: {  	s1 =	sand.u32 $0x1FFFFF80, s11;
	s13 =	spop (v2sf);
	(v2sf) =	vpush v63, $0xD  }
0x25e: {  	s12 =	sor.u32 $0x6200, s0;
	s1 =	sadd.s32 s3, s1  }
0x25f: {  	[tilespmem:s12], [sflag:$0x1] =	stream.linear.gather [hbm4b:s1+s2], $0x400, $0x38;
	[tilespmem:$0x12200] =	vst v63  }
0x260: {  	s11 =	spop (v2sf);
	(v2sf) =	vpush v63, $0xE  }
0x261: {  	s1 =	sand.u32 $0x1FFFFF80, s13  }
0x262: {  	s14 =	sor.u32 $0x6600, s0;
	s1 =	sadd.s32 s3, s1;
	s13 =	spop (v2sf)  }
0x263: {  	(v2sf) =	vpush v63, $0xF;
	[tilespmem:s14], [sflag:$0x1] =	stream.linear.gather [hbm4b:s1+s2], $0x400, $0x38;
	[tilespmem:$0x12200] =	vst v63  }
0x264: {  	s1 =	sand.u32 $0x1FFFFF80, s11  }
0x265: {  	s12 =	sor.u32 $0x6A00, s0;
	s1 =	sadd.s32 s3, s1  }
0x266: {  	[tilespmem:s12], [sflag:$0x1] =	stream.linear.gather [hbm4b:s1+s2], $0x400, $0x38;
	[tilespmem:$0x12200] =	vst v63  }
0x267: {  	s1 =	sand.u32 $0x1FFFFF80, s13  }
0x268: {  	s14 =	sor.u32 $0x6E00, s0;
	s1 =	sadd.s32 s3, s1  }
0x269: {  	[tilespmem:s14], [sflag:$0x1] =	stream.linear.gather [hbm4b:s1+s2], $0x400, $0x38;
	[tilespmem:$0x12200] =	vst v63  }
0x26a: {  	s11 =	spop (v2sf)  }
0x26b: {  	s1 =	sand.u32 $0x1FFFFF80, s11  }
0x26c: {  	s12 =	sor.u32 $0x7200, s0;
	s13 =	spop (v2sf);
	s1 =	sadd.s32 s3, s1  }
0x26d: {  	[tilespmem:s12], [sflag:$0x1] =	stream.linear.gather [hbm4b:s1+s2], $0x400, $0x38;
	[tilespmem:$0x12200] =	vst v63  }
0x26e: {  	s1 =	sand.u32 $0x1FFFFF80, s13  }
0x26f: {  	s14 =	sor.u32 $0x7600, s0;
	s12 =	spop (v2sf);
	s1 =	sadd.s32 s3, s1  }
0x270: {  	[tilespmem:s14], [sflag:$0x1] =	stream.linear.gather [hbm4b:s1+s2], $0x400, $0x38;
	[tilespmem:$0x12200] =	vst v63  }
0x271: {  	s13 =	sor.u32 $0x7A00, s0;
	s1 =	sand.u32 $0x1FFFFF80, s12  }
.Ltmp5:
0x272: {  	s14 =	spop (v2sf);
	s1 =	sadd.s32 s3, s1;
	(pc) =	sbr.rel .LBB2_4-.Ltmp5, $4  }
0x273: {  	[tilespmem:s13], [sflag:$0x1] =	stream.linear.gather [hbm4b:s1+s2], $0x400, $0x38;
	[tilespmem:$0x12200] =	vst v63  }
0x274: {  	s1 =	sand.u32 $0x1FFFFF80, s14  }
0x275: {  	s0 =	sor.u32 $0x7E00, s0;
	s1 =	sadd.s32 s3, s1  }
0x276: {  	[tilespmem:s0], [sflag:$0x1] =	stream.linear.gather [hbm4b:s1+s2], $0x400, $0x38;
	[tilespmem:$0x12200] =	vst v63  }
.LBB2_6:
0x277: {  	_ =	sfence.sel $0x180000  }
0x278: {  	[bflag:$0x0] =	sbarrier.arrive $0xFFFF  }
0x279: {  	_ =	strace $0x90000047  }
0x27a: {  	s0 =	stileid.u32;
	[bflag:$0x2] =	sbarrier.arrive $0xFFFF  }
0x27b: {  	p0 =	sne.s32 s0, $0x0;
	s0 =	rddreg [dreg:$0x2]  }
0x27c: {  	s0 =	sadd.s32 @!p0 $0x100000, s0  }
0x27d: {  	[sflag:s0] =	ssyncadd.tile.s32 @!p0 $0x1;
	_ =	shalt  }
.Lfunc_end2:
_tile_overlayer_lowered:
.L_overlay_start_2:
0x27e: {  	(tag) =	ssettag $0x2  }
0x27f: {  	s0 =	rddreg [dreg:$0x0];
	s2 =	stileid.u32  }
0x280: {  	s1 =	rddreg [dreg:$0x1];
	p0 =	sne.s32 s2, $0x0  }
0x281: {  	s3 =	rddreg [dreg:$0x2];
	[bflag:$0x3] =	sbarrier.arrive $0xFFFF;
	s2 =	simm.s32 @!p0 $0x1C03  }
0x282: {  	[timem:s3], [sflag:s2] =	dma.local @!p0 [hbm:s0], s1  }
0x283: {  	s0 =	simm.s32 @!p0 $0x3  }
0x284: {  	_ =	swait.ge @!p0 [sflag:s0], s1  }
0x285: {  	s1 =	ssub.s32 @!p0 $0x0, s1;
	[sflag:s0] =	ssyncset.done @!p0 $0x0  }
0x286: {  	[sflag:s0] =	ssyncadd.s32 @!p0 s1  }
0x287: {  	[bflag:$0x3] =	sbarrier.arrive $0xFFFF  }
0x288: {  	_ =	shalt  }

</sc_bundles>
